<compile_context>
chip_gen: v7x
topology: tpu7x:2x2x1
jax: 0.10.2.dev20260603
libtpu: 0.0.44.dev20260713+nightly
codegen_flags: <defaults>
</compile_context>

<pallas_src>
import functools

import jax
import jax.numpy as jnp
from jax import lax
from jax.experimental import pallas as pl
from jax.experimental.pallas import tpu as pltpu
from jax.experimental.pallas import tpu_sc as plsc

NC = 2
NS = 16
NW = NC * NS
CH = 128


def _sc_mesh():
    return plsc.VectorSubcoreMesh(core_axis_name="c", subcore_axis_name="s")


def _make_hist(P, n_chunks_tile, chunks_total):
    rows_tile = P // NS

    @functools.partial(
        pl.kernel,
        out_type=jax.ShapeDtypeStruct((NC * P,), jnp.float32),
        mesh=_sc_mesh(),
        scratch_types=[
            pltpu.VMEM((n_chunks_tile, CH), jnp.int32),
            pltpu.VMEM((CH,), jnp.float32),
            pltpu.VMEM_SHARED((P,), jnp.float32),
        ],
    )
    def hist(dst_hbm, ones_hbm, zeros_hbm, out_hbm, idx_v, ones_v, hist_sh):
        c = lax.axis_index("c")
        s = lax.axis_index("s")
        w = s * NC + c
        nch = jnp.clip(chunks_total - w * n_chunks_tile, 0, n_chunks_tile)
        pltpu.sync_copy(zeros_hbm, hist_sh.at[pl.ds(s * rows_tile, rows_tile)])
        pltpu.sync_copy(ones_hbm, ones_v)
        pltpu.sync_copy(dst_hbm.at[w], idx_v)
        plsc.subcore_barrier()

        def body(j, carry):
            pltpu.sync_copy(ones_v, hist_sh.at[idx_v.at[j]], add=True)
            return carry

        lax.fori_loop(0, nch, body, 0)
        plsc.subcore_barrier()
        pltpu.sync_copy(hist_sh.at[pl.ds(s * rows_tile, rows_tile)],
                        out_hbm.at[pl.ds(c * P + s * rows_tile, rows_tile)])

    return hist


def _make_scatter(P, n_chunks_tile, F, n_blk, chunks_total):
    rows_tile = P // NS
    blk = n_chunks_tile // n_blk

    @functools.partial(
        pl.kernel,
        out_type=jax.ShapeDtypeStruct((NC, P, F), jnp.float32),
        mesh=_sc_mesh(),
        scratch_types=[
            pltpu.VMEM((blk, CH), jnp.int32),
            pltpu.VMEM((blk, CH), jnp.int32),
            pltpu.VMEM((CH, F), jnp.float32),
            pltpu.VMEM((CH, F), jnp.float32),
            pltpu.VMEM_SHARED((P, F), jnp.float32),
            pltpu.SemaphoreType.DMA,
            pltpu.SemaphoreType.DMA,
        ],
    )
    def scat(g_hbm, src_hbm, dst_hbm, out_hbm,
             sidx, didx, rows0, rows1, acc_sh, sem_g, sem_s):
        c = lax.axis_index("c")
        s = lax.axis_index("s")
        w = s * NC + c
        nch = jnp.clip(chunks_total - w * n_chunks_tile, 0, n_chunks_tile)
        bufs = (rows0, rows1)

        zvec = jnp.zeros((16,), jnp.float32)

        def zbody(r, carry):
            for cc in range(F // 16):
                rows0[r, pl.ds(cc * 16, 16)] = zvec
            return carry

        with jax.named_scope("acc_zero"):
            lax.fori_loop(0, CH, zbody, 0)
            for t in range(rows_tile // CH):
                pltpu.sync_copy(rows0,
                                acc_sh.at[pl.ds(s * rows_tile + t * CH, CH)])
            plsc.subcore_barrier()

        def gather(j, b):
            pltpu.make_async_copy(g_hbm.at[sidx.at[j]], bufs[b], sem_g).start()

        def wait_gather(b):
            pltpu.make_async_copy(g_hbm.at[sidx.at[0]], bufs[b], sem_g).wait()

        def scatter(j, b):
            pltpu.make_async_copy(
                bufs[b], acc_sh.at[didx.at[j]], sem_s).start(add=True)

        def wait_scatter(b):
            pltpu.make_async_copy(
                bufs[b], acc_sh.at[didx.at[0]], sem_s).wait()

        for ib in range(n_blk):
            nb = jnp.clip(nch - ib * blk, 0, blk)
            with jax.named_scope("idx_load"):
                pltpu.sync_copy(src_hbm.at[w, pl.ds(ib * blk, blk)], sidx)
                pltpu.sync_copy(dst_hbm.at[w, pl.ds(ib * blk, blk)], didx)
            with jax.named_scope("edge_loop"):
                @pl.when(nb > 0)
                def _():
                    gather(0, 0)
                    wait_gather(0)
                    scatter(0, 0)

                @pl.when(nb > 1)
                def _():
                    gather(1, 1)
                    wait_gather(1)
                    scatter(1, 1)

                def body(k, carry):
                    j0 = 2 * k

                    @pl.when(j0 < nb)
                    def _():
                        wait_scatter(0)
                        gather(j0, 0)
                        wait_gather(0)
                        scatter(j0, 0)

                    @pl.when(j0 + 1 < nb)
                    def _():
                        wait_scatter(1)
                        gather(j0 + 1, 1)
                        wait_gather(1)
                        scatter(j0 + 1, 1)

                    return carry

                lax.fori_loop(1, (blk + 1) // 2, body, 0)
                @pl.when(nb > 0)
                def _():
                    wait_scatter(0)

                @pl.when(nb > 1)
                def _():
                    wait_scatter(1)

        with jax.named_scope("writeout"):
            plsc.subcore_barrier()
            pltpu.sync_copy(acc_sh.at[pl.ds(s * rows_tile, rows_tile)],
                            out_hbm.at[c, pl.ds(s * rows_tile, rows_tile)])

    return scat


def _dinv_body(N, hist_ref, o_ref):
    R, C = o_ref.shape
    deg = hist_ref[0] + hist_ref[1] + 1.0
    flat = (lax.broadcasted_iota(jnp.int32, (R, C), 0) * C
            + lax.broadcasted_iota(jnp.int32, (R, C), 1))
    o_ref[...] = jnp.where(flat < N, lax.rsqrt(deg), 0.0)


def _mm1_body(dinv_ref, x_ref, w_ref, o_ref):
    o_ref[...] = dinv_ref[...] * jnp.dot(
        x_ref[...], w_ref[...], preferred_element_type=jnp.float32)


def _mm_body(dinv_ref, acc_ref, g_ref, b_ref, w_ref, o_ref):
    t = acc_ref[0] + acc_ref[1] + g_ref[...]
    h = jnp.maximum(dinv_ref[...] * t + b_ref[...], 0.0)
    o_ref[...] = dinv_ref[...] * jnp.dot(
        h, w_ref[...], preferred_element_type=jnp.float32)


def _ep_body(dinv_ref, acc_ref, g_ref, b_ref, o_ref):
    t = acc_ref[0] + acc_ref[1] + g_ref[...]
    o_ref[...] = jnp.maximum(dinv_ref[...] * t + b_ref[...], 0.0)


def kernel(x, edge_index, W1, b1, W2, b2, W3, b3, W4, b4):
    N, F = x.shape
    E = edge_index.shape[1]
    BR = 512
    N_BLK = 2
    P = -(-(N + 1) // BR) * BR
    chunks_total = -(-E // CH)
    n_chunks_tile = -(-chunks_total // (NW * 2 * N_BLK)) * (2 * N_BLK)
    rows_tile = P // NS
    grid = P // BR

    src = edge_index[0]
    dst = edge_index[1]
    e_fill = chunks_total * CH - E
    c_fill = n_chunks_tile * NW - chunks_total
    fill_src = jnp.full((e_fill + c_fill * CH,), N, dtype=src.dtype)
    fill_dst = N + (jnp.arange(e_fill + c_fill * CH, dtype=dst.dtype)
                    % (P - N))
    src_p = jnp.concatenate([src, fill_src]).reshape(NW, n_chunks_tile, CH)
    dst_p = jnp.concatenate([dst, fill_dst]).reshape(NW, n_chunks_tile, CH)
    x_p = jnp.zeros((P, F), jnp.float32).at[:N].set(x)
    zeros_1d = jnp.zeros((rows_tile,), jnp.float32)
    ones_ch = jnp.ones((CH,), jnp.float32)

    hist = _make_hist(P, n_chunks_tile, chunks_total)(dst_p, ones_ch, zeros_1d)
    scat = _make_scatter(P, n_chunks_tile, F, N_BLK, chunks_total)

    dinv2d = pl.pallas_call(
        functools.partial(_dinv_body, N),
        out_shape=jax.ShapeDtypeStruct((P // 128, 128), jnp.float32),
    )(hist.reshape(NC, P // 128, 128))
    dinv = dinv2d.reshape(P, 1)

    def mm1(dinv, xp, W):
        return pl.pallas_call(
            _mm1_body,
            grid=(grid,),
            in_specs=[
                pl.BlockSpec((BR, 1), lambda i: (i, 0)),
                pl.BlockSpec((BR, F), lambda i: (i, 0)),
                pl.BlockSpec((F, F), lambda i: (0, 0)),
            ],
            out_specs=pl.BlockSpec((BR, F), lambda i: (i, 0)),
            out_shape=jax.ShapeDtypeStruct((P, F), jnp.float32),
        )(dinv, xp, W)

    def mm(dinv, acc, g, b, W):
        return pl.pallas_call(
            _mm_body,
            grid=(grid,),
            in_specs=[
                pl.BlockSpec((BR, 1), lambda i: (i, 0)),
                pl.BlockSpec((NC, BR, F), lambda i: (0, i, 0)),
                pl.BlockSpec((BR, F), lambda i: (i, 0)),
                pl.BlockSpec((1, F), lambda i: (0, 0)),
                pl.BlockSpec((F, F), lambda i: (0, 0)),
            ],
            out_specs=pl.BlockSpec((BR, F), lambda i: (i, 0)),
            out_shape=jax.ShapeDtypeStruct((P, F), jnp.float32),
        )(dinv, acc, g, b.reshape(1, F), W)

    def ep(dinv, acc, g, b):
        return pl.pallas_call(
            _ep_body,
            grid=(grid,),
            in_specs=[
                pl.BlockSpec((BR, 1), lambda i: (i, 0)),
                pl.BlockSpec((NC, BR, F), lambda i: (0, i, 0)),
                pl.BlockSpec((BR, F), lambda i: (i, 0)),
                pl.BlockSpec((1, F), lambda i: (0, 0)),
            ],
            out_specs=pl.BlockSpec((BR, F), lambda i: (i, 0)),
            out_shape=jax.ShapeDtypeStruct((P, F), jnp.float32),
        )(dinv, acc, g, b.reshape(1, F))

    g = mm1(dinv, x_p, W1)
    acc = scat(g, src_p, dst_p)
    g = mm(dinv, acc, g, b1, W2)
    acc = scat(g, src_p, dst_p)
    g = mm(dinv, acc, g, b2, W3)
    acc = scat(g, src_p, dst_p)
    g = mm(dinv, acc, g, b3, W4)
    acc = scat(g, src_p, dst_p)
    out = ep(dinv, acc, g, b4)
    return out[:N]

# --- scband reference (transcript-rebuilt; emitter-appended) ---
"""Pipeline reference for scband-gcn-autoencoder-75866302317043 (READ-ONLY COPY).

The authoritative reference and input builder live on the scoring server;
editing this copy changes nothing except your own understanding.
"""

import jax, jax.numpy as jnp
import numpy as np


def _gcn_conv(x, src, dst, W, b):
    # PyG GCNConv with add_self_loops already applied to (src, dst):
    # symmetric normalization deg^{-1/2}[src] * deg^{-1/2}[dst]
    N = x.shape[0]
    deg = jnp.zeros((N,), dtype=x.dtype).at[dst].add(1.0)
    dinv = jnp.where(deg > 0, jax.lax.rsqrt(deg), 0.0)
    norm = dinv[src] * dinv[dst]
    h = x @ W
    msg = h[src] * norm[:, None]
    out = jax.ops.segment_sum(msg, dst, num_segments=N)
    return out + b


def setup_inputs(seed: int = 0) -> dict:
    key = jax.random.key(seed)
    ks = jax.random.split(key, 12)
    N, E, F, H = 10000, 320000, 128, 128
    x = jax.random.normal(ks[0], (N, F), dtype=jnp.float32)
    edge_index = jax.random.randint(ks[1], (2, E), 0, N, dtype=jnp.int32)
    def glorot(k, fan_in, fan_out):
        limit = float(np.sqrt(6.0 / (fan_in + fan_out)))
        return jax.random.uniform(k, (fan_in, fan_out), dtype=jnp.float32, minval=-limit, maxval=limit)
    W1 = glorot(ks[2], F, H); b1 = jnp.zeros((H,), dtype=jnp.float32)
    W2 = glorot(ks[3], H, H); b2 = jnp.zeros((H,), dtype=jnp.float32)
    W3 = glorot(ks[4], H, H); b3 = jnp.zeros((H,), dtype=jnp.float32)
    W4 = glorot(ks[5], H, F); b4 = jnp.zeros((F,), dtype=jnp.float32)
    return {"x": x, "edge_index": edge_index,
            "W1": W1, "b1": b1, "W2": W2, "b2": b2,
            "W3": W3, "b3": b3, "W4": W4, "b4": b4}


def reference(x, edge_index, W1, b1, W2, b2, W3, b3, W4, b4):
    N = x.shape[0]
    loops = jnp.arange(N, dtype=edge_index.dtype)
    src = jnp.concatenate([edge_index[0], loops])
    dst = jnp.concatenate([edge_index[1], loops])
    # encoder
    h = jax.nn.relu(_gcn_conv(x, src, dst, W1, b1))
    h = jax.nn.relu(_gcn_conv(h, src, dst, W2, b2))
    # decoder
    h = jax.nn.relu(_gcn_conv(h, src, dst, W3, b3))
    h = jax.nn.relu(_gcn_conv(h, src, dst, W4, b4))
    return h

if __name__ == "__main__":
    import jax
    _d = setup_inputs()
    print(jax.jit(kernel)(*tuple(_d.values())))

</pallas_src>

<mosaic_0001>
#map = affine_map<(d0, d1) -> (0, 0)>
#map1 = affine_map<(d0, d1) -> (0, 0, 0)>
module attributes {stable_mosaic.version = 14 : i64} {
  func.func @scat(%arg0: i32, %arg1: i32, %arg2: memref<10240x128xf32, #tpu.memory_space<hbm>>, %arg3: memref<32x80x128xi32, #tpu.memory_space<hbm>>, %arg4: memref<32x80x128xi32, #tpu.memory_space<hbm>>, %arg5: memref<2x10240x128xf32, #tpu.memory_space<hbm>>, %arg6: memref<40x128xi32, #tpu.memory_space<vmem>>, %arg7: memref<40x128xi32, #tpu.memory_space<vmem>>, %arg8: memref<128x128xf32, #tpu.memory_space<vmem>>, %arg9: memref<128x128xf32, #tpu.memory_space<vmem>>, %arg10: memref<10240x128xf32, #tpu.memory_space<vmem_shared>>, %arg11: memref<!tpu.dma_semaphore, #tpu.memory_space<semaphore_mem>>, %arg12: memref<!tpu.dma_semaphore, #tpu.memory_space<semaphore_mem>>) attributes {dimension_semantics = [#tpu.dimension_semantics<core_parallel>, #tpu.dimension_semantics<subcore_parallel>], iteration_bounds = array<i64: 2, 16>, scalar_prefetch = 0 : i64, scratch_operands = 7 : i64, tpu.core_type = #tpu.core_type<sc_vector_subcore>, window_params = [{transform_indices = #map}, {transform_indices = #map1}, {transform_indices = #map1}, {transform_indices = #map1}]} {
    %mul3A = arith.constant 2 : i32
    %mul3A_0 = arith.muli %arg1, %mul3A : i32
    %add3A = arith.addi %mul3A_0, %arg0 : i32
    %mul3A_1 = arith.constant 80 : i32
    %mul3A_2 = arith.muli %add3A, %mul3A_1 : i32
    %sub3A = arith.constant 2500 : i32
    %sub3A_3 = arith.subi %sub3A, %mul3A_2 : i32
    %jit3A = arith.constant 0 : i32
    %jit3A_4 = arith.constant 80 : i32
    %max3A = arith.maxsi %jit3A, %sub3A_3 : i32
    %min3A = arith.minsi %jit3A_4, %max3A : i32
    %broadcast_in_dim3A = arith.constant 0.000000e+00 : f32
    %broadcast_in_dim3A_5 = vector.broadcast %broadcast_in_dim3A : f32 to vector<16xf32>
    "tpu.trace_start"() <{level = 10 : i32, message = "acc_zero"}> : () -> ()
    %scan3A = arith.constant 0 : i32
    %scan3A_6 = arith.constant 0 : i32
    %scan3A_7 = arith.constant 128 : i32
    %scan3A_8 = arith.addi %scan3A_6, %scan3A_7 : i32
    %scan3A_9 = arith.constant 1 : i32
    scf.for %scan3A_97 = %scan3A_6 to %scan3A_8 step %scan3A_9  : i32 {
      %swap3A = arith.index_cast %scan3A_97 : i32 to index
      %swap3A_98 = arith.constant 0 : index
      %swap3A_99 = tpu.vector_load %arg8[%swap3A, %swap3A_98] {strides = array<i32>} : memref<128x128xf32, #tpu.memory_space<vmem>>, vector<1x16xf32>,
      %swap3A_100 = vector.shape_cast %swap3A_99 : vector<1x16xf32> to vector<16xf32>
      %swap3A_101 = vector.shape_cast %broadcast_in_dim3A_5 : vector<16xf32> to vector<1x16xf32>
      tpu.vector_store %arg8[%swap3A, %swap3A_98], %swap3A_101 {strides = array<i32>} : memref<128x128xf32, #tpu.memory_space<vmem>>, vector<1x16xf32>,
      %swap3A_102 = arith.index_cast %scan3A_97 : i32 to index
      %swap3A_103 = arith.constant 16 : index
      %swap3A_104 = tpu.vector_load %arg8[%swap3A_102, %swap3A_103] {strides = array<i32>} : memref<128x128xf32, #tpu.memory_space<vmem>>, vector<1x16xf32>,
      %swap3A_105 = vector.shape_cast %swap3A_104 : vector<1x16xf32> to vector<16xf32>
      %swap3A_106 = vector.shape_cast %broadcast_in_dim3A_5 : vector<16xf32> to vector<1x16xf32>
      tpu.vector_store %arg8[%swap3A_102, %swap3A_103], %swap3A_106 {strides = array<i32>} : memref<128x128xf32, #tpu.memory_space<vmem>>, vector<1x16xf32>,
      %swap3A_107 = arith.index_cast %scan3A_97 : i32 to index
      %swap3A_108 = arith.constant 32 : index
      %swap3A_109 = tpu.vector_load %arg8[%swap3A_107, %swap3A_108] {strides = array<i32>} : memref<128x128xf32, #tpu.memory_space<vmem>>, vector<1x16xf32>,
      %swap3A_110 = vector.shape_cast %swap3A_109 : vector<1x16xf32> to vector<16xf32>
      %swap3A_111 = vector.shape_cast %broadcast_in_dim3A_5 : vector<16xf32> to vector<1x16xf32>
      tpu.vector_store %arg8[%swap3A_107, %swap3A_108], %swap3A_111 {strides = array<i32>} : memref<128x128xf32, #tpu.memory_space<vmem>>, vector<1x16xf32>,
      %swap3A_112 = arith.index_cast %scan3A_97 : i32 to index
      %swap3A_113 = arith.constant 48 : index
      %swap3A_114 = tpu.vector_load %arg8[%swap3A_112, %swap3A_113] {strides = array<i32>} : memref<128x128xf32, #tpu.memory_space<vmem>>, vector<1x16xf32>,
      %swap3A_115 = vector.shape_cast %swap3A_114 : vector<1x16xf32> to vector<16xf32>
      %swap3A_116 = vector.shape_cast %broadcast_in_dim3A_5 : vector<16xf32> to vector<1x16xf32>
      tpu.vector_store %arg8[%swap3A_112, %swap3A_113], %swap3A_116 {strides = array<i32>} : memref<128x128xf32, #tpu.memory_space<vmem>>, vector<1x16xf32>,
      %swap3A_117 = arith.index_cast %scan3A_97 : i32 to index
      %swap3A_118 = arith.constant 64 : index
      %swap3A_119 = tpu.vector_load %arg8[%swap3A_117, %swap3A_118] {strides = array<i32>} : memref<128x128xf32, #tpu.memory_space<vmem>>, vector<1x16xf32>,
      %swap3A_120 = vector.shape_cast %swap3A_119 : vector<1x16xf32> to vector<16xf32>
      %swap3A_121 = vector.shape_cast %broadcast_in_dim3A_5 : vector<16xf32> to vector<1x16xf32>
      tpu.vector_store %arg8[%swap3A_117, %swap3A_118], %swap3A_121 {strides = array<i32>} : memref<128x128xf32, #tpu.memory_space<vmem>>, vector<1x16xf32>,
      %swap3A_122 = arith.index_cast %scan3A_97 : i32 to index
      %swap3A_123 = arith.constant 80 : index
      %swap3A_124 = tpu.vector_load %arg8[%swap3A_122, %swap3A_123] {strides = array<i32>} : memref<128x128xf32, #tpu.memory_space<vmem>>, vector<1x16xf32>,
      %swap3A_125 = vector.shape_cast %swap3A_124 : vector<1x16xf32> to vector<16xf32>
      %swap3A_126 = vector.shape_cast %broadcast_in_dim3A_5 : vector<16xf32> to vector<1x16xf32>
      tpu.vector_store %arg8[%swap3A_122, %swap3A_123], %swap3A_126 {strides = array<i32>} : memref<128x128xf32, #tpu.memory_space<vmem>>, vector<1x16xf32>,
      %swap3A_127 = arith.index_cast %scan3A_97 : i32 to index
      %swap3A_128 = arith.constant 96 : index
      %swap3A_129 = tpu.vector_load %arg8[%swap3A_127, %swap3A_128] {strides = array<i32>} : memref<128x128xf32, #tpu.memory_space<vmem>>, vector<1x16xf32>,
      %swap3A_130 = vector.shape_cast %swap3A_129 : vector<1x16xf32> to vector<16xf32>
      %swap3A_131 = vector.shape_cast %broadcast_in_dim3A_5 : vector<16xf32> to vector<1x16xf32>
      tpu.vector_store %arg8[%swap3A_127, %swap3A_128], %swap3A_131 {strides = array<i32>} : memref<128x128xf32, #tpu.memory_space<vmem>>, vector<1x16xf32>,
      %swap3A_132 = arith.index_cast %scan3A_97 : i32 to index
      %swap3A_133 = arith.constant 112 : index
      %swap3A_134 = tpu.vector_load %arg8[%swap3A_132, %swap3A_133] {strides = array<i32>} : memref<128x128xf32, #tpu.memory_space<vmem>>, vector<1x16xf32>,
      %swap3A_135 = vector.shape_cast %swap3A_134 : vector<1x16xf32> to vector<16xf32>
      %swap3A_136 = vector.shape_cast %broadcast_in_dim3A_5 : vector<16xf32> to vector<1x16xf32>
      tpu.vector_store %arg8[%swap3A_132, %swap3A_133], %swap3A_136 {strides = array<i32>} : memref<128x128xf32, #tpu.memory_space<vmem>>, vector<1x16xf32>,
    }
    %scan3A_10 = arith.constant 128 : i32
    %mul3A_11 = arith.constant 640 : i32
    %mul3A_12 = arith.muli %arg1, %mul3A_11 : i32
    %add3A_13 = arith.constant 0 : i32
    %add3A_14 = arith.addi %mul3A_12, %add3A_13 : i32
    "tpu.region"() ({
      %run_scoped3A = tpu.sem_alloc : memref<!tpu.dma_semaphore, #tpu.memory_space<semaphore_mem>>
      %dma_start3A = arith.constant 0 : i32
      %dma_start3A_97 = tpu.memref_slice %arg10[%add3A_14, %dma_start3A] : memref<10240x128xf32, #tpu.memory_space<vmem_shared>> -> memref<128x128xf32, #tpu.memory_space<vmem_shared>>
      %dma_start3A_98 = arith.constant 0 : i32
      %dma_start3A_99 = tpu.memref_slice %arg10[%add3A_14, %dma_start3A_98] : memref<10240x128xf32, #tpu.memory_space<vmem_shared>> -> memref<128x128xf32, #tpu.memory_space<vmem_shared>>
      tpu.enqueue_dma source(%arg8 : memref<128x128xf32, #tpu.memory_space<vmem>>) target(%dma_start3A_99 : memref<128x128xf32, #tpu.memory_space<vmem_shared>>) target_semaphore(%run_scoped3A : memref<!tpu.dma_semaphore, #tpu.memory_space<semaphore_mem>>)
      %dma_wait3A = arith.constant 0 : i32
      %dma_wait3A_100 = tpu.memref_slice %arg10[%add3A_14, %dma_wait3A] : memref<10240x128xf32, #tpu.memory_space<vmem_shared>> -> memref<128x128xf32, #tpu.memory_space<vmem_shared>>
      %dma_wait3A_101 = arith.constant 0 : i32
      %dma_wait3A_102 = tpu.memref_slice %arg10[%add3A_14, %dma_wait3A_101] : memref<10240x128xf32, #tpu.memory_space<vmem_shared>> -> memref<128x128xf32, #tpu.memory_space<vmem_shared>>
      tpu.wait_dma2 semaphore(%run_scoped3A : memref<!tpu.dma_semaphore, #tpu.memory_space<semaphore_mem>>) src(%arg8 : memref<128x128xf32, #tpu.memory_space<vmem>>) dst(%dma_wait3A_102 : memref<128x128xf32, #tpu.memory_space<vmem_shared>>)
      tpu.yield
    }) : () -> ()
    %mul3A_15 = arith.constant 640 : i32
    %mul3A_16 = arith.muli %arg1, %mul3A_15 : i32
    %add3A_17 = arith.constant 128 : i32
    %add3A_18 = arith.addi %mul3A_16, %add3A_17 : i32
    "tpu.region"() ({
      %run_scoped3A = tpu.sem_alloc : memref<!tpu.dma_semaphore, #tpu.memory_space<semaphore_mem>>
      %dma_start3A = arith.constant 0 : i32
      %dma_start3A_97 = tpu.memref_slice %arg10[%add3A_18, %dma_start3A] : memref<10240x128xf32, #tpu.memory_space<vmem_shared>> -> memref<128x128xf32, #tpu.memory_space<vmem_shared>>
      %dma_start3A_98 = arith.constant 0 : i32
      %dma_start3A_99 = tpu.memref_slice %arg10[%add3A_18, %dma_start3A_98] : memref<10240x128xf32, #tpu.memory_space<vmem_shared>> -> memref<128x128xf32, #tpu.memory_space<vmem_shared>>
      tpu.enqueue_dma source(%arg8 : memref<128x128xf32, #tpu.memory_space<vmem>>) target(%dma_start3A_99 : memref<128x128xf32, #tpu.memory_space<vmem_shared>>) target_semaphore(%run_scoped3A : memref<!tpu.dma_semaphore, #tpu.memory_space<semaphore_mem>>)
      %dma_wait3A = arith.constant 0 : i32
      %dma_wait3A_100 = tpu.memref_slice %arg10[%add3A_18, %dma_wait3A] : memref<10240x128xf32, #tpu.memory_space<vmem_shared>> -> memref<128x128xf32, #tpu.memory_space<vmem_shared>>
      %dma_wait3A_101 = arith.constant 0 : i32
      %dma_wait3A_102 = tpu.memref_slice %arg10[%add3A_18, %dma_wait3A_101] : memref<10240x128xf32, #tpu.memory_space<vmem_shared>> -> memref<128x128xf32, #tpu.memory_space<vmem_shared>>
      tpu.wait_dma2 semaphore(%run_scoped3A : memref<!tpu.dma_semaphore, #tpu.memory_space<semaphore_mem>>) src(%arg8 : memref<128x128xf32, #tpu.memory_space<vmem>>) dst(%dma_wait3A_102 : memref<128x128xf32, #tpu.memory_space<vmem_shared>>)
      tpu.yield
    }) : () -> ()
    %mul3A_19 = arith.constant 640 : i32
    %mul3A_20 = arith.muli %arg1, %mul3A_19 : i32
    %add3A_21 = arith.constant 256 : i32
    %add3A_22 = arith.addi %mul3A_20, %add3A_21 : i32
    "tpu.region"() ({
      %run_scoped3A = tpu.sem_alloc : memref<!tpu.dma_semaphore, #tpu.memory_space<semaphore_mem>>
      %dma_start3A = arith.constant 0 : i32
      %dma_start3A_97 = tpu.memref_slice %arg10[%add3A_22, %dma_start3A] : memref<10240x128xf32, #tpu.memory_space<vmem_shared>> -> memref<128x128xf32, #tpu.memory_space<vmem_shared>>
      %dma_start3A_98 = arith.constant 0 : i32
      %dma_start3A_99 = tpu.memref_slice %arg10[%add3A_22, %dma_start3A_98] : memref<10240x128xf32, #tpu.memory_space<vmem_shared>> -> memref<128x128xf32, #tpu.memory_space<vmem_shared>>
      tpu.enqueue_dma source(%arg8 : memref<128x128xf32, #tpu.memory_space<vmem>>) target(%dma_start3A_99 : memref<128x128xf32, #tpu.memory_space<vmem_shared>>) target_semaphore(%run_scoped3A : memref<!tpu.dma_semaphore, #tpu.memory_space<semaphore_mem>>)
      %dma_wait3A = arith.constant 0 : i32
      %dma_wait3A_100 = tpu.memref_slice %arg10[%add3A_22, %dma_wait3A] : memref<10240x128xf32, #tpu.memory_space<vmem_shared>> -> memref<128x128xf32, #tpu.memory_space<vmem_shared>>
      %dma_wait3A_101 = arith.constant 0 : i32
      %dma_wait3A_102 = tpu.memref_slice %arg10[%add3A_22, %dma_wait3A_101] : memref<10240x128xf32, #tpu.memory_space<vmem_shared>> -> memref<128x128xf32, #tpu.memory_space<vmem_shared>>
      tpu.wait_dma2 semaphore(%run_scoped3A : memref<!tpu.dma_semaphore, #tpu.memory_space<semaphore_mem>>) src(%arg8 : memref<128x128xf32, #tpu.memory_space<vmem>>) dst(%dma_wait3A_102 : memref<128x128xf32, #tpu.memory_space<vmem_shared>>)
      tpu.yield
    }) : () -> ()
    %mul3A_23 = arith.constant 640 : i32
    %mul3A_24 = arith.muli %arg1, %mul3A_23 : i32
    %add3A_25 = arith.constant 384 : i32
    %add3A_26 = arith.addi %mul3A_24, %add3A_25 : i32
    "tpu.region"() ({
      %run_scoped3A = tpu.sem_alloc : memref<!tpu.dma_semaphore, #tpu.memory_space<semaphore_mem>>
      %dma_start3A = arith.constant 0 : i32
      %dma_start3A_97 = tpu.memref_slice %arg10[%add3A_26, %dma_start3A] : memref<10240x128xf32, #tpu.memory_space<vmem_shared>> -> memref<128x128xf32, #tpu.memory_space<vmem_shared>>
      %dma_start3A_98 = arith.constant 0 : i32
      %dma_start3A_99 = tpu.memref_slice %arg10[%add3A_26, %dma_start3A_98] : memref<10240x128xf32, #tpu.memory_space<vmem_shared>> -> memref<128x128xf32, #tpu.memory_space<vmem_shared>>
      tpu.enqueue_dma source(%arg8 : memref<128x128xf32, #tpu.memory_space<vmem>>) target(%dma_start3A_99 : memref<128x128xf32, #tpu.memory_space<vmem_shared>>) target_semaphore(%run_scoped3A : memref<!tpu.dma_semaphore, #tpu.memory_space<semaphore_mem>>)
      %dma_wait3A = arith.constant 0 : i32
      %dma_wait3A_100 = tpu.memref_slice %arg10[%add3A_26, %dma_wait3A] : memref<10240x128xf32, #tpu.memory_space<vmem_shared>> -> memref<128x128xf32, #tpu.memory_space<vmem_shared>>
      %dma_wait3A_101 = arith.constant 0 : i32
      %dma_wait3A_102 = tpu.memref_slice %arg10[%add3A_26, %dma_wait3A_101] : memref<10240x128xf32, #tpu.memory_space<vmem_shared>> -> memref<128x128xf32, #tpu.memory_space<vmem_shared>>
      tpu.wait_dma2 semaphore(%run_scoped3A : memref<!tpu.dma_semaphore, #tpu.memory_space<semaphore_mem>>) src(%arg8 : memref<128x128xf32, #tpu.memory_space<vmem>>) dst(%dma_wait3A_102 : memref<128x128xf32, #tpu.memory_space<vmem_shared>>)
      tpu.yield
    }) : () -> ()
    %mul3A_27 = arith.constant 640 : i32
    %mul3A_28 = arith.muli %arg1, %mul3A_27 : i32
    %add3A_29 = arith.constant 512 : i32
    %add3A_30 = arith.addi %mul3A_28, %add3A_29 : i32
    "tpu.region"() ({
      %run_scoped3A = tpu.sem_alloc : memref<!tpu.dma_semaphore, #tpu.memory_space<semaphore_mem>>
      %dma_start3A = arith.constant 0 : i32
      %dma_start3A_97 = tpu.memref_slice %arg10[%add3A_30, %dma_start3A] : memref<10240x128xf32, #tpu.memory_space<vmem_shared>> -> memref<128x128xf32, #tpu.memory_space<vmem_shared>>
      %dma_start3A_98 = arith.constant 0 : i32
      %dma_start3A_99 = tpu.memref_slice %arg10[%add3A_30, %dma_start3A_98] : memref<10240x128xf32, #tpu.memory_space<vmem_shared>> -> memref<128x128xf32, #tpu.memory_space<vmem_shared>>
      tpu.enqueue_dma source(%arg8 : memref<128x128xf32, #tpu.memory_space<vmem>>) target(%dma_start3A_99 : memref<128x128xf32, #tpu.memory_space<vmem_shared>>) target_semaphore(%run_scoped3A : memref<!tpu.dma_semaphore, #tpu.memory_space<semaphore_mem>>)
      %dma_wait3A = arith.constant 0 : i32
      %dma_wait3A_100 = tpu.memref_slice %arg10[%add3A_30, %dma_wait3A] : memref<10240x128xf32, #tpu.memory_space<vmem_shared>> -> memref<128x128xf32, #tpu.memory_space<vmem_shared>>
      %dma_wait3A_101 = arith.constant 0 : i32
      %dma_wait3A_102 = tpu.memref_slice %arg10[%add3A_30, %dma_wait3A_101] : memref<10240x128xf32, #tpu.memory_space<vmem_shared>> -> memref<128x128xf32, #tpu.memory_space<vmem_shared>>
      tpu.wait_dma2 semaphore(%run_scoped3A : memref<!tpu.dma_semaphore, #tpu.memory_space<semaphore_mem>>) src(%arg8 : memref<128x128xf32, #tpu.memory_space<vmem>>) dst(%dma_wait3A_102 : memref<128x128xf32, #tpu.memory_space<vmem_shared>>)
      tpu.yield
    }) : () -> ()
    %barrier3A = arith.constant 0 : index
    tpu.barrier barrier_id(%barrier3A)
    "tpu.trace_stop"() : () -> ()
    %sub3A_31 = arith.constant 0 : i32
    %sub3A_32 = arith.subi %min3A, %sub3A_31 : i32
    %jit3A_33 = arith.constant 0 : i32
    %jit3A_34 = arith.constant 40 : i32
    %max3A_35 = arith.maxsi %jit3A_33, %sub3A_32 : i32
    %min3A_36 = arith.minsi %jit3A_34, %max3A_35 : i32
    "tpu.trace_start"() <{level = 10 : i32, message = "idx_load"}> : () -> ()
    "tpu.region"() ({
      %run_scoped3A = tpu.sem_alloc : memref<!tpu.dma_semaphore, #tpu.memory_space<semaphore_mem>>
      %dma_start3A = arith.constant 0 : i32
      %dma_start3A_97 = arith.constant 0 : i32
      %dma_start3A_98 = tpu.memref_slice %arg3[%add3A, %dma_start3A, %dma_start3A_97] : memref<32x80x128xi32, #tpu.memory_space<hbm>> -> memref<1x40x128xi32, #tpu.memory_space<hbm>>
      %dma_start3A_99 = tpu.memref_squeeze %dma_start3A_98 : memref<1x40x128xi32, #tpu.memory_space<hbm>> -> memref<40x128xi32, #tpu.memory_space<hbm>>
      %dma_start3A_100 = arith.constant 0 : i32
      %dma_start3A_101 = arith.constant 0 : i32
      %dma_start3A_102 = tpu.memref_slice %arg3[%add3A, %dma_start3A_100, %dma_start3A_101] : memref<32x80x128xi32, #tpu.memory_space<hbm>> -> memref<1x40x128xi32, #tpu.memory_space<hbm>>
      %dma_start3A_103 = tpu.memref_squeeze %dma_start3A_102 : memref<1x40x128xi32, #tpu.memory_space<hbm>> -> memref<40x128xi32, #tpu.memory_space<hbm>>
      tpu.enqueue_dma source(%dma_start3A_103 : memref<40x128xi32, #tpu.memory_space<hbm>>) target(%arg6 : memref<40x128xi32, #tpu.memory_space<vmem>>) target_semaphore(%run_scoped3A : memref<!tpu.dma_semaphore, #tpu.memory_space<semaphore_mem>>)
      %dma_wait3A = arith.constant 0 : i32
      %dma_wait3A_104 = arith.constant 0 : i32
      %dma_wait3A_105 = tpu.memref_slice %arg3[%add3A, %dma_wait3A, %dma_wait3A_104] : memref<32x80x128xi32, #tpu.memory_space<hbm>> -> memref<1x40x128xi32, #tpu.memory_space<hbm>>
      %dma_wait3A_106 = tpu.memref_squeeze %dma_wait3A_105 : memref<1x40x128xi32, #tpu.memory_space<hbm>> -> memref<40x128xi32, #tpu.memory_space<hbm>>
      %dma_wait3A_107 = arith.constant 0 : i32
      %dma_wait3A_108 = arith.constant 0 : i32
      %dma_wait3A_109 = tpu.memref_slice %arg3[%add3A, %dma_wait3A_107, %dma_wait3A_108] : memref<32x80x128xi32, #tpu.memory_space<hbm>> -> memref<1x40x128xi32, #tpu.memory_space<hbm>>
      %dma_wait3A_110 = tpu.memref_squeeze %dma_wait3A_109 : memref<1x40x128xi32, #tpu.memory_space<hbm>> -> memref<40x128xi32, #tpu.memory_space<hbm>>
      tpu.wait_dma2 semaphore(%run_scoped3A : memref<!tpu.dma_semaphore, #tpu.memory_space<semaphore_mem>>) src(%dma_wait3A_110 : memref<40x128xi32, #tpu.memory_space<hbm>>) dst(%arg6 : memref<40x128xi32, #tpu.memory_space<vmem>>)
      tpu.yield
    }) : () -> ()
    "tpu.region"() ({
      %run_scoped3A = tpu.sem_alloc : memref<!tpu.dma_semaphore, #tpu.memory_space<semaphore_mem>>
      %dma_start3A = arith.constant 0 : i32
      %dma_start3A_97 = arith.constant 0 : i32
      %dma_start3A_98 = tpu.memref_slice %arg4[%add3A, %dma_start3A, %dma_start3A_97] : memref<32x80x128xi32, #tpu.memory_space<hbm>> -> memref<1x40x128xi32, #tpu.memory_space<hbm>>
      %dma_start3A_99 = tpu.memref_squeeze %dma_start3A_98 : memref<1x40x128xi32, #tpu.memory_space<hbm>> -> memref<40x128xi32, #tpu.memory_space<hbm>>
      %dma_start3A_100 = arith.constant 0 : i32
      %dma_start3A_101 = arith.constant 0 : i32
      %dma_start3A_102 = tpu.memref_slice %arg4[%add3A, %dma_start3A_100, %dma_start3A_101] : memref<32x80x128xi32, #tpu.memory_space<hbm>> -> memref<1x40x128xi32, #tpu.memory_space<hbm>>
      %dma_start3A_103 = tpu.memref_squeeze %dma_start3A_102 : memref<1x40x128xi32, #tpu.memory_space<hbm>> -> memref<40x128xi32, #tpu.memory_space<hbm>>
      tpu.enqueue_dma source(%dma_start3A_103 : memref<40x128xi32, #tpu.memory_space<hbm>>) target(%arg7 : memref<40x128xi32, #tpu.memory_space<vmem>>) target_semaphore(%run_scoped3A : memref<!tpu.dma_semaphore, #tpu.memory_space<semaphore_mem>>)
      %dma_wait3A = arith.constant 0 : i32
      %dma_wait3A_104 = arith.constant 0 : i32
      %dma_wait3A_105 = tpu.memref_slice %arg4[%add3A, %dma_wait3A, %dma_wait3A_104] : memref<32x80x128xi32, #tpu.memory_space<hbm>> -> memref<1x40x128xi32, #tpu.memory_space<hbm>>
      %dma_wait3A_106 = tpu.memref_squeeze %dma_wait3A_105 : memref<1x40x128xi32, #tpu.memory_space<hbm>> -> memref<40x128xi32, #tpu.memory_space<hbm>>
      %dma_wait3A_107 = arith.constant 0 : i32
      %dma_wait3A_108 = arith.constant 0 : i32
      %dma_wait3A_109 = tpu.memref_slice %arg4[%add3A, %dma_wait3A_107, %dma_wait3A_108] : memref<32x80x128xi32, #tpu.memory_space<hbm>> -> memref<1x40x128xi32, #tpu.memory_space<hbm>>
      %dma_wait3A_110 = tpu.memref_squeeze %dma_wait3A_109 : memref<1x40x128xi32, #tpu.memory_space<hbm>> -> memref<40x128xi32, #tpu.memory_space<hbm>>
      tpu.wait_dma2 semaphore(%run_scoped3A : memref<!tpu.dma_semaphore, #tpu.memory_space<semaphore_mem>>) src(%dma_wait3A_110 : memref<40x128xi32, #tpu.memory_space<hbm>>) dst(%arg7 : memref<40x128xi32, #tpu.memory_space<vmem>>)
      tpu.yield
    }) : () -> ()
    %gt3A = arith.constant 0 : i32
    "tpu.trace_stop"() : () -> ()
    "tpu.trace_start"() <{level = 10 : i32, message = "edge_loop"}> : () -> ()
    %gt3A_37 = arith.cmpi sgt, %min3A_36, %gt3A : i32
    %convert_element_type3A = arith.extui %gt3A_37 : i1 to i32
    %cond3A = arith.constant 0 : i32
    %cond3A_38 = arith.cmpi ne, %convert_element_type3A, %cond3A : i32
    scf.if %cond3A_38 {
      %dma_start3A = arith.constant 0 : i32
      %dma_start3A_97 = arith.constant 0 : i32
      %dma_start3A_98 = tpu.memref_slice %arg6[%dma_start3A, %dma_start3A_97] : memref<40x128xi32, #tpu.memory_space<vmem>> -> memref<1x128xi32, #tpu.memory_space<vmem>>
      %dma_start3A_99 = tpu.memref_squeeze %dma_start3A_98 : memref<1x128xi32, #tpu.memory_space<vmem>> -> memref<128xi32, #tpu.memory_space<vmem>>
      %dma_start3A_100 = arith.constant 0 : i32
      %dma_start3A_101 = arith.constant 0 : i32
      %dma_start3A_102 = tpu.memref_slice %arg2[%dma_start3A_100, %dma_start3A_101] : memref<10240x128xf32, #tpu.memory_space<hbm>> -> memref<10240x128xf32, #tpu.memory_space<hbm>>
      tpu.enqueue_indirect_dma source(%dma_start3A_102 : memref<10240x128xf32, #tpu.memory_space<hbm>>) target(%arg8 : memref<128x128xf32, #tpu.memory_space<vmem>>) offsets(%dma_start3A_99 : memref<128xi32, #tpu.memory_space<vmem>>) semaphore(%arg11 : memref<!tpu.dma_semaphore, #tpu.memory_space<semaphore_mem>>)
      %dma_wait3A = arith.constant 0 : i32
      %dma_wait3A_103 = arith.constant 0 : i32
      %dma_wait3A_104 = tpu.memref_slice %arg6[%dma_wait3A, %dma_wait3A_103] : memref<40x128xi32, #tpu.memory_space<vmem>> -> memref<1x128xi32, #tpu.memory_space<vmem>>
      %dma_wait3A_105 = tpu.memref_squeeze %dma_wait3A_104 : memref<1x128xi32, #tpu.memory_space<vmem>> -> memref<128xi32, #tpu.memory_space<vmem>>
      %dma_wait3A_106 = arith.constant 0 : i32
      %dma_wait3A_107 = arith.constant 0 : i32
      %dma_wait3A_108 = tpu.memref_slice %arg2[%dma_wait3A_106, %dma_wait3A_107] : memref<10240x128xf32, #tpu.memory_space<hbm>> -> memref<10240x128xf32, #tpu.memory_space<hbm>>
      tpu.wait_indirect_dma semaphore(%arg11 : memref<!tpu.dma_semaphore, #tpu.memory_space<semaphore_mem>>) src(%dma_wait3A_108 : memref<10240x128xf32, #tpu.memory_space<hbm>>) dst(%arg8 : memref<128x128xf32, #tpu.memory_space<vmem>>)
      %dma_start3A_109 = arith.constant 0 : i32
      %dma_start3A_110 = arith.constant 0 : i32
      %dma_start3A_111 = tpu.memref_slice %arg7[%dma_start3A_109, %dma_start3A_110] : memref<40x128xi32, #tpu.memory_space<vmem>> -> memref<1x128xi32, #tpu.memory_space<vmem>>
      %dma_start3A_112 = tpu.memref_squeeze %dma_start3A_111 : memref<1x128xi32, #tpu.memory_space<vmem>> -> memref<128xi32, #tpu.memory_space<vmem>>
      %dma_start3A_113 = arith.constant 0 : i32
      %dma_start3A_114 = arith.constant 0 : i32
      %dma_start3A_115 = tpu.memref_slice %arg10[%dma_start3A_113, %dma_start3A_114] : memref<10240x128xf32, #tpu.memory_space<vmem_shared>> -> memref<10240x128xf32, #tpu.memory_space<vmem_shared>>
      tpu.enqueue_indirect_dma source(%arg8 : memref<128x128xf32, #tpu.memory_space<vmem>>) target(%dma_start3A_115 : memref<10240x128xf32, #tpu.memory_space<vmem_shared>>) offsets(%dma_start3A_112 : memref<128xi32, #tpu.memory_space<vmem>>) semaphore(%arg12 : memref<!tpu.dma_semaphore, #tpu.memory_space<semaphore_mem>>) {add = true}
    } else {
    }
    %gt3A_39 = arith.constant 1 : i32
    %gt3A_40 = arith.cmpi sgt, %min3A_36, %gt3A_39 : i32
    %convert_element_type3A_41 = arith.extui %gt3A_40 : i1 to i32
    %cond3A_42 = arith.constant 0 : i32
    %cond3A_43 = arith.cmpi ne, %convert_element_type3A_41, %cond3A_42 : i32
    scf.if %cond3A_43 {
      %dma_start3A = arith.constant 1 : i32
      %dma_start3A_97 = arith.constant 0 : i32
      %dma_start3A_98 = tpu.memref_slice %arg6[%dma_start3A, %dma_start3A_97] : memref<40x128xi32, #tpu.memory_space<vmem>> -> memref<1x128xi32, #tpu.memory_space<vmem>>
      %dma_start3A_99 = tpu.memref_squeeze %dma_start3A_98 : memref<1x128xi32, #tpu.memory_space<vmem>> -> memref<128xi32, #tpu.memory_space<vmem>>
      %dma_start3A_100 = arith.constant 0 : i32
      %dma_start3A_101 = arith.constant 0 : i32
      %dma_start3A_102 = tpu.memref_slice %arg2[%dma_start3A_100, %dma_start3A_101] : memref<10240x128xf32, #tpu.memory_space<hbm>> -> memref<10240x128xf32, #tpu.memory_space<hbm>>
      tpu.enqueue_indirect_dma source(%dma_start3A_102 : memref<10240x128xf32, #tpu.memory_space<hbm>>) target(%arg9 : memref<128x128xf32, #tpu.memory_space<vmem>>) offsets(%dma_start3A_99 : memref<128xi32, #tpu.memory_space<vmem>>) semaphore(%arg11 : memref<!tpu.dma_semaphore, #tpu.memory_space<semaphore_mem>>)
      %dma_wait3A = arith.constant 0 : i32
      %dma_wait3A_103 = arith.constant 0 : i32
      %dma_wait3A_104 = tpu.memref_slice %arg6[%dma_wait3A, %dma_wait3A_103] : memref<40x128xi32, #tpu.memory_space<vmem>> -> memref<1x128xi32, #tpu.memory_space<vmem>>
      %dma_wait3A_105 = tpu.memref_squeeze %dma_wait3A_104 : memref<1x128xi32, #tpu.memory_space<vmem>> -> memref<128xi32, #tpu.memory_space<vmem>>
      %dma_wait3A_106 = arith.constant 0 : i32
      %dma_wait3A_107 = arith.constant 0 : i32
      %dma_wait3A_108 = tpu.memref_slice %arg2[%dma_wait3A_106, %dma_wait3A_107] : memref<10240x128xf32, #tpu.memory_space<hbm>> -> memref<10240x128xf32, #tpu.memory_space<hbm>>
      tpu.wait_indirect_dma semaphore(%arg11 : memref<!tpu.dma_semaphore, #tpu.memory_space<semaphore_mem>>) src(%dma_wait3A_108 : memref<10240x128xf32, #tpu.memory_space<hbm>>) dst(%arg9 : memref<128x128xf32, #tpu.memory_space<vmem>>)
      %dma_start3A_109 = arith.constant 1 : i32
      %dma_start3A_110 = arith.constant 0 : i32
      %dma_start3A_111 = tpu.memref_slice %arg7[%dma_start3A_109, %dma_start3A_110] : memref<40x128xi32, #tpu.memory_space<vmem>> -> memref<1x128xi32, #tpu.memory_space<vmem>>
      %dma_start3A_112 = tpu.memref_squeeze %dma_start3A_111 : memref<1x128xi32, #tpu.memory_space<vmem>> -> memref<128xi32, #tpu.memory_space<vmem>>
      %dma_start3A_113 = arith.constant 0 : i32
      %dma_start3A_114 = arith.constant 0 : i32
      %dma_start3A_115 = tpu.memref_slice %arg10[%dma_start3A_113, %dma_start3A_114] : memref<10240x128xf32, #tpu.memory_space<vmem_shared>> -> memref<10240x128xf32, #tpu.memory_space<vmem_shared>>
      tpu.enqueue_indirect_dma source(%arg9 : memref<128x128xf32, #tpu.memory_space<vmem>>) target(%dma_start3A_115 : memref<10240x128xf32, #tpu.memory_space<vmem_shared>>) offsets(%dma_start3A_112 : memref<128xi32, #tpu.memory_space<vmem>>) semaphore(%arg12 : memref<!tpu.dma_semaphore, #tpu.memory_space<semaphore_mem>>) {add = true}
    } else {
    }
    %scan3A_44 = arith.constant 0 : i32
    %scan3A_45 = arith.constant 1 : i32
    %scan3A_46 = arith.constant 19 : i32
    %scan3A_47 = arith.addi %scan3A_45, %scan3A_46 : i32
    %scan3A_48 = arith.constant 1 : i32
    scf.for %scan3A_97 = %scan3A_45 to %scan3A_47 step %scan3A_48  : i32 {
      %mul3A_98 = arith.constant 2 : i32
      %mul3A_99 = arith.muli %mul3A_98, %scan3A_97 : i32
      %lt3A = arith.cmpi slt, %mul3A_99, %min3A_36 : i32
      %convert_element_type3A_100 = arith.extui %lt3A : i1 to i32
      %cond3A_101 = arith.constant 0 : i32
      %cond3A_102 = arith.cmpi ne, %convert_element_type3A_100, %cond3A_101 : i32
      scf.if %cond3A_102 {
        %dma_wait3A = arith.constant 0 : i32
        %dma_wait3A_109 = arith.constant 0 : i32
        %dma_wait3A_110 = tpu.memref_slice %arg7[%dma_wait3A, %dma_wait3A_109] : memref<40x128xi32, #tpu.memory_space<vmem>> -> memref<1x128xi32, #tpu.memory_space<vmem>>
        %dma_wait3A_111 = tpu.memref_squeeze %dma_wait3A_110 : memref<1x128xi32, #tpu.memory_space<vmem>> -> memref<128xi32, #tpu.memory_space<vmem>>
        %dma_wait3A_112 = arith.constant 0 : i32
        %dma_wait3A_113 = arith.constant 0 : i32
        %dma_wait3A_114 = tpu.memref_slice %arg10[%dma_wait3A_112, %dma_wait3A_113] : memref<10240x128xf32, #tpu.memory_space<vmem_shared>> -> memref<10240x128xf32, #tpu.memory_space<vmem_shared>>
        tpu.wait_indirect_dma semaphore(%arg12 : memref<!tpu.dma_semaphore, #tpu.memory_space<semaphore_mem>>) src(%arg8 : memref<128x128xf32, #tpu.memory_space<vmem>>) dst(%dma_wait3A_114 : memref<10240x128xf32, #tpu.memory_space<vmem_shared>>)
        %dma_start3A = arith.constant 0 : i32
        %dma_start3A_115 = tpu.memref_slice %arg6[%mul3A_99, %dma_start3A] : memref<40x128xi32, #tpu.memory_space<vmem>> -> memref<1x128xi32, #tpu.memory_space<vmem>>
        %dma_start3A_116 = tpu.memref_squeeze %dma_start3A_115 : memref<1x128xi32, #tpu.memory_space<vmem>> -> memref<128xi32, #tpu.memory_space<vmem>>
        %dma_start3A_117 = arith.constant 0 : i32
        %dma_start3A_118 = arith.constant 0 : i32
        %dma_start3A_119 = tpu.memref_slice %arg2[%dma_start3A_117, %dma_start3A_118] : memref<10240x128xf32, #tpu.memory_space<hbm>> -> memref<10240x128xf32, #tpu.memory_space<hbm>>
        tpu.enqueue_indirect_dma source(%dma_start3A_119 : memref<10240x128xf32, #tpu.memory_space<hbm>>) target(%arg8 : memref<128x128xf32, #tpu.memory_space<vmem>>) offsets(%dma_start3A_116 : memref<128xi32, #tpu.memory_space<vmem>>) semaphore(%arg11 : memref<!tpu.dma_semaphore, #tpu.memory_space<semaphore_mem>>)
        %dma_wait3A_120 = arith.constant 0 : i32
        %dma_wait3A_121 = arith.constant 0 : i32
        %dma_wait3A_122 = tpu.memref_slice %arg6[%dma_wait3A_120, %dma_wait3A_121] : memref<40x128xi32, #tpu.memory_space<vmem>> -> memref<1x128xi32, #tpu.memory_space<vmem>>
        %dma_wait3A_123 = tpu.memref_squeeze %dma_wait3A_122 : memref<1x128xi32, #tpu.memory_space<vmem>> -> memref<128xi32, #tpu.memory_space<vmem>>
        %dma_wait3A_124 = arith.constant 0 : i32
        %dma_wait3A_125 = arith.constant 0 : i32
        %dma_wait3A_126 = tpu.memref_slice %arg2[%dma_wait3A_124, %dma_wait3A_125] : memref<10240x128xf32, #tpu.memory_space<hbm>> -> memref<10240x128xf32, #tpu.memory_space<hbm>>
        tpu.wait_indirect_dma semaphore(%arg11 : memref<!tpu.dma_semaphore, #tpu.memory_space<semaphore_mem>>) src(%dma_wait3A_126 : memref<10240x128xf32, #tpu.memory_space<hbm>>) dst(%arg8 : memref<128x128xf32, #tpu.memory_space<vmem>>)
        %dma_start3A_127 = arith.constant 0 : i32
        %dma_start3A_128 = tpu.memref_slice %arg7[%mul3A_99, %dma_start3A_127] : memref<40x128xi32, #tpu.memory_space<vmem>> -> memref<1x128xi32, #tpu.memory_space<vmem>>
        %dma_start3A_129 = tpu.memref_squeeze %dma_start3A_128 : memref<1x128xi32, #tpu.memory_space<vmem>> -> memref<128xi32, #tpu.memory_space<vmem>>
        %dma_start3A_130 = arith.constant 0 : i32
        %dma_start3A_131 = arith.constant 0 : i32
        %dma_start3A_132 = tpu.memref_slice %arg10[%dma_start3A_130, %dma_start3A_131] : memref<10240x128xf32, #tpu.memory_space<vmem_shared>> -> memref<10240x128xf32, #tpu.memory_space<vmem_shared>>
        tpu.enqueue_indirect_dma source(%arg8 : memref<128x128xf32, #tpu.memory_space<vmem>>) target(%dma_start3A_132 : memref<10240x128xf32, #tpu.memory_space<vmem_shared>>) offsets(%dma_start3A_129 : memref<128xi32, #tpu.memory_space<vmem>>) semaphore(%arg12 : memref<!tpu.dma_semaphore, #tpu.memory_space<semaphore_mem>>) {add = true}
      } else {
      }
      %add3A_103 = arith.constant 1 : i32
      %add3A_104 = arith.addi %mul3A_99, %add3A_103 : i32
      %lt3A_105 = arith.cmpi slt, %add3A_104, %min3A_36 : i32
      %convert_element_type3A_106 = arith.extui %lt3A_105 : i1 to i32
      %cond3A_107 = arith.constant 0 : i32
      %cond3A_108 = arith.cmpi ne, %convert_element_type3A_106, %cond3A_107 : i32
      scf.if %cond3A_108 {
        %dma_wait3A = arith.constant 0 : i32
        %dma_wait3A_109 = arith.constant 0 : i32
        %dma_wait3A_110 = tpu.memref_slice %arg7[%dma_wait3A, %dma_wait3A_109] : memref<40x128xi32, #tpu.memory_space<vmem>> -> memref<1x128xi32, #tpu.memory_space<vmem>>
        %dma_wait3A_111 = tpu.memref_squeeze %dma_wait3A_110 : memref<1x128xi32, #tpu.memory_space<vmem>> -> memref<128xi32, #tpu.memory_space<vmem>>
        %dma_wait3A_112 = arith.constant 0 : i32
        %dma_wait3A_113 = arith.constant 0 : i32
        %dma_wait3A_114 = tpu.memref_slice %arg10[%dma_wait3A_112, %dma_wait3A_113] : memref<10240x128xf32, #tpu.memory_space<vmem_shared>> -> memref<10240x128xf32, #tpu.memory_space<vmem_shared>>
        tpu.wait_indirect_dma semaphore(%arg12 : memref<!tpu.dma_semaphore, #tpu.memory_space<semaphore_mem>>) src(%arg9 : memref<128x128xf32, #tpu.memory_space<vmem>>) dst(%dma_wait3A_114 : memref<10240x128xf32, #tpu.memory_space<vmem_shared>>)
        %add3A_115 = arith.constant 1 : i32
        %add3A_116 = arith.addi %mul3A_99, %add3A_115 : i32
        %dma_start3A = arith.constant 0 : i32
        %dma_start3A_117 = tpu.memref_slice %arg6[%add3A_116, %dma_start3A] : memref<40x128xi32, #tpu.memory_space<vmem>> -> memref<1x128xi32, #tpu.memory_space<vmem>>
        %dma_start3A_118 = tpu.memref_squeeze %dma_start3A_117 : memref<1x128xi32, #tpu.memory_space<vmem>> -> memref<128xi32, #tpu.memory_space<vmem>>
        %dma_start3A_119 = arith.constant 0 : i32
        %dma_start3A_120 = arith.constant 0 : i32
        %dma_start3A_121 = tpu.memref_slice %arg2[%dma_start3A_119, %dma_start3A_120] : memref<10240x128xf32, #tpu.memory_space<hbm>> -> memref<10240x128xf32, #tpu.memory_space<hbm>>
        tpu.enqueue_indirect_dma source(%dma_start3A_121 : memref<10240x128xf32, #tpu.memory_space<hbm>>) target(%arg9 : memref<128x128xf32, #tpu.memory_space<vmem>>) offsets(%dma_start3A_118 : memref<128xi32, #tpu.memory_space<vmem>>) semaphore(%arg11 : memref<!tpu.dma_semaphore, #tpu.memory_space<semaphore_mem>>)
        %dma_wait3A_122 = arith.constant 0 : i32
        %dma_wait3A_123 = arith.constant 0 : i32
        %dma_wait3A_124 = tpu.memref_slice %arg6[%dma_wait3A_122, %dma_wait3A_123] : memref<40x128xi32, #tpu.memory_space<vmem>> -> memref<1x128xi32, #tpu.memory_space<vmem>>
        %dma_wait3A_125 = tpu.memref_squeeze %dma_wait3A_124 : memref<1x128xi32, #tpu.memory_space<vmem>> -> memref<128xi32, #tpu.memory_space<vmem>>
        %dma_wait3A_126 = arith.constant 0 : i32
        %dma_wait3A_127 = arith.constant 0 : i32
        %dma_wait3A_128 = tpu.memref_slice %arg2[%dma_wait3A_126, %dma_wait3A_127] : memref<10240x128xf32, #tpu.memory_space<hbm>> -> memref<10240x128xf32, #tpu.memory_space<hbm>>
        tpu.wait_indirect_dma semaphore(%arg11 : memref<!tpu.dma_semaphore, #tpu.memory_space<semaphore_mem>>) src(%dma_wait3A_128 : memref<10240x128xf32, #tpu.memory_space<hbm>>) dst(%arg9 : memref<128x128xf32, #tpu.memory_space<vmem>>)
        %add3A_129 = arith.constant 1 : i32
        %add3A_130 = arith.addi %mul3A_99, %add3A_129 : i32
        %dma_start3A_131 = arith.constant 0 : i32
        %dma_start3A_132 = tpu.memref_slice %arg7[%add3A_130, %dma_start3A_131] : memref<40x128xi32, #tpu.memory_space<vmem>> -> memref<1x128xi32, #tpu.memory_space<vmem>>
        %dma_start3A_133 = tpu.memref_squeeze %dma_start3A_132 : memref<1x128xi32, #tpu.memory_space<vmem>> -> memref<128xi32, #tpu.memory_space<vmem>>
        %dma_start3A_134 = arith.constant 0 : i32
        %dma_start3A_135 = arith.constant 0 : i32
        %dma_start3A_136 = tpu.memref_slice %arg10[%dma_start3A_134, %dma_start3A_135] : memref<10240x128xf32, #tpu.memory_space<vmem_shared>> -> memref<10240x128xf32, #tpu.memory_space<vmem_shared>>
        tpu.enqueue_indirect_dma source(%arg9 : memref<128x128xf32, #tpu.memory_space<vmem>>) target(%dma_start3A_136 : memref<10240x128xf32, #tpu.memory_space<vmem_shared>>) offsets(%dma_start3A_133 : memref<128xi32, #tpu.memory_space<vmem>>) semaphore(%arg12 : memref<!tpu.dma_semaphore, #tpu.memory_space<semaphore_mem>>) {add = true}
      } else {
      }
    }
    %scan3A_49 = arith.constant 19 : i32
    %gt3A_50 = arith.constant 0 : i32
    %gt3A_51 = arith.cmpi sgt, %min3A_36, %gt3A_50 : i32
    %convert_element_type3A_52 = arith.extui %gt3A_51 : i1 to i32
    %cond3A_53 = arith.constant 0 : i32
    %cond3A_54 = arith.cmpi ne, %convert_element_type3A_52, %cond3A_53 : i32
    scf.if %cond3A_54 {
      %dma_wait3A = arith.constant 0 : i32
      %dma_wait3A_97 = arith.constant 0 : i32
      %dma_wait3A_98 = tpu.memref_slice %arg7[%dma_wait3A, %dma_wait3A_97] : memref<40x128xi32, #tpu.memory_space<vmem>> -> memref<1x128xi32, #tpu.memory_space<vmem>>
      %dma_wait3A_99 = tpu.memref_squeeze %dma_wait3A_98 : memref<1x128xi32, #tpu.memory_space<vmem>> -> memref<128xi32, #tpu.memory_space<vmem>>
      %dma_wait3A_100 = arith.constant 0 : i32
      %dma_wait3A_101 = arith.constant 0 : i32
      %dma_wait3A_102 = tpu.memref_slice %arg10[%dma_wait3A_100, %dma_wait3A_101] : memref<10240x128xf32, #tpu.memory_space<vmem_shared>> -> memref<10240x128xf32, #tpu.memory_space<vmem_shared>>
      tpu.wait_indirect_dma semaphore(%arg12 : memref<!tpu.dma_semaphore, #tpu.memory_space<semaphore_mem>>) src(%arg8 : memref<128x128xf32, #tpu.memory_space<vmem>>) dst(%dma_wait3A_102 : memref<10240x128xf32, #tpu.memory_space<vmem_shared>>)
    } else {
    }
    %gt3A_55 = arith.constant 1 : i32
    %gt3A_56 = arith.cmpi sgt, %min3A_36, %gt3A_55 : i32
    %convert_element_type3A_57 = arith.extui %gt3A_56 : i1 to i32
    %cond3A_58 = arith.constant 0 : i32
    %cond3A_59 = arith.cmpi ne, %convert_element_type3A_57, %cond3A_58 : i32
    scf.if %cond3A_59 {
      %dma_wait3A = arith.constant 0 : i32
      %dma_wait3A_97 = arith.constant 0 : i32
      %dma_wait3A_98 = tpu.memref_slice %arg7[%dma_wait3A, %dma_wait3A_97] : memref<40x128xi32, #tpu.memory_space<vmem>> -> memref<1x128xi32, #tpu.memory_space<vmem>>
      %dma_wait3A_99 = tpu.memref_squeeze %dma_wait3A_98 : memref<1x128xi32, #tpu.memory_space<vmem>> -> memref<128xi32, #tpu.memory_space<vmem>>
      %dma_wait3A_100 = arith.constant 0 : i32
      %dma_wait3A_101 = arith.constant 0 : i32
      %dma_wait3A_102 = tpu.memref_slice %arg10[%dma_wait3A_100, %dma_wait3A_101] : memref<10240x128xf32, #tpu.memory_space<vmem_shared>> -> memref<10240x128xf32, #tpu.memory_space<vmem_shared>>
      tpu.wait_indirect_dma semaphore(%arg12 : memref<!tpu.dma_semaphore, #tpu.memory_space<semaphore_mem>>) src(%arg9 : memref<128x128xf32, #tpu.memory_space<vmem>>) dst(%dma_wait3A_102 : memref<10240x128xf32, #tpu.memory_space<vmem_shared>>)
    } else {
    }
    "tpu.trace_stop"() : () -> ()
    %sub3A_60 = arith.constant 40 : i32
    %sub3A_61 = arith.subi %min3A, %sub3A_60 : i32
    %jit3A_62 = arith.constant 0 : i32
    %jit3A_63 = arith.constant 40 : i32
    %max3A_64 = arith.maxsi %jit3A_62, %sub3A_61 : i32
    %min3A_65 = arith.minsi %jit3A_63, %max3A_64 : i32
    "tpu.trace_start"() <{level = 10 : i32, message = "idx_load"}> : () -> ()
    "tpu.region"() ({
      %run_scoped3A = tpu.sem_alloc : memref<!tpu.dma_semaphore, #tpu.memory_space<semaphore_mem>>
      %dma_start3A = arith.constant 40 : i32
      %dma_start3A_97 = arith.constant 0 : i32
      %dma_start3A_98 = tpu.memref_slice %arg3[%add3A, %dma_start3A, %dma_start3A_97] : memref<32x80x128xi32, #tpu.memory_space<hbm>> -> memref<1x40x128xi32, #tpu.memory_space<hbm>>
      %dma_start3A_99 = tpu.memref_squeeze %dma_start3A_98 : memref<1x40x128xi32, #tpu.memory_space<hbm>> -> memref<40x128xi32, #tpu.memory_space<hbm>>
      %dma_start3A_100 = arith.constant 40 : i32
      %dma_start3A_101 = arith.constant 0 : i32
      %dma_start3A_102 = tpu.memref_slice %arg3[%add3A, %dma_start3A_100, %dma_start3A_101] : memref<32x80x128xi32, #tpu.memory_space<hbm>> -> memref<1x40x128xi32, #tpu.memory_space<hbm>>
      %dma_start3A_103 = tpu.memref_squeeze %dma_start3A_102 : memref<1x40x128xi32, #tpu.memory_space<hbm>> -> memref<40x128xi32, #tpu.memory_space<hbm>>
      tpu.enqueue_dma source(%dma_start3A_103 : memref<40x128xi32, #tpu.memory_space<hbm>>) target(%arg6 : memref<40x128xi32, #tpu.memory_space<vmem>>) target_semaphore(%run_scoped3A : memref<!tpu.dma_semaphore, #tpu.memory_space<semaphore_mem>>)
      %dma_wait3A = arith.constant 40 : i32
      %dma_wait3A_104 = arith.constant 0 : i32
      %dma_wait3A_105 = tpu.memref_slice %arg3[%add3A, %dma_wait3A, %dma_wait3A_104] : memref<32x80x128xi32, #tpu.memory_space<hbm>> -> memref<1x40x128xi32, #tpu.memory_space<hbm>>
      %dma_wait3A_106 = tpu.memref_squeeze %dma_wait3A_105 : memref<1x40x128xi32, #tpu.memory_space<hbm>> -> memref<40x128xi32, #tpu.memory_space<hbm>>
      %dma_wait3A_107 = arith.constant 40 : i32
      %dma_wait3A_108 = arith.constant 0 : i32
      %dma_wait3A_109 = tpu.memref_slice %arg3[%add3A, %dma_wait3A_107, %dma_wait3A_108] : memref<32x80x128xi32, #tpu.memory_space<hbm>> -> memref<1x40x128xi32, #tpu.memory_space<hbm>>
      %dma_wait3A_110 = tpu.memref_squeeze %dma_wait3A_109 : memref<1x40x128xi32, #tpu.memory_space<hbm>> -> memref<40x128xi32, #tpu.memory_space<hbm>>
      tpu.wait_dma2 semaphore(%run_scoped3A : memref<!tpu.dma_semaphore, #tpu.memory_space<semaphore_mem>>) src(%dma_wait3A_110 : memref<40x128xi32, #tpu.memory_space<hbm>>) dst(%arg6 : memref<40x128xi32, #tpu.memory_space<vmem>>)
      tpu.yield
    }) : () -> ()
    "tpu.region"() ({
      %run_scoped3A = tpu.sem_alloc : memref<!tpu.dma_semaphore, #tpu.memory_space<semaphore_mem>>
      %dma_start3A = arith.constant 40 : i32
      %dma_start3A_97 = arith.constant 0 : i32
      %dma_start3A_98 = tpu.memref_slice %arg4[%add3A, %dma_start3A, %dma_start3A_97] : memref<32x80x128xi32, #tpu.memory_space<hbm>> -> memref<1x40x128xi32, #tpu.memory_space<hbm>>
      %dma_start3A_99 = tpu.memref_squeeze %dma_start3A_98 : memref<1x40x128xi32, #tpu.memory_space<hbm>> -> memref<40x128xi32, #tpu.memory_space<hbm>>
      %dma_start3A_100 = arith.constant 40 : i32
      %dma_start3A_101 = arith.constant 0 : i32
      %dma_start3A_102 = tpu.memref_slice %arg4[%add3A, %dma_start3A_100, %dma_start3A_101] : memref<32x80x128xi32, #tpu.memory_space<hbm>> -> memref<1x40x128xi32, #tpu.memory_space<hbm>>
      %dma_start3A_103 = tpu.memref_squeeze %dma_start3A_102 : memref<1x40x128xi32, #tpu.memory_space<hbm>> -> memref<40x128xi32, #tpu.memory_space<hbm>>
      tpu.enqueue_dma source(%dma_start3A_103 : memref<40x128xi32, #tpu.memory_space<hbm>>) target(%arg7 : memref<40x128xi32, #tpu.memory_space<vmem>>) target_semaphore(%run_scoped3A : memref<!tpu.dma_semaphore, #tpu.memory_space<semaphore_mem>>)
      %dma_wait3A = arith.constant 40 : i32
      %dma_wait3A_104 = arith.constant 0 : i32
      %dma_wait3A_105 = tpu.memref_slice %arg4[%add3A, %dma_wait3A, %dma_wait3A_104] : memref<32x80x128xi32, #tpu.memory_space<hbm>> -> memref<1x40x128xi32, #tpu.memory_space<hbm>>
      %dma_wait3A_106 = tpu.memref_squeeze %dma_wait3A_105 : memref<1x40x128xi32, #tpu.memory_space<hbm>> -> memref<40x128xi32, #tpu.memory_space<hbm>>
      %dma_wait3A_107 = arith.constant 40 : i32
      %dma_wait3A_108 = arith.constant 0 : i32
      %dma_wait3A_109 = tpu.memref_slice %arg4[%add3A, %dma_wait3A_107, %dma_wait3A_108] : memref<32x80x128xi32, #tpu.memory_space<hbm>> -> memref<1x40x128xi32, #tpu.memory_space<hbm>>
      %dma_wait3A_110 = tpu.memref_squeeze %dma_wait3A_109 : memref<1x40x128xi32, #tpu.memory_space<hbm>> -> memref<40x128xi32, #tpu.memory_space<hbm>>
      tpu.wait_dma2 semaphore(%run_scoped3A : memref<!tpu.dma_semaphore, #tpu.memory_space<semaphore_mem>>) src(%dma_wait3A_110 : memref<40x128xi32, #tpu.memory_space<hbm>>) dst(%arg7 : memref<40x128xi32, #tpu.memory_space<vmem>>)
      tpu.yield
    }) : () -> ()
    %gt3A_66 = arith.constant 0 : i32
    "tpu.trace_stop"() : () -> ()
    "tpu.trace_start"() <{level = 10 : i32, message = "edge_loop"}> : () -> ()
    %gt3A_67 = arith.cmpi sgt, %min3A_65, %gt3A_66 : i32
    %convert_element_type3A_68 = arith.extui %gt3A_67 : i1 to i32
    %cond3A_69 = arith.constant 0 : i32
    %cond3A_70 = arith.cmpi ne, %convert_element_type3A_68, %cond3A_69 : i32
    scf.if %cond3A_70 {
      %dma_start3A = arith.constant 0 : i32
      %dma_start3A_97 = arith.constant 0 : i32
      %dma_start3A_98 = tpu.memref_slice %arg6[%dma_start3A, %dma_start3A_97] : memref<40x128xi32, #tpu.memory_space<vmem>> -> memref<1x128xi32, #tpu.memory_space<vmem>>
      %dma_start3A_99 = tpu.memref_squeeze %dma_start3A_98 : memref<1x128xi32, #tpu.memory_space<vmem>> -> memref<128xi32, #tpu.memory_space<vmem>>
      %dma_start3A_100 = arith.constant 0 : i32
      %dma_start3A_101 = arith.constant 0 : i32
      %dma_start3A_102 = tpu.memref_slice %arg2[%dma_start3A_100, %dma_start3A_101] : memref<10240x128xf32, #tpu.memory_space<hbm>> -> memref<10240x128xf32, #tpu.memory_space<hbm>>
      tpu.enqueue_indirect_dma source(%dma_start3A_102 : memref<10240x128xf32, #tpu.memory_space<hbm>>) target(%arg8 : memref<128x128xf32, #tpu.memory_space<vmem>>) offsets(%dma_start3A_99 : memref<128xi32, #tpu.memory_space<vmem>>) semaphore(%arg11 : memref<!tpu.dma_semaphore, #tpu.memory_space<semaphore_mem>>)
      %dma_wait3A = arith.constant 0 : i32
      %dma_wait3A_103 = arith.constant 0 : i32
      %dma_wait3A_104 = tpu.memref_slice %arg6[%dma_wait3A, %dma_wait3A_103] : memref<40x128xi32, #tpu.memory_space<vmem>> -> memref<1x128xi32, #tpu.memory_space<vmem>>
      %dma_wait3A_105 = tpu.memref_squeeze %dma_wait3A_104 : memref<1x128xi32, #tpu.memory_space<vmem>> -> memref<128xi32, #tpu.memory_space<vmem>>
      %dma_wait3A_106 = arith.constant 0 : i32
      %dma_wait3A_107 = arith.constant 0 : i32
      %dma_wait3A_108 = tpu.memref_slice %arg2[%dma_wait3A_106, %dma_wait3A_107] : memref<10240x128xf32, #tpu.memory_space<hbm>> -> memref<10240x128xf32, #tpu.memory_space<hbm>>
      tpu.wait_indirect_dma semaphore(%arg11 : memref<!tpu.dma_semaphore, #tpu.memory_space<semaphore_mem>>) src(%dma_wait3A_108 : memref<10240x128xf32, #tpu.memory_space<hbm>>) dst(%arg8 : memref<128x128xf32, #tpu.memory_space<vmem>>)
      %dma_start3A_109 = arith.constant 0 : i32
      %dma_start3A_110 = arith.constant 0 : i32
      %dma_start3A_111 = tpu.memref_slice %arg7[%dma_start3A_109, %dma_start3A_110] : memref<40x128xi32, #tpu.memory_space<vmem>> -> memref<1x128xi32, #tpu.memory_space<vmem>>
      %dma_start3A_112 = tpu.memref_squeeze %dma_start3A_111 : memref<1x128xi32, #tpu.memory_space<vmem>> -> memref<128xi32, #tpu.memory_space<vmem>>
      %dma_start3A_113 = arith.constant 0 : i32
      %dma_start3A_114 = arith.constant 0 : i32
      %dma_start3A_115 = tpu.memref_slice %arg10[%dma_start3A_113, %dma_start3A_114] : memref<10240x128xf32, #tpu.memory_space<vmem_shared>> -> memref<10240x128xf32, #tpu.memory_space<vmem_shared>>
      tpu.enqueue_indirect_dma source(%arg8 : memref<128x128xf32, #tpu.memory_space<vmem>>) target(%dma_start3A_115 : memref<10240x128xf32, #tpu.memory_space<vmem_shared>>) offsets(%dma_start3A_112 : memref<128xi32, #tpu.memory_space<vmem>>) semaphore(%arg12 : memref<!tpu.dma_semaphore, #tpu.memory_space<semaphore_mem>>) {add = true}
    } else {
    }
    %gt3A_71 = arith.constant 1 : i32
    %gt3A_72 = arith.cmpi sgt, %min3A_65, %gt3A_71 : i32
    %convert_element_type3A_73 = arith.extui %gt3A_72 : i1 to i32
    %cond3A_74 = arith.constant 0 : i32
    %cond3A_75 = arith.cmpi ne, %convert_element_type3A_73, %cond3A_74 : i32
    scf.if %cond3A_75 {
      %dma_start3A = arith.constant 1 : i32
      %dma_start3A_97 = arith.constant 0 : i32
      %dma_start3A_98 = tpu.memref_slice %arg6[%dma_start3A, %dma_start3A_97] : memref<40x128xi32, #tpu.memory_space<vmem>> -> memref<1x128xi32, #tpu.memory_space<vmem>>
      %dma_start3A_99 = tpu.memref_squeeze %dma_start3A_98 : memref<1x128xi32, #tpu.memory_space<vmem>> -> memref<128xi32, #tpu.memory_space<vmem>>
      %dma_start3A_100 = arith.constant 0 : i32
      %dma_start3A_101 = arith.constant 0 : i32
      %dma_start3A_102 = tpu.memref_slice %arg2[%dma_start3A_100, %dma_start3A_101] : memref<10240x128xf32, #tpu.memory_space<hbm>> -> memref<10240x128xf32, #tpu.memory_space<hbm>>
      tpu.enqueue_indirect_dma source(%dma_start3A_102 : memref<10240x128xf32, #tpu.memory_space<hbm>>) target(%arg9 : memref<128x128xf32, #tpu.memory_space<vmem>>) offsets(%dma_start3A_99 : memref<128xi32, #tpu.memory_space<vmem>>) semaphore(%arg11 : memref<!tpu.dma_semaphore, #tpu.memory_space<semaphore_mem>>)
      %dma_wait3A = arith.constant 0 : i32
      %dma_wait3A_103 = arith.constant 0 : i32
      %dma_wait3A_104 = tpu.memref_slice %arg6[%dma_wait3A, %dma_wait3A_103] : memref<40x128xi32, #tpu.memory_space<vmem>> -> memref<1x128xi32, #tpu.memory_space<vmem>>
      %dma_wait3A_105 = tpu.memref_squeeze %dma_wait3A_104 : memref<1x128xi32, #tpu.memory_space<vmem>> -> memref<128xi32, #tpu.memory_space<vmem>>
      %dma_wait3A_106 = arith.constant 0 : i32
      %dma_wait3A_107 = arith.constant 0 : i32
      %dma_wait3A_108 = tpu.memref_slice %arg2[%dma_wait3A_106, %dma_wait3A_107] : memref<10240x128xf32, #tpu.memory_space<hbm>> -> memref<10240x128xf32, #tpu.memory_space<hbm>>
      tpu.wait_indirect_dma semaphore(%arg11 : memref<!tpu.dma_semaphore, #tpu.memory_space<semaphore_mem>>) src(%dma_wait3A_108 : memref<10240x128xf32, #tpu.memory_space<hbm>>) dst(%arg9 : memref<128x128xf32, #tpu.memory_space<vmem>>)
      %dma_start3A_109 = arith.constant 1 : i32
      %dma_start3A_110 = arith.constant 0 : i32
      %dma_start3A_111 = tpu.memref_slice %arg7[%dma_start3A_109, %dma_start3A_110] : memref<40x128xi32, #tpu.memory_space<vmem>> -> memref<1x128xi32, #tpu.memory_space<vmem>>
      %dma_start3A_112 = tpu.memref_squeeze %dma_start3A_111 : memref<1x128xi32, #tpu.memory_space<vmem>> -> memref<128xi32, #tpu.memory_space<vmem>>
      %dma_start3A_113 = arith.constant 0 : i32
      %dma_start3A_114 = arith.constant 0 : i32
      %dma_start3A_115 = tpu.memref_slice %arg10[%dma_start3A_113, %dma_start3A_114] : memref<10240x128xf32, #tpu.memory_space<vmem_shared>> -> memref<10240x128xf32, #tpu.memory_space<vmem_shared>>
      tpu.enqueue_indirect_dma source(%arg9 : memref<128x128xf32, #tpu.memory_space<vmem>>) target(%dma_start3A_115 : memref<10240x128xf32, #tpu.memory_space<vmem_shared>>) offsets(%dma_start3A_112 : memref<128xi32, #tpu.memory_space<vmem>>) semaphore(%arg12 : memref<!tpu.dma_semaphore, #tpu.memory_space<semaphore_mem>>) {add = true}
    } else {
    }
    %scan3A_76 = arith.constant 0 : i32
    %scan3A_77 = arith.constant 1 : i32
    %scan3A_78 = arith.constant 19 : i32
    %scan3A_79 = arith.addi %scan3A_77, %scan3A_78 : i32
    %scan3A_80 = arith.constant 1 : i32
    scf.for %scan3A_97 = %scan3A_77 to %scan3A_79 step %scan3A_80  : i32 {
      %mul3A_98 = arith.constant 2 : i32
      %mul3A_99 = arith.muli %mul3A_98, %scan3A_97 : i32
      %lt3A = arith.cmpi slt, %mul3A_99, %min3A_65 : i32
      %convert_element_type3A_100 = arith.extui %lt3A : i1 to i32
      %cond3A_101 = arith.constant 0 : i32
      %cond3A_102 = arith.cmpi ne, %convert_element_type3A_100, %cond3A_101 : i32
      scf.if %cond3A_102 {
        %dma_wait3A = arith.constant 0 : i32
        %dma_wait3A_109 = arith.constant 0 : i32
        %dma_wait3A_110 = tpu.memref_slice %arg7[%dma_wait3A, %dma_wait3A_109] : memref<40x128xi32, #tpu.memory_space<vmem>> -> memref<1x128xi32, #tpu.memory_space<vmem>>
        %dma_wait3A_111 = tpu.memref_squeeze %dma_wait3A_110 : memref<1x128xi32, #tpu.memory_space<vmem>> -> memref<128xi32, #tpu.memory_space<vmem>>
        %dma_wait3A_112 = arith.constant 0 : i32
        %dma_wait3A_113 = arith.constant 0 : i32
        %dma_wait3A_114 = tpu.memref_slice %arg10[%dma_wait3A_112, %dma_wait3A_113] : memref<10240x128xf32, #tpu.memory_space<vmem_shared>> -> memref<10240x128xf32, #tpu.memory_space<vmem_shared>>
        tpu.wait_indirect_dma semaphore(%arg12 : memref<!tpu.dma_semaphore, #tpu.memory_space<semaphore_mem>>) src(%arg8 : memref<128x128xf32, #tpu.memory_space<vmem>>) dst(%dma_wait3A_114 : memref<10240x128xf32, #tpu.memory_space<vmem_shared>>)
        %dma_start3A = arith.constant 0 : i32
        %dma_start3A_115 = tpu.memref_slice %arg6[%mul3A_99, %dma_start3A] : memref<40x128xi32, #tpu.memory_space<vmem>> -> memref<1x128xi32, #tpu.memory_space<vmem>>
        %dma_start3A_116 = tpu.memref_squeeze %dma_start3A_115 : memref<1x128xi32, #tpu.memory_space<vmem>> -> memref<128xi32, #tpu.memory_space<vmem>>
        %dma_start3A_117 = arith.constant 0 : i32
        %dma_start3A_118 = arith.constant 0 : i32
        %dma_start3A_119 = tpu.memref_slice %arg2[%dma_start3A_117, %dma_start3A_118] : memref<10240x128xf32, #tpu.memory_space<hbm>> -> memref<10240x128xf32, #tpu.memory_space<hbm>>
        tpu.enqueue_indirect_dma source(%dma_start3A_119 : memref<10240x128xf32, #tpu.memory_space<hbm>>) target(%arg8 : memref<128x128xf32, #tpu.memory_space<vmem>>) offsets(%dma_start3A_116 : memref<128xi32, #tpu.memory_space<vmem>>) semaphore(%arg11 : memref<!tpu.dma_semaphore, #tpu.memory_space<semaphore_mem>>)
        %dma_wait3A_120 = arith.constant 0 : i32
        %dma_wait3A_121 = arith.constant 0 : i32
        %dma_wait3A_122 = tpu.memref_slice %arg6[%dma_wait3A_120, %dma_wait3A_121] : memref<40x128xi32, #tpu.memory_space<vmem>> -> memref<1x128xi32, #tpu.memory_space<vmem>>
        %dma_wait3A_123 = tpu.memref_squeeze %dma_wait3A_122 : memref<1x128xi32, #tpu.memory_space<vmem>> -> memref<128xi32, #tpu.memory_space<vmem>>
        %dma_wait3A_124 = arith.constant 0 : i32
        %dma_wait3A_125 = arith.constant 0 : i32
        %dma_wait3A_126 = tpu.memref_slice %arg2[%dma_wait3A_124, %dma_wait3A_125] : memref<10240x128xf32, #tpu.memory_space<hbm>> -> memref<10240x128xf32, #tpu.memory_space<hbm>>
        tpu.wait_indirect_dma semaphore(%arg11 : memref<!tpu.dma_semaphore, #tpu.memory_space<semaphore_mem>>) src(%dma_wait3A_126 : memref<10240x128xf32, #tpu.memory_space<hbm>>) dst(%arg8 : memref<128x128xf32, #tpu.memory_space<vmem>>)
        %dma_start3A_127 = arith.constant 0 : i32
        %dma_start3A_128 = tpu.memref_slice %arg7[%mul3A_99, %dma_start3A_127] : memref<40x128xi32, #tpu.memory_space<vmem>> -> memref<1x128xi32, #tpu.memory_space<vmem>>
        %dma_start3A_129 = tpu.memref_squeeze %dma_start3A_128 : memref<1x128xi32, #tpu.memory_space<vmem>> -> memref<128xi32, #tpu.memory_space<vmem>>
        %dma_start3A_130 = arith.constant 0 : i32
        %dma_start3A_131 = arith.constant 0 : i32
        %dma_start3A_132 = tpu.memref_slice %arg10[%dma_start3A_130, %dma_start3A_131] : memref<10240x128xf32, #tpu.memory_space<vmem_shared>> -> memref<10240x128xf32, #tpu.memory_space<vmem_shared>>
        tpu.enqueue_indirect_dma source(%arg8 : memref<128x128xf32, #tpu.memory_space<vmem>>) target(%dma_start3A_132 : memref<10240x128xf32, #tpu.memory_space<vmem_shared>>) offsets(%dma_start3A_129 : memref<128xi32, #tpu.memory_space<vmem>>) semaphore(%arg12 : memref<!tpu.dma_semaphore, #tpu.memory_space<semaphore_mem>>) {add = true}
      } else {
      }
      %add3A_103 = arith.constant 1 : i32
      %add3A_104 = arith.addi %mul3A_99, %add3A_103 : i32
      %lt3A_105 = arith.cmpi slt, %add3A_104, %min3A_65 : i32
      %convert_element_type3A_106 = arith.extui %lt3A_105 : i1 to i32
      %cond3A_107 = arith.constant 0 : i32
      %cond3A_108 = arith.cmpi ne, %convert_element_type3A_106, %cond3A_107 : i32
      scf.if %cond3A_108 {
        %dma_wait3A = arith.constant 0 : i32
        %dma_wait3A_109 = arith.constant 0 : i32
        %dma_wait3A_110 = tpu.memref_slice %arg7[%dma_wait3A, %dma_wait3A_109] : memref<40x128xi32, #tpu.memory_space<vmem>> -> memref<1x128xi32, #tpu.memory_space<vmem>>
        %dma_wait3A_111 = tpu.memref_squeeze %dma_wait3A_110 : memref<1x128xi32, #tpu.memory_space<vmem>> -> memref<128xi32, #tpu.memory_space<vmem>>
        %dma_wait3A_112 = arith.constant 0 : i32
        %dma_wait3A_113 = arith.constant 0 : i32
        %dma_wait3A_114 = tpu.memref_slice %arg10[%dma_wait3A_112, %dma_wait3A_113] : memref<10240x128xf32, #tpu.memory_space<vmem_shared>> -> memref<10240x128xf32, #tpu.memory_space<vmem_shared>>
        tpu.wait_indirect_dma semaphore(%arg12 : memref<!tpu.dma_semaphore, #tpu.memory_space<semaphore_mem>>) src(%arg9 : memref<128x128xf32, #tpu.memory_space<vmem>>) dst(%dma_wait3A_114 : memref<10240x128xf32, #tpu.memory_space<vmem_shared>>)
        %add3A_115 = arith.constant 1 : i32
        %add3A_116 = arith.addi %mul3A_99, %add3A_115 : i32
        %dma_start3A = arith.constant 0 : i32
        %dma_start3A_117 = tpu.memref_slice %arg6[%add3A_116, %dma_start3A] : memref<40x128xi32, #tpu.memory_space<vmem>> -> memref<1x128xi32, #tpu.memory_space<vmem>>
        %dma_start3A_118 = tpu.memref_squeeze %dma_start3A_117 : memref<1x128xi32, #tpu.memory_space<vmem>> -> memref<128xi32, #tpu.memory_space<vmem>>
        %dma_start3A_119 = arith.constant 0 : i32
        %dma_start3A_120 = arith.constant 0 : i32
        %dma_start3A_121 = tpu.memref_slice %arg2[%dma_start3A_119, %dma_start3A_120] : memref<10240x128xf32, #tpu.memory_space<hbm>> -> memref<10240x128xf32, #tpu.memory_space<hbm>>
        tpu.enqueue_indirect_dma source(%dma_start3A_121 : memref<10240x128xf32, #tpu.memory_space<hbm>>) target(%arg9 : memref<128x128xf32, #tpu.memory_space<vmem>>) offsets(%dma_start3A_118 : memref<128xi32, #tpu.memory_space<vmem>>) semaphore(%arg11 : memref<!tpu.dma_semaphore, #tpu.memory_space<semaphore_mem>>)
        %dma_wait3A_122 = arith.constant 0 : i32
        %dma_wait3A_123 = arith.constant 0 : i32
        %dma_wait3A_124 = tpu.memref_slice %arg6[%dma_wait3A_122, %dma_wait3A_123] : memref<40x128xi32, #tpu.memory_space<vmem>> -> memref<1x128xi32, #tpu.memory_space<vmem>>
        %dma_wait3A_125 = tpu.memref_squeeze %dma_wait3A_124 : memref<1x128xi32, #tpu.memory_space<vmem>> -> memref<128xi32, #tpu.memory_space<vmem>>
        %dma_wait3A_126 = arith.constant 0 : i32
        %dma_wait3A_127 = arith.constant 0 : i32
        %dma_wait3A_128 = tpu.memref_slice %arg2[%dma_wait3A_126, %dma_wait3A_127] : memref<10240x128xf32, #tpu.memory_space<hbm>> -> memref<10240x128xf32, #tpu.memory_space<hbm>>
        tpu.wait_indirect_dma semaphore(%arg11 : memref<!tpu.dma_semaphore, #tpu.memory_space<semaphore_mem>>) src(%dma_wait3A_128 : memref<10240x128xf32, #tpu.memory_space<hbm>>) dst(%arg9 : memref<128x128xf32, #tpu.memory_space<vmem>>)
        %add3A_129 = arith.constant 1 : i32
        %add3A_130 = arith.addi %mul3A_99, %add3A_129 : i32
        %dma_start3A_131 = arith.constant 0 : i32
        %dma_start3A_132 = tpu.memref_slice %arg7[%add3A_130, %dma_start3A_131] : memref<40x128xi32, #tpu.memory_space<vmem>> -> memref<1x128xi32, #tpu.memory_space<vmem>>
        %dma_start3A_133 = tpu.memref_squeeze %dma_start3A_132 : memref<1x128xi32, #tpu.memory_space<vmem>> -> memref<128xi32, #tpu.memory_space<vmem>>
        %dma_start3A_134 = arith.constant 0 : i32
        %dma_start3A_135 = arith.constant 0 : i32
        %dma_start3A_136 = tpu.memref_slice %arg10[%dma_start3A_134, %dma_start3A_135] : memref<10240x128xf32, #tpu.memory_space<vmem_shared>> -> memref<10240x128xf32, #tpu.memory_space<vmem_shared>>
        tpu.enqueue_indirect_dma source(%arg9 : memref<128x128xf32, #tpu.memory_space<vmem>>) target(%dma_start3A_136 : memref<10240x128xf32, #tpu.memory_space<vmem_shared>>) offsets(%dma_start3A_133 : memref<128xi32, #tpu.memory_space<vmem>>) semaphore(%arg12 : memref<!tpu.dma_semaphore, #tpu.memory_space<semaphore_mem>>) {add = true}
      } else {
      }
    }
    %scan3A_81 = arith.constant 19 : i32
    %gt3A_82 = arith.constant 0 : i32
    %gt3A_83 = arith.cmpi sgt, %min3A_65, %gt3A_82 : i32
    %convert_element_type3A_84 = arith.extui %gt3A_83 : i1 to i32
    %cond3A_85 = arith.constant 0 : i32
    %cond3A_86 = arith.cmpi ne, %convert_element_type3A_84, %cond3A_85 : i32
    scf.if %cond3A_86 {
      %dma_wait3A = arith.constant 0 : i32
      %dma_wait3A_97 = arith.constant 0 : i32
      %dma_wait3A_98 = tpu.memref_slice %arg7[%dma_wait3A, %dma_wait3A_97] : memref<40x128xi32, #tpu.memory_space<vmem>> -> memref<1x128xi32, #tpu.memory_space<vmem>>
      %dma_wait3A_99 = tpu.memref_squeeze %dma_wait3A_98 : memref<1x128xi32, #tpu.memory_space<vmem>> -> memref<128xi32, #tpu.memory_space<vmem>>
      %dma_wait3A_100 = arith.constant 0 : i32
      %dma_wait3A_101 = arith.constant 0 : i32
      %dma_wait3A_102 = tpu.memref_slice %arg10[%dma_wait3A_100, %dma_wait3A_101] : memref<10240x128xf32, #tpu.memory_space<vmem_shared>> -> memref<10240x128xf32, #tpu.memory_space<vmem_shared>>
      tpu.wait_indirect_dma semaphore(%arg12 : memref<!tpu.dma_semaphore, #tpu.memory_space<semaphore_mem>>) src(%arg8 : memref<128x128xf32, #tpu.memory_space<vmem>>) dst(%dma_wait3A_102 : memref<10240x128xf32, #tpu.memory_space<vmem_shared>>)
    } else {
    }
    %gt3A_87 = arith.constant 1 : i32
    %gt3A_88 = arith.cmpi sgt, %min3A_65, %gt3A_87 : i32
    %convert_element_type3A_89 = arith.extui %gt3A_88 : i1 to i32
    %cond3A_90 = arith.constant 0 : i32
    %cond3A_91 = arith.cmpi ne, %convert_element_type3A_89, %cond3A_90 : i32
    scf.if %cond3A_91 {
      %dma_wait3A = arith.constant 0 : i32
      %dma_wait3A_97 = arith.constant 0 : i32
      %dma_wait3A_98 = tpu.memref_slice %arg7[%dma_wait3A, %dma_wait3A_97] : memref<40x128xi32, #tpu.memory_space<vmem>> -> memref<1x128xi32, #tpu.memory_space<vmem>>
      %dma_wait3A_99 = tpu.memref_squeeze %dma_wait3A_98 : memref<1x128xi32, #tpu.memory_space<vmem>> -> memref<128xi32, #tpu.memory_space<vmem>>
      %dma_wait3A_100 = arith.constant 0 : i32
      %dma_wait3A_101 = arith.constant 0 : i32
      %dma_wait3A_102 = tpu.memref_slice %arg10[%dma_wait3A_100, %dma_wait3A_101] : memref<10240x128xf32, #tpu.memory_space<vmem_shared>> -> memref<10240x128xf32, #tpu.memory_space<vmem_shared>>
      tpu.wait_indirect_dma semaphore(%arg12 : memref<!tpu.dma_semaphore, #tpu.memory_space<semaphore_mem>>) src(%arg9 : memref<128x128xf32, #tpu.memory_space<vmem>>) dst(%dma_wait3A_102 : memref<10240x128xf32, #tpu.memory_space<vmem_shared>>)
    } else {
    }
    "tpu.trace_stop"() : () -> ()
    "tpu.trace_start"() <{level = 10 : i32, message = "writeout"}> : () -> ()
    %barrier3A_92 = arith.constant 0 : index
    tpu.barrier barrier_id(%barrier3A_92)
    %mul3A_93 = arith.constant 640 : i32
    %mul3A_94 = arith.muli %arg1, %mul3A_93 : i32
    %mul3A_95 = arith.constant 640 : i32
    %mul3A_96 = arith.muli %arg1, %mul3A_95 : i32
    "tpu.region"() ({
      %run_scoped3A = tpu.sem_alloc : memref<!tpu.dma_semaphore, #tpu.memory_space<semaphore_mem>>
      %dma_start3A = arith.constant 0 : i32
      %dma_start3A_97 = tpu.memref_slice %arg5[%arg0, %mul3A_96, %dma_start3A] : memref<2x10240x128xf32, #tpu.memory_space<hbm>> -> memref<1x640x128xf32, #tpu.memory_space<hbm>>
      %dma_start3A_98 = tpu.memref_squeeze %dma_start3A_97 : memref<1x640x128xf32, #tpu.memory_space<hbm>> -> memref<640x128xf32, #tpu.memory_space<hbm>>
      %dma_start3A_99 = arith.constant 0 : i32
      %dma_start3A_100 = tpu.memref_slice %arg10[%mul3A_94, %dma_start3A_99] : memref<10240x128xf32, #tpu.memory_space<vmem_shared>> -> memref<640x128xf32, #tpu.memory_space<vmem_shared>>
      tpu.enqueue_dma source(%dma_start3A_100 : memref<640x128xf32, #tpu.memory_space<vmem_shared>>) target(%dma_start3A_98 : memref<640x128xf32, #tpu.memory_space<hbm>>) target_semaphore(%run_scoped3A : memref<!tpu.dma_semaphore, #tpu.memory_space<semaphore_mem>>)
      %dma_wait3A = arith.constant 0 : i32
      %dma_wait3A_101 = tpu.memref_slice %arg5[%arg0, %mul3A_96, %dma_wait3A] : memref<2x10240x128xf32, #tpu.memory_space<hbm>> -> memref<1x640x128xf32, #tpu.memory_space<hbm>>
      %dma_wait3A_102 = tpu.memref_squeeze %dma_wait3A_101 : memref<1x640x128xf32, #tpu.memory_space<hbm>> -> memref<640x128xf32, #tpu.memory_space<hbm>>
      %dma_wait3A_103 = arith.constant 0 : i32
      %dma_wait3A_104 = tpu.memref_slice %arg10[%mul3A_94, %dma_wait3A_103] : memref<10240x128xf32, #tpu.memory_space<vmem_shared>> -> memref<640x128xf32, #tpu.memory_space<vmem_shared>>
      tpu.wait_dma2 semaphore(%run_scoped3A : memref<!tpu.dma_semaphore, #tpu.memory_space<semaphore_mem>>) src(%dma_wait3A_104 : memref<640x128xf32, #tpu.memory_space<vmem_shared>>) dst(%dma_wait3A_102 : memref<640x128xf32, #tpu.memory_space<hbm>>)
      tpu.yield
    }) : () -> ()
    "tpu.trace_stop"() : () -> ()
    return
  }
}

#map = affine_map<(d0, d1) -> (0, 0, 0)>
#map1 = affine_map<(d0, d1) -> (0)>
module attributes {stable_mosaic.version = 14 : i64} {
  func.func @hist(%arg0: i32, %arg1: i32, %arg2: memref<32x80x128xi32, #tpu.memory_space<hbm>>, %arg3: memref<128xf32, #tpu.memory_space<hbm>>, %arg4: memref<640xf32, #tpu.memory_space<hbm>>, %arg5: memref<20480xf32, #tpu.memory_space<hbm>>, %arg6: memref<80x128xi32, #tpu.memory_space<vmem>>, %arg7: memref<128xf32, #tpu.memory_space<vmem>>, %arg8: memref<10240xf32, #tpu.memory_space<vmem_shared>>) attributes {dimension_semantics = [#tpu.dimension_semantics<core_parallel>, #tpu.dimension_semantics<subcore_parallel>], iteration_bounds = array<i64: 2, 16>, scalar_prefetch = 0 : i64, scratch_operands = 3 : i64, tpu.core_type = #tpu.core_type<sc_vector_subcore>, window_params = [{transform_indices = #map}, {transform_indices = #map1}, {transform_indices = #map1}, {transform_indices = #map1}]} {
    %mul3A = arith.constant 2 : i32
    %mul3A_0 = arith.muli %arg1, %mul3A : i32
    %add3A = arith.addi %mul3A_0, %arg0 : i32
    %mul3A_1 = arith.constant 80 : i32
    %mul3A_2 = arith.muli %add3A, %mul3A_1 : i32
    %sub3A = arith.constant 2500 : i32
    %sub3A_3 = arith.subi %sub3A, %mul3A_2 : i32
    %jit3A = arith.constant 0 : i32
    %jit3A_4 = arith.constant 80 : i32
    %max3A = arith.maxsi %jit3A, %sub3A_3 : i32
    %min3A = arith.minsi %jit3A_4, %max3A : i32
    %mul3A_5 = arith.constant 640 : i32
    %mul3A_6 = arith.muli %arg1, %mul3A_5 : i32
    "tpu.region"() ({
      %run_scoped3A = tpu.sem_alloc : memref<!tpu.dma_semaphore, #tpu.memory_space<semaphore_mem>>
      %dma_start3A = tpu.memref_slice %arg8[%mul3A_6] : memref<10240xf32, #tpu.memory_space<vmem_shared>> -> memref<640xf32, #tpu.memory_space<vmem_shared>>
      tpu.enqueue_dma source(%arg4 : memref<640xf32, #tpu.memory_space<hbm>>) target(%dma_start3A : memref<640xf32, #tpu.memory_space<vmem_shared>>) target_semaphore(%run_scoped3A : memref<!tpu.dma_semaphore, #tpu.memory_space<semaphore_mem>>)
      %dma_wait3A = tpu.memref_slice %arg8[%mul3A_6] : memref<10240xf32, #tpu.memory_space<vmem_shared>> -> memref<640xf32, #tpu.memory_space<vmem_shared>>
      tpu.wait_dma2 semaphore(%run_scoped3A : memref<!tpu.dma_semaphore, #tpu.memory_space<semaphore_mem>>) src(%arg4 : memref<640xf32, #tpu.memory_space<hbm>>) dst(%dma_wait3A : memref<640xf32, #tpu.memory_space<vmem_shared>>)
      tpu.yield
    }) : () -> ()
    "tpu.region"() ({
      %run_scoped3A = tpu.sem_alloc : memref<!tpu.dma_semaphore, #tpu.memory_space<semaphore_mem>>
      tpu.enqueue_dma source(%arg3 : memref<128xf32, #tpu.memory_space<hbm>>) target(%arg7 : memref<128xf32, #tpu.memory_space<vmem>>) target_semaphore(%run_scoped3A : memref<!tpu.dma_semaphore, #tpu.memory_space<semaphore_mem>>)
      tpu.wait_dma2 semaphore(%run_scoped3A : memref<!tpu.dma_semaphore, #tpu.memory_space<semaphore_mem>>) src(%arg3 : memref<128xf32, #tpu.memory_space<hbm>>) dst(%arg7 : memref<128xf32, #tpu.memory_space<vmem>>)
      tpu.yield
    }) : () -> ()
    "tpu.region"() ({
      %run_scoped3A = tpu.sem_alloc : memref<!tpu.dma_semaphore, #tpu.memory_space<semaphore_mem>>
      %dma_start3A = arith.constant 0 : i32
      %dma_start3A_24 = arith.constant 0 : i32
      %dma_start3A_25 = tpu.memref_slice %arg2[%add3A, %dma_start3A, %dma_start3A_24] : memref<32x80x128xi32, #tpu.memory_space<hbm>> -> memref<1x80x128xi32, #tpu.memory_space<hbm>>
      %dma_start3A_26 = tpu.memref_squeeze %dma_start3A_25 : memref<1x80x128xi32, #tpu.memory_space<hbm>> -> memref<80x128xi32, #tpu.memory_space<hbm>>
      %dma_start3A_27 = arith.constant 0 : i32
      %dma_start3A_28 = arith.constant 0 : i32
      %dma_start3A_29 = tpu.memref_slice %arg2[%add3A, %dma_start3A_27, %dma_start3A_28] : memref<32x80x128xi32, #tpu.memory_space<hbm>> -> memref<1x80x128xi32, #tpu.memory_space<hbm>>
      %dma_start3A_30 = tpu.memref_squeeze %dma_start3A_29 : memref<1x80x128xi32, #tpu.memory_space<hbm>> -> memref<80x128xi32, #tpu.memory_space<hbm>>
      tpu.enqueue_dma source(%dma_start3A_30 : memref<80x128xi32, #tpu.memory_space<hbm>>) target(%arg6 : memref<80x128xi32, #tpu.memory_space<vmem>>) target_semaphore(%run_scoped3A : memref<!tpu.dma_semaphore, #tpu.memory_space<semaphore_mem>>)
      %dma_wait3A = arith.constant 0 : i32
      %dma_wait3A_31 = arith.constant 0 : i32
      %dma_wait3A_32 = tpu.memref_slice %arg2[%add3A, %dma_wait3A, %dma_wait3A_31] : memref<32x80x128xi32, #tpu.memory_space<hbm>> -> memref<1x80x128xi32, #tpu.memory_space<hbm>>
      %dma_wait3A_33 = tpu.memref_squeeze %dma_wait3A_32 : memref<1x80x128xi32, #tpu.memory_space<hbm>> -> memref<80x128xi32, #tpu.memory_space<hbm>>
      %dma_wait3A_34 = arith.constant 0 : i32
      %dma_wait3A_35 = arith.constant 0 : i32
      %dma_wait3A_36 = tpu.memref_slice %arg2[%add3A, %dma_wait3A_34, %dma_wait3A_35] : memref<32x80x128xi32, #tpu.memory_space<hbm>> -> memref<1x80x128xi32, #tpu.memory_space<hbm>>
      %dma_wait3A_37 = tpu.memref_squeeze %dma_wait3A_36 : memref<1x80x128xi32, #tpu.memory_space<hbm>> -> memref<80x128xi32, #tpu.memory_space<hbm>>
      tpu.wait_dma2 semaphore(%run_scoped3A : memref<!tpu.dma_semaphore, #tpu.memory_space<semaphore_mem>>) src(%dma_wait3A_37 : memref<80x128xi32, #tpu.memory_space<hbm>>) dst(%arg6 : memref<80x128xi32, #tpu.memory_space<vmem>>)
      tpu.yield
    }) : () -> ()
    %barrier3A = arith.constant 0 : index
    tpu.barrier barrier_id(%barrier3A)
    %while3A = arith.constant 0 : i32
    %while3A_7 = arith.constant 0 : i32
    %while3A_8 = arith.subi %min3A, %while3A_7 : i32
    %while3A_9 = arith.addi %while3A_7, %while3A_8 : i32
    %while3A_10 = arith.constant 1 : i32
    %while3A_11 = arith.divsi %while3A_8, %while3A_10 : i32
    %while3A_12 = arith.muli %while3A_11, %while3A_10 : i32
    %while3A_13 = arith.addi %while3A_7, %while3A_12 : i32
    %while3A_14 = arith.constant 1 : i32
    scf.for %while3A_24 = %while3A_7 to %while3A_13 step %while3A_14  : i32 {
      "tpu.region"() ({
        %run_scoped3A = tpu.sem_alloc : memref<!tpu.dma_semaphore, #tpu.memory_space<semaphore_mem>>
        %dma_start3A = arith.constant 0 : i32
        %dma_start3A_25 = tpu.memref_slice %arg6[%while3A_24, %dma_start3A] : memref<80x128xi32, #tpu.memory_space<vmem>> -> memref<1x128xi32, #tpu.memory_space<vmem>>
        %dma_start3A_26 = tpu.memref_squeeze %dma_start3A_25 : memref<1x128xi32, #tpu.memory_space<vmem>> -> memref<128xi32, #tpu.memory_space<vmem>>
        %dma_start3A_27 = arith.constant 0 : i32
        %dma_start3A_28 = tpu.memref_slice %arg8[%dma_start3A_27] : memref<10240xf32, #tpu.memory_space<vmem_shared>> -> memref<10240xf32, #tpu.memory_space<vmem_shared>>
        tpu.enqueue_indirect_dma source(%arg7 : memref<128xf32, #tpu.memory_space<vmem>>) target(%dma_start3A_28 : memref<10240xf32, #tpu.memory_space<vmem_shared>>) offsets(%dma_start3A_26 : memref<128xi32, #tpu.memory_space<vmem>>) semaphore(%run_scoped3A : memref<!tpu.dma_semaphore, #tpu.memory_space<semaphore_mem>>) {add = true}
        %dma_wait3A = arith.constant 0 : i32
        %dma_wait3A_29 = tpu.memref_slice %arg6[%while3A_24, %dma_wait3A] : memref<80x128xi32, #tpu.memory_space<vmem>> -> memref<1x128xi32, #tpu.memory_space<vmem>>
        %dma_wait3A_30 = tpu.memref_squeeze %dma_wait3A_29 : memref<1x128xi32, #tpu.memory_space<vmem>> -> memref<128xi32, #tpu.memory_space<vmem>>
        %dma_wait3A_31 = arith.constant 0 : i32
        %dma_wait3A_32 = tpu.memref_slice %arg8[%dma_wait3A_31] : memref<10240xf32, #tpu.memory_space<vmem_shared>> -> memref<10240xf32, #tpu.memory_space<vmem_shared>>
        tpu.wait_indirect_dma semaphore(%run_scoped3A : memref<!tpu.dma_semaphore, #tpu.memory_space<semaphore_mem>>) src(%arg7 : memref<128xf32, #tpu.memory_space<vmem>>) dst(%dma_wait3A_32 : memref<10240xf32, #tpu.memory_space<vmem_shared>>)
        tpu.yield
      }) : () -> ()
    }
    %while3A_15 = arith.constant 1 : i32
    scf.for %while3A_24 = %while3A_13 to %while3A_9 step %while3A_15  : i32 {
      "tpu.region"() ({
        %run_scoped3A = tpu.sem_alloc : memref<!tpu.dma_semaphore, #tpu.memory_space<semaphore_mem>>
        %dma_start3A = arith.constant 0 : i32
        %dma_start3A_25 = tpu.memref_slice %arg6[%while3A_24, %dma_start3A] : memref<80x128xi32, #tpu.memory_space<vmem>> -> memref<1x128xi32, #tpu.memory_space<vmem>>
        %dma_start3A_26 = tpu.memref_squeeze %dma_start3A_25 : memref<1x128xi32, #tpu.memory_space<vmem>> -> memref<128xi32, #tpu.memory_space<vmem>>
        %dma_start3A_27 = arith.constant 0 : i32
        %dma_start3A_28 = tpu.memref_slice %arg8[%dma_start3A_27] : memref<10240xf32, #tpu.memory_space<vmem_shared>> -> memref<10240xf32, #tpu.memory_space<vmem_shared>>
        tpu.enqueue_indirect_dma source(%arg7 : memref<128xf32, #tpu.memory_space<vmem>>) target(%dma_start3A_28 : memref<10240xf32, #tpu.memory_space<vmem_shared>>) offsets(%dma_start3A_26 : memref<128xi32, #tpu.memory_space<vmem>>) semaphore(%run_scoped3A : memref<!tpu.dma_semaphore, #tpu.memory_space<semaphore_mem>>) {add = true}
        %dma_wait3A = arith.constant 0 : i32
        %dma_wait3A_29 = tpu.memref_slice %arg6[%while3A_24, %dma_wait3A] : memref<80x128xi32, #tpu.memory_space<vmem>> -> memref<1x128xi32, #tpu.memory_space<vmem>>
        %dma_wait3A_30 = tpu.memref_squeeze %dma_wait3A_29 : memref<1x128xi32, #tpu.memory_space<vmem>> -> memref<128xi32, #tpu.memory_space<vmem>>
        %dma_wait3A_31 = arith.constant 0 : i32
        %dma_wait3A_32 = tpu.memref_slice %arg8[%dma_wait3A_31] : memref<10240xf32, #tpu.memory_space<vmem_shared>> -> memref<10240xf32, #tpu.memory_space<vmem_shared>>
        tpu.wait_indirect_dma semaphore(%run_scoped3A : memref<!tpu.dma_semaphore, #tpu.memory_space<semaphore_mem>>) src(%arg7 : memref<128xf32, #tpu.memory_space<vmem>>) dst(%dma_wait3A_32 : memref<10240xf32, #tpu.memory_space<vmem_shared>>)
        tpu.yield
      }) : () -> ()
    }
    %barrier3A_16 = arith.constant 0 : index
    tpu.barrier barrier_id(%barrier3A_16)
    %mul3A_17 = arith.constant 640 : i32
    %mul3A_18 = arith.muli %arg1, %mul3A_17 : i32
    %mul3A_19 = arith.constant 10240 : i32
    %mul3A_20 = arith.muli %arg0, %mul3A_19 : i32
    %mul3A_21 = arith.constant 640 : i32
    %mul3A_22 = arith.muli %arg1, %mul3A_21 : i32
    %add3A_23 = arith.addi %mul3A_20, %mul3A_22 : i32
    "tpu.region"() ({
      %run_scoped3A = tpu.sem_alloc : memref<!tpu.dma_semaphore, #tpu.memory_space<semaphore_mem>>
      %dma_start3A = tpu.memref_slice %arg5[%add3A_23] : memref<20480xf32, #tpu.memory_space<hbm>> -> memref<640xf32, #tpu.memory_space<hbm>>
      %dma_start3A_24 = tpu.memref_slice %arg8[%mul3A_18] : memref<10240xf32, #tpu.memory_space<vmem_shared>> -> memref<640xf32, #tpu.memory_space<vmem_shared>>
      tpu.enqueue_dma source(%dma_start3A_24 : memref<640xf32, #tpu.memory_space<vmem_shared>>) target(%dma_start3A : memref<640xf32, #tpu.memory_space<hbm>>) target_semaphore(%run_scoped3A : memref<!tpu.dma_semaphore, #tpu.memory_space<semaphore_mem>>)
      %dma_wait3A = tpu.memref_slice %arg5[%add3A_23] : memref<20480xf32, #tpu.memory_space<hbm>> -> memref<640xf32, #tpu.memory_space<hbm>>
      %dma_wait3A_25 = tpu.memref_slice %arg8[%mul3A_18] : memref<10240xf32, #tpu.memory_space<vmem_shared>> -> memref<640xf32, #tpu.memory_space<vmem_shared>>
      tpu.wait_dma2 semaphore(%run_scoped3A : memref<!tpu.dma_semaphore, #tpu.memory_space<semaphore_mem>>) src(%dma_wait3A_25 : memref<640xf32, #tpu.memory_space<vmem_shared>>) dst(%dma_wait3A : memref<640xf32, #tpu.memory_space<hbm>>)
      tpu.yield
    }) : () -> ()
    return
  }
}

#map = affine_map<(d0, d1) -> (0, 0)>
#map1 = affine_map<(d0, d1) -> (0, 0, 0)>
module attributes {stable_mosaic.version = 14 : i64} {
  func.func @scat(%arg0: i32, %arg1: i32, %arg2: memref<10240x128xf32, #tpu.memory_space<hbm>>, %arg3: memref<32x80x128xi32, #tpu.memory_space<hbm>>, %arg4: memref<32x80x128xi32, #tpu.memory_space<hbm>>, %arg5: memref<2x10240x128xf32, #tpu.memory_space<hbm>>, %arg6: memref<40x128xi32, #tpu.memory_space<vmem>>, %arg7: memref<40x128xi32, #tpu.memory_space<vmem>>, %arg8: memref<128x128xf32, #tpu.memory_space<vmem>>, %arg9: memref<128x128xf32, #tpu.memory_space<vmem>>, %arg10: memref<10240x128xf32, #tpu.memory_space<vmem_shared>>, %arg11: memref<!tpu.dma_semaphore, #tpu.memory_space<semaphore_mem>>, %arg12: memref<!tpu.dma_semaphore, #tpu.memory_space<semaphore_mem>>) attributes {dimension_semantics = [#tpu.dimension_semantics<core_parallel>, #tpu.dimension_semantics<subcore_parallel>], iteration_bounds = array<i64: 2, 16>, scalar_prefetch = 0 : i64, scratch_operands = 7 : i64, tpu.core_type = #tpu.core_type<sc_vector_subcore>, window_params = [{transform_indices = #map}, {transform_indices = #map1}, {transform_indices = #map1}, {transform_indices = #map1}]} {
    %mul3A = arith.constant 2 : i32
    %mul3A_0 = arith.muli %arg1, %mul3A : i32
    %add3A = arith.addi %mul3A_0, %arg0 : i32
    %mul3A_1 = arith.constant 80 : i32
    %mul3A_2 = arith.muli %add3A, %mul3A_1 : i32
    %sub3A = arith.constant 2500 : i32
    %sub3A_3 = arith.subi %sub3A, %mul3A_2 : i32
    %jit3A = arith.constant 0 : i32
    %jit3A_4 = arith.constant 80 : i32
    %max3A = arith.maxsi %jit3A, %sub3A_3 : i32
    %min3A = arith.minsi %jit3A_4, %max3A : i32
    %broadcast_in_dim3A = arith.constant 0.000000e+00 : f32
    %broadcast_in_dim3A_5 = vector.broadcast %broadcast_in_dim3A : f32 to vector<16xf32>
    "tpu.trace_start"() <{level = 10 : i32, message = "acc_zero"}> : () -> ()
    %scan3A = arith.constant 0 : i32
    %scan3A_6 = arith.constant 0 : i32
    %scan3A_7 = arith.constant 128 : i32
    %scan3A_8 = arith.addi %scan3A_6, %scan3A_7 : i32
    %scan3A_9 = arith.constant 1 : i32
    scf.for %scan3A_97 = %scan3A_6 to %scan3A_8 step %scan3A_9  : i32 {
      %swap3A = arith.index_cast %scan3A_97 : i32 to index
      %swap3A_98 = arith.constant 0 : index
      %swap3A_99 = tpu.vector_load %arg8[%swap3A, %swap3A_98] {strides = array<i32>} : memref<128x128xf32, #tpu.memory_space<vmem>>, vector<1x16xf32>,
      %swap3A_100 = vector.shape_cast %swap3A_99 : vector<1x16xf32> to vector<16xf32>
      %swap3A_101 = vector.shape_cast %broadcast_in_dim3A_5 : vector<16xf32> to vector<1x16xf32>
      tpu.vector_store %arg8[%swap3A, %swap3A_98], %swap3A_101 {strides = array<i32>} : memref<128x128xf32, #tpu.memory_space<vmem>>, vector<1x16xf32>,
      %swap3A_102 = arith.index_cast %scan3A_97 : i32 to index
      %swap3A_103 = arith.constant 16 : index
      %swap3A_104 = tpu.vector_load %arg8[%swap3A_102, %swap3A_103] {strides = array<i32>} : memref<128x128xf32, #tpu.memory_space<vmem>>, vector<1x16xf32>,
      %swap3A_105 = vector.shape_cast %swap3A_104 : vector<1x16xf32> to vector<16xf32>
      %swap3A_106 = vector.shape_cast %broadcast_in_dim3A_5 : vector<16xf32> to vector<1x16xf32>
      tpu.vector_store %arg8[%swap3A_102, %swap3A_103], %swap3A_106 {strides = array<i32>} : memref<128x128xf32, #tpu.memory_space<vmem>>, vector<1x16xf32>,
      %swap3A_107 = arith.index_cast %scan3A_97 : i32 to index
      %swap3A_108 = arith.constant 32 : index
      %swap3A_109 = tpu.vector_load %arg8[%swap3A_107, %swap3A_108] {strides = array<i32>} : memref<128x128xf32, #tpu.memory_space<vmem>>, vector<1x16xf32>,
      %swap3A_110 = vector.shape_cast %swap3A_109 : vector<1x16xf32> to vector<16xf32>
      %swap3A_111 = vector.shape_cast %broadcast_in_dim3A_5 : vector<16xf32> to vector<1x16xf32>
      tpu.vector_store %arg8[%swap3A_107, %swap3A_108], %swap3A_111 {strides = array<i32>} : memref<128x128xf32, #tpu.memory_space<vmem>>, vector<1x16xf32>,
      %swap3A_112 = arith.index_cast %scan3A_97 : i32 to index
      %swap3A_113 = arith.constant 48 : index
      %swap3A_114 = tpu.vector_load %arg8[%swap3A_112, %swap3A_113] {strides = array<i32>} : memref<128x128xf32, #tpu.memory_space<vmem>>, vector<1x16xf32>,
      %swap3A_115 = vector.shape_cast %swap3A_114 : vector<1x16xf32> to vector<16xf32>
      %swap3A_116 = vector.shape_cast %broadcast_in_dim3A_5 : vector<16xf32> to vector<1x16xf32>
      tpu.vector_store %arg8[%swap3A_112, %swap3A_113], %swap3A_116 {strides = array<i32>} : memref<128x128xf32, #tpu.memory_space<vmem>>, vector<1x16xf32>,
      %swap3A_117 = arith.index_cast %scan3A_97 : i32 to index
      %swap3A_118 = arith.constant 64 : index
      %swap3A_119 = tpu.vector_load %arg8[%swap3A_117, %swap3A_118] {strides = array<i32>} : memref<128x128xf32, #tpu.memory_space<vmem>>, vector<1x16xf32>,
      %swap3A_120 = vector.shape_cast %swap3A_119 : vector<1x16xf32> to vector<16xf32>
      %swap3A_121 = vector.shape_cast %broadcast_in_dim3A_5 : vector<16xf32> to vector<1x16xf32>
      tpu.vector_store %arg8[%swap3A_117, %swap3A_118], %swap3A_121 {strides = array<i32>} : memref<128x128xf32, #tpu.memory_space<vmem>>, vector<1x16xf32>,
      %swap3A_122 = arith.index_cast %scan3A_97 : i32 to index
      %swap3A_123 = arith.constant 80 : index
      %swap3A_124 = tpu.vector_load %arg8[%swap3A_122, %swap3A_123] {strides = array<i32>} : memref<128x128xf32, #tpu.memory_space<vmem>>, vector<1x16xf32>,
      %swap3A_125 = vector.shape_cast %swap3A_124 : vector<1x16xf32> to vector<16xf32>
      %swap3A_126 = vector.shape_cast %broadcast_in_dim3A_5 : vector<16xf32> to vector<1x16xf32>
      tpu.vector_store %arg8[%swap3A_122, %swap3A_123], %swap3A_126 {strides = array<i32>} : memref<128x128xf32, #tpu.memory_space<vmem>>, vector<1x16xf32>,
      %swap3A_127 = arith.index_cast %scan3A_97 : i32 to index
      %swap3A_128 = arith.constant 96 : index
      %swap3A_129 = tpu.vector_load %arg8[%swap3A_127, %swap3A_128] {strides = array<i32>} : memref<128x128xf32, #tpu.memory_space<vmem>>, vector<1x16xf32>,
      %swap3A_130 = vector.shape_cast %swap3A_129 : vector<1x16xf32> to vector<16xf32>
      %swap3A_131 = vector.shape_cast %broadcast_in_dim3A_5 : vector<16xf32> to vector<1x16xf32>
      tpu.vector_store %arg8[%swap3A_127, %swap3A_128], %swap3A_131 {strides = array<i32>} : memref<128x128xf32, #tpu.memory_space<vmem>>, vector<1x16xf32>,
      %swap3A_132 = arith.index_cast %scan3A_97 : i32 to index
      %swap3A_133 = arith.constant 112 : index
      %swap3A_134 = tpu.vector_load %arg8[%swap3A_132, %swap3A_133] {strides = array<i32>} : memref<128x128xf32, #tpu.memory_space<vmem>>, vector<1x16xf32>,
      %swap3A_135 = vector.shape_cast %swap3A_134 : vector<1x16xf32> to vector<16xf32>
      %swap3A_136 = vector.shape_cast %broadcast_in_dim3A_5 : vector<16xf32> to vector<1x16xf32>
      tpu.vector_store %arg8[%swap3A_132, %swap3A_133], %swap3A_136 {strides = array<i32>} : memref<128x128xf32, #tpu.memory_space<vmem>>, vector<1x16xf32>,
    }
    %scan3A_10 = arith.constant 128 : i32
    %mul3A_11 = arith.constant 640 : i32
    %mul3A_12 = arith.muli %arg1, %mul3A_11 : i32
    %add3A_13 = arith.constant 0 : i32
    %add3A_14 = arith.addi %mul3A_12, %add3A_13 : i32
    "tpu.region"() ({
      %run_scoped3A = tpu.sem_alloc : memref<!tpu.dma_semaphore, #tpu.memory_space<semaphore_mem>>
      %dma_start3A = arith.constant 0 : i32
      %dma_start3A_97 = tpu.memref_slice %arg10[%add3A_14, %dma_start3A] : memref<10240x128xf32, #tpu.memory_space<vmem_shared>> -> memref<128x128xf32, #tpu.memory_space<vmem_shared>>
      %dma_start3A_98 = arith.constant 0 : i32
      %dma_start3A_99 = tpu.memref_slice %arg10[%add3A_14, %dma_start3A_98] : memref<10240x128xf32, #tpu.memory_space<vmem_shared>> -> memref<128x128xf32, #tpu.memory_space<vmem_shared>>
      tpu.enqueue_dma source(%arg8 : memref<128x128xf32, #tpu.memory_space<vmem>>) target(%dma_start3A_99 : memref<128x128xf32, #tpu.memory_space<vmem_shared>>) target_semaphore(%run_scoped3A : memref<!tpu.dma_semaphore, #tpu.memory_space<semaphore_mem>>)
      %dma_wait3A = arith.constant 0 : i32
      %dma_wait3A_100 = tpu.memref_slice %arg10[%add3A_14, %dma_wait3A] : memref<10240x128xf32, #tpu.memory_space<vmem_shared>> -> memref<128x128xf32, #tpu.memory_space<vmem_shared>>
      %dma_wait3A_101 = arith.constant 0 : i32
      %dma_wait3A_102 = tpu.memref_slice %arg10[%add3A_14, %dma_wait3A_101] : memref<10240x128xf32, #tpu.memory_space<vmem_shared>> -> memref<128x128xf32, #tpu.memory_space<vmem_shared>>
      tpu.wait_dma2 semaphore(%run_scoped3A : memref<!tpu.dma_semaphore, #tpu.memory_space<semaphore_mem>>) src(%arg8 : memref<128x128xf32, #tpu.memory_space<vmem>>) dst(%dma_wait3A_102 : memref<128x128xf32, #tpu.memory_space<vmem_shared>>)
      tpu.yield
    }) : () -> ()
    %mul3A_15 = arith.constant 640 : i32
    %mul3A_16 = arith.muli %arg1, %mul3A_15 : i32
    %add3A_17 = arith.constant 128 : i32
    %add3A_18 = arith.addi %mul3A_16, %add3A_17 : i32
    "tpu.region"() ({
      %run_scoped3A = tpu.sem_alloc : memref<!tpu.dma_semaphore, #tpu.memory_space<semaphore_mem>>
      %dma_start3A = arith.constant 0 : i32
      %dma_start3A_97 = tpu.memref_slice %arg10[%add3A_18, %dma_start3A] : memref<10240x128xf32, #tpu.memory_space<vmem_shared>> -> memref<128x128xf32, #tpu.memory_space<vmem_shared>>
      %dma_start3A_98 = arith.constant 0 : i32
      %dma_start3A_99 = tpu.memref_slice %arg10[%add3A_18, %dma_start3A_98] : memref<10240x128xf32, #tpu.memory_space<vmem_shared>> -> memref<128x128xf32, #tpu.memory_space<vmem_shared>>
      tpu.enqueue_dma source(%arg8 : memref<128x128xf32, #tpu.memory_space<vmem>>) target(%dma_start3A_99 : memref<128x128xf32, #tpu.memory_space<vmem_shared>>) target_semaphore(%run_scoped3A : memref<!tpu.dma_semaphore, #tpu.memory_space<semaphore_mem>>)
      %dma_wait3A = arith.constant 0 : i32
      %dma_wait3A_100 = tpu.memref_slice %arg10[%add3A_18, %dma_wait3A] : memref<10240x128xf32, #tpu.memory_space<vmem_shared>> -> memref<128x128xf32, #tpu.memory_space<vmem_shared>>
      %dma_wait3A_101 = arith.constant 0 : i32
      %dma_wait3A_102 = tpu.memref_slice %arg10[%add3A_18, %dma_wait3A_101] : memref<10240x128xf32, #tpu.memory_space<vmem_shared>> -> memref<128x128xf32, #tpu.memory_space<vmem_shared>>
      tpu.wait_dma2 semaphore(%run_scoped3A : memref<!tpu.dma_semaphore, #tpu.memory_space<semaphore_mem>>) src(%arg8 : memref<128x128xf32, #tpu.memory_space<vmem>>) dst(%dma_wait3A_102 : memref<128x128xf32, #tpu.memory_space<vmem_shared>>)
      tpu.yield
    }) : () -> ()
    %mul3A_19 = arith.constant 640 : i32
    %mul3A_20 = arith.muli %arg1, %mul3A_19 : i32
    %add3A_21 = arith.constant 256 : i32
    %add3A_22 = arith.addi %mul3A_20, %add3A_21 : i32
    "tpu.region"() ({
      %run_scoped3A = tpu.sem_alloc : memref<!tpu.dma_semaphore, #tpu.memory_space<semaphore_mem>>
      %dma_start3A = arith.constant 0 : i32
      %dma_start3A_97 = tpu.memref_slice %arg10[%add3A_22, %dma_start3A] : memref<10240x128xf32, #tpu.memory_space<vmem_shared>> -> memref<128x128xf32, #tpu.memory_space<vmem_shared>>
      %dma_start3A_98 = arith.constant 0 : i32
      %dma_start3A_99 = tpu.memref_slice %arg10[%add3A_22, %dma_start3A_98] : memref<10240x128xf32, #tpu.memory_space<vmem_shared>> -> memref<128x128xf32, #tpu.memory_space<vmem_shared>>
      tpu.enqueue_dma source(%arg8 : memref<128x128xf32, #tpu.memory_space<vmem>>) target(%dma_start3A_99 : memref<128x128xf32, #tpu.memory_space<vmem_shared>>) target_semaphore(%run_scoped3A : memref<!tpu.dma_semaphore, #tpu.memory_space<semaphore_mem>>)
      %dma_wait3A = arith.constant 0 : i32
      %dma_wait3A_100 = tpu.memref_slice %arg10[%add3A_22, %dma_wait3A] : memref<10240x128xf32, #tpu.memory_space<vmem_shared>> -> memref<128x128xf32, #tpu.memory_space<vmem_shared>>
      %dma_wait3A_101 = arith.constant 0 : i32
      %dma_wait3A_102 = tpu.memref_slice %arg10[%add3A_22, %dma_wait3A_101] : memref<10240x128xf32, #tpu.memory_space<vmem_shared>> -> memref<128x128xf32, #tpu.memory_space<vmem_shared>>
      tpu.wait_dma2 semaphore(%run_scoped3A : memref<!tpu.dma_semaphore, #tpu.memory_space<semaphore_mem>>) src(%arg8 : memref<128x128xf32, #tpu.memory_space<vmem>>) dst(%dma_wait3A_102 : memref<128x128xf32, #tpu.memory_space<vmem_shared>>)
      tpu.yield
    }) : () -> ()
    %mul3A_23 = arith.constant 640 : i32
    %mul3A_24 = arith.muli %arg1, %mul3A_23 : i32
    %add3A_25 = arith.constant 384 : i32
    %add3A_26 = arith.addi %mul3A_24, %add3A_25 : i32
    "tpu.region"() ({
      %run_scoped3A = tpu.sem_alloc : memref<!tpu.dma_semaphore, #tpu.memory_space<semaphore_mem>>
      %dma_start3A = arith.constant 0 : i32
      %dma_start3A_97 = tpu.memref_slice %arg10[%add3A_26, %dma_start3A] : memref<10240x128xf32, #tpu.memory_space<vmem_shared>> -> memref<128x128xf32, #tpu.memory_space<vmem_shared>>
      %dma_start3A_98 = arith.constant 0 : i32
      %dma_start3A_99 = tpu.memref_slice %arg10[%add3A_26, %dma_start3A_98] : memref<10240x128xf32, #tpu.memory_space<vmem_shared>> -> memref<128x128xf32, #tpu.memory_space<vmem_shared>>
      tpu.enqueue_dma source(%arg8 : memref<128x128xf32, #tpu.memory_space<vmem>>) target(%dma_start3A_99 : memref<128x128xf32, #tpu.memory_space<vmem_shared>>) target_semaphore(%run_scoped3A : memref<!tpu.dma_semaphore, #tpu.memory_space<semaphore_mem>>)
      %dma_wait3A = arith.constant 0 : i32
      %dma_wait3A_100 = tpu.memref_slice %arg10[%add3A_26, %dma_wait3A] : memref<10240x128xf32, #tpu.memory_space<vmem_shared>> -> memref<128x128xf32, #tpu.memory_space<vmem_shared>>
      %dma_wait3A_101 = arith.constant 0 : i32
      %dma_wait3A_102 = tpu.memref_slice %arg10[%add3A_26, %dma_wait3A_101] : memref<10240x128xf32, #tpu.memory_space<vmem_shared>> -> memref<128x128xf32, #tpu.memory_space<vmem_shared>>
      tpu.wait_dma2 semaphore(%run_scoped3A : memref<!tpu.dma_semaphore, #tpu.memory_space<semaphore_mem>>) src(%arg8 : memref<128x128xf32, #tpu.memory_space<vmem>>) dst(%dma_wait3A_102 : memref<128x128xf32, #tpu.memory_space<vmem_shared>>)
      tpu.yield
    }) : () -> ()
    %mul3A_27 = arith.constant 640 : i32
    %mul3A_28 = arith.muli %arg1, %mul3A_27 : i32
    %add3A_29 = arith.constant 512 : i32
    %add3A_30 = arith.addi %mul3A_28, %add3A_29 : i32
    "tpu.region"() ({
      %run_scoped3A = tpu.sem_alloc : memref<!tpu.dma_semaphore, #tpu.memory_space<semaphore_mem>>
      %dma_start3A = arith.constant 0 : i32
      %dma_start3A_97 = tpu.memref_slice %arg10[%add3A_30, %dma_start3A] : memref<10240x128xf32, #tpu.memory_space<vmem_shared>> -> memref<128x128xf32, #tpu.memory_space<vmem_shared>>
      %dma_start3A_98 = arith.constant 0 : i32
      %dma_start3A_99 = tpu.memref_slice %arg10[%add3A_30, %dma_start3A_98] : memref<10240x128xf32, #tpu.memory_space<vmem_shared>> -> memref<128x128xf32, #tpu.memory_space<vmem_shared>>
      tpu.enqueue_dma source(%arg8 : memref<128x128xf32, #tpu.memory_space<vmem>>) target(%dma_start3A_99 : memref<128x128xf32, #tpu.memory_space<vmem_shared>>) target_semaphore(%run_scoped3A : memref<!tpu.dma_semaphore, #tpu.memory_space<semaphore_mem>>)
      %dma_wait3A = arith.constant 0 : i32
      %dma_wait3A_100 = tpu.memref_slice %arg10[%add3A_30, %dma_wait3A] : memref<10240x128xf32, #tpu.memory_space<vmem_shared>> -> memref<128x128xf32, #tpu.memory_space<vmem_shared>>
      %dma_wait3A_101 = arith.constant 0 : i32
      %dma_wait3A_102 = tpu.memref_slice %arg10[%add3A_30, %dma_wait3A_101] : memref<10240x128xf32, #tpu.memory_space<vmem_shared>> -> memref<128x128xf32, #tpu.memory_space<vmem_shared>>
      tpu.wait_dma2 semaphore(%run_scoped3A : memref<!tpu.dma_semaphore, #tpu.memory_space<semaphore_mem>>) src(%arg8 : memref<128x128xf32, #tpu.memory_space<vmem>>) dst(%dma_wait3A_102 : memref<128x128xf32, #tpu.memory_space<vmem_shared>>)
      tpu.yield
    }) : () -> ()
    %barrier3A = arith.constant 0 : index
    tpu.barrier barrier_id(%barrier3A)
    "tpu.trace_stop"() : () -> ()
    %sub3A_31 = arith.constant 0 : i32
    %sub3A_32 = arith.subi %min3A, %sub3A_31 : i32
    %jit3A_33 = arith.constant 0 : i32
    %jit3A_34 = arith.constant 40 : i32
    %max3A_35 = arith.maxsi %jit3A_33, %sub3A_32 : i32
    %min3A_36 = arith.minsi %jit3A_34, %max3A_35 : i32
    "tpu.trace_start"() <{level = 10 : i32, message = "idx_load"}> : () -> ()
    "tpu.region"() ({
      %run_scoped3A = tpu.sem_alloc : memref<!tpu.dma_semaphore, #tpu.memory_space<semaphore_mem>>
      %dma_start3A = arith.constant 0 : i32
      %dma_start3A_97 = arith.constant 0 : i32
      %dma_start3A_98 = tpu.memref_slice %arg3[%add3A, %dma_start3A, %dma_start3A_97] : memref<32x80x128xi32, #tpu.memory_space<hbm>> -> memref<1x40x128xi32, #tpu.memory_space<hbm>>
      %dma_start3A_99 = tpu.memref_squeeze %dma_start3A_98 : memref<1x40x128xi32, #tpu.memory_space<hbm>> -> memref<40x128xi32, #tpu.memory_space<hbm>>
      %dma_start3A_100 = arith.constant 0 : i32
      %dma_start3A_101 = arith.constant 0 : i32
      %dma_start3A_102 = tpu.memref_slice %arg3[%add3A, %dma_start3A_100, %dma_start3A_101] : memref<32x80x128xi32, #tpu.memory_space<hbm>> -> memref<1x40x128xi32, #tpu.memory_space<hbm>>
      %dma_start3A_103 = tpu.memref_squeeze %dma_start3A_102 : memref<1x40x128xi32, #tpu.memory_space<hbm>> -> memref<40x128xi32, #tpu.memory_space<hbm>>
      tpu.enqueue_dma source(%dma_start3A_103 : memref<40x128xi32, #tpu.memory_space<hbm>>) target(%arg6 : memref<40x128xi32, #tpu.memory_space<vmem>>) target_semaphore(%run_scoped3A : memref<!tpu.dma_semaphore, #tpu.memory_space<semaphore_mem>>)
      %dma_wait3A = arith.constant 0 : i32
      %dma_wait3A_104 = arith.constant 0 : i32
      %dma_wait3A_105 = tpu.memref_slice %arg3[%add3A, %dma_wait3A, %dma_wait3A_104] : memref<32x80x128xi32, #tpu.memory_space<hbm>> -> memref<1x40x128xi32, #tpu.memory_space<hbm>>
      %dma_wait3A_106 = tpu.memref_squeeze %dma_wait3A_105 : memref<1x40x128xi32, #tpu.memory_space<hbm>> -> memref<40x128xi32, #tpu.memory_space<hbm>>
      %dma_wait3A_107 = arith.constant 0 : i32
      %dma_wait3A_108 = arith.constant 0 : i32
      %dma_wait3A_109 = tpu.memref_slice %arg3[%add3A, %dma_wait3A_107, %dma_wait3A_108] : memref<32x80x128xi32, #tpu.memory_space<hbm>> -> memref<1x40x128xi32, #tpu.memory_space<hbm>>
      %dma_wait3A_110 = tpu.memref_squeeze %dma_wait3A_109 : memref<1x40x128xi32, #tpu.memory_space<hbm>> -> memref<40x128xi32, #tpu.memory_space<hbm>>
      tpu.wait_dma2 semaphore(%run_scoped3A : memref<!tpu.dma_semaphore, #tpu.memory_space<semaphore_mem>>) src(%dma_wait3A_110 : memref<40x128xi32, #tpu.memory_space<hbm>>) dst(%arg6 : memref<40x128xi32, #tpu.memory_space<vmem>>)
      tpu.yield
    }) : () -> ()
    "tpu.region"() ({
      %run_scoped3A = tpu.sem_alloc : memref<!tpu.dma_semaphore, #tpu.memory_space<semaphore_mem>>
      %dma_start3A = arith.constant 0 : i32
      %dma_start3A_97 = arith.constant 0 : i32
      %dma_start3A_98 = tpu.memref_slice %arg4[%add3A, %dma_start3A, %dma_start3A_97] : memref<32x80x128xi32, #tpu.memory_space<hbm>> -> memref<1x40x128xi32, #tpu.memory_space<hbm>>
      %dma_start3A_99 = tpu.memref_squeeze %dma_start3A_98 : memref<1x40x128xi32, #tpu.memory_space<hbm>> -> memref<40x128xi32, #tpu.memory_space<hbm>>
      %dma_start3A_100 = arith.constant 0 : i32
      %dma_start3A_101 = arith.constant 0 : i32
      %dma_start3A_102 = tpu.memref_slice %arg4[%add3A, %dma_start3A_100, %dma_start3A_101] : memref<32x80x128xi32, #tpu.memory_space<hbm>> -> memref<1x40x128xi32, #tpu.memory_space<hbm>>
      %dma_start3A_103 = tpu.memref_squeeze %dma_start3A_102 : memref<1x40x128xi32, #tpu.memory_space<hbm>> -> memref<40x128xi32, #tpu.memory_space<hbm>>
      tpu.enqueue_dma source(%dma_start3A_103 : memref<40x128xi32, #tpu.memory_space<hbm>>) target(%arg7 : memref<40x128xi32, #tpu.memory_space<vmem>>) target_semaphore(%run_scoped3A : memref<!tpu.dma_semaphore, #tpu.memory_space<semaphore_mem>>)
      %dma_wait3A = arith.constant 0 : i32
      %dma_wait3A_104 = arith.constant 0 : i32
      %dma_wait3A_105 = tpu.memref_slice %arg4[%add3A, %dma_wait3A, %dma_wait3A_104] : memref<32x80x128xi32, #tpu.memory_space<hbm>> -> memref<1x40x128xi32, #tpu.memory_space<hbm>>
      %dma_wait3A_106 = tpu.memref_squeeze %dma_wait3A_105 : memref<1x40x128xi32, #tpu.memory_space<hbm>> -> memref<40x128xi32, #tpu.memory_space<hbm>>
      %dma_wait3A_107 = arith.constant 0 : i32
      %dma_wait3A_108 = arith.constant 0 : i32
      %dma_wait3A_109 = tpu.memref_slice %arg4[%add3A, %dma_wait3A_107, %dma_wait3A_108] : memref<32x80x128xi32, #tpu.memory_space<hbm>> -> memref<1x40x128xi32, #tpu.memory_space<hbm>>
      %dma_wait3A_110 = tpu.memref_squeeze %dma_wait3A_109 : memref<1x40x128xi32, #tpu.memory_space<hbm>> -> memref<40x128xi32, #tpu.memory_space<hbm>>
      tpu.wait_dma2 semaphore(%run_scoped3A : memref<!tpu.dma_semaphore, #tpu.memory_space<semaphore_mem>>) src(%dma_wait3A_110 : memref<40x128xi32, #tpu.memory_space<hbm>>) dst(%arg7 : memref<40x128xi32, #tpu.memory_space<vmem>>)
      tpu.yield
    }) : () -> ()
    %gt3A = arith.constant 0 : i32
    "tpu.trace_stop"() : () -> ()
    "tpu.trace_start"() <{level = 10 : i32, message = "edge_loop"}> : () -> ()
    %gt3A_37 = arith.cmpi sgt, %min3A_36, %gt3A : i32
    %convert_element_type3A = arith.extui %gt3A_37 : i1 to i32
    %cond3A = arith.constant 0 : i32
    %cond3A_38 = arith.cmpi ne, %convert_element_type3A, %cond3A : i32
    scf.if %cond3A_38 {
      %dma_start3A = arith.constant 0 : i32
      %dma_start3A_97 = arith.constant 0 : i32
      %dma_start3A_98 = tpu.memref_slice %arg6[%dma_start3A, %dma_start3A_97] : memref<40x128xi32, #tpu.memory_space<vmem>> -> memref<1x128xi32, #tpu.memory_space<vmem>>
      %dma_start3A_99 = tpu.memref_squeeze %dma_start3A_98 : memref<1x128xi32, #tpu.memory_space<vmem>> -> memref<128xi32, #tpu.memory_space<vmem>>
      %dma_start3A_100 = arith.constant 0 : i32
      %dma_start3A_101 = arith.constant 0 : i32
      %dma_start3A_102 = tpu.memref_slice %arg2[%dma_start3A_100, %dma_start3A_101] : memref<10240x128xf32, #tpu.memory_space<hbm>> -> memref<10240x128xf32, #tpu.memory_space<hbm>>
      tpu.enqueue_indirect_dma source(%dma_start3A_102 : memref<10240x128xf32, #tpu.memory_space<hbm>>) target(%arg8 : memref<128x128xf32, #tpu.memory_space<vmem>>) offsets(%dma_start3A_99 : memref<128xi32, #tpu.memory_space<vmem>>) semaphore(%arg11 : memref<!tpu.dma_semaphore, #tpu.memory_space<semaphore_mem>>)
      %dma_wait3A = arith.constant 0 : i32
      %dma_wait3A_103 = arith.constant 0 : i32
      %dma_wait3A_104 = tpu.memref_slice %arg6[%dma_wait3A, %dma_wait3A_103] : memref<40x128xi32, #tpu.memory_space<vmem>> -> memref<1x128xi32, #tpu.memory_space<vmem>>
      %dma_wait3A_105 = tpu.memref_squeeze %dma_wait3A_104 : memref<1x128xi32, #tpu.memory_space<vmem>> -> memref<128xi32, #tpu.memory_space<vmem>>
      %dma_wait3A_106 = arith.constant 0 : i32
      %dma_wait3A_107 = arith.constant 0 : i32
      %dma_wait3A_108 = tpu.memref_slice %arg2[%dma_wait3A_106, %dma_wait3A_107] : memref<10240x128xf32, #tpu.memory_space<hbm>> -> memref<10240x128xf32, #tpu.memory_space<hbm>>
      tpu.wait_indirect_dma semaphore(%arg11 : memref<!tpu.dma_semaphore, #tpu.memory_space<semaphore_mem>>) src(%dma_wait3A_108 : memref<10240x128xf32, #tpu.memory_space<hbm>>) dst(%arg8 : memref<128x128xf32, #tpu.memory_space<vmem>>)
      %dma_start3A_109 = arith.constant 0 : i32
      %dma_start3A_110 = arith.constant 0 : i32
      %dma_start3A_111 = tpu.memref_slice %arg7[%dma_start3A_109, %dma_start3A_110] : memref<40x128xi32, #tpu.memory_space<vmem>> -> memref<1x128xi32, #tpu.memory_space<vmem>>
      %dma_start3A_112 = tpu.memref_squeeze %dma_start3A_111 : memref<1x128xi32, #tpu.memory_space<vmem>> -> memref<128xi32, #tpu.memory_space<vmem>>
      %dma_start3A_113 = arith.constant 0 : i32
      %dma_start3A_114 = arith.constant 0 : i32
      %dma_start3A_115 = tpu.memref_slice %arg10[%dma_start3A_113, %dma_start3A_114] : memref<10240x128xf32, #tpu.memory_space<vmem_shared>> -> memref<10240x128xf32, #tpu.memory_space<vmem_shared>>
      tpu.enqueue_indirect_dma source(%arg8 : memref<128x128xf32, #tpu.memory_space<vmem>>) target(%dma_start3A_115 : memref<10240x128xf32, #tpu.memory_space<vmem_shared>>) offsets(%dma_start3A_112 : memref<128xi32, #tpu.memory_space<vmem>>) semaphore(%arg12 : memref<!tpu.dma_semaphore, #tpu.memory_space<semaphore_mem>>) {add = true}
    } else {
    }
    %gt3A_39 = arith.constant 1 : i32
    %gt3A_40 = arith.cmpi sgt, %min3A_36, %gt3A_39 : i32
    %convert_element_type3A_41 = arith.extui %gt3A_40 : i1 to i32
    %cond3A_42 = arith.constant 0 : i32
    %cond3A_43 = arith.cmpi ne, %convert_element_type3A_41, %cond3A_42 : i32
    scf.if %cond3A_43 {
      %dma_start3A = arith.constant 1 : i32
      %dma_start3A_97 = arith.constant 0 : i32
      %dma_start3A_98 = tpu.memref_slice %arg6[%dma_start3A, %dma_start3A_97] : memref<40x128xi32, #tpu.memory_space<vmem>> -> memref<1x128xi32, #tpu.memory_space<vmem>>
      %dma_start3A_99 = tpu.memref_squeeze %dma_start3A_98 : memref<1x128xi32, #tpu.memory_space<vmem>> -> memref<128xi32, #tpu.memory_space<vmem>>
      %dma_start3A_100 = arith.constant 0 : i32
      %dma_start3A_101 = arith.constant 0 : i32
      %dma_start3A_102 = tpu.memref_slice %arg2[%dma_start3A_100, %dma_start3A_101] : memref<10240x128xf32, #tpu.memory_space<hbm>> -> memref<10240x128xf32, #tpu.memory_space<hbm>>
      tpu.enqueue_indirect_dma source(%dma_start3A_102 : memref<10240x128xf32, #tpu.memory_space<hbm>>) target(%arg9 : memref<128x128xf32, #tpu.memory_space<vmem>>) offsets(%dma_start3A_99 : memref<128xi32, #tpu.memory_space<vmem>>) semaphore(%arg11 : memref<!tpu.dma_semaphore, #tpu.memory_space<semaphore_mem>>)
      %dma_wait3A = arith.constant 0 : i32
      %dma_wait3A_103 = arith.constant 0 : i32
      %dma_wait3A_104 = tpu.memref_slice %arg6[%dma_wait3A, %dma_wait3A_103] : memref<40x128xi32, #tpu.memory_space<vmem>> -> memref<1x128xi32, #tpu.memory_space<vmem>>
      %dma_wait3A_105 = tpu.memref_squeeze %dma_wait3A_104 : memref<1x128xi32, #tpu.memory_space<vmem>> -> memref<128xi32, #tpu.memory_space<vmem>>
      %dma_wait3A_106 = arith.constant 0 : i32
      %dma_wait3A_107 = arith.constant 0 : i32
      %dma_wait3A_108 = tpu.memref_slice %arg2[%dma_wait3A_106, %dma_wait3A_107] : memref<10240x128xf32, #tpu.memory_space<hbm>> -> memref<10240x128xf32, #tpu.memory_space<hbm>>
      tpu.wait_indirect_dma semaphore(%arg11 : memref<!tpu.dma_semaphore, #tpu.memory_space<semaphore_mem>>) src(%dma_wait3A_108 : memref<10240x128xf32, #tpu.memory_space<hbm>>) dst(%arg9 : memref<128x128xf32, #tpu.memory_space<vmem>>)
      %dma_start3A_109 = arith.constant 1 : i32
      %dma_start3A_110 = arith.constant 0 : i32
      %dma_start3A_111 = tpu.memref_slice %arg7[%dma_start3A_109, %dma_start3A_110] : memref<40x128xi32, #tpu.memory_space<vmem>> -> memref<1x128xi32, #tpu.memory_space<vmem>>
      %dma_start3A_112 = tpu.memref_squeeze %dma_start3A_111 : memref<1x128xi32, #tpu.memory_space<vmem>> -> memref<128xi32, #tpu.memory_space<vmem>>
      %dma_start3A_113 = arith.constant 0 : i32
      %dma_start3A_114 = arith.constant 0 : i32
      %dma_start3A_115 = tpu.memref_slice %arg10[%dma_start3A_113, %dma_start3A_114] : memref<10240x128xf32, #tpu.memory_space<vmem_shared>> -> memref<10240x128xf32, #tpu.memory_space<vmem_shared>>
      tpu.enqueue_indirect_dma source(%arg9 : memref<128x128xf32, #tpu.memory_space<vmem>>) target(%dma_start3A_115 : memref<10240x128xf32, #tpu.memory_space<vmem_shared>>) offsets(%dma_start3A_112 : memref<128xi32, #tpu.memory_space<vmem>>) semaphore(%arg12 : memref<!tpu.dma_semaphore, #tpu.memory_space<semaphore_mem>>) {add = true}
    } else {
    }
    %scan3A_44 = arith.constant 0 : i32
    %scan3A_45 = arith.constant 1 : i32
    %scan3A_46 = arith.constant 19 : i32
    %scan3A_47 = arith.addi %scan3A_45, %scan3A_46 : i32
    %scan3A_48 = arith.constant 1 : i32
    scf.for %scan3A_97 = %scan3A_45 to %scan3A_47 step %scan3A_48  : i32 {
      %mul3A_98 = arith.constant 2 : i32
      %mul3A_99 = arith.muli %mul3A_98, %scan3A_97 : i32
      %lt3A = arith.cmpi slt, %mul3A_99, %min3A_36 : i32
      %convert_element_type3A_100 = arith.extui %lt3A : i1 to i32
      %cond3A_101 = arith.constant 0 : i32
      %cond3A_102 = arith.cmpi ne, %convert_element_type3A_100, %cond3A_101 : i32
      scf.if %cond3A_102 {
        %dma_wait3A = arith.constant 0 : i32
        %dma_wait3A_109 = arith.constant 0 : i32
        %dma_wait3A_110 = tpu.memref_slice %arg7[%dma_wait3A, %dma_wait3A_109] : memref<40x128xi32, #tpu.memory_space<vmem>> -> memref<1x128xi32, #tpu.memory_space<vmem>>
        %dma_wait3A_111 = tpu.memref_squeeze %dma_wait3A_110 : memref<1x128xi32, #tpu.memory_space<vmem>> -> memref<128xi32, #tpu.memory_space<vmem>>
        %dma_wait3A_112 = arith.constant 0 : i32
        %dma_wait3A_113 = arith.constant 0 : i32
        %dma_wait3A_114 = tpu.memref_slice %arg10[%dma_wait3A_112, %dma_wait3A_113] : memref<10240x128xf32, #tpu.memory_space<vmem_shared>> -> memref<10240x128xf32, #tpu.memory_space<vmem_shared>>
        tpu.wait_indirect_dma semaphore(%arg12 : memref<!tpu.dma_semaphore, #tpu.memory_space<semaphore_mem>>) src(%arg8 : memref<128x128xf32, #tpu.memory_space<vmem>>) dst(%dma_wait3A_114 : memref<10240x128xf32, #tpu.memory_space<vmem_shared>>)
        %dma_start3A = arith.constant 0 : i32
        %dma_start3A_115 = tpu.memref_slice %arg6[%mul3A_99, %dma_start3A] : memref<40x128xi32, #tpu.memory_space<vmem>> -> memref<1x128xi32, #tpu.memory_space<vmem>>
        %dma_start3A_116 = tpu.memref_squeeze %dma_start3A_115 : memref<1x128xi32, #tpu.memory_space<vmem>> -> memref<128xi32, #tpu.memory_space<vmem>>
        %dma_start3A_117 = arith.constant 0 : i32
        %dma_start3A_118 = arith.constant 0 : i32
        %dma_start3A_119 = tpu.memref_slice %arg2[%dma_start3A_117, %dma_start3A_118] : memref<10240x128xf32, #tpu.memory_space<hbm>> -> memref<10240x128xf32, #tpu.memory_space<hbm>>
        tpu.enqueue_indirect_dma source(%dma_start3A_119 : memref<10240x128xf32, #tpu.memory_space<hbm>>) target(%arg8 : memref<128x128xf32, #tpu.memory_space<vmem>>) offsets(%dma_start3A_116 : memref<128xi32, #tpu.memory_space<vmem>>) semaphore(%arg11 : memref<!tpu.dma_semaphore, #tpu.memory_space<semaphore_mem>>)
        %dma_wait3A_120 = arith.constant 0 : i32
        %dma_wait3A_121 = arith.constant 0 : i32
        %dma_wait3A_122 = tpu.memref_slice %arg6[%dma_wait3A_120, %dma_wait3A_121] : memref<40x128xi32, #tpu.memory_space<vmem>> -> memref<1x128xi32, #tpu.memory_space<vmem>>
        %dma_wait3A_123 = tpu.memref_squeeze %dma_wait3A_122 : memref<1x128xi32, #tpu.memory_space<vmem>> -> memref<128xi32, #tpu.memory_space<vmem>>
        %dma_wait3A_124 = arith.constant 0 : i32
        %dma_wait3A_125 = arith.constant 0 : i32
        %dma_wait3A_126 = tpu.memref_slice %arg2[%dma_wait3A_124, %dma_wait3A_125] : memref<10240x128xf32, #tpu.memory_space<hbm>> -> memref<10240x128xf32, #tpu.memory_space<hbm>>
        tpu.wait_indirect_dma semaphore(%arg11 : memref<!tpu.dma_semaphore, #tpu.memory_space<semaphore_mem>>) src(%dma_wait3A_126 : memref<10240x128xf32, #tpu.memory_space<hbm>>) dst(%arg8 : memref<128x128xf32, #tpu.memory_space<vmem>>)
        %dma_start3A_127 = arith.constant 0 : i32
        %dma_start3A_128 = tpu.memref_slice %arg7[%mul3A_99, %dma_start3A_127] : memref<40x128xi32, #tpu.memory_space<vmem>> -> memref<1x128xi32, #tpu.memory_space<vmem>>
        %dma_start3A_129 = tpu.memref_squeeze %dma_start3A_128 : memref<1x128xi32, #tpu.memory_space<vmem>> -> memref<128xi32, #tpu.memory_space<vmem>>
        %dma_start3A_130 = arith.constant 0 : i32
        %dma_start3A_131 = arith.constant 0 : i32
        %dma_start3A_132 = tpu.memref_slice %arg10[%dma_start3A_130, %dma_start3A_131] : memref<10240x128xf32, #tpu.memory_space<vmem_shared>> -> memref<10240x128xf32, #tpu.memory_space<vmem_shared>>
        tpu.enqueue_indirect_dma source(%arg8 : memref<128x128xf32, #tpu.memory_space<vmem>>) target(%dma_start3A_132 : memref<10240x128xf32, #tpu.memory_space<vmem_shared>>) offsets(%dma_start3A_129 : memref<128xi32, #tpu.memory_space<vmem>>) semaphore(%arg12 : memref<!tpu.dma_semaphore, #tpu.memory_space<semaphore_mem>>) {add = true}
      } else {
      }
      %add3A_103 = arith.constant 1 : i32
      %add3A_104 = arith.addi %mul3A_99, %add3A_103 : i32
      %lt3A_105 = arith.cmpi slt, %add3A_104, %min3A_36 : i32
      %convert_element_type3A_106 = arith.extui %lt3A_105 : i1 to i32
      %cond3A_107 = arith.constant 0 : i32
      %cond3A_108 = arith.cmpi ne, %convert_element_type3A_106, %cond3A_107 : i32
      scf.if %cond3A_108 {
        %dma_wait3A = arith.constant 0 : i32
        %dma_wait3A_109 = arith.constant 0 : i32
        %dma_wait3A_110 = tpu.memref_slice %arg7[%dma_wait3A, %dma_wait3A_109] : memref<40x128xi32, #tpu.memory_space<vmem>> -> memref<1x128xi32, #tpu.memory_space<vmem>>
        %dma_wait3A_111 = tpu.memref_squeeze %dma_wait3A_110 : memref<1x128xi32, #tpu.memory_space<vmem>> -> memref<128xi32, #tpu.memory_space<vmem>>
        %dma_wait3A_112 = arith.constant 0 : i32
        %dma_wait3A_113 = arith.constant 0 : i32
        %dma_wait3A_114 = tpu.memref_slice %arg10[%dma_wait3A_112, %dma_wait3A_113] : memref<10240x128xf32, #tpu.memory_space<vmem_shared>> -> memref<10240x128xf32, #tpu.memory_space<vmem_shared>>
        tpu.wait_indirect_dma semaphore(%arg12 : memref<!tpu.dma_semaphore, #tpu.memory_space<semaphore_mem>>) src(%arg9 : memref<128x128xf32, #tpu.memory_space<vmem>>) dst(%dma_wait3A_114 : memref<10240x128xf32, #tpu.memory_space<vmem_shared>>)
        %add3A_115 = arith.constant 1 : i32
        %add3A_116 = arith.addi %mul3A_99, %add3A_115 : i32
        %dma_start3A = arith.constant 0 : i32
        %dma_start3A_117 = tpu.memref_slice %arg6[%add3A_116, %dma_start3A] : memref<40x128xi32, #tpu.memory_space<vmem>> -> memref<1x128xi32, #tpu.memory_space<vmem>>
        %dma_start3A_118 = tpu.memref_squeeze %dma_start3A_117 : memref<1x128xi32, #tpu.memory_space<vmem>> -> memref<128xi32, #tpu.memory_space<vmem>>
        %dma_start3A_119 = arith.constant 0 : i32
        %dma_start3A_120 = arith.constant 0 : i32
        %dma_start3A_121 = tpu.memref_slice %arg2[%dma_start3A_119, %dma_start3A_120] : memref<10240x128xf32, #tpu.memory_space<hbm>> -> memref<10240x128xf32, #tpu.memory_space<hbm>>
        tpu.enqueue_indirect_dma source(%dma_start3A_121 : memref<10240x128xf32, #tpu.memory_space<hbm>>) target(%arg9 : memref<128x128xf32, #tpu.memory_space<vmem>>) offsets(%dma_start3A_118 : memref<128xi32, #tpu.memory_space<vmem>>) semaphore(%arg11 : memref<!tpu.dma_semaphore, #tpu.memory_space<semaphore_mem>>)
        %dma_wait3A_122 = arith.constant 0 : i32
        %dma_wait3A_123 = arith.constant 0 : i32
        %dma_wait3A_124 = tpu.memref_slice %arg6[%dma_wait3A_122, %dma_wait3A_123] : memref<40x128xi32, #tpu.memory_space<vmem>> -> memref<1x128xi32, #tpu.memory_space<vmem>>
        %dma_wait3A_125 = tpu.memref_squeeze %dma_wait3A_124 : memref<1x128xi32, #tpu.memory_space<vmem>> -> memref<128xi32, #tpu.memory_space<vmem>>
        %dma_wait3A_126 = arith.constant 0 : i32
        %dma_wait3A_127 = arith.constant 0 : i32
        %dma_wait3A_128 = tpu.memref_slice %arg2[%dma_wait3A_126, %dma_wait3A_127] : memref<10240x128xf32, #tpu.memory_space<hbm>> -> memref<10240x128xf32, #tpu.memory_space<hbm>>
        tpu.wait_indirect_dma semaphore(%arg11 : memref<!tpu.dma_semaphore, #tpu.memory_space<semaphore_mem>>) src(%dma_wait3A_128 : memref<10240x128xf32, #tpu.memory_space<hbm>>) dst(%arg9 : memref<128x128xf32, #tpu.memory_space<vmem>>)
        %add3A_129 = arith.constant 1 : i32
        %add3A_130 = arith.addi %mul3A_99, %add3A_129 : i32
        %dma_start3A_131 = arith.constant 0 : i32
        %dma_start3A_132 = tpu.memref_slice %arg7[%add3A_130, %dma_start3A_131] : memref<40x128xi32, #tpu.memory_space<vmem>> -> memref<1x128xi32, #tpu.memory_space<vmem>>
        %dma_start3A_133 = tpu.memref_squeeze %dma_start3A_132 : memref<1x128xi32, #tpu.memory_space<vmem>> -> memref<128xi32, #tpu.memory_space<vmem>>
        %dma_start3A_134 = arith.constant 0 : i32
        %dma_start3A_135 = arith.constant 0 : i32
        %dma_start3A_136 = tpu.memref_slice %arg10[%dma_start3A_134, %dma_start3A_135] : memref<10240x128xf32, #tpu.memory_space<vmem_shared>> -> memref<10240x128xf32, #tpu.memory_space<vmem_shared>>
        tpu.enqueue_indirect_dma source(%arg9 : memref<128x128xf32, #tpu.memory_space<vmem>>) target(%dma_start3A_136 : memref<10240x128xf32, #tpu.memory_space<vmem_shared>>) offsets(%dma_start3A_133 : memref<128xi32, #tpu.memory_space<vmem>>) semaphore(%arg12 : memref<!tpu.dma_semaphore, #tpu.memory_space<semaphore_mem>>) {add = true}
      } else {
      }
    }
    %scan3A_49 = arith.constant 19 : i32
    %gt3A_50 = arith.constant 0 : i32
    %gt3A_51 = arith.cmpi sgt, %min3A_36, %gt3A_50 : i32
    %convert_element_type3A_52 = arith.extui %gt3A_51 : i1 to i32
    %cond3A_53 = arith.constant 0 : i32
    %cond3A_54 = arith.cmpi ne, %convert_element_type3A_52, %cond3A_53 : i32
    scf.if %cond3A_54 {
      %dma_wait3A = arith.constant 0 : i32
      %dma_wait3A_97 = arith.constant 0 : i32
      %dma_wait3A_98 = tpu.memref_slice %arg7[%dma_wait3A, %dma_wait3A_97] : memref<40x128xi32, #tpu.memory_space<vmem>> -> memref<1x128xi32, #tpu.memory_space<vmem>>
      %dma_wait3A_99 = tpu.memref_squeeze %dma_wait3A_98 : memref<1x128xi32, #tpu.memory_space<vmem>> -> memref<128xi32, #tpu.memory_space<vmem>>
      %dma_wait3A_100 = arith.constant 0 : i32
      %dma_wait3A_101 = arith.constant 0 : i32
      %dma_wait3A_102 = tpu.memref_slice %arg10[%dma_wait3A_100, %dma_wait3A_101] : memref<10240x128xf32, #tpu.memory_space<vmem_shared>> -> memref<10240x128xf32, #tpu.memory_space<vmem_shared>>
      tpu.wait_indirect_dma semaphore(%arg12 : memref<!tpu.dma_semaphore, #tpu.memory_space<semaphore_mem>>) src(%arg8 : memref<128x128xf32, #tpu.memory_space<vmem>>) dst(%dma_wait3A_102 : memref<10240x128xf32, #tpu.memory_space<vmem_shared>>)
    } else {
    }
    %gt3A_55 = arith.constant 1 : i32
    %gt3A_56 = arith.cmpi sgt, %min3A_36, %gt3A_55 : i32
    %convert_element_type3A_57 = arith.extui %gt3A_56 : i1 to i32
    %cond3A_58 = arith.constant 0 : i32
    %cond3A_59 = arith.cmpi ne, %convert_element_type3A_57, %cond3A_58 : i32
    scf.if %cond3A_59 {
      %dma_wait3A = arith.constant 0 : i32
      %dma_wait3A_97 = arith.constant 0 : i32
      %dma_wait3A_98 = tpu.memref_slice %arg7[%dma_wait3A, %dma_wait3A_97] : memref<40x128xi32, #tpu.memory_space<vmem>> -> memref<1x128xi32, #tpu.memory_space<vmem>>
      %dma_wait3A_99 = tpu.memref_squeeze %dma_wait3A_98 : memref<1x128xi32, #tpu.memory_space<vmem>> -> memref<128xi32, #tpu.memory_space<vmem>>
      %dma_wait3A_100 = arith.constant 0 : i32
      %dma_wait3A_101 = arith.constant 0 : i32
      %dma_wait3A_102 = tpu.memref_slice %arg10[%dma_wait3A_100, %dma_wait3A_101] : memref<10240x128xf32, #tpu.memory_space<vmem_shared>> -> memref<10240x128xf32, #tpu.memory_space<vmem_shared>>
      tpu.wait_indirect_dma semaphore(%arg12 : memref<!tpu.dma_semaphore, #tpu.memory_space<semaphore_mem>>) src(%arg9 : memref<128x128xf32, #tpu.memory_space<vmem>>) dst(%dma_wait3A_102 : memref<10240x128xf32, #tpu.memory_space<vmem_shared>>)
    } else {
    }
    "tpu.trace_stop"() : () -> ()
    %sub3A_60 = arith.constant 40 : i32
    %sub3A_61 = arith.subi %min3A, %sub3A_60 : i32
    %jit3A_62 = arith.constant 0 : i32
    %jit3A_63 = arith.constant 40 : i32
    %max3A_64 = arith.maxsi %jit3A_62, %sub3A_61 : i32
    %min3A_65 = arith.minsi %jit3A_63, %max3A_64 : i32
    "tpu.trace_start"() <{level = 10 : i32, message = "idx_load"}> : () -> ()
    "tpu.region"() ({
      %run_scoped3A = tpu.sem_alloc : memref<!tpu.dma_semaphore, #tpu.memory_space<semaphore_mem>>
      %dma_start3A = arith.constant 40 : i32
      %dma_start3A_97 = arith.constant 0 : i32
      %dma_start3A_98 = tpu.memref_slice %arg3[%add3A, %dma_start3A, %dma_start3A_97] : memref<32x80x128xi32, #tpu.memory_space<hbm>> -> memref<1x40x128xi32, #tpu.memory_space<hbm>>
      %dma_start3A_99 = tpu.memref_squeeze %dma_start3A_98 : memref<1x40x128xi32, #tpu.memory_space<hbm>> -> memref<40x128xi32, #tpu.memory_space<hbm>>
      %dma_start3A_100 = arith.constant 40 : i32
      %dma_start3A_101 = arith.constant 0 : i32
      %dma_start3A_102 = tpu.memref_slice %arg3[%add3A, %dma_start3A_100, %dma_start3A_101] : memref<32x80x128xi32, #tpu.memory_space<hbm>> -> memref<1x40x128xi32, #tpu.memory_space<hbm>>
      %dma_start3A_103 = tpu.memref_squeeze %dma_start3A_102 : memref<1x40x128xi32, #tpu.memory_space<hbm>> -> memref<40x128xi32, #tpu.memory_space<hbm>>
      tpu.enqueue_dma source(%dma_start3A_103 : memref<40x128xi32, #tpu.memory_space<hbm>>) target(%arg6 : memref<40x128xi32, #tpu.memory_space<vmem>>) target_semaphore(%run_scoped3A : memref<!tpu.dma_semaphore, #tpu.memory_space<semaphore_mem>>)
      %dma_wait3A = arith.constant 40 : i32
      %dma_wait3A_104 = arith.constant 0 : i32
      %dma_wait3A_105 = tpu.memref_slice %arg3[%add3A, %dma_wait3A, %dma_wait3A_104] : memref<32x80x128xi32, #tpu.memory_space<hbm>> -> memref<1x40x128xi32, #tpu.memory_space<hbm>>
      %dma_wait3A_106 = tpu.memref_squeeze %dma_wait3A_105 : memref<1x40x128xi32, #tpu.memory_space<hbm>> -> memref<40x128xi32, #tpu.memory_space<hbm>>
      %dma_wait3A_107 = arith.constant 40 : i32
      %dma_wait3A_108 = arith.constant 0 : i32
      %dma_wait3A_109 = tpu.memref_slice %arg3[%add3A, %dma_wait3A_107, %dma_wait3A_108] : memref<32x80x128xi32, #tpu.memory_space<hbm>> -> memref<1x40x128xi32, #tpu.memory_space<hbm>>
      %dma_wait3A_110 = tpu.memref_squeeze %dma_wait3A_109 : memref<1x40x128xi32, #tpu.memory_space<hbm>> -> memref<40x128xi32, #tpu.memory_space<hbm>>
      tpu.wait_dma2 semaphore(%run_scoped3A : memref<!tpu.dma_semaphore, #tpu.memory_space<semaphore_mem>>) src(%dma_wait3A_110 : memref<40x128xi32, #tpu.memory_space<hbm>>) dst(%arg6 : memref<40x128xi32, #tpu.memory_space<vmem>>)
      tpu.yield
    }) : () -> ()
    "tpu.region"() ({
      %run_scoped3A = tpu.sem_alloc : memref<!tpu.dma_semaphore, #tpu.memory_space<semaphore_mem>>
      %dma_start3A = arith.constant 40 : i32
      %dma_start3A_97 = arith.constant 0 : i32
      %dma_start3A_98 = tpu.memref_slice %arg4[%add3A, %dma_start3A, %dma_start3A_97] : memref<32x80x128xi32, #tpu.memory_space<hbm>> -> memref<1x40x128xi32, #tpu.memory_space<hbm>>
      %dma_start3A_99 = tpu.memref_squeeze %dma_start3A_98 : memref<1x40x128xi32, #tpu.memory_space<hbm>> -> memref<40x128xi32, #tpu.memory_space<hbm>>
      %dma_start3A_100 = arith.constant 40 : i32
      %dma_start3A_101 = arith.constant 0 : i32
      %dma_start3A_102 = tpu.memref_slice %arg4[%add3A, %dma_start3A_100, %dma_start3A_101] : memref<32x80x128xi32, #tpu.memory_space<hbm>> -> memref<1x40x128xi32, #tpu.memory_space<hbm>>
      %dma_start3A_103 = tpu.memref_squeeze %dma_start3A_102 : memref<1x40x128xi32, #tpu.memory_space<hbm>> -> memref<40x128xi32, #tpu.memory_space<hbm>>
      tpu.enqueue_dma source(%dma_start3A_103 : memref<40x128xi32, #tpu.memory_space<hbm>>) target(%arg7 : memref<40x128xi32, #tpu.memory_space<vmem>>) target_semaphore(%run_scoped3A : memref<!tpu.dma_semaphore, #tpu.memory_space<semaphore_mem>>)
      %dma_wait3A = arith.constant 40 : i32
      %dma_wait3A_104 = arith.constant 0 : i32
      %dma_wait3A_105 = tpu.memref_slice %arg4[%add3A, %dma_wait3A, %dma_wait3A_104] : memref<32x80x128xi32, #tpu.memory_space<hbm>> -> memref<1x40x128xi32, #tpu.memory_space<hbm>>
      %dma_wait3A_106 = tpu.memref_squeeze %dma_wait3A_105 : memref<1x40x128xi32, #tpu.memory_space<hbm>> -> memref<40x128xi32, #tpu.memory_space<hbm>>
      %dma_wait3A_107 = arith.constant 40 : i32
      %dma_wait3A_108 = arith.constant 0 : i32
      %dma_wait3A_109 = tpu.memref_slice %arg4[%add3A, %dma_wait3A_107, %dma_wait3A_108] : memref<32x80x128xi32, #tpu.memory_space<hbm>> -> memref<1x40x128xi32, #tpu.memory_space<hbm>>
      %dma_wait3A_110 = tpu.memref_squeeze %dma_wait3A_109 : memref<1x40x128xi32, #tpu.memory_space<hbm>> -> memref<40x128xi32, #tpu.memory_space<hbm>>
      tpu.wait_dma2 semaphore(%run_scoped3A : memref<!tpu.dma_semaphore, #tpu.memory_space<semaphore_mem>>) src(%dma_wait3A_110 : memref<40x128xi32, #tpu.memory_space<hbm>>) dst(%arg7 : memref<40x128xi32, #tpu.memory_space<vmem>>)
      tpu.yield
    }) : () -> ()
    %gt3A_66 = arith.constant 0 : i32
    "tpu.trace_stop"() : () -> ()
    "tpu.trace_start"() <{level = 10 : i32, message = "edge_loop"}> : () -> ()
    %gt3A_67 = arith.cmpi sgt, %min3A_65, %gt3A_66 : i32
    %convert_element_type3A_68 = arith.extui %gt3A_67 : i1 to i32
    %cond3A_69 = arith.constant 0 : i32
    %cond3A_70 = arith.cmpi ne, %convert_element_type3A_68, %cond3A_69 : i32
    scf.if %cond3A_70 {
      %dma_start3A = arith.constant 0 : i32
      %dma_start3A_97 = arith.constant 0 : i32
      %dma_start3A_98 = tpu.memref_slice %arg6[%dma_start3A, %dma_start3A_97] : memref<40x128xi32, #tpu.memory_space<vmem>> -> memref<1x128xi32, #tpu.memory_space<vmem>>
      %dma_start3A_99 = tpu.memref_squeeze %dma_start3A_98 : memref<1x128xi32, #tpu.memory_space<vmem>> -> memref<128xi32, #tpu.memory_space<vmem>>
      %dma_start3A_100 = arith.constant 0 : i32
      %dma_start3A_101 = arith.constant 0 : i32
      %dma_start3A_102 = tpu.memref_slice %arg2[%dma_start3A_100, %dma_start3A_101] : memref<10240x128xf32, #tpu.memory_space<hbm>> -> memref<10240x128xf32, #tpu.memory_space<hbm>>
      tpu.enqueue_indirect_dma source(%dma_start3A_102 : memref<10240x128xf32, #tpu.memory_space<hbm>>) target(%arg8 : memref<128x128xf32, #tpu.memory_space<vmem>>) offsets(%dma_start3A_99 : memref<128xi32, #tpu.memory_space<vmem>>) semaphore(%arg11 : memref<!tpu.dma_semaphore, #tpu.memory_space<semaphore_mem>>)
      %dma_wait3A = arith.constant 0 : i32
      %dma_wait3A_103 = arith.constant 0 : i32
      %dma_wait3A_104 = tpu.memref_slice %arg6[%dma_wait3A, %dma_wait3A_103] : memref<40x128xi32, #tpu.memory_space<vmem>> -> memref<1x128xi32, #tpu.memory_space<vmem>>
      %dma_wait3A_105 = tpu.memref_squeeze %dma_wait3A_104 : memref<1x128xi32, #tpu.memory_space<vmem>> -> memref<128xi32, #tpu.memory_space<vmem>>
      %dma_wait3A_106 = arith.constant 0 : i32
      %dma_wait3A_107 = arith.constant 0 : i32
      %dma_wait3A_108 = tpu.memref_slice %arg2[%dma_wait3A_106, %dma_wait3A_107] : memref<10240x128xf32, #tpu.memory_space<hbm>> -> memref<10240x128xf32, #tpu.memory_space<hbm>>
      tpu.wait_indirect_dma semaphore(%arg11 : memref<!tpu.dma_semaphore, #tpu.memory_space<semaphore_mem>>) src(%dma_wait3A_108 : memref<10240x128xf32, #tpu.memory_space<hbm>>) dst(%arg8 : memref<128x128xf32, #tpu.memory_space<vmem>>)
      %dma_start3A_109 = arith.constant 0 : i32
      %dma_start3A_110 = arith.constant 0 : i32
      %dma_start3A_111 = tpu.memref_slice %arg7[%dma_start3A_109, %dma_start3A_110] : memref<40x128xi32, #tpu.memory_space<vmem>> -> memref<1x128xi32, #tpu.memory_space<vmem>>
      %dma_start3A_112 = tpu.memref_squeeze %dma_start3A_111 : memref<1x128xi32, #tpu.memory_space<vmem>> -> memref<128xi32, #tpu.memory_space<vmem>>
      %dma_start3A_113 = arith.constant 0 : i32
      %dma_start3A_114 = arith.constant 0 : i32
      %dma_start3A_115 = tpu.memref_slice %arg10[%dma_start3A_113, %dma_start3A_114] : memref<10240x128xf32, #tpu.memory_space<vmem_shared>> -> memref<10240x128xf32, #tpu.memory_space<vmem_shared>>
      tpu.enqueue_indirect_dma source(%arg8 : memref<128x128xf32, #tpu.memory_space<vmem>>) target(%dma_start3A_115 : memref<10240x128xf32, #tpu.memory_space<vmem_shared>>) offsets(%dma_start3A_112 : memref<128xi32, #tpu.memory_space<vmem>>) semaphore(%arg12 : memref<!tpu.dma_semaphore, #tpu.memory_space<semaphore_mem>>) {add = true}
    } else {
    }
    %gt3A_71 = arith.constant 1 : i32
    %gt3A_72 = arith.cmpi sgt, %min3A_65, %gt3A_71 : i32
    %convert_element_type3A_73 = arith.extui %gt3A_72 : i1 to i32
    %cond3A_74 = arith.constant 0 : i32
    %cond3A_75 = arith.cmpi ne, %convert_element_type3A_73, %cond3A_74 : i32
    scf.if %cond3A_75 {
      %dma_start3A = arith.constant 1 : i32
      %dma_start3A_97 = arith.constant 0 : i32
      %dma_start3A_98 = tpu.memref_slice %arg6[%dma_start3A, %dma_start3A_97] : memref<40x128xi32, #tpu.memory_space<vmem>> -> memref<1x128xi32, #tpu.memory_space<vmem>>
      %dma_start3A_99 = tpu.memref_squeeze %dma_start3A_98 : memref<1x128xi32, #tpu.memory_space<vmem>> -> memref<128xi32, #tpu.memory_space<vmem>>
      %dma_start3A_100 = arith.constant 0 : i32
      %dma_start3A_101 = arith.constant 0 : i32
      %dma_start3A_102 = tpu.memref_slice %arg2[%dma_start3A_100, %dma_start3A_101] : memref<10240x128xf32, #tpu.memory_space<hbm>> -> memref<10240x128xf32, #tpu.memory_space<hbm>>
      tpu.enqueue_indirect_dma source(%dma_start3A_102 : memref<10240x128xf32, #tpu.memory_space<hbm>>) target(%arg9 : memref<128x128xf32, #tpu.memory_space<vmem>>) offsets(%dma_start3A_99 : memref<128xi32, #tpu.memory_space<vmem>>) semaphore(%arg11 : memref<!tpu.dma_semaphore, #tpu.memory_space<semaphore_mem>>)
      %dma_wait3A = arith.constant 0 : i32
      %dma_wait3A_103 = arith.constant 0 : i32
      %dma_wait3A_104 = tpu.memref_slice %arg6[%dma_wait3A, %dma_wait3A_103] : memref<40x128xi32, #tpu.memory_space<vmem>> -> memref<1x128xi32, #tpu.memory_space<vmem>>
      %dma_wait3A_105 = tpu.memref_squeeze %dma_wait3A_104 : memref<1x128xi32, #tpu.memory_space<vmem>> -> memref<128xi32, #tpu.memory_space<vmem>>
      %dma_wait3A_106 = arith.constant 0 : i32
      %dma_wait3A_107 = arith.constant 0 : i32
      %dma_wait3A_108 = tpu.memref_slice %arg2[%dma_wait3A_106, %dma_wait3A_107] : memref<10240x128xf32, #tpu.memory_space<hbm>> -> memref<10240x128xf32, #tpu.memory_space<hbm>>
      tpu.wait_indirect_dma semaphore(%arg11 : memref<!tpu.dma_semaphore, #tpu.memory_space<semaphore_mem>>) src(%dma_wait3A_108 : memref<10240x128xf32, #tpu.memory_space<hbm>>) dst(%arg9 : memref<128x128xf32, #tpu.memory_space<vmem>>)
      %dma_start3A_109 = arith.constant 1 : i32
      %dma_start3A_110 = arith.constant 0 : i32
      %dma_start3A_111 = tpu.memref_slice %arg7[%dma_start3A_109, %dma_start3A_110] : memref<40x128xi32, #tpu.memory_space<vmem>> -> memref<1x128xi32, #tpu.memory_space<vmem>>
      %dma_start3A_112 = tpu.memref_squeeze %dma_start3A_111 : memref<1x128xi32, #tpu.memory_space<vmem>> -> memref<128xi32, #tpu.memory_space<vmem>>
      %dma_start3A_113 = arith.constant 0 : i32
      %dma_start3A_114 = arith.constant 0 : i32
      %dma_start3A_115 = tpu.memref_slice %arg10[%dma_start3A_113, %dma_start3A_114] : memref<10240x128xf32, #tpu.memory_space<vmem_shared>> -> memref<10240x128xf32, #tpu.memory_space<vmem_shared>>
      tpu.enqueue_indirect_dma source(%arg9 : memref<128x128xf32, #tpu.memory_space<vmem>>) target(%dma_start3A_115 : memref<10240x128xf32, #tpu.memory_space<vmem_shared>>) offsets(%dma_start3A_112 : memref<128xi32, #tpu.memory_space<vmem>>) semaphore(%arg12 : memref<!tpu.dma_semaphore, #tpu.memory_space<semaphore_mem>>) {add = true}
    } else {
    }
    %scan3A_76 = arith.constant 0 : i32
    %scan3A_77 = arith.constant 1 : i32
    %scan3A_78 = arith.constant 19 : i32
    %scan3A_79 = arith.addi %scan3A_77, %scan3A_78 : i32
    %scan3A_80 = arith.constant 1 : i32
    scf.for %scan3A_97 = %scan3A_77 to %scan3A_79 step %scan3A_80  : i32 {
      %mul3A_98 = arith.constant 2 : i32
      %mul3A_99 = arith.muli %mul3A_98, %scan3A_97 : i32
      %lt3A = arith.cmpi slt, %mul3A_99, %min3A_65 : i32
      %convert_element_type3A_100 = arith.extui %lt3A : i1 to i32
      %cond3A_101 = arith.constant 0 : i32
      %cond3A_102 = arith.cmpi ne, %convert_element_type3A_100, %cond3A_101 : i32
      scf.if %cond3A_102 {
        %dma_wait3A = arith.constant 0 : i32
        %dma_wait3A_109 = arith.constant 0 : i32
        %dma_wait3A_110 = tpu.memref_slice %arg7[%dma_wait3A, %dma_wait3A_109] : memref<40x128xi32, #tpu.memory_space<vmem>> -> memref<1x128xi32, #tpu.memory_space<vmem>>
        %dma_wait3A_111 = tpu.memref_squeeze %dma_wait3A_110 : memref<1x128xi32, #tpu.memory_space<vmem>> -> memref<128xi32, #tpu.memory_space<vmem>>
        %dma_wait3A_112 = arith.constant 0 : i32
        %dma_wait3A_113 = arith.constant 0 : i32
        %dma_wait3A_114 = tpu.memref_slice %arg10[%dma_wait3A_112, %dma_wait3A_113] : memref<10240x128xf32, #tpu.memory_space<vmem_shared>> -> memref<10240x128xf32, #tpu.memory_space<vmem_shared>>
        tpu.wait_indirect_dma semaphore(%arg12 : memref<!tpu.dma_semaphore, #tpu.memory_space<semaphore_mem>>) src(%arg8 : memref<128x128xf32, #tpu.memory_space<vmem>>) dst(%dma_wait3A_114 : memref<10240x128xf32, #tpu.memory_space<vmem_shared>>)
        %dma_start3A = arith.constant 0 : i32
        %dma_start3A_115 = tpu.memref_slice %arg6[%mul3A_99, %dma_start3A] : memref<40x128xi32, #tpu.memory_space<vmem>> -> memref<1x128xi32, #tpu.memory_space<vmem>>
        %dma_start3A_116 = tpu.memref_squeeze %dma_start3A_115 : memref<1x128xi32, #tpu.memory_space<vmem>> -> memref<128xi32, #tpu.memory_space<vmem>>
        %dma_start3A_117 = arith.constant 0 : i32
        %dma_start3A_118 = arith.constant 0 : i32
        %dma_start3A_119 = tpu.memref_slice %arg2[%dma_start3A_117, %dma_start3A_118] : memref<10240x128xf32, #tpu.memory_space<hbm>> -> memref<10240x128xf32, #tpu.memory_space<hbm>>
        tpu.enqueue_indirect_dma source(%dma_start3A_119 : memref<10240x128xf32, #tpu.memory_space<hbm>>) target(%arg8 : memref<128x128xf32, #tpu.memory_space<vmem>>) offsets(%dma_start3A_116 : memref<128xi32, #tpu.memory_space<vmem>>) semaphore(%arg11 : memref<!tpu.dma_semaphore, #tpu.memory_space<semaphore_mem>>)
        %dma_wait3A_120 = arith.constant 0 : i32
        %dma_wait3A_121 = arith.constant 0 : i32
        %dma_wait3A_122 = tpu.memref_slice %arg6[%dma_wait3A_120, %dma_wait3A_121] : memref<40x128xi32, #tpu.memory_space<vmem>> -> memref<1x128xi32, #tpu.memory_space<vmem>>
        %dma_wait3A_123 = tpu.memref_squeeze %dma_wait3A_122 : memref<1x128xi32, #tpu.memory_space<vmem>> -> memref<128xi32, #tpu.memory_space<vmem>>
        %dma_wait3A_124 = arith.constant 0 : i32
        %dma_wait3A_125 = arith.constant 0 : i32
        %dma_wait3A_126 = tpu.memref_slice %arg2[%dma_wait3A_124, %dma_wait3A_125] : memref<10240x128xf32, #tpu.memory_space<hbm>> -> memref<10240x128xf32, #tpu.memory_space<hbm>>
        tpu.wait_indirect_dma semaphore(%arg11 : memref<!tpu.dma_semaphore, #tpu.memory_space<semaphore_mem>>) src(%dma_wait3A_126 : memref<10240x128xf32, #tpu.memory_space<hbm>>) dst(%arg8 : memref<128x128xf32, #tpu.memory_space<vmem>>)
        %dma_start3A_127 = arith.constant 0 : i32
        %dma_start3A_128 = tpu.memref_slice %arg7[%mul3A_99, %dma_start3A_127] : memref<40x128xi32, #tpu.memory_space<vmem>> -> memref<1x128xi32, #tpu.memory_space<vmem>>
        %dma_start3A_129 = tpu.memref_squeeze %dma_start3A_128 : memref<1x128xi32, #tpu.memory_space<vmem>> -> memref<128xi32, #tpu.memory_space<vmem>>
        %dma_start3A_130 = arith.constant 0 : i32
        %dma_start3A_131 = arith.constant 0 : i32
        %dma_start3A_132 = tpu.memref_slice %arg10[%dma_start3A_130, %dma_start3A_131] : memref<10240x128xf32, #tpu.memory_space<vmem_shared>> -> memref<10240x128xf32, #tpu.memory_space<vmem_shared>>
        tpu.enqueue_indirect_dma source(%arg8 : memref<128x128xf32, #tpu.memory_space<vmem>>) target(%dma_start3A_132 : memref<10240x128xf32, #tpu.memory_space<vmem_shared>>) offsets(%dma_start3A_129 : memref<128xi32, #tpu.memory_space<vmem>>) semaphore(%arg12 : memref<!tpu.dma_semaphore, #tpu.memory_space<semaphore_mem>>) {add = true}
      } else {
      }
      %add3A_103 = arith.constant 1 : i32
      %add3A_104 = arith.addi %mul3A_99, %add3A_103 : i32
      %lt3A_105 = arith.cmpi slt, %add3A_104, %min3A_65 : i32
      %convert_element_type3A_106 = arith.extui %lt3A_105 : i1 to i32
      %cond3A_107 = arith.constant 0 : i32
      %cond3A_108 = arith.cmpi ne, %convert_element_type3A_106, %cond3A_107 : i32
      scf.if %cond3A_108 {
        %dma_wait3A = arith.constant 0 : i32
        %dma_wait3A_109 = arith.constant 0 : i32
        %dma_wait3A_110 = tpu.memref_slice %arg7[%dma_wait3A, %dma_wait3A_109] : memref<40x128xi32, #tpu.memory_space<vmem>> -> memref<1x128xi32, #tpu.memory_space<vmem>>
        %dma_wait3A_111 = tpu.memref_squeeze %dma_wait3A_110 : memref<1x128xi32, #tpu.memory_space<vmem>> -> memref<128xi32, #tpu.memory_space<vmem>>
        %dma_wait3A_112 = arith.constant 0 : i32
        %dma_wait3A_113 = arith.constant 0 : i32
        %dma_wait3A_114 = tpu.memref_slice %arg10[%dma_wait3A_112, %dma_wait3A_113] : memref<10240x128xf32, #tpu.memory_space<vmem_shared>> -> memref<10240x128xf32, #tpu.memory_space<vmem_shared>>
        tpu.wait_indirect_dma semaphore(%arg12 : memref<!tpu.dma_semaphore, #tpu.memory_space<semaphore_mem>>) src(%arg9 : memref<128x128xf32, #tpu.memory_space<vmem>>) dst(%dma_wait3A_114 : memref<10240x128xf32, #tpu.memory_space<vmem_shared>>)
        %add3A_115 = arith.constant 1 : i32
        %add3A_116 = arith.addi %mul3A_99, %add3A_115 : i32
        %dma_start3A = arith.constant 0 : i32
        %dma_start3A_117 = tpu.memref_slice %arg6[%add3A_116, %dma_start3A] : memref<40x128xi32, #tpu.memory_space<vmem>> -> memref<1x128xi32, #tpu.memory_space<vmem>>
        %dma_start3A_118 = tpu.memref_squeeze %dma_start3A_117 : memref<1x128xi32, #tpu.memory_space<vmem>> -> memref<128xi32, #tpu.memory_space<vmem>>
        %dma_start3A_119 = arith.constant 0 : i32
        %dma_start3A_120 = arith.constant 0 : i32
        %dma_start3A_121 = tpu.memref_slice %arg2[%dma_start3A_119, %dma_start3A_120] : memref<10240x128xf32, #tpu.memory_space<hbm>> -> memref<10240x128xf32, #tpu.memory_space<hbm>>
        tpu.enqueue_indirect_dma source(%dma_start3A_121 : memref<10240x128xf32, #tpu.memory_space<hbm>>) target(%arg9 : memref<128x128xf32, #tpu.memory_space<vmem>>) offsets(%dma_start3A_118 : memref<128xi32, #tpu.memory_space<vmem>>) semaphore(%arg11 : memref<!tpu.dma_semaphore, #tpu.memory_space<semaphore_mem>>)
        %dma_wait3A_122 = arith.constant 0 : i32
        %dma_wait3A_123 = arith.constant 0 : i32
        %dma_wait3A_124 = tpu.memref_slice %arg6[%dma_wait3A_122, %dma_wait3A_123] : memref<40x128xi32, #tpu.memory_space<vmem>> -> memref<1x128xi32, #tpu.memory_space<vmem>>
        %dma_wait3A_125 = tpu.memref_squeeze %dma_wait3A_124 : memref<1x128xi32, #tpu.memory_space<vmem>> -> memref<128xi32, #tpu.memory_space<vmem>>
        %dma_wait3A_126 = arith.constant 0 : i32
        %dma_wait3A_127 = arith.constant 0 : i32
        %dma_wait3A_128 = tpu.memref_slice %arg2[%dma_wait3A_126, %dma_wait3A_127] : memref<10240x128xf32, #tpu.memory_space<hbm>> -> memref<10240x128xf32, #tpu.memory_space<hbm>>
        tpu.wait_indirect_dma semaphore(%arg11 : memref<!tpu.dma_semaphore, #tpu.memory_space<semaphore_mem>>) src(%dma_wait3A_128 : memref<10240x128xf32, #tpu.memory_space<hbm>>) dst(%arg9 : memref<128x128xf32, #tpu.memory_space<vmem>>)
        %add3A_129 = arith.constant 1 : i32
        %add3A_130 = arith.addi %mul3A_99, %add3A_129 : i32
        %dma_start3A_131 = arith.constant 0 : i32
        %dma_start3A_132 = tpu.memref_slice %arg7[%add3A_130, %dma_start3A_131] : memref<40x128xi32, #tpu.memory_space<vmem>> -> memref<1x128xi32, #tpu.memory_space<vmem>>
        %dma_start3A_133 = tpu.memref_squeeze %dma_start3A_132 : memref<1x128xi32, #tpu.memory_space<vmem>> -> memref<128xi32, #tpu.memory_space<vmem>>
        %dma_start3A_134 = arith.constant 0 : i32
        %dma_start3A_135 = arith.constant 0 : i32
        %dma_start3A_136 = tpu.memref_slice %arg10[%dma_start3A_134, %dma_start3A_135] : memref<10240x128xf32, #tpu.memory_space<vmem_shared>> -> memref<10240x128xf32, #tpu.memory_space<vmem_shared>>
        tpu.enqueue_indirect_dma source(%arg9 : memref<128x128xf32, #tpu.memory_space<vmem>>) target(%dma_start3A_136 : memref<10240x128xf32, #tpu.memory_space<vmem_shared>>) offsets(%dma_start3A_133 : memref<128xi32, #tpu.memory_space<vmem>>) semaphore(%arg12 : memref<!tpu.dma_semaphore, #tpu.memory_space<semaphore_mem>>) {add = true}
      } else {
      }
    }
    %scan3A_81 = arith.constant 19 : i32
    %gt3A_82 = arith.constant 0 : i32
    %gt3A_83 = arith.cmpi sgt, %min3A_65, %gt3A_82 : i32
    %convert_element_type3A_84 = arith.extui %gt3A_83 : i1 to i32
    %cond3A_85 = arith.constant 0 : i32
    %cond3A_86 = arith.cmpi ne, %convert_element_type3A_84, %cond3A_85 : i32
    scf.if %cond3A_86 {
      %dma_wait3A = arith.constant 0 : i32
      %dma_wait3A_97 = arith.constant 0 : i32
      %dma_wait3A_98 = tpu.memref_slice %arg7[%dma_wait3A, %dma_wait3A_97] : memref<40x128xi32, #tpu.memory_space<vmem>> -> memref<1x128xi32, #tpu.memory_space<vmem>>
      %dma_wait3A_99 = tpu.memref_squeeze %dma_wait3A_98 : memref<1x128xi32, #tpu.memory_space<vmem>> -> memref<128xi32, #tpu.memory_space<vmem>>
      %dma_wait3A_100 = arith.constant 0 : i32
      %dma_wait3A_101 = arith.constant 0 : i32
      %dma_wait3A_102 = tpu.memref_slice %arg10[%dma_wait3A_100, %dma_wait3A_101] : memref<10240x128xf32, #tpu.memory_space<vmem_shared>> -> memref<10240x128xf32, #tpu.memory_space<vmem_shared>>
      tpu.wait_indirect_dma semaphore(%arg12 : memref<!tpu.dma_semaphore, #tpu.memory_space<semaphore_mem>>) src(%arg8 : memref<128x128xf32, #tpu.memory_space<vmem>>) dst(%dma_wait3A_102 : memref<10240x128xf32, #tpu.memory_space<vmem_shared>>)
    } else {
    }
    %gt3A_87 = arith.constant 1 : i32
    %gt3A_88 = arith.cmpi sgt, %min3A_65, %gt3A_87 : i32
    %convert_element_type3A_89 = arith.extui %gt3A_88 : i1 to i32
    %cond3A_90 = arith.constant 0 : i32
    %cond3A_91 = arith.cmpi ne, %convert_element_type3A_89, %cond3A_90 : i32
    scf.if %cond3A_91 {
      %dma_wait3A = arith.constant 0 : i32
      %dma_wait3A_97 = arith.constant 0 : i32
      %dma_wait3A_98 = tpu.memref_slice %arg7[%dma_wait3A, %dma_wait3A_97] : memref<40x128xi32, #tpu.memory_space<vmem>> -> memref<1x128xi32, #tpu.memory_space<vmem>>
      %dma_wait3A_99 = tpu.memref_squeeze %dma_wait3A_98 : memref<1x128xi32, #tpu.memory_space<vmem>> -> memref<128xi32, #tpu.memory_space<vmem>>
      %dma_wait3A_100 = arith.constant 0 : i32
      %dma_wait3A_101 = arith.constant 0 : i32
      %dma_wait3A_102 = tpu.memref_slice %arg10[%dma_wait3A_100, %dma_wait3A_101] : memref<10240x128xf32, #tpu.memory_space<vmem_shared>> -> memref<10240x128xf32, #tpu.memory_space<vmem_shared>>
      tpu.wait_indirect_dma semaphore(%arg12 : memref<!tpu.dma_semaphore, #tpu.memory_space<semaphore_mem>>) src(%arg9 : memref<128x128xf32, #tpu.memory_space<vmem>>) dst(%dma_wait3A_102 : memref<10240x128xf32, #tpu.memory_space<vmem_shared>>)
    } else {
    }
    "tpu.trace_stop"() : () -> ()
    "tpu.trace_start"() <{level = 10 : i32, message = "writeout"}> : () -> ()
    %barrier3A_92 = arith.constant 0 : index
    tpu.barrier barrier_id(%barrier3A_92)
    %mul3A_93 = arith.constant 640 : i32
    %mul3A_94 = arith.muli %arg1, %mul3A_93 : i32
    %mul3A_95 = arith.constant 640 : i32
    %mul3A_96 = arith.muli %arg1, %mul3A_95 : i32
    "tpu.region"() ({
      %run_scoped3A = tpu.sem_alloc : memref<!tpu.dma_semaphore, #tpu.memory_space<semaphore_mem>>
      %dma_start3A = arith.constant 0 : i32
      %dma_start3A_97 = tpu.memref_slice %arg5[%arg0, %mul3A_96, %dma_start3A] : memref<2x10240x128xf32, #tpu.memory_space<hbm>> -> memref<1x640x128xf32, #tpu.memory_space<hbm>>
      %dma_start3A_98 = tpu.memref_squeeze %dma_start3A_97 : memref<1x640x128xf32, #tpu.memory_space<hbm>> -> memref<640x128xf32, #tpu.memory_space<hbm>>
      %dma_start3A_99 = arith.constant 0 : i32
      %dma_start3A_100 = tpu.memref_slice %arg10[%mul3A_94, %dma_start3A_99] : memref<10240x128xf32, #tpu.memory_space<vmem_shared>> -> memref<640x128xf32, #tpu.memory_space<vmem_shared>>
      tpu.enqueue_dma source(%dma_start3A_100 : memref<640x128xf32, #tpu.memory_space<vmem_shared>>) target(%dma_start3A_98 : memref<640x128xf32, #tpu.memory_space<hbm>>) target_semaphore(%run_scoped3A : memref<!tpu.dma_semaphore, #tpu.memory_space<semaphore_mem>>)
      %dma_wait3A = arith.constant 0 : i32
      %dma_wait3A_101 = tpu.memref_slice %arg5[%arg0, %mul3A_96, %dma_wait3A] : memref<2x10240x128xf32, #tpu.memory_space<hbm>> -> memref<1x640x128xf32, #tpu.memory_space<hbm>>
      %dma_wait3A_102 = tpu.memref_squeeze %dma_wait3A_101 : memref<1x640x128xf32, #tpu.memory_space<hbm>> -> memref<640x128xf32, #tpu.memory_space<hbm>>
      %dma_wait3A_103 = arith.constant 0 : i32
      %dma_wait3A_104 = tpu.memref_slice %arg10[%mul3A_94, %dma_wait3A_103] : memref<10240x128xf32, #tpu.memory_space<vmem_shared>> -> memref<640x128xf32, #tpu.memory_space<vmem_shared>>
      tpu.wait_dma2 semaphore(%run_scoped3A : memref<!tpu.dma_semaphore, #tpu.memory_space<semaphore_mem>>) src(%dma_wait3A_104 : memref<640x128xf32, #tpu.memory_space<vmem_shared>>) dst(%dma_wait3A_102 : memref<640x128xf32, #tpu.memory_space<hbm>>)
      tpu.yield
    }) : () -> ()
    "tpu.trace_stop"() : () -> ()
    return
  }
}

#map = affine_map<(d0, d1) -> (0, 0)>
#map1 = affine_map<(d0, d1) -> (0, 0, 0)>
module attributes {stable_mosaic.version = 14 : i64} {
  func.func @scat(%arg0: i32, %arg1: i32, %arg2: memref<10240x128xf32, #tpu.memory_space<hbm>>, %arg3: memref<32x80x128xi32, #tpu.memory_space<hbm>>, %arg4: memref<32x80x128xi32, #tpu.memory_space<hbm>>, %arg5: memref<2x10240x128xf32, #tpu.memory_space<hbm>>, %arg6: memref<40x128xi32, #tpu.memory_space<vmem>>, %arg7: memref<40x128xi32, #tpu.memory_space<vmem>>, %arg8: memref<128x128xf32, #tpu.memory_space<vmem>>, %arg9: memref<128x128xf32, #tpu.memory_space<vmem>>, %arg10: memref<10240x128xf32, #tpu.memory_space<vmem_shared>>, %arg11: memref<!tpu.dma_semaphore, #tpu.memory_space<semaphore_mem>>, %arg12: memref<!tpu.dma_semaphore, #tpu.memory_space<semaphore_mem>>) attributes {dimension_semantics = [#tpu.dimension_semantics<core_parallel>, #tpu.dimension_semantics<subcore_parallel>], iteration_bounds = array<i64: 2, 16>, scalar_prefetch = 0 : i64, scratch_operands = 7 : i64, tpu.core_type = #tpu.core_type<sc_vector_subcore>, window_params = [{transform_indices = #map}, {transform_indices = #map1}, {transform_indices = #map1}, {transform_indices = #map1}]} {
    %mul3A = arith.constant 2 : i32
    %mul3A_0 = arith.muli %arg1, %mul3A : i32
    %add3A = arith.addi %mul3A_0, %arg0 : i32
    %mul3A_1 = arith.constant 80 : i32
    %mul3A_2 = arith.muli %add3A, %mul3A_1 : i32
    %sub3A = arith.constant 2500 : i32
    %sub3A_3 = arith.subi %sub3A, %mul3A_2 : i32
    %jit3A = arith.constant 0 : i32
    %jit3A_4 = arith.constant 80 : i32
    %max3A = arith.maxsi %jit3A, %sub3A_3 : i32
    %min3A = arith.minsi %jit3A_4, %max3A : i32
    %broadcast_in_dim3A = arith.constant 0.000000e+00 : f32
    %broadcast_in_dim3A_5 = vector.broadcast %broadcast_in_dim3A : f32 to vector<16xf32>
    "tpu.trace_start"() <{level = 10 : i32, message = "acc_zero"}> : () -> ()
    %scan3A = arith.constant 0 : i32
    %scan3A_6 = arith.constant 0 : i32
    %scan3A_7 = arith.constant 128 : i32
    %scan3A_8 = arith.addi %scan3A_6, %scan3A_7 : i32
    %scan3A_9 = arith.constant 1 : i32
    scf.for %scan3A_97 = %scan3A_6 to %scan3A_8 step %scan3A_9  : i32 {
      %swap3A = arith.index_cast %scan3A_97 : i32 to index
      %swap3A_98 = arith.constant 0 : index
      %swap3A_99 = tpu.vector_load %arg8[%swap3A, %swap3A_98] {strides = array<i32>} : memref<128x128xf32, #tpu.memory_space<vmem>>, vector<1x16xf32>,
      %swap3A_100 = vector.shape_cast %swap3A_99 : vector<1x16xf32> to vector<16xf32>
      %swap3A_101 = vector.shape_cast %broadcast_in_dim3A_5 : vector<16xf32> to vector<1x16xf32>
      tpu.vector_store %arg8[%swap3A, %swap3A_98], %swap3A_101 {strides = array<i32>} : memref<128x128xf32, #tpu.memory_space<vmem>>, vector<1x16xf32>,
      %swap3A_102 = arith.index_cast %scan3A_97 : i32 to index
      %swap3A_103 = arith.constant 16 : index
      %swap3A_104 = tpu.vector_load %arg8[%swap3A_102, %swap3A_103] {strides = array<i32>} : memref<128x128xf32, #tpu.memory_space<vmem>>, vector<1x16xf32>,
      %swap3A_105 = vector.shape_cast %swap3A_104 : vector<1x16xf32> to vector<16xf32>
      %swap3A_106 = vector.shape_cast %broadcast_in_dim3A_5 : vector<16xf32> to vector<1x16xf32>
      tpu.vector_store %arg8[%swap3A_102, %swap3A_103], %swap3A_106 {strides = array<i32>} : memref<128x128xf32, #tpu.memory_space<vmem>>, vector<1x16xf32>,
      %swap3A_107 = arith.index_cast %scan3A_97 : i32 to index
      %swap3A_108 = arith.constant 32 : index
      %swap3A_109 = tpu.vector_load %arg8[%swap3A_107, %swap3A_108] {strides = array<i32>} : memref<128x128xf32, #tpu.memory_space<vmem>>, vector<1x16xf32>,
      %swap3A_110 = vector.shape_cast %swap3A_109 : vector<1x16xf32> to vector<16xf32>
      %swap3A_111 = vector.shape_cast %broadcast_in_dim3A_5 : vector<16xf32> to vector<1x16xf32>
      tpu.vector_store %arg8[%swap3A_107, %swap3A_108], %swap3A_111 {strides = array<i32>} : memref<128x128xf32, #tpu.memory_space<vmem>>, vector<1x16xf32>,
      %swap3A_112 = arith.index_cast %scan3A_97 : i32 to index
      %swap3A_113 = arith.constant 48 : index
      %swap3A_114 = tpu.vector_load %arg8[%swap3A_112, %swap3A_113] {strides = array<i32>} : memref<128x128xf32, #tpu.memory_space<vmem>>, vector<1x16xf32>,
      %swap3A_115 = vector.shape_cast %swap3A_114 : vector<1x16xf32> to vector<16xf32>
      %swap3A_116 = vector.shape_cast %broadcast_in_dim3A_5 : vector<16xf32> to vector<1x16xf32>
      tpu.vector_store %arg8[%swap3A_112, %swap3A_113], %swap3A_116 {strides = array<i32>} : memref<128x128xf32, #tpu.memory_space<vmem>>, vector<1x16xf32>,
      %swap3A_117 = arith.index_cast %scan3A_97 : i32 to index
      %swap3A_118 = arith.constant 64 : index
      %swap3A_119 = tpu.vector_load %arg8[%swap3A_117, %swap3A_118] {strides = array<i32>} : memref<128x128xf32, #tpu.memory_space<vmem>>, vector<1x16xf32>,
      %swap3A_120 = vector.shape_cast %swap3A_119 : vector<1x16xf32> to vector<16xf32>
      %swap3A_121 = vector.shape_cast %broadcast_in_dim3A_5 : vector<16xf32> to vector<1x16xf32>
      tpu.vector_store %arg8[%swap3A_117, %swap3A_118], %swap3A_121 {strides = array<i32>} : memref<128x128xf32, #tpu.memory_space<vmem>>, vector<1x16xf32>,
      %swap3A_122 = arith.index_cast %scan3A_97 : i32 to index
      %swap3A_123 = arith.constant 80 : index
      %swap3A_124 = tpu.vector_load %arg8[%swap3A_122, %swap3A_123] {strides = array<i32>} : memref<128x128xf32, #tpu.memory_space<vmem>>, vector<1x16xf32>,
      %swap3A_125 = vector.shape_cast %swap3A_124 : vector<1x16xf32> to vector<16xf32>
      %swap3A_126 = vector.shape_cast %broadcast_in_dim3A_5 : vector<16xf32> to vector<1x16xf32>
      tpu.vector_store %arg8[%swap3A_122, %swap3A_123], %swap3A_126 {strides = array<i32>} : memref<128x128xf32, #tpu.memory_space<vmem>>, vector<1x16xf32>,
      %swap3A_127 = arith.index_cast %scan3A_97 : i32 to index
      %swap3A_128 = arith.constant 96 : index
      %swap3A_129 = tpu.vector_load %arg8[%swap3A_127, %swap3A_128] {strides = array<i32>} : memref<128x128xf32, #tpu.memory_space<vmem>>, vector<1x16xf32>,
      %swap3A_130 = vector.shape_cast %swap3A_129 : vector<1x16xf32> to vector<16xf32>
      %swap3A_131 = vector.shape_cast %broadcast_in_dim3A_5 : vector<16xf32> to vector<1x16xf32>
      tpu.vector_store %arg8[%swap3A_127, %swap3A_128], %swap3A_131 {strides = array<i32>} : memref<128x128xf32, #tpu.memory_space<vmem>>, vector<1x16xf32>,
      %swap3A_132 = arith.index_cast %scan3A_97 : i32 to index
      %swap3A_133 = arith.constant 112 : index
      %swap3A_134 = tpu.vector_load %arg8[%swap3A_132, %swap3A_133] {strides = array<i32>} : memref<128x128xf32, #tpu.memory_space<vmem>>, vector<1x16xf32>,
      %swap3A_135 = vector.shape_cast %swap3A_134 : vector<1x16xf32> to vector<16xf32>
      %swap3A_136 = vector.shape_cast %broadcast_in_dim3A_5 : vector<16xf32> to vector<1x16xf32>
      tpu.vector_store %arg8[%swap3A_132, %swap3A_133], %swap3A_136 {strides = array<i32>} : memref<128x128xf32, #tpu.memory_space<vmem>>, vector<1x16xf32>,
    }
    %scan3A_10 = arith.constant 128 : i32
    %mul3A_11 = arith.constant 640 : i32
    %mul3A_12 = arith.muli %arg1, %mul3A_11 : i32
    %add3A_13 = arith.constant 0 : i32
    %add3A_14 = arith.addi %mul3A_12, %add3A_13 : i32
    "tpu.region"() ({
      %run_scoped3A = tpu.sem_alloc : memref<!tpu.dma_semaphore, #tpu.memory_space<semaphore_mem>>
      %dma_start3A = arith.constant 0 : i32
      %dma_start3A_97 = tpu.memref_slice %arg10[%add3A_14, %dma_start3A] : memref<10240x128xf32, #tpu.memory_space<vmem_shared>> -> memref<128x128xf32, #tpu.memory_space<vmem_shared>>
      %dma_start3A_98 = arith.constant 0 : i32
      %dma_start3A_99 = tpu.memref_slice %arg10[%add3A_14, %dma_start3A_98] : memref<10240x128xf32, #tpu.memory_space<vmem_shared>> -> memref<128x128xf32, #tpu.memory_space<vmem_shared>>
      tpu.enqueue_dma source(%arg8 : memref<128x128xf32, #tpu.memory_space<vmem>>) target(%dma_start3A_99 : memref<128x128xf32, #tpu.memory_space<vmem_shared>>) target_semaphore(%run_scoped3A : memref<!tpu.dma_semaphore, #tpu.memory_space<semaphore_mem>>)
      %dma_wait3A = arith.constant 0 : i32
      %dma_wait3A_100 = tpu.memref_slice %arg10[%add3A_14, %dma_wait3A] : memref<10240x128xf32, #tpu.memory_space<vmem_shared>> -> memref<128x128xf32, #tpu.memory_space<vmem_shared>>
      %dma_wait3A_101 = arith.constant 0 : i32
      %dma_wait3A_102 = tpu.memref_slice %arg10[%add3A_14, %dma_wait3A_101] : memref<10240x128xf32, #tpu.memory_space<vmem_shared>> -> memref<128x128xf32, #tpu.memory_space<vmem_shared>>
      tpu.wait_dma2 semaphore(%run_scoped3A : memref<!tpu.dma_semaphore, #tpu.memory_space<semaphore_mem>>) src(%arg8 : memref<128x128xf32, #tpu.memory_space<vmem>>) dst(%dma_wait3A_102 : memref<128x128xf32, #tpu.memory_space<vmem_shared>>)
      tpu.yield
    }) : () -> ()
    %mul3A_15 = arith.constant 640 : i32
    %mul3A_16 = arith.muli %arg1, %mul3A_15 : i32
    %add3A_17 = arith.constant 128 : i32
    %add3A_18 = arith.addi %mul3A_16, %add3A_17 : i32
    "tpu.region"() ({
      %run_scoped3A = tpu.sem_alloc : memref<!tpu.dma_semaphore, #tpu.memory_space<semaphore_mem>>
      %dma_start3A = arith.constant 0 : i32
      %dma_start3A_97 = tpu.memref_slice %arg10[%add3A_18, %dma_start3A] : memref<10240x128xf32, #tpu.memory_space<vmem_shared>> -> memref<128x128xf32, #tpu.memory_space<vmem_shared>>
      %dma_start3A_98 = arith.constant 0 : i32
      %dma_start3A_99 = tpu.memref_slice %arg10[%add3A_18, %dma_start3A_98] : memref<10240x128xf32, #tpu.memory_space<vmem_shared>> -> memref<128x128xf32, #tpu.memory_space<vmem_shared>>
      tpu.enqueue_dma source(%arg8 : memref<128x128xf32, #tpu.memory_space<vmem>>) target(%dma_start3A_99 : memref<128x128xf32, #tpu.memory_space<vmem_shared>>) target_semaphore(%run_scoped3A : memref<!tpu.dma_semaphore, #tpu.memory_space<semaphore_mem>>)
      %dma_wait3A = arith.constant 0 : i32
      %dma_wait3A_100 = tpu.memref_slice %arg10[%add3A_18, %dma_wait3A] : memref<10240x128xf32, #tpu.memory_space<vmem_shared>> -> memref<128x128xf32, #tpu.memory_space<vmem_shared>>
      %dma_wait3A_101 = arith.constant 0 : i32
      %dma_wait3A_102 = tpu.memref_slice %arg10[%add3A_18, %dma_wait3A_101] : memref<10240x128xf32, #tpu.memory_space<vmem_shared>> -> memref<128x128xf32, #tpu.memory_space<vmem_shared>>
      tpu.wait_dma2 semaphore(%run_scoped3A : memref<!tpu.dma_semaphore, #tpu.memory_space<semaphore_mem>>) src(%arg8 : memref<128x128xf32, #tpu.memory_space<vmem>>) dst(%dma_wait3A_102 : memref<128x128xf32, #tpu.memory_space<vmem_shared>>)
      tpu.yield
    }) : () -> ()
    %mul3A_19 = arith.constant 640 : i32
    %mul3A_20 = arith.muli %arg1, %mul3A_19 : i32
    %add3A_21 = arith.constant 256 : i32
    %add3A_22 = arith.addi %mul3A_20, %add3A_21 : i32
    "tpu.region"() ({
      %run_scoped3A = tpu.sem_alloc : memref<!tpu.dma_semaphore, #tpu.memory_space<semaphore_mem>>
      %dma_start3A = arith.constant 0 : i32
      %dma_start3A_97 = tpu.memref_slice %arg10[%add3A_22, %dma_start3A] : memref<10240x128xf32, #tpu.memory_space<vmem_shared>> -> memref<128x128xf32, #tpu.memory_space<vmem_shared>>
      %dma_start3A_98 = arith.constant 0 : i32
      %dma_start3A_99 = tpu.memref_slice %arg10[%add3A_22, %dma_start3A_98] : memref<10240x128xf32, #tpu.memory_space<vmem_shared>> -> memref<128x128xf32, #tpu.memory_space<vmem_shared>>
      tpu.enqueue_dma source(%arg8 : memref<128x128xf32, #tpu.memory_space<vmem>>) target(%dma_start3A_99 : memref<128x128xf32, #tpu.memory_space<vmem_shared>>) target_semaphore(%run_scoped3A : memref<!tpu.dma_semaphore, #tpu.memory_space<semaphore_mem>>)
      %dma_wait3A = arith.constant 0 : i32
      %dma_wait3A_100 = tpu.memref_slice %arg10[%add3A_22, %dma_wait3A] : memref<10240x128xf32, #tpu.memory_space<vmem_shared>> -> memref<128x128xf32, #tpu.memory_space<vmem_shared>>
      %dma_wait3A_101 = arith.constant 0 : i32
      %dma_wait3A_102 = tpu.memref_slice %arg10[%add3A_22, %dma_wait3A_101] : memref<10240x128xf32, #tpu.memory_space<vmem_shared>> -> memref<128x128xf32, #tpu.memory_space<vmem_shared>>
      tpu.wait_dma2 semaphore(%run_scoped3A : memref<!tpu.dma_semaphore, #tpu.memory_space<semaphore_mem>>) src(%arg8 : memref<128x128xf32, #tpu.memory_space<vmem>>) dst(%dma_wait3A_102 : memref<128x128xf32, #tpu.memory_space<vmem_shared>>)
      tpu.yield
    }) : () -> ()
    %mul3A_23 = arith.constant 640 : i32
    %mul3A_24 = arith.muli %arg1, %mul3A_23 : i32
    %add3A_25 = arith.constant 384 : i32
    %add3A_26 = arith.addi %mul3A_24, %add3A_25 : i32
    "tpu.region"() ({
      %run_scoped3A = tpu.sem_alloc : memref<!tpu.dma_semaphore, #tpu.memory_space<semaphore_mem>>
      %dma_start3A = arith.constant 0 : i32
      %dma_start3A_97 = tpu.memref_slice %arg10[%add3A_26, %dma_start3A] : memref<10240x128xf32, #tpu.memory_space<vmem_shared>> -> memref<128x128xf32, #tpu.memory_space<vmem_shared>>
      %dma_start3A_98 = arith.constant 0 : i32
      %dma_start3A_99 = tpu.memref_slice %arg10[%add3A_26, %dma_start3A_98] : memref<10240x128xf32, #tpu.memory_space<vmem_shared>> -> memref<128x128xf32, #tpu.memory_space<vmem_shared>>
      tpu.enqueue_dma source(%arg8 : memref<128x128xf32, #tpu.memory_space<vmem>>) target(%dma_start3A_99 : memref<128x128xf32, #tpu.memory_space<vmem_shared>>) target_semaphore(%run_scoped3A : memref<!tpu.dma_semaphore, #tpu.memory_space<semaphore_mem>>)
      %dma_wait3A = arith.constant 0 : i32
      %dma_wait3A_100 = tpu.memref_slice %arg10[%add3A_26, %dma_wait3A] : memref<10240x128xf32, #tpu.memory_space<vmem_shared>> -> memref<128x128xf32, #tpu.memory_space<vmem_shared>>
      %dma_wait3A_101 = arith.constant 0 : i32
      %dma_wait3A_102 = tpu.memref_slice %arg10[%add3A_26, %dma_wait3A_101] : memref<10240x128xf32, #tpu.memory_space<vmem_shared>> -> memref<128x128xf32, #tpu.memory_space<vmem_shared>>
      tpu.wait_dma2 semaphore(%run_scoped3A : memref<!tpu.dma_semaphore, #tpu.memory_space<semaphore_mem>>) src(%arg8 : memref<128x128xf32, #tpu.memory_space<vmem>>) dst(%dma_wait3A_102 : memref<128x128xf32, #tpu.memory_space<vmem_shared>>)
      tpu.yield
    }) : () -> ()
    %mul3A_27 = arith.constant 640 : i32
    %mul3A_28 = arith.muli %arg1, %mul3A_27 : i32
    %add3A_29 = arith.constant 512 : i32
    %add3A_30 = arith.addi %mul3A_28, %add3A_29 : i32
    "tpu.region"() ({
      %run_scoped3A = tpu.sem_alloc : memref<!tpu.dma_semaphore, #tpu.memory_space<semaphore_mem>>
      %dma_start3A = arith.constant 0 : i32
      %dma_start3A_97 = tpu.memref_slice %arg10[%add3A_30, %dma_start3A] : memref<10240x128xf32, #tpu.memory_space<vmem_shared>> -> memref<128x128xf32, #tpu.memory_space<vmem_shared>>
      %dma_start3A_98 = arith.constant 0 : i32
      %dma_start3A_99 = tpu.memref_slice %arg10[%add3A_30, %dma_start3A_98] : memref<10240x128xf32, #tpu.memory_space<vmem_shared>> -> memref<128x128xf32, #tpu.memory_space<vmem_shared>>
      tpu.enqueue_dma source(%arg8 : memref<128x128xf32, #tpu.memory_space<vmem>>) target(%dma_start3A_99 : memref<128x128xf32, #tpu.memory_space<vmem_shared>>) target_semaphore(%run_scoped3A : memref<!tpu.dma_semaphore, #tpu.memory_space<semaphore_mem>>)
      %dma_wait3A = arith.constant 0 : i32
      %dma_wait3A_100 = tpu.memref_slice %arg10[%add3A_30, %dma_wait3A] : memref<10240x128xf32, #tpu.memory_space<vmem_shared>> -> memref<128x128xf32, #tpu.memory_space<vmem_shared>>
      %dma_wait3A_101 = arith.constant 0 : i32
      %dma_wait3A_102 = tpu.memref_slice %arg10[%add3A_30, %dma_wait3A_101] : memref<10240x128xf32, #tpu.memory_space<vmem_shared>> -> memref<128x128xf32, #tpu.memory_space<vmem_shared>>
      tpu.wait_dma2 semaphore(%run_scoped3A : memref<!tpu.dma_semaphore, #tpu.memory_space<semaphore_mem>>) src(%arg8 : memref<128x128xf32, #tpu.memory_space<vmem>>) dst(%dma_wait3A_102 : memref<128x128xf32, #tpu.memory_space<vmem_shared>>)
      tpu.yield
    }) : () -> ()
    %barrier3A = arith.constant 0 : index
    tpu.barrier barrier_id(%barrier3A)
    "tpu.trace_stop"() : () -> ()
    %sub3A_31 = arith.constant 0 : i32
    %sub3A_32 = arith.subi %min3A, %sub3A_31 : i32
    %jit3A_33 = arith.constant 0 : i32
    %jit3A_34 = arith.constant 40 : i32
    %max3A_35 = arith.maxsi %jit3A_33, %sub3A_32 : i32
    %min3A_36 = arith.minsi %jit3A_34, %max3A_35 : i32
    "tpu.trace_start"() <{level = 10 : i32, message = "idx_load"}> : () -> ()
    "tpu.region"() ({
      %run_scoped3A = tpu.sem_alloc : memref<!tpu.dma_semaphore, #tpu.memory_space<semaphore_mem>>
      %dma_start3A = arith.constant 0 : i32
      %dma_start3A_97 = arith.constant 0 : i32
      %dma_start3A_98 = tpu.memref_slice %arg3[%add3A, %dma_start3A, %dma_start3A_97] : memref<32x80x128xi32, #tpu.memory_space<hbm>> -> memref<1x40x128xi32, #tpu.memory_space<hbm>>
      %dma_start3A_99 = tpu.memref_squeeze %dma_start3A_98 : memref<1x40x128xi32, #tpu.memory_space<hbm>> -> memref<40x128xi32, #tpu.memory_space<hbm>>
      %dma_start3A_100 = arith.constant 0 : i32
      %dma_start3A_101 = arith.constant 0 : i32
      %dma_start3A_102 = tpu.memref_slice %arg3[%add3A, %dma_start3A_100, %dma_start3A_101] : memref<32x80x128xi32, #tpu.memory_space<hbm>> -> memref<1x40x128xi32, #tpu.memory_space<hbm>>
      %dma_start3A_103 = tpu.memref_squeeze %dma_start3A_102 : memref<1x40x128xi32, #tpu.memory_space<hbm>> -> memref<40x128xi32, #tpu.memory_space<hbm>>
      tpu.enqueue_dma source(%dma_start3A_103 : memref<40x128xi32, #tpu.memory_space<hbm>>) target(%arg6 : memref<40x128xi32, #tpu.memory_space<vmem>>) target_semaphore(%run_scoped3A : memref<!tpu.dma_semaphore, #tpu.memory_space<semaphore_mem>>)
      %dma_wait3A = arith.constant 0 : i32
      %dma_wait3A_104 = arith.constant 0 : i32
      %dma_wait3A_105 = tpu.memref_slice %arg3[%add3A, %dma_wait3A, %dma_wait3A_104] : memref<32x80x128xi32, #tpu.memory_space<hbm>> -> memref<1x40x128xi32, #tpu.memory_space<hbm>>
      %dma_wait3A_106 = tpu.memref_squeeze %dma_wait3A_105 : memref<1x40x128xi32, #tpu.memory_space<hbm>> -> memref<40x128xi32, #tpu.memory_space<hbm>>
      %dma_wait3A_107 = arith.constant 0 : i32
      %dma_wait3A_108 = arith.constant 0 : i32
      %dma_wait3A_109 = tpu.memref_slice %arg3[%add3A, %dma_wait3A_107, %dma_wait3A_108] : memref<32x80x128xi32, #tpu.memory_space<hbm>> -> memref<1x40x128xi32, #tpu.memory_space<hbm>>
      %dma_wait3A_110 = tpu.memref_squeeze %dma_wait3A_109 : memref<1x40x128xi32, #tpu.memory_space<hbm>> -> memref<40x128xi32, #tpu.memory_space<hbm>>
      tpu.wait_dma2 semaphore(%run_scoped3A : memref<!tpu.dma_semaphore, #tpu.memory_space<semaphore_mem>>) src(%dma_wait3A_110 : memref<40x128xi32, #tpu.memory_space<hbm>>) dst(%arg6 : memref<40x128xi32, #tpu.memory_space<vmem>>)
      tpu.yield
    }) : () -> ()
    "tpu.region"() ({
      %run_scoped3A = tpu.sem_alloc : memref<!tpu.dma_semaphore, #tpu.memory_space<semaphore_mem>>
      %dma_start3A = arith.constant 0 : i32
      %dma_start3A_97 = arith.constant 0 : i32
      %dma_start3A_98 = tpu.memref_slice %arg4[%add3A, %dma_start3A, %dma_start3A_97] : memref<32x80x128xi32, #tpu.memory_space<hbm>> -> memref<1x40x128xi32, #tpu.memory_space<hbm>>
      %dma_start3A_99 = tpu.memref_squeeze %dma_start3A_98 : memref<1x40x128xi32, #tpu.memory_space<hbm>> -> memref<40x128xi32, #tpu.memory_space<hbm>>
      %dma_start3A_100 = arith.constant 0 : i32
      %dma_start3A_101 = arith.constant 0 : i32
      %dma_start3A_102 = tpu.memref_slice %arg4[%add3A, %dma_start3A_100, %dma_start3A_101] : memref<32x80x128xi32, #tpu.memory_space<hbm>> -> memref<1x40x128xi32, #tpu.memory_space<hbm>>
      %dma_start3A_103 = tpu.memref_squeeze %dma_start3A_102 : memref<1x40x128xi32, #tpu.memory_space<hbm>> -> memref<40x128xi32, #tpu.memory_space<hbm>>
      tpu.enqueue_dma source(%dma_start3A_103 : memref<40x128xi32, #tpu.memory_space<hbm>>) target(%arg7 : memref<40x128xi32, #tpu.memory_space<vmem>>) target_semaphore(%run_scoped3A : memref<!tpu.dma_semaphore, #tpu.memory_space<semaphore_mem>>)
      %dma_wait3A = arith.constant 0 : i32
      %dma_wait3A_104 = arith.constant 0 : i32
      %dma_wait3A_105 = tpu.memref_slice %arg4[%add3A, %dma_wait3A, %dma_wait3A_104] : memref<32x80x128xi32, #tpu.memory_space<hbm>> -> memref<1x40x128xi32, #tpu.memory_space<hbm>>
      %dma_wait3A_106 = tpu.memref_squeeze %dma_wait3A_105 : memref<1x40x128xi32, #tpu.memory_space<hbm>> -> memref<40x128xi32, #tpu.memory_space<hbm>>
      %dma_wait3A_107 = arith.constant 0 : i32
      %dma_wait3A_108 = arith.constant 0 : i32
      %dma_wait3A_109 = tpu.memref_slice %arg4[%add3A, %dma_wait3A_107, %dma_wait3A_108] : memref<32x80x128xi32, #tpu.memory_space<hbm>> -> memref<1x40x128xi32, #tpu.memory_space<hbm>>
      %dma_wait3A_110 = tpu.memref_squeeze %dma_wait3A_109 : memref<1x40x128xi32, #tpu.memory_space<hbm>> -> memref<40x128xi32, #tpu.memory_space<hbm>>
      tpu.wait_dma2 semaphore(%run_scoped3A : memref<!tpu.dma_semaphore, #tpu.memory_space<semaphore_mem>>) src(%dma_wait3A_110 : memref<40x128xi32, #tpu.memory_space<hbm>>) dst(%arg7 : memref<40x128xi32, #tpu.memory_space<vmem>>)
      tpu.yield
    }) : () -> ()
    %gt3A = arith.constant 0 : i32
    "tpu.trace_stop"() : () -> ()
    "tpu.trace_start"() <{level = 10 : i32, message = "edge_loop"}> : () -> ()
    %gt3A_37 = arith.cmpi sgt, %min3A_36, %gt3A : i32
    %convert_element_type3A = arith.extui %gt3A_37 : i1 to i32
    %cond3A = arith.constant 0 : i32
    %cond3A_38 = arith.cmpi ne, %convert_element_type3A, %cond3A : i32
    scf.if %cond3A_38 {
      %dma_start3A = arith.constant 0 : i32
      %dma_start3A_97 = arith.constant 0 : i32
      %dma_start3A_98 = tpu.memref_slice %arg6[%dma_start3A, %dma_start3A_97] : memref<40x128xi32, #tpu.memory_space<vmem>> -> memref<1x128xi32, #tpu.memory_space<vmem>>
      %dma_start3A_99 = tpu.memref_squeeze %dma_start3A_98 : memref<1x128xi32, #tpu.memory_space<vmem>> -> memref<128xi32, #tpu.memory_space<vmem>>
      %dma_start3A_100 = arith.constant 0 : i32
      %dma_start3A_101 = arith.constant 0 : i32
      %dma_start3A_102 = tpu.memref_slice %arg2[%dma_start3A_100, %dma_start3A_101] : memref<10240x128xf32, #tpu.memory_space<hbm>> -> memref<10240x128xf32, #tpu.memory_space<hbm>>
      tpu.enqueue_indirect_dma source(%dma_start3A_102 : memref<10240x128xf32, #tpu.memory_space<hbm>>) target(%arg8 : memref<128x128xf32, #tpu.memory_space<vmem>>) offsets(%dma_start3A_99 : memref<128xi32, #tpu.memory_space<vmem>>) semaphore(%arg11 : memref<!tpu.dma_semaphore, #tpu.memory_space<semaphore_mem>>)
      %dma_wait3A = arith.constant 0 : i32
      %dma_wait3A_103 = arith.constant 0 : i32
      %dma_wait3A_104 = tpu.memref_slice %arg6[%dma_wait3A, %dma_wait3A_103] : memref<40x128xi32, #tpu.memory_space<vmem>> -> memref<1x128xi32, #tpu.memory_space<vmem>>
      %dma_wait3A_105 = tpu.memref_squeeze %dma_wait3A_104 : memref<1x128xi32, #tpu.memory_space<vmem>> -> memref<128xi32, #tpu.memory_space<vmem>>
      %dma_wait3A_106 = arith.constant 0 : i32
      %dma_wait3A_107 = arith.constant 0 : i32
      %dma_wait3A_108 = tpu.memref_slice %arg2[%dma_wait3A_106, %dma_wait3A_107] : memref<10240x128xf32, #tpu.memory_space<hbm>> -> memref<10240x128xf32, #tpu.memory_space<hbm>>
      tpu.wait_indirect_dma semaphore(%arg11 : memref<!tpu.dma_semaphore, #tpu.memory_space<semaphore_mem>>) src(%dma_wait3A_108 : memref<10240x128xf32, #tpu.memory_space<hbm>>) dst(%arg8 : memref<128x128xf32, #tpu.memory_space<vmem>>)
      %dma_start3A_109 = arith.constant 0 : i32
      %dma_start3A_110 = arith.constant 0 : i32
      %dma_start3A_111 = tpu.memref_slice %arg7[%dma_start3A_109, %dma_start3A_110] : memref<40x128xi32, #tpu.memory_space<vmem>> -> memref<1x128xi32, #tpu.memory_space<vmem>>
      %dma_start3A_112 = tpu.memref_squeeze %dma_start3A_111 : memref<1x128xi32, #tpu.memory_space<vmem>> -> memref<128xi32, #tpu.memory_space<vmem>>
      %dma_start3A_113 = arith.constant 0 : i32
      %dma_start3A_114 = arith.constant 0 : i32
      %dma_start3A_115 = tpu.memref_slice %arg10[%dma_start3A_113, %dma_start3A_114] : memref<10240x128xf32, #tpu.memory_space<vmem_shared>> -> memref<10240x128xf32, #tpu.memory_space<vmem_shared>>
      tpu.enqueue_indirect_dma source(%arg8 : memref<128x128xf32, #tpu.memory_space<vmem>>) target(%dma_start3A_115 : memref<10240x128xf32, #tpu.memory_space<vmem_shared>>) offsets(%dma_start3A_112 : memref<128xi32, #tpu.memory_space<vmem>>) semaphore(%arg12 : memref<!tpu.dma_semaphore, #tpu.memory_space<semaphore_mem>>) {add = true}
    } else {
    }
    %gt3A_39 = arith.constant 1 : i32
    %gt3A_40 = arith.cmpi sgt, %min3A_36, %gt3A_39 : i32
    %convert_element_type3A_41 = arith.extui %gt3A_40 : i1 to i32
    %cond3A_42 = arith.constant 0 : i32
    %cond3A_43 = arith.cmpi ne, %convert_element_type3A_41, %cond3A_42 : i32
    scf.if %cond3A_43 {
      %dma_start3A = arith.constant 1 : i32
      %dma_start3A_97 = arith.constant 0 : i32
      %dma_start3A_98 = tpu.memref_slice %arg6[%dma_start3A, %dma_start3A_97] : memref<40x128xi32, #tpu.memory_space<vmem>> -> memref<1x128xi32, #tpu.memory_space<vmem>>
      %dma_start3A_99 = tpu.memref_squeeze %dma_start3A_98 : memref<1x128xi32, #tpu.memory_space<vmem>> -> memref<128xi32, #tpu.memory_space<vmem>>
      %dma_start3A_100 = arith.constant 0 : i32
      %dma_start3A_101 = arith.constant 0 : i32
      %dma_start3A_102 = tpu.memref_slice %arg2[%dma_start3A_100, %dma_start3A_101] : memref<10240x128xf32, #tpu.memory_space<hbm>> -> memref<10240x128xf32, #tpu.memory_space<hbm>>
      tpu.enqueue_indirect_dma source(%dma_start3A_102 : memref<10240x128xf32, #tpu.memory_space<hbm>>) target(%arg9 : memref<128x128xf32, #tpu.memory_space<vmem>>) offsets(%dma_start3A_99 : memref<128xi32, #tpu.memory_space<vmem>>) semaphore(%arg11 : memref<!tpu.dma_semaphore, #tpu.memory_space<semaphore_mem>>)
      %dma_wait3A = arith.constant 0 : i32
      %dma_wait3A_103 = arith.constant 0 : i32
      %dma_wait3A_104 = tpu.memref_slice %arg6[%dma_wait3A, %dma_wait3A_103] : memref<40x128xi32, #tpu.memory_space<vmem>> -> memref<1x128xi32, #tpu.memory_space<vmem>>
      %dma_wait3A_105 = tpu.memref_squeeze %dma_wait3A_104 : memref<1x128xi32, #tpu.memory_space<vmem>> -> memref<128xi32, #tpu.memory_space<vmem>>
      %dma_wait3A_106 = arith.constant 0 : i32
      %dma_wait3A_107 = arith.constant 0 : i32
      %dma_wait3A_108 = tpu.memref_slice %arg2[%dma_wait3A_106, %dma_wait3A_107] : memref<10240x128xf32, #tpu.memory_space<hbm>> -> memref<10240x128xf32, #tpu.memory_space<hbm>>
      tpu.wait_indirect_dma semaphore(%arg11 : memref<!tpu.dma_semaphore, #tpu.memory_space<semaphore_mem>>) src(%dma_wait3A_108 : memref<10240x128xf32, #tpu.memory_space<hbm>>) dst(%arg9 : memref<128x128xf32, #tpu.memory_space<vmem>>)
      %dma_start3A_109 = arith.constant 1 : i32
      %dma_start3A_110 = arith.constant 0 : i32
      %dma_start3A_111 = tpu.memref_slice %arg7[%dma_start3A_109, %dma_start3A_110] : memref<40x128xi32, #tpu.memory_space<vmem>> -> memref<1x128xi32, #tpu.memory_space<vmem>>
      %dma_start3A_112 = tpu.memref_squeeze %dma_start3A_111 : memref<1x128xi32, #tpu.memory_space<vmem>> -> memref<128xi32, #tpu.memory_space<vmem>>
      %dma_start3A_113 = arith.constant 0 : i32
      %dma_start3A_114 = arith.constant 0 : i32
      %dma_start3A_115 = tpu.memref_slice %arg10[%dma_start3A_113, %dma_start3A_114] : memref<10240x128xf32, #tpu.memory_space<vmem_shared>> -> memref<10240x128xf32, #tpu.memory_space<vmem_shared>>
      tpu.enqueue_indirect_dma source(%arg9 : memref<128x128xf32, #tpu.memory_space<vmem>>) target(%dma_start3A_115 : memref<10240x128xf32, #tpu.memory_space<vmem_shared>>) offsets(%dma_start3A_112 : memref<128xi32, #tpu.memory_space<vmem>>) semaphore(%arg12 : memref<!tpu.dma_semaphore, #tpu.memory_space<semaphore_mem>>) {add = true}
    } else {
    }
    %scan3A_44 = arith.constant 0 : i32
    %scan3A_45 = arith.constant 1 : i32
    %scan3A_46 = arith.constant 19 : i32
    %scan3A_47 = arith.addi %scan3A_45, %scan3A_46 : i32
    %scan3A_48 = arith.constant 1 : i32
    scf.for %scan3A_97 = %scan3A_45 to %scan3A_47 step %scan3A_48  : i32 {
      %mul3A_98 = arith.constant 2 : i32
      %mul3A_99 = arith.muli %mul3A_98, %scan3A_97 : i32
      %lt3A = arith.cmpi slt, %mul3A_99, %min3A_36 : i32
      %convert_element_type3A_100 = arith.extui %lt3A : i1 to i32
      %cond3A_101 = arith.constant 0 : i32
      %cond3A_102 = arith.cmpi ne, %convert_element_type3A_100, %cond3A_101 : i32
      scf.if %cond3A_102 {
        %dma_wait3A = arith.constant 0 : i32
        %dma_wait3A_109 = arith.constant 0 : i32
        %dma_wait3A_110 = tpu.memref_slice %arg7[%dma_wait3A, %dma_wait3A_109] : memref<40x128xi32, #tpu.memory_space<vmem>> -> memref<1x128xi32, #tpu.memory_space<vmem>>
        %dma_wait3A_111 = tpu.memref_squeeze %dma_wait3A_110 : memref<1x128xi32, #tpu.memory_space<vmem>> -> memref<128xi32, #tpu.memory_space<vmem>>
        %dma_wait3A_112 = arith.constant 0 : i32
        %dma_wait3A_113 = arith.constant 0 : i32
        %dma_wait3A_114 = tpu.memref_slice %arg10[%dma_wait3A_112, %dma_wait3A_113] : memref<10240x128xf32, #tpu.memory_space<vmem_shared>> -> memref<10240x128xf32, #tpu.memory_space<vmem_shared>>
        tpu.wait_indirect_dma semaphore(%arg12 : memref<!tpu.dma_semaphore, #tpu.memory_space<semaphore_mem>>) src(%arg8 : memref<128x128xf32, #tpu.memory_space<vmem>>) dst(%dma_wait3A_114 : memref<10240x128xf32, #tpu.memory_space<vmem_shared>>)
        %dma_start3A = arith.constant 0 : i32
        %dma_start3A_115 = tpu.memref_slice %arg6[%mul3A_99, %dma_start3A] : memref<40x128xi32, #tpu.memory_space<vmem>> -> memref<1x128xi32, #tpu.memory_space<vmem>>
        %dma_start3A_116 = tpu.memref_squeeze %dma_start3A_115 : memref<1x128xi32, #tpu.memory_space<vmem>> -> memref<128xi32, #tpu.memory_space<vmem>>
        %dma_start3A_117 = arith.constant 0 : i32
        %dma_start3A_118 = arith.constant 0 : i32
        %dma_start3A_119 = tpu.memref_slice %arg2[%dma_start3A_117, %dma_start3A_118] : memref<10240x128xf32, #tpu.memory_space<hbm>> -> memref<10240x128xf32, #tpu.memory_space<hbm>>
        tpu.enqueue_indirect_dma source(%dma_start3A_119 : memref<10240x128xf32, #tpu.memory_space<hbm>>) target(%arg8 : memref<128x128xf32, #tpu.memory_space<vmem>>) offsets(%dma_start3A_116 : memref<128xi32, #tpu.memory_space<vmem>>) semaphore(%arg11 : memref<!tpu.dma_semaphore, #tpu.memory_space<semaphore_mem>>)
        %dma_wait3A_120 = arith.constant 0 : i32
        %dma_wait3A_121 = arith.constant 0 : i32
        %dma_wait3A_122 = tpu.memref_slice %arg6[%dma_wait3A_120, %dma_wait3A_121] : memref<40x128xi32, #tpu.memory_space<vmem>> -> memref<1x128xi32, #tpu.memory_space<vmem>>
        %dma_wait3A_123 = tpu.memref_squeeze %dma_wait3A_122 : memref<1x128xi32, #tpu.memory_space<vmem>> -> memref<128xi32, #tpu.memory_space<vmem>>
        %dma_wait3A_124 = arith.constant 0 : i32
        %dma_wait3A_125 = arith.constant 0 : i32
        %dma_wait3A_126 = tpu.memref_slice %arg2[%dma_wait3A_124, %dma_wait3A_125] : memref<10240x128xf32, #tpu.memory_space<hbm>> -> memref<10240x128xf32, #tpu.memory_space<hbm>>
        tpu.wait_indirect_dma semaphore(%arg11 : memref<!tpu.dma_semaphore, #tpu.memory_space<semaphore_mem>>) src(%dma_wait3A_126 : memref<10240x128xf32, #tpu.memory_space<hbm>>) dst(%arg8 : memref<128x128xf32, #tpu.memory_space<vmem>>)
        %dma_start3A_127 = arith.constant 0 : i32
        %dma_start3A_128 = tpu.memref_slice %arg7[%mul3A_99, %dma_start3A_127] : memref<40x128xi32, #tpu.memory_space<vmem>> -> memref<1x128xi32, #tpu.memory_space<vmem>>
        %dma_start3A_129 = tpu.memref_squeeze %dma_start3A_128 : memref<1x128xi32, #tpu.memory_space<vmem>> -> memref<128xi32, #tpu.memory_space<vmem>>
        %dma_start3A_130 = arith.constant 0 : i32
        %dma_start3A_131 = arith.constant 0 : i32
        %dma_start3A_132 = tpu.memref_slice %arg10[%dma_start3A_130, %dma_start3A_131] : memref<10240x128xf32, #tpu.memory_space<vmem_shared>> -> memref<10240x128xf32, #tpu.memory_space<vmem_shared>>
        tpu.enqueue_indirect_dma source(%arg8 : memref<128x128xf32, #tpu.memory_space<vmem>>) target(%dma_start3A_132 : memref<10240x128xf32, #tpu.memory_space<vmem_shared>>) offsets(%dma_start3A_129 : memref<128xi32, #tpu.memory_space<vmem>>) semaphore(%arg12 : memref<!tpu.dma_semaphore, #tpu.memory_space<semaphore_mem>>) {add = true}
      } else {
      }
      %add3A_103 = arith.constant 1 : i32
      %add3A_104 = arith.addi %mul3A_99, %add3A_103 : i32
      %lt3A_105 = arith.cmpi slt, %add3A_104, %min3A_36 : i32
      %convert_element_type3A_106 = arith.extui %lt3A_105 : i1 to i32
      %cond3A_107 = arith.constant 0 : i32
      %cond3A_108 = arith.cmpi ne, %convert_element_type3A_106, %cond3A_107 : i32
      scf.if %cond3A_108 {
        %dma_wait3A = arith.constant 0 : i32
        %dma_wait3A_109 = arith.constant 0 : i32
        %dma_wait3A_110 = tpu.memref_slice %arg7[%dma_wait3A, %dma_wait3A_109] : memref<40x128xi32, #tpu.memory_space<vmem>> -> memref<1x128xi32, #tpu.memory_space<vmem>>
        %dma_wait3A_111 = tpu.memref_squeeze %dma_wait3A_110 : memref<1x128xi32, #tpu.memory_space<vmem>> -> memref<128xi32, #tpu.memory_space<vmem>>
        %dma_wait3A_112 = arith.constant 0 : i32
        %dma_wait3A_113 = arith.constant 0 : i32
        %dma_wait3A_114 = tpu.memref_slice %arg10[%dma_wait3A_112, %dma_wait3A_113] : memref<10240x128xf32, #tpu.memory_space<vmem_shared>> -> memref<10240x128xf32, #tpu.memory_space<vmem_shared>>
        tpu.wait_indirect_dma semaphore(%arg12 : memref<!tpu.dma_semaphore, #tpu.memory_space<semaphore_mem>>) src(%arg9 : memref<128x128xf32, #tpu.memory_space<vmem>>) dst(%dma_wait3A_114 : memref<10240x128xf32, #tpu.memory_space<vmem_shared>>)
        %add3A_115 = arith.constant 1 : i32
        %add3A_116 = arith.addi %mul3A_99, %add3A_115 : i32
        %dma_start3A = arith.constant 0 : i32
        %dma_start3A_117 = tpu.memref_slice %arg6[%add3A_116, %dma_start3A] : memref<40x128xi32, #tpu.memory_space<vmem>> -> memref<1x128xi32, #tpu.memory_space<vmem>>
        %dma_start3A_118 = tpu.memref_squeeze %dma_start3A_117 : memref<1x128xi32, #tpu.memory_space<vmem>> -> memref<128xi32, #tpu.memory_space<vmem>>
        %dma_start3A_119 = arith.constant 0 : i32
        %dma_start3A_120 = arith.constant 0 : i32
        %dma_start3A_121 = tpu.memref_slice %arg2[%dma_start3A_119, %dma_start3A_120] : memref<10240x128xf32, #tpu.memory_space<hbm>> -> memref<10240x128xf32, #tpu.memory_space<hbm>>
        tpu.enqueue_indirect_dma source(%dma_start3A_121 : memref<10240x128xf32, #tpu.memory_space<hbm>>) target(%arg9 : memref<128x128xf32, #tpu.memory_space<vmem>>) offsets(%dma_start3A_118 : memref<128xi32, #tpu.memory_space<vmem>>) semaphore(%arg11 : memref<!tpu.dma_semaphore, #tpu.memory_space<semaphore_mem>>)
        %dma_wait3A_122 = arith.constant 0 : i32
        %dma_wait3A_123 = arith.constant 0 : i32
        %dma_wait3A_124 = tpu.memref_slice %arg6[%dma_wait3A_122, %dma_wait3A_123] : memref<40x128xi32, #tpu.memory_space<vmem>> -> memref<1x128xi32, #tpu.memory_space<vmem>>
        %dma_wait3A_125 = tpu.memref_squeeze %dma_wait3A_124 : memref<1x128xi32, #tpu.memory_space<vmem>> -> memref<128xi32, #tpu.memory_space<vmem>>
        %dma_wait3A_126 = arith.constant 0 : i32
        %dma_wait3A_127 = arith.constant 0 : i32
        %dma_wait3A_128 = tpu.memref_slice %arg2[%dma_wait3A_126, %dma_wait3A_127] : memref<10240x128xf32, #tpu.memory_space<hbm>> -> memref<10240x128xf32, #tpu.memory_space<hbm>>
        tpu.wait_indirect_dma semaphore(%arg11 : memref<!tpu.dma_semaphore, #tpu.memory_space<semaphore_mem>>) src(%dma_wait3A_128 : memref<10240x128xf32, #tpu.memory_space<hbm>>) dst(%arg9 : memref<128x128xf32, #tpu.memory_space<vmem>>)
        %add3A_129 = arith.constant 1 : i32
        %add3A_130 = arith.addi %mul3A_99, %add3A_129 : i32
        %dma_start3A_131 = arith.constant 0 : i32
        %dma_start3A_132 = tpu.memref_slice %arg7[%add3A_130, %dma_start3A_131] : memref<40x128xi32, #tpu.memory_space<vmem>> -> memref<1x128xi32, #tpu.memory_space<vmem>>
        %dma_start3A_133 = tpu.memref_squeeze %dma_start3A_132 : memref<1x128xi32, #tpu.memory_space<vmem>> -> memref<128xi32, #tpu.memory_space<vmem>>
        %dma_start3A_134 = arith.constant 0 : i32
        %dma_start3A_135 = arith.constant 0 : i32
        %dma_start3A_136 = tpu.memref_slice %arg10[%dma_start3A_134, %dma_start3A_135] : memref<10240x128xf32, #tpu.memory_space<vmem_shared>> -> memref<10240x128xf32, #tpu.memory_space<vmem_shared>>
        tpu.enqueue_indirect_dma source(%arg9 : memref<128x128xf32, #tpu.memory_space<vmem>>) target(%dma_start3A_136 : memref<10240x128xf32, #tpu.memory_space<vmem_shared>>) offsets(%dma_start3A_133 : memref<128xi32, #tpu.memory_space<vmem>>) semaphore(%arg12 : memref<!tpu.dma_semaphore, #tpu.memory_space<semaphore_mem>>) {add = true}
      } else {
      }
    }
    %scan3A_49 = arith.constant 19 : i32
    %gt3A_50 = arith.constant 0 : i32
    %gt3A_51 = arith.cmpi sgt, %min3A_36, %gt3A_50 : i32
    %convert_element_type3A_52 = arith.extui %gt3A_51 : i1 to i32
    %cond3A_53 = arith.constant 0 : i32
    %cond3A_54 = arith.cmpi ne, %convert_element_type3A_52, %cond3A_53 : i32
    scf.if %cond3A_54 {
      %dma_wait3A = arith.constant 0 : i32
      %dma_wait3A_97 = arith.constant 0 : i32
      %dma_wait3A_98 = tpu.memref_slice %arg7[%dma_wait3A, %dma_wait3A_97] : memref<40x128xi32, #tpu.memory_space<vmem>> -> memref<1x128xi32, #tpu.memory_space<vmem>>
      %dma_wait3A_99 = tpu.memref_squeeze %dma_wait3A_98 : memref<1x128xi32, #tpu.memory_space<vmem>> -> memref<128xi32, #tpu.memory_space<vmem>>
      %dma_wait3A_100 = arith.constant 0 : i32
      %dma_wait3A_101 = arith.constant 0 : i32
      %dma_wait3A_102 = tpu.memref_slice %arg10[%dma_wait3A_100, %dma_wait3A_101] : memref<10240x128xf32, #tpu.memory_space<vmem_shared>> -> memref<10240x128xf32, #tpu.memory_space<vmem_shared>>
      tpu.wait_indirect_dma semaphore(%arg12 : memref<!tpu.dma_semaphore, #tpu.memory_space<semaphore_mem>>) src(%arg8 : memref<128x128xf32, #tpu.memory_space<vmem>>) dst(%dma_wait3A_102 : memref<10240x128xf32, #tpu.memory_space<vmem_shared>>)
    } else {
    }
    %gt3A_55 = arith.constant 1 : i32
    %gt3A_56 = arith.cmpi sgt, %min3A_36, %gt3A_55 : i32
    %convert_element_type3A_57 = arith.extui %gt3A_56 : i1 to i32
    %cond3A_58 = arith.constant 0 : i32
    %cond3A_59 = arith.cmpi ne, %convert_element_type3A_57, %cond3A_58 : i32
    scf.if %cond3A_59 {
      %dma_wait3A = arith.constant 0 : i32
      %dma_wait3A_97 = arith.constant 0 : i32
      %dma_wait3A_98 = tpu.memref_slice %arg7[%dma_wait3A, %dma_wait3A_97] : memref<40x128xi32, #tpu.memory_space<vmem>> -> memref<1x128xi32, #tpu.memory_space<vmem>>
      %dma_wait3A_99 = tpu.memref_squeeze %dma_wait3A_98 : memref<1x128xi32, #tpu.memory_space<vmem>> -> memref<128xi32, #tpu.memory_space<vmem>>
      %dma_wait3A_100 = arith.constant 0 : i32
      %dma_wait3A_101 = arith.constant 0 : i32
      %dma_wait3A_102 = tpu.memref_slice %arg10[%dma_wait3A_100, %dma_wait3A_101] : memref<10240x128xf32, #tpu.memory_space<vmem_shared>> -> memref<10240x128xf32, #tpu.memory_space<vmem_shared>>
      tpu.wait_indirect_dma semaphore(%arg12 : memref<!tpu.dma_semaphore, #tpu.memory_space<semaphore_mem>>) src(%arg9 : memref<128x128xf32, #tpu.memory_space<vmem>>) dst(%dma_wait3A_102 : memref<10240x128xf32, #tpu.memory_space<vmem_shared>>)
    } else {
    }
    "tpu.trace_stop"() : () -> ()
    %sub3A_60 = arith.constant 40 : i32
    %sub3A_61 = arith.subi %min3A, %sub3A_60 : i32
    %jit3A_62 = arith.constant 0 : i32
    %jit3A_63 = arith.constant 40 : i32
    %max3A_64 = arith.maxsi %jit3A_62, %sub3A_61 : i32
    %min3A_65 = arith.minsi %jit3A_63, %max3A_64 : i32
    "tpu.trace_start"() <{level = 10 : i32, message = "idx_load"}> : () -> ()
    "tpu.region"() ({
      %run_scoped3A = tpu.sem_alloc : memref<!tpu.dma_semaphore, #tpu.memory_space<semaphore_mem>>
      %dma_start3A = arith.constant 40 : i32
      %dma_start3A_97 = arith.constant 0 : i32
      %dma_start3A_98 = tpu.memref_slice %arg3[%add3A, %dma_start3A, %dma_start3A_97] : memref<32x80x128xi32, #tpu.memory_space<hbm>> -> memref<1x40x128xi32, #tpu.memory_space<hbm>>
      %dma_start3A_99 = tpu.memref_squeeze %dma_start3A_98 : memref<1x40x128xi32, #tpu.memory_space<hbm>> -> memref<40x128xi32, #tpu.memory_space<hbm>>
      %dma_start3A_100 = arith.constant 40 : i32
      %dma_start3A_101 = arith.constant 0 : i32
      %dma_start3A_102 = tpu.memref_slice %arg3[%add3A, %dma_start3A_100, %dma_start3A_101] : memref<32x80x128xi32, #tpu.memory_space<hbm>> -> memref<1x40x128xi32, #tpu.memory_space<hbm>>
      %dma_start3A_103 = tpu.memref_squeeze %dma_start3A_102 : memref<1x40x128xi32, #tpu.memory_space<hbm>> -> memref<40x128xi32, #tpu.memory_space<hbm>>
      tpu.enqueue_dma source(%dma_start3A_103 : memref<40x128xi32, #tpu.memory_space<hbm>>) target(%arg6 : memref<40x128xi32, #tpu.memory_space<vmem>>) target_semaphore(%run_scoped3A : memref<!tpu.dma_semaphore, #tpu.memory_space<semaphore_mem>>)
      %dma_wait3A = arith.constant 40 : i32
      %dma_wait3A_104 = arith.constant 0 : i32
      %dma_wait3A_105 = tpu.memref_slice %arg3[%add3A, %dma_wait3A, %dma_wait3A_104] : memref<32x80x128xi32, #tpu.memory_space<hbm>> -> memref<1x40x128xi32, #tpu.memory_space<hbm>>
      %dma_wait3A_106 = tpu.memref_squeeze %dma_wait3A_105 : memref<1x40x128xi32, #tpu.memory_space<hbm>> -> memref<40x128xi32, #tpu.memory_space<hbm>>
      %dma_wait3A_107 = arith.constant 40 : i32
      %dma_wait3A_108 = arith.constant 0 : i32
      %dma_wait3A_109 = tpu.memref_slice %arg3[%add3A, %dma_wait3A_107, %dma_wait3A_108] : memref<32x80x128xi32, #tpu.memory_space<hbm>> -> memref<1x40x128xi32, #tpu.memory_space<hbm>>
      %dma_wait3A_110 = tpu.memref_squeeze %dma_wait3A_109 : memref<1x40x128xi32, #tpu.memory_space<hbm>> -> memref<40x128xi32, #tpu.memory_space<hbm>>
      tpu.wait_dma2 semaphore(%run_scoped3A : memref<!tpu.dma_semaphore, #tpu.memory_space<semaphore_mem>>) src(%dma_wait3A_110 : memref<40x128xi32, #tpu.memory_space<hbm>>) dst(%arg6 : memref<40x128xi32, #tpu.memory_space<vmem>>)
      tpu.yield
    }) : () -> ()
    "tpu.region"() ({
      %run_scoped3A = tpu.sem_alloc : memref<!tpu.dma_semaphore, #tpu.memory_space<semaphore_mem>>
      %dma_start3A = arith.constant 40 : i32
      %dma_start3A_97 = arith.constant 0 : i32
      %dma_start3A_98 = tpu.memref_slice %arg4[%add3A, %dma_start3A, %dma_start3A_97] : memref<32x80x128xi32, #tpu.memory_space<hbm>> -> memref<1x40x128xi32, #tpu.memory_space<hbm>>
      %dma_start3A_99 = tpu.memref_squeeze %dma_start3A_98 : memref<1x40x128xi32, #tpu.memory_space<hbm>> -> memref<40x128xi32, #tpu.memory_space<hbm>>
      %dma_start3A_100 = arith.constant 40 : i32
      %dma_start3A_101 = arith.constant 0 : i32
      %dma_start3A_102 = tpu.memref_slice %arg4[%add3A, %dma_start3A_100, %dma_start3A_101] : memref<32x80x128xi32, #tpu.memory_space<hbm>> -> memref<1x40x128xi32, #tpu.memory_space<hbm>>
      %dma_start3A_103 = tpu.memref_squeeze %dma_start3A_102 : memref<1x40x128xi32, #tpu.memory_space<hbm>> -> memref<40x128xi32, #tpu.memory_space<hbm>>
      tpu.enqueue_dma source(%dma_start3A_103 : memref<40x128xi32, #tpu.memory_space<hbm>>) target(%arg7 : memref<40x128xi32, #tpu.memory_space<vmem>>) target_semaphore(%run_scoped3A : memref<!tpu.dma_semaphore, #tpu.memory_space<semaphore_mem>>)
      %dma_wait3A = arith.constant 40 : i32
      %dma_wait3A_104 = arith.constant 0 : i32
      %dma_wait3A_105 = tpu.memref_slice %arg4[%add3A, %dma_wait3A, %dma_wait3A_104] : memref<32x80x128xi32, #tpu.memory_space<hbm>> -> memref<1x40x128xi32, #tpu.memory_space<hbm>>
      %dma_wait3A_106 = tpu.memref_squeeze %dma_wait3A_105 : memref<1x40x128xi32, #tpu.memory_space<hbm>> -> memref<40x128xi32, #tpu.memory_space<hbm>>
      %dma_wait3A_107 = arith.constant 40 : i32
      %dma_wait3A_108 = arith.constant 0 : i32
      %dma_wait3A_109 = tpu.memref_slice %arg4[%add3A, %dma_wait3A_107, %dma_wait3A_108] : memref<32x80x128xi32, #tpu.memory_space<hbm>> -> memref<1x40x128xi32, #tpu.memory_space<hbm>>
      %dma_wait3A_110 = tpu.memref_squeeze %dma_wait3A_109 : memref<1x40x128xi32, #tpu.memory_space<hbm>> -> memref<40x128xi32, #tpu.memory_space<hbm>>
      tpu.wait_dma2 semaphore(%run_scoped3A : memref<!tpu.dma_semaphore, #tpu.memory_space<semaphore_mem>>) src(%dma_wait3A_110 : memref<40x128xi32, #tpu.memory_space<hbm>>) dst(%arg7 : memref<40x128xi32, #tpu.memory_space<vmem>>)
      tpu.yield
    }) : () -> ()
    %gt3A_66 = arith.constant 0 : i32
    "tpu.trace_stop"() : () -> ()
    "tpu.trace_start"() <{level = 10 : i32, message = "edge_loop"}> : () -> ()
    %gt3A_67 = arith.cmpi sgt, %min3A_65, %gt3A_66 : i32
    %convert_element_type3A_68 = arith.extui %gt3A_67 : i1 to i32
    %cond3A_69 = arith.constant 0 : i32
    %cond3A_70 = arith.cmpi ne, %convert_element_type3A_68, %cond3A_69 : i32
    scf.if %cond3A_70 {
      %dma_start3A = arith.constant 0 : i32
      %dma_start3A_97 = arith.constant 0 : i32
      %dma_start3A_98 = tpu.memref_slice %arg6[%dma_start3A, %dma_start3A_97] : memref<40x128xi32, #tpu.memory_space<vmem>> -> memref<1x128xi32, #tpu.memory_space<vmem>>
      %dma_start3A_99 = tpu.memref_squeeze %dma_start3A_98 : memref<1x128xi32, #tpu.memory_space<vmem>> -> memref<128xi32, #tpu.memory_space<vmem>>
      %dma_start3A_100 = arith.constant 0 : i32
      %dma_start3A_101 = arith.constant 0 : i32
      %dma_start3A_102 = tpu.memref_slice %arg2[%dma_start3A_100, %dma_start3A_101] : memref<10240x128xf32, #tpu.memory_space<hbm>> -> memref<10240x128xf32, #tpu.memory_space<hbm>>
      tpu.enqueue_indirect_dma source(%dma_start3A_102 : memref<10240x128xf32, #tpu.memory_space<hbm>>) target(%arg8 : memref<128x128xf32, #tpu.memory_space<vmem>>) offsets(%dma_start3A_99 : memref<128xi32, #tpu.memory_space<vmem>>) semaphore(%arg11 : memref<!tpu.dma_semaphore, #tpu.memory_space<semaphore_mem>>)
      %dma_wait3A = arith.constant 0 : i32
      %dma_wait3A_103 = arith.constant 0 : i32
      %dma_wait3A_104 = tpu.memref_slice %arg6[%dma_wait3A, %dma_wait3A_103] : memref<40x128xi32, #tpu.memory_space<vmem>> -> memref<1x128xi32, #tpu.memory_space<vmem>>
      %dma_wait3A_105 = tpu.memref_squeeze %dma_wait3A_104 : memref<1x128xi32, #tpu.memory_space<vmem>> -> memref<128xi32, #tpu.memory_space<vmem>>
      %dma_wait3A_106 = arith.constant 0 : i32
      %dma_wait3A_107 = arith.constant 0 : i32
      %dma_wait3A_108 = tpu.memref_slice %arg2[%dma_wait3A_106, %dma_wait3A_107] : memref<10240x128xf32, #tpu.memory_space<hbm>> -> memref<10240x128xf32, #tpu.memory_space<hbm>>
      tpu.wait_indirect_dma semaphore(%arg11 : memref<!tpu.dma_semaphore, #tpu.memory_space<semaphore_mem>>) src(%dma_wait3A_108 : memref<10240x128xf32, #tpu.memory_space<hbm>>) dst(%arg8 : memref<128x128xf32, #tpu.memory_space<vmem>>)
      %dma_start3A_109 = arith.constant 0 : i32
      %dma_start3A_110 = arith.constant 0 : i32
      %dma_start3A_111 = tpu.memref_slice %arg7[%dma_start3A_109, %dma_start3A_110] : memref<40x128xi32, #tpu.memory_space<vmem>> -> memref<1x128xi32, #tpu.memory_space<vmem>>
      %dma_start3A_112 = tpu.memref_squeeze %dma_start3A_111 : memref<1x128xi32, #tpu.memory_space<vmem>> -> memref<128xi32, #tpu.memory_space<vmem>>
      %dma_start3A_113 = arith.constant 0 : i32
      %dma_start3A_114 = arith.constant 0 : i32
      %dma_start3A_115 = tpu.memref_slice %arg10[%dma_start3A_113, %dma_start3A_114] : memref<10240x128xf32, #tpu.memory_space<vmem_shared>> -> memref<10240x128xf32, #tpu.memory_space<vmem_shared>>
      tpu.enqueue_indirect_dma source(%arg8 : memref<128x128xf32, #tpu.memory_space<vmem>>) target(%dma_start3A_115 : memref<10240x128xf32, #tpu.memory_space<vmem_shared>>) offsets(%dma_start3A_112 : memref<128xi32, #tpu.memory_space<vmem>>) semaphore(%arg12 : memref<!tpu.dma_semaphore, #tpu.memory_space<semaphore_mem>>) {add = true}
    } else {
    }
    %gt3A_71 = arith.constant 1 : i32
    %gt3A_72 = arith.cmpi sgt, %min3A_65, %gt3A_71 : i32
    %convert_element_type3A_73 = arith.extui %gt3A_72 : i1 to i32
    %cond3A_74 = arith.constant 0 : i32
    %cond3A_75 = arith.cmpi ne, %convert_element_type3A_73, %cond3A_74 : i32
    scf.if %cond3A_75 {
      %dma_start3A = arith.constant 1 : i32
      %dma_start3A_97 = arith.constant 0 : i32
      %dma_start3A_98 = tpu.memref_slice %arg6[%dma_start3A, %dma_start3A_97] : memref<40x128xi32, #tpu.memory_space<vmem>> -> memref<1x128xi32, #tpu.memory_space<vmem>>
      %dma_start3A_99 = tpu.memref_squeeze %dma_start3A_98 : memref<1x128xi32, #tpu.memory_space<vmem>> -> memref<128xi32, #tpu.memory_space<vmem>>
      %dma_start3A_100 = arith.constant 0 : i32
      %dma_start3A_101 = arith.constant 0 : i32
      %dma_start3A_102 = tpu.memref_slice %arg2[%dma_start3A_100, %dma_start3A_101] : memref<10240x128xf32, #tpu.memory_space<hbm>> -> memref<10240x128xf32, #tpu.memory_space<hbm>>
      tpu.enqueue_indirect_dma source(%dma_start3A_102 : memref<10240x128xf32, #tpu.memory_space<hbm>>) target(%arg9 : memref<128x128xf32, #tpu.memory_space<vmem>>) offsets(%dma_start3A_99 : memref<128xi32, #tpu.memory_space<vmem>>) semaphore(%arg11 : memref<!tpu.dma_semaphore, #tpu.memory_space<semaphore_mem>>)
      %dma_wait3A = arith.constant 0 : i32
      %dma_wait3A_103 = arith.constant 0 : i32
      %dma_wait3A_104 = tpu.memref_slice %arg6[%dma_wait3A, %dma_wait3A_103] : memref<40x128xi32, #tpu.memory_space<vmem>> -> memref<1x128xi32, #tpu.memory_space<vmem>>
      %dma_wait3A_105 = tpu.memref_squeeze %dma_wait3A_104 : memref<1x128xi32, #tpu.memory_space<vmem>> -> memref<128xi32, #tpu.memory_space<vmem>>
      %dma_wait3A_106 = arith.constant 0 : i32
      %dma_wait3A_107 = arith.constant 0 : i32
      %dma_wait3A_108 = tpu.memref_slice %arg2[%dma_wait3A_106, %dma_wait3A_107] : memref<10240x128xf32, #tpu.memory_space<hbm>> -> memref<10240x128xf32, #tpu.memory_space<hbm>>
      tpu.wait_indirect_dma semaphore(%arg11 : memref<!tpu.dma_semaphore, #tpu.memory_space<semaphore_mem>>) src(%dma_wait3A_108 : memref<10240x128xf32, #tpu.memory_space<hbm>>) dst(%arg9 : memref<128x128xf32, #tpu.memory_space<vmem>>)
      %dma_start3A_109 = arith.constant 1 : i32
      %dma_start3A_110 = arith.constant 0 : i32
      %dma_start3A_111 = tpu.memref_slice %arg7[%dma_start3A_109, %dma_start3A_110] : memref<40x128xi32, #tpu.memory_space<vmem>> -> memref<1x128xi32, #tpu.memory_space<vmem>>
      %dma_start3A_112 = tpu.memref_squeeze %dma_start3A_111 : memref<1x128xi32, #tpu.memory_space<vmem>> -> memref<128xi32, #tpu.memory_space<vmem>>
      %dma_start3A_113 = arith.constant 0 : i32
      %dma_start3A_114 = arith.constant 0 : i32
      %dma_start3A_115 = tpu.memref_slice %arg10[%dma_start3A_113, %dma_start3A_114] : memref<10240x128xf32, #tpu.memory_space<vmem_shared>> -> memref<10240x128xf32, #tpu.memory_space<vmem_shared>>
      tpu.enqueue_indirect_dma source(%arg9 : memref<128x128xf32, #tpu.memory_space<vmem>>) target(%dma_start3A_115 : memref<10240x128xf32, #tpu.memory_space<vmem_shared>>) offsets(%dma_start3A_112 : memref<128xi32, #tpu.memory_space<vmem>>) semaphore(%arg12 : memref<!tpu.dma_semaphore, #tpu.memory_space<semaphore_mem>>) {add = true}
    } else {
    }
    %scan3A_76 = arith.constant 0 : i32
    %scan3A_77 = arith.constant 1 : i32
    %scan3A_78 = arith.constant 19 : i32
    %scan3A_79 = arith.addi %scan3A_77, %scan3A_78 : i32
    %scan3A_80 = arith.constant 1 : i32
    scf.for %scan3A_97 = %scan3A_77 to %scan3A_79 step %scan3A_80  : i32 {
      %mul3A_98 = arith.constant 2 : i32
      %mul3A_99 = arith.muli %mul3A_98, %scan3A_97 : i32
      %lt3A = arith.cmpi slt, %mul3A_99, %min3A_65 : i32
      %convert_element_type3A_100 = arith.extui %lt3A : i1 to i32
      %cond3A_101 = arith.constant 0 : i32
      %cond3A_102 = arith.cmpi ne, %convert_element_type3A_100, %cond3A_101 : i32
      scf.if %cond3A_102 {
        %dma_wait3A = arith.constant 0 : i32
        %dma_wait3A_109 = arith.constant 0 : i32
        %dma_wait3A_110 = tpu.memref_slice %arg7[%dma_wait3A, %dma_wait3A_109] : memref<40x128xi32, #tpu.memory_space<vmem>> -> memref<1x128xi32, #tpu.memory_space<vmem>>
        %dma_wait3A_111 = tpu.memref_squeeze %dma_wait3A_110 : memref<1x128xi32, #tpu.memory_space<vmem>> -> memref<128xi32, #tpu.memory_space<vmem>>
        %dma_wait3A_112 = arith.constant 0 : i32
        %dma_wait3A_113 = arith.constant 0 : i32
        %dma_wait3A_114 = tpu.memref_slice %arg10[%dma_wait3A_112, %dma_wait3A_113] : memref<10240x128xf32, #tpu.memory_space<vmem_shared>> -> memref<10240x128xf32, #tpu.memory_space<vmem_shared>>
        tpu.wait_indirect_dma semaphore(%arg12 : memref<!tpu.dma_semaphore, #tpu.memory_space<semaphore_mem>>) src(%arg8 : memref<128x128xf32, #tpu.memory_space<vmem>>) dst(%dma_wait3A_114 : memref<10240x128xf32, #tpu.memory_space<vmem_shared>>)
        %dma_start3A = arith.constant 0 : i32
        %dma_start3A_115 = tpu.memref_slice %arg6[%mul3A_99, %dma_start3A] : memref<40x128xi32, #tpu.memory_space<vmem>> -> memref<1x128xi32, #tpu.memory_space<vmem>>
        %dma_start3A_116 = tpu.memref_squeeze %dma_start3A_115 : memref<1x128xi32, #tpu.memory_space<vmem>> -> memref<128xi32, #tpu.memory_space<vmem>>
        %dma_start3A_117 = arith.constant 0 : i32
        %dma_start3A_118 = arith.constant 0 : i32
        %dma_start3A_119 = tpu.memref_slice %arg2[%dma_start3A_117, %dma_start3A_118] : memref<10240x128xf32, #tpu.memory_space<hbm>> -> memref<10240x128xf32, #tpu.memory_space<hbm>>
        tpu.enqueue_indirect_dma source(%dma_start3A_119 : memref<10240x128xf32, #tpu.memory_space<hbm>>) target(%arg8 : memref<128x128xf32, #tpu.memory_space<vmem>>) offsets(%dma_start3A_116 : memref<128xi32, #tpu.memory_space<vmem>>) semaphore(%arg11 : memref<!tpu.dma_semaphore, #tpu.memory_space<semaphore_mem>>)
        %dma_wait3A_120 = arith.constant 0 : i32
        %dma_wait3A_121 = arith.constant 0 : i32
        %dma_wait3A_122 = tpu.memref_slice %arg6[%dma_wait3A_120, %dma_wait3A_121] : memref<40x128xi32, #tpu.memory_space<vmem>> -> memref<1x128xi32, #tpu.memory_space<vmem>>
        %dma_wait3A_123 = tpu.memref_squeeze %dma_wait3A_122 : memref<1x128xi32, #tpu.memory_space<vmem>> -> memref<128xi32, #tpu.memory_space<vmem>>
        %dma_wait3A_124 = arith.constant 0 : i32
        %dma_wait3A_125 = arith.constant 0 : i32
        %dma_wait3A_126 = tpu.memref_slice %arg2[%dma_wait3A_124, %dma_wait3A_125] : memref<10240x128xf32, #tpu.memory_space<hbm>> -> memref<10240x128xf32, #tpu.memory_space<hbm>>
        tpu.wait_indirect_dma semaphore(%arg11 : memref<!tpu.dma_semaphore, #tpu.memory_space<semaphore_mem>>) src(%dma_wait3A_126 : memref<10240x128xf32, #tpu.memory_space<hbm>>) dst(%arg8 : memref<128x128xf32, #tpu.memory_space<vmem>>)
        %dma_start3A_127 = arith.constant 0 : i32
        %dma_start3A_128 = tpu.memref_slice %arg7[%mul3A_99, %dma_start3A_127] : memref<40x128xi32, #tpu.memory_space<vmem>> -> memref<1x128xi32, #tpu.memory_space<vmem>>
        %dma_start3A_129 = tpu.memref_squeeze %dma_start3A_128 : memref<1x128xi32, #tpu.memory_space<vmem>> -> memref<128xi32, #tpu.memory_space<vmem>>
        %dma_start3A_130 = arith.constant 0 : i32
        %dma_start3A_131 = arith.constant 0 : i32
        %dma_start3A_132 = tpu.memref_slice %arg10[%dma_start3A_130, %dma_start3A_131] : memref<10240x128xf32, #tpu.memory_space<vmem_shared>> -> memref<10240x128xf32, #tpu.memory_space<vmem_shared>>
        tpu.enqueue_indirect_dma source(%arg8 : memref<128x128xf32, #tpu.memory_space<vmem>>) target(%dma_start3A_132 : memref<10240x128xf32, #tpu.memory_space<vmem_shared>>) offsets(%dma_start3A_129 : memref<128xi32, #tpu.memory_space<vmem>>) semaphore(%arg12 : memref<!tpu.dma_semaphore, #tpu.memory_space<semaphore_mem>>) {add = true}
      } else {
      }
      %add3A_103 = arith.constant 1 : i32
      %add3A_104 = arith.addi %mul3A_99, %add3A_103 : i32
      %lt3A_105 = arith.cmpi slt, %add3A_104, %min3A_65 : i32
      %convert_element_type3A_106 = arith.extui %lt3A_105 : i1 to i32
      %cond3A_107 = arith.constant 0 : i32
      %cond3A_108 = arith.cmpi ne, %convert_element_type3A_106, %cond3A_107 : i32
      scf.if %cond3A_108 {
        %dma_wait3A = arith.constant 0 : i32
        %dma_wait3A_109 = arith.constant 0 : i32
        %dma_wait3A_110 = tpu.memref_slice %arg7[%dma_wait3A, %dma_wait3A_109] : memref<40x128xi32, #tpu.memory_space<vmem>> -> memref<1x128xi32, #tpu.memory_space<vmem>>
        %dma_wait3A_111 = tpu.memref_squeeze %dma_wait3A_110 : memref<1x128xi32, #tpu.memory_space<vmem>> -> memref<128xi32, #tpu.memory_space<vmem>>
        %dma_wait3A_112 = arith.constant 0 : i32
        %dma_wait3A_113 = arith.constant 0 : i32
        %dma_wait3A_114 = tpu.memref_slice %arg10[%dma_wait3A_112, %dma_wait3A_113] : memref<10240x128xf32, #tpu.memory_space<vmem_shared>> -> memref<10240x128xf32, #tpu.memory_space<vmem_shared>>
        tpu.wait_indirect_dma semaphore(%arg12 : memref<!tpu.dma_semaphore, #tpu.memory_space<semaphore_mem>>) src(%arg9 : memref<128x128xf32, #tpu.memory_space<vmem>>) dst(%dma_wait3A_114 : memref<10240x128xf32, #tpu.memory_space<vmem_shared>>)
        %add3A_115 = arith.constant 1 : i32
        %add3A_116 = arith.addi %mul3A_99, %add3A_115 : i32
        %dma_start3A = arith.constant 0 : i32
        %dma_start3A_117 = tpu.memref_slice %arg6[%add3A_116, %dma_start3A] : memref<40x128xi32, #tpu.memory_space<vmem>> -> memref<1x128xi32, #tpu.memory_space<vmem>>
        %dma_start3A_118 = tpu.memref_squeeze %dma_start3A_117 : memref<1x128xi32, #tpu.memory_space<vmem>> -> memref<128xi32, #tpu.memory_space<vmem>>
        %dma_start3A_119 = arith.constant 0 : i32
        %dma_start3A_120 = arith.constant 0 : i32
        %dma_start3A_121 = tpu.memref_slice %arg2[%dma_start3A_119, %dma_start3A_120] : memref<10240x128xf32, #tpu.memory_space<hbm>> -> memref<10240x128xf32, #tpu.memory_space<hbm>>
        tpu.enqueue_indirect_dma source(%dma_start3A_121 : memref<10240x128xf32, #tpu.memory_space<hbm>>) target(%arg9 : memref<128x128xf32, #tpu.memory_space<vmem>>) offsets(%dma_start3A_118 : memref<128xi32, #tpu.memory_space<vmem>>) semaphore(%arg11 : memref<!tpu.dma_semaphore, #tpu.memory_space<semaphore_mem>>)
        %dma_wait3A_122 = arith.constant 0 : i32
        %dma_wait3A_123 = arith.constant 0 : i32
        %dma_wait3A_124 = tpu.memref_slice %arg6[%dma_wait3A_122, %dma_wait3A_123] : memref<40x128xi32, #tpu.memory_space<vmem>> -> memref<1x128xi32, #tpu.memory_space<vmem>>
        %dma_wait3A_125 = tpu.memref_squeeze %dma_wait3A_124 : memref<1x128xi32, #tpu.memory_space<vmem>> -> memref<128xi32, #tpu.memory_space<vmem>>
        %dma_wait3A_126 = arith.constant 0 : i32
        %dma_wait3A_127 = arith.constant 0 : i32
        %dma_wait3A_128 = tpu.memref_slice %arg2[%dma_wait3A_126, %dma_wait3A_127] : memref<10240x128xf32, #tpu.memory_space<hbm>> -> memref<10240x128xf32, #tpu.memory_space<hbm>>
        tpu.wait_indirect_dma semaphore(%arg11 : memref<!tpu.dma_semaphore, #tpu.memory_space<semaphore_mem>>) src(%dma_wait3A_128 : memref<10240x128xf32, #tpu.memory_space<hbm>>) dst(%arg9 : memref<128x128xf32, #tpu.memory_space<vmem>>)
        %add3A_129 = arith.constant 1 : i32
        %add3A_130 = arith.addi %mul3A_99, %add3A_129 : i32
        %dma_start3A_131 = arith.constant 0 : i32
        %dma_start3A_132 = tpu.memref_slice %arg7[%add3A_130, %dma_start3A_131] : memref<40x128xi32, #tpu.memory_space<vmem>> -> memref<1x128xi32, #tpu.memory_space<vmem>>
        %dma_start3A_133 = tpu.memref_squeeze %dma_start3A_132 : memref<1x128xi32, #tpu.memory_space<vmem>> -> memref<128xi32, #tpu.memory_space<vmem>>
        %dma_start3A_134 = arith.constant 0 : i32
        %dma_start3A_135 = arith.constant 0 : i32
        %dma_start3A_136 = tpu.memref_slice %arg10[%dma_start3A_134, %dma_start3A_135] : memref<10240x128xf32, #tpu.memory_space<vmem_shared>> -> memref<10240x128xf32, #tpu.memory_space<vmem_shared>>
        tpu.enqueue_indirect_dma source(%arg9 : memref<128x128xf32, #tpu.memory_space<vmem>>) target(%dma_start3A_136 : memref<10240x128xf32, #tpu.memory_space<vmem_shared>>) offsets(%dma_start3A_133 : memref<128xi32, #tpu.memory_space<vmem>>) semaphore(%arg12 : memref<!tpu.dma_semaphore, #tpu.memory_space<semaphore_mem>>) {add = true}
      } else {
      }
    }
    %scan3A_81 = arith.constant 19 : i32
    %gt3A_82 = arith.constant 0 : i32
    %gt3A_83 = arith.cmpi sgt, %min3A_65, %gt3A_82 : i32
    %convert_element_type3A_84 = arith.extui %gt3A_83 : i1 to i32
    %cond3A_85 = arith.constant 0 : i32
    %cond3A_86 = arith.cmpi ne, %convert_element_type3A_84, %cond3A_85 : i32
    scf.if %cond3A_86 {
      %dma_wait3A = arith.constant 0 : i32
      %dma_wait3A_97 = arith.constant 0 : i32
      %dma_wait3A_98 = tpu.memref_slice %arg7[%dma_wait3A, %dma_wait3A_97] : memref<40x128xi32, #tpu.memory_space<vmem>> -> memref<1x128xi32, #tpu.memory_space<vmem>>
      %dma_wait3A_99 = tpu.memref_squeeze %dma_wait3A_98 : memref<1x128xi32, #tpu.memory_space<vmem>> -> memref<128xi32, #tpu.memory_space<vmem>>
      %dma_wait3A_100 = arith.constant 0 : i32
      %dma_wait3A_101 = arith.constant 0 : i32
      %dma_wait3A_102 = tpu.memref_slice %arg10[%dma_wait3A_100, %dma_wait3A_101] : memref<10240x128xf32, #tpu.memory_space<vmem_shared>> -> memref<10240x128xf32, #tpu.memory_space<vmem_shared>>
      tpu.wait_indirect_dma semaphore(%arg12 : memref<!tpu.dma_semaphore, #tpu.memory_space<semaphore_mem>>) src(%arg8 : memref<128x128xf32, #tpu.memory_space<vmem>>) dst(%dma_wait3A_102 : memref<10240x128xf32, #tpu.memory_space<vmem_shared>>)
    } else {
    }
    %gt3A_87 = arith.constant 1 : i32
    %gt3A_88 = arith.cmpi sgt, %min3A_65, %gt3A_87 : i32
    %convert_element_type3A_89 = arith.extui %gt3A_88 : i1 to i32
    %cond3A_90 = arith.constant 0 : i32
    %cond3A_91 = arith.cmpi ne, %convert_element_type3A_89, %cond3A_90 : i32
    scf.if %cond3A_91 {
      %dma_wait3A = arith.constant 0 : i32
      %dma_wait3A_97 = arith.constant 0 : i32
      %dma_wait3A_98 = tpu.memref_slice %arg7[%dma_wait3A, %dma_wait3A_97] : memref<40x128xi32, #tpu.memory_space<vmem>> -> memref<1x128xi32, #tpu.memory_space<vmem>>
      %dma_wait3A_99 = tpu.memref_squeeze %dma_wait3A_98 : memref<1x128xi32, #tpu.memory_space<vmem>> -> memref<128xi32, #tpu.memory_space<vmem>>
      %dma_wait3A_100 = arith.constant 0 : i32
      %dma_wait3A_101 = arith.constant 0 : i32
      %dma_wait3A_102 = tpu.memref_slice %arg10[%dma_wait3A_100, %dma_wait3A_101] : memref<10240x128xf32, #tpu.memory_space<vmem_shared>> -> memref<10240x128xf32, #tpu.memory_space<vmem_shared>>
      tpu.wait_indirect_dma semaphore(%arg12 : memref<!tpu.dma_semaphore, #tpu.memory_space<semaphore_mem>>) src(%arg9 : memref<128x128xf32, #tpu.memory_space<vmem>>) dst(%dma_wait3A_102 : memref<10240x128xf32, #tpu.memory_space<vmem_shared>>)
    } else {
    }
    "tpu.trace_stop"() : () -> ()
    "tpu.trace_start"() <{level = 10 : i32, message = "writeout"}> : () -> ()
    %barrier3A_92 = arith.constant 0 : index
    tpu.barrier barrier_id(%barrier3A_92)
    %mul3A_93 = arith.constant 640 : i32
    %mul3A_94 = arith.muli %arg1, %mul3A_93 : i32
    %mul3A_95 = arith.constant 640 : i32
    %mul3A_96 = arith.muli %arg1, %mul3A_95 : i32
    "tpu.region"() ({
      %run_scoped3A = tpu.sem_alloc : memref<!tpu.dma_semaphore, #tpu.memory_space<semaphore_mem>>
      %dma_start3A = arith.constant 0 : i32
      %dma_start3A_97 = tpu.memref_slice %arg5[%arg0, %mul3A_96, %dma_start3A] : memref<2x10240x128xf32, #tpu.memory_space<hbm>> -> memref<1x640x128xf32, #tpu.memory_space<hbm>>
      %dma_start3A_98 = tpu.memref_squeeze %dma_start3A_97 : memref<1x640x128xf32, #tpu.memory_space<hbm>> -> memref<640x128xf32, #tpu.memory_space<hbm>>
      %dma_start3A_99 = arith.constant 0 : i32
      %dma_start3A_100 = tpu.memref_slice %arg10[%mul3A_94, %dma_start3A_99] : memref<10240x128xf32, #tpu.memory_space<vmem_shared>> -> memref<640x128xf32, #tpu.memory_space<vmem_shared>>
      tpu.enqueue_dma source(%dma_start3A_100 : memref<640x128xf32, #tpu.memory_space<vmem_shared>>) target(%dma_start3A_98 : memref<640x128xf32, #tpu.memory_space<hbm>>) target_semaphore(%run_scoped3A : memref<!tpu.dma_semaphore, #tpu.memory_space<semaphore_mem>>)
      %dma_wait3A = arith.constant 0 : i32
      %dma_wait3A_101 = tpu.memref_slice %arg5[%arg0, %mul3A_96, %dma_wait3A] : memref<2x10240x128xf32, #tpu.memory_space<hbm>> -> memref<1x640x128xf32, #tpu.memory_space<hbm>>
      %dma_wait3A_102 = tpu.memref_squeeze %dma_wait3A_101 : memref<1x640x128xf32, #tpu.memory_space<hbm>> -> memref<640x128xf32, #tpu.memory_space<hbm>>
      %dma_wait3A_103 = arith.constant 0 : i32
      %dma_wait3A_104 = tpu.memref_slice %arg10[%mul3A_94, %dma_wait3A_103] : memref<10240x128xf32, #tpu.memory_space<vmem_shared>> -> memref<640x128xf32, #tpu.memory_space<vmem_shared>>
      tpu.wait_dma2 semaphore(%run_scoped3A : memref<!tpu.dma_semaphore, #tpu.memory_space<semaphore_mem>>) src(%dma_wait3A_104 : memref<640x128xf32, #tpu.memory_space<vmem_shared>>) dst(%dma_wait3A_102 : memref<640x128xf32, #tpu.memory_space<hbm>>)
      tpu.yield
    }) : () -> ()
    "tpu.trace_stop"() : () -> ()
    return
  }
}

#map = affine_map<(d0, d1) -> (0, 0)>
#map1 = affine_map<(d0, d1) -> (0, 0, 0)>
module attributes {stable_mosaic.version = 14 : i64} {
  func.func @scat(%arg0: i32, %arg1: i32, %arg2: memref<10240x128xf32, #tpu.memory_space<hbm>>, %arg3: memref<32x80x128xi32, #tpu.memory_space<hbm>>, %arg4: memref<32x80x128xi32, #tpu.memory_space<hbm>>, %arg5: memref<2x10240x128xf32, #tpu.memory_space<hbm>>, %arg6: memref<40x128xi32, #tpu.memory_space<vmem>>, %arg7: memref<40x128xi32, #tpu.memory_space<vmem>>, %arg8: memref<128x128xf32, #tpu.memory_space<vmem>>, %arg9: memref<128x128xf32, #tpu.memory_space<vmem>>, %arg10: memref<10240x128xf32, #tpu.memory_space<vmem_shared>>, %arg11: memref<!tpu.dma_semaphore, #tpu.memory_space<semaphore_mem>>, %arg12: memref<!tpu.dma_semaphore, #tpu.memory_space<semaphore_mem>>) attributes {dimension_semantics = [#tpu.dimension_semantics<core_parallel>, #tpu.dimension_semantics<subcore_parallel>], iteration_bounds = array<i64: 2, 16>, scalar_prefetch = 0 : i64, scratch_operands = 7 : i64, tpu.core_type = #tpu.core_type<sc_vector_subcore>, window_params = [{transform_indices = #map}, {transform_indices = #map1}, {transform_indices = #map1}, {transform_indices = #map1}]} {
    %mul3A = arith.constant 2 : i32
    %mul3A_0 = arith.muli %arg1, %mul3A : i32
    %add3A = arith.addi %mul3A_0, %arg0 : i32
    %mul3A_1 = arith.constant 80 : i32
    %mul3A_2 = arith.muli %add3A, %mul3A_1 : i32
    %sub3A = arith.constant 2500 : i32
    %sub3A_3 = arith.subi %sub3A, %mul3A_2 : i32
    %jit3A = arith.constant 0 : i32
    %jit3A_4 = arith.constant 80 : i32
    %max3A = arith.maxsi %jit3A, %sub3A_3 : i32
    %min3A = arith.minsi %jit3A_4, %max3A : i32
    %broadcast_in_dim3A = arith.constant 0.000000e+00 : f32
    %broadcast_in_dim3A_5 = vector.broadcast %broadcast_in_dim3A : f32 to vector<16xf32>
    "tpu.trace_start"() <{level = 10 : i32, message = "acc_zero"}> : () -> ()
    %scan3A = arith.constant 0 : i32
    %scan3A_6 = arith.constant 0 : i32
    %scan3A_7 = arith.constant 128 : i32
    %scan3A_8 = arith.addi %scan3A_6, %scan3A_7 : i32
    %scan3A_9 = arith.constant 1 : i32
    scf.for %scan3A_97 = %scan3A_6 to %scan3A_8 step %scan3A_9  : i32 {
      %swap3A = arith.index_cast %scan3A_97 : i32 to index
      %swap3A_98 = arith.constant 0 : index
      %swap3A_99 = tpu.vector_load %arg8[%swap3A, %swap3A_98] {strides = array<i32>} : memref<128x128xf32, #tpu.memory_space<vmem>>, vector<1x16xf32>,
      %swap3A_100 = vector.shape_cast %swap3A_99 : vector<1x16xf32> to vector<16xf32>
      %swap3A_101 = vector.shape_cast %broadcast_in_dim3A_5 : vector<16xf32> to vector<1x16xf32>
      tpu.vector_store %arg8[%swap3A, %swap3A_98], %swap3A_101 {strides = array<i32>} : memref<128x128xf32, #tpu.memory_space<vmem>>, vector<1x16xf32>,
      %swap3A_102 = arith.index_cast %scan3A_97 : i32 to index
      %swap3A_103 = arith.constant 16 : index
      %swap3A_104 = tpu.vector_load %arg8[%swap3A_102, %swap3A_103] {strides = array<i32>} : memref<128x128xf32, #tpu.memory_space<vmem>>, vector<1x16xf32>,
      %swap3A_105 = vector.shape_cast %swap3A_104 : vector<1x16xf32> to vector<16xf32>
      %swap3A_106 = vector.shape_cast %broadcast_in_dim3A_5 : vector<16xf32> to vector<1x16xf32>
      tpu.vector_store %arg8[%swap3A_102, %swap3A_103], %swap3A_106 {strides = array<i32>} : memref<128x128xf32, #tpu.memory_space<vmem>>, vector<1x16xf32>,
      %swap3A_107 = arith.index_cast %scan3A_97 : i32 to index
      %swap3A_108 = arith.constant 32 : index
      %swap3A_109 = tpu.vector_load %arg8[%swap3A_107, %swap3A_108] {strides = array<i32>} : memref<128x128xf32, #tpu.memory_space<vmem>>, vector<1x16xf32>,
      %swap3A_110 = vector.shape_cast %swap3A_109 : vector<1x16xf32> to vector<16xf32>
      %swap3A_111 = vector.shape_cast %broadcast_in_dim3A_5 : vector<16xf32> to vector<1x16xf32>
      tpu.vector_store %arg8[%swap3A_107, %swap3A_108], %swap3A_111 {strides = array<i32>} : memref<128x128xf32, #tpu.memory_space<vmem>>, vector<1x16xf32>,
      %swap3A_112 = arith.index_cast %scan3A_97 : i32 to index
      %swap3A_113 = arith.constant 48 : index
      %swap3A_114 = tpu.vector_load %arg8[%swap3A_112, %swap3A_113] {strides = array<i32>} : memref<128x128xf32, #tpu.memory_space<vmem>>, vector<1x16xf32>,
      %swap3A_115 = vector.shape_cast %swap3A_114 : vector<1x16xf32> to vector<16xf32>
      %swap3A_116 = vector.shape_cast %broadcast_in_dim3A_5 : vector<16xf32> to vector<1x16xf32>
      tpu.vector_store %arg8[%swap3A_112, %swap3A_113], %swap3A_116 {strides = array<i32>} : memref<128x128xf32, #tpu.memory_space<vmem>>, vector<1x16xf32>,
      %swap3A_117 = arith.index_cast %scan3A_97 : i32 to index
      %swap3A_118 = arith.constant 64 : index
      %swap3A_119 = tpu.vector_load %arg8[%swap3A_117, %swap3A_118] {strides = array<i32>} : memref<128x128xf32, #tpu.memory_space<vmem>>, vector<1x16xf32>,
      %swap3A_120 = vector.shape_cast %swap3A_119 : vector<1x16xf32> to vector<16xf32>
      %swap3A_121 = vector.shape_cast %broadcast_in_dim3A_5 : vector<16xf32> to vector<1x16xf32>
      tpu.vector_store %arg8[%swap3A_117, %swap3A_118], %swap3A_121 {strides = array<i32>} : memref<128x128xf32, #tpu.memory_space<vmem>>, vector<1x16xf32>,
      %swap3A_122 = arith.index_cast %scan3A_97 : i32 to index
      %swap3A_123 = arith.constant 80 : index
      %swap3A_124 = tpu.vector_load %arg8[%swap3A_122, %swap3A_123] {strides = array<i32>} : memref<128x128xf32, #tpu.memory_space<vmem>>, vector<1x16xf32>,
      %swap3A_125 = vector.shape_cast %swap3A_124 : vector<1x16xf32> to vector<16xf32>
      %swap3A_126 = vector.shape_cast %broadcast_in_dim3A_5 : vector<16xf32> to vector<1x16xf32>
      tpu.vector_store %arg8[%swap3A_122, %swap3A_123], %swap3A_126 {strides = array<i32>} : memref<128x128xf32, #tpu.memory_space<vmem>>, vector<1x16xf32>,
      %swap3A_127 = arith.index_cast %scan3A_97 : i32 to index
      %swap3A_128 = arith.constant 96 : index
      %swap3A_129 = tpu.vector_load %arg8[%swap3A_127, %swap3A_128] {strides = array<i32>} : memref<128x128xf32, #tpu.memory_space<vmem>>, vector<1x16xf32>,
      %swap3A_130 = vector.shape_cast %swap3A_129 : vector<1x16xf32> to vector<16xf32>
      %swap3A_131 = vector.shape_cast %broadcast_in_dim3A_5 : vector<16xf32> to vector<1x16xf32>
      tpu.vector_store %arg8[%swap3A_127, %swap3A_128], %swap3A_131 {strides = array<i32>} : memref<128x128xf32, #tpu.memory_space<vmem>>, vector<1x16xf32>,
      %swap3A_132 = arith.index_cast %scan3A_97 : i32 to index
      %swap3A_133 = arith.constant 112 : index
      %swap3A_134 = tpu.vector_load %arg8[%swap3A_132, %swap3A_133] {strides = array<i32>} : memref<128x128xf32, #tpu.memory_space<vmem>>, vector<1x16xf32>,
      %swap3A_135 = vector.shape_cast %swap3A_134 : vector<1x16xf32> to vector<16xf32>
      %swap3A_136 = vector.shape_cast %broadcast_in_dim3A_5 : vector<16xf32> to vector<1x16xf32>
      tpu.vector_store %arg8[%swap3A_132, %swap3A_133], %swap3A_136 {strides = array<i32>} : memref<128x128xf32, #tpu.memory_space<vmem>>, vector<1x16xf32>,
    }
    %scan3A_10 = arith.constant 128 : i32
    %mul3A_11 = arith.constant 640 : i32
    %mul3A_12 = arith.muli %arg1, %mul3A_11 : i32
    %add3A_13 = arith.constant 0 : i32
    %add3A_14 = arith.addi %mul3A_12, %add3A_13 : i32
    "tpu.region"() ({
      %run_scoped3A = tpu.sem_alloc : memref<!tpu.dma_semaphore, #tpu.memory_space<semaphore_mem>>
      %dma_start3A = arith.constant 0 : i32
      %dma_start3A_97 = tpu.memref_slice %arg10[%add3A_14, %dma_start3A] : memref<10240x128xf32, #tpu.memory_space<vmem_shared>> -> memref<128x128xf32, #tpu.memory_space<vmem_shared>>
      %dma_start3A_98 = arith.constant 0 : i32
      %dma_start3A_99 = tpu.memref_slice %arg10[%add3A_14, %dma_start3A_98] : memref<10240x128xf32, #tpu.memory_space<vmem_shared>> -> memref<128x128xf32, #tpu.memory_space<vmem_shared>>
      tpu.enqueue_dma source(%arg8 : memref<128x128xf32, #tpu.memory_space<vmem>>) target(%dma_start3A_99 : memref<128x128xf32, #tpu.memory_space<vmem_shared>>) target_semaphore(%run_scoped3A : memref<!tpu.dma_semaphore, #tpu.memory_space<semaphore_mem>>)
      %dma_wait3A = arith.constant 0 : i32
      %dma_wait3A_100 = tpu.memref_slice %arg10[%add3A_14, %dma_wait3A] : memref<10240x128xf32, #tpu.memory_space<vmem_shared>> -> memref<128x128xf32, #tpu.memory_space<vmem_shared>>
      %dma_wait3A_101 = arith.constant 0 : i32
      %dma_wait3A_102 = tpu.memref_slice %arg10[%add3A_14, %dma_wait3A_101] : memref<10240x128xf32, #tpu.memory_space<vmem_shared>> -> memref<128x128xf32, #tpu.memory_space<vmem_shared>>
      tpu.wait_dma2 semaphore(%run_scoped3A : memref<!tpu.dma_semaphore, #tpu.memory_space<semaphore_mem>>) src(%arg8 : memref<128x128xf32, #tpu.memory_space<vmem>>) dst(%dma_wait3A_102 : memref<128x128xf32, #tpu.memory_space<vmem_shared>>)
      tpu.yield
    }) : () -> ()
    %mul3A_15 = arith.constant 640 : i32
    %mul3A_16 = arith.muli %arg1, %mul3A_15 : i32
    %add3A_17 = arith.constant 128 : i32
    %add3A_18 = arith.addi %mul3A_16, %add3A_17 : i32
    "tpu.region"() ({
      %run_scoped3A = tpu.sem_alloc : memref<!tpu.dma_semaphore, #tpu.memory_space<semaphore_mem>>
      %dma_start3A = arith.constant 0 : i32
      %dma_start3A_97 = tpu.memref_slice %arg10[%add3A_18, %dma_start3A] : memref<10240x128xf32, #tpu.memory_space<vmem_shared>> -> memref<128x128xf32, #tpu.memory_space<vmem_shared>>
      %dma_start3A_98 = arith.constant 0 : i32
      %dma_start3A_99 = tpu.memref_slice %arg10[%add3A_18, %dma_start3A_98] : memref<10240x128xf32, #tpu.memory_space<vmem_shared>> -> memref<128x128xf32, #tpu.memory_space<vmem_shared>>
      tpu.enqueue_dma source(%arg8 : memref<128x128xf32, #tpu.memory_space<vmem>>) target(%dma_start3A_99 : memref<128x128xf32, #tpu.memory_space<vmem_shared>>) target_semaphore(%run_scoped3A : memref<!tpu.dma_semaphore, #tpu.memory_space<semaphore_mem>>)
      %dma_wait3A = arith.constant 0 : i32
      %dma_wait3A_100 = tpu.memref_slice %arg10[%add3A_18, %dma_wait3A] : memref<10240x128xf32, #tpu.memory_space<vmem_shared>> -> memref<128x128xf32, #tpu.memory_space<vmem_shared>>
      %dma_wait3A_101 = arith.constant 0 : i32
      %dma_wait3A_102 = tpu.memref_slice %arg10[%add3A_18, %dma_wait3A_101] : memref<10240x128xf32, #tpu.memory_space<vmem_shared>> -> memref<128x128xf32, #tpu.memory_space<vmem_shared>>
      tpu.wait_dma2 semaphore(%run_scoped3A : memref<!tpu.dma_semaphore, #tpu.memory_space<semaphore_mem>>) src(%arg8 : memref<128x128xf32, #tpu.memory_space<vmem>>) dst(%dma_wait3A_102 : memref<128x128xf32, #tpu.memory_space<vmem_shared>>)
      tpu.yield
    }) : () -> ()
    %mul3A_19 = arith.constant 640 : i32
    %mul3A_20 = arith.muli %arg1, %mul3A_19 : i32
    %add3A_21 = arith.constant 256 : i32
    %add3A_22 = arith.addi %mul3A_20, %add3A_21 : i32
    "tpu.region"() ({
      %run_scoped3A = tpu.sem_alloc : memref<!tpu.dma_semaphore, #tpu.memory_space<semaphore_mem>>
      %dma_start3A = arith.constant 0 : i32
      %dma_start3A_97 = tpu.memref_slice %arg10[%add3A_22, %dma_start3A] : memref<10240x128xf32, #tpu.memory_space<vmem_shared>> -> memref<128x128xf32, #tpu.memory_space<vmem_shared>>
      %dma_start3A_98 = arith.constant 0 : i32
      %dma_start3A_99 = tpu.memref_slice %arg10[%add3A_22, %dma_start3A_98] : memref<10240x128xf32, #tpu.memory_space<vmem_shared>> -> memref<128x128xf32, #tpu.memory_space<vmem_shared>>
      tpu.enqueue_dma source(%arg8 : memref<128x128xf32, #tpu.memory_space<vmem>>) target(%dma_start3A_99 : memref<128x128xf32, #tpu.memory_space<vmem_shared>>) target_semaphore(%run_scoped3A : memref<!tpu.dma_semaphore, #tpu.memory_space<semaphore_mem>>)
      %dma_wait3A = arith.constant 0 : i32
      %dma_wait3A_100 = tpu.memref_slice %arg10[%add3A_22, %dma_wait3A] : memref<10240x128xf32, #tpu.memory_space<vmem_shared>> -> memref<128x128xf32, #tpu.memory_space<vmem_shared>>
      %dma_wait3A_101 = arith.constant 0 : i32
      %dma_wait3A_102 = tpu.memref_slice %arg10[%add3A_22, %dma_wait3A_101] : memref<10240x128xf32, #tpu.memory_space<vmem_shared>> -> memref<128x128xf32, #tpu.memory_space<vmem_shared>>
      tpu.wait_dma2 semaphore(%run_scoped3A : memref<!tpu.dma_semaphore, #tpu.memory_space<semaphore_mem>>) src(%arg8 : memref<128x128xf32, #tpu.memory_space<vmem>>) dst(%dma_wait3A_102 : memref<128x128xf32, #tpu.memory_space<vmem_shared>>)
      tpu.yield
    }) : () -> ()
    %mul3A_23 = arith.constant 640 : i32
    %mul3A_24 = arith.muli %arg1, %mul3A_23 : i32
    %add3A_25 = arith.constant 384 : i32
    %add3A_26 = arith.addi %mul3A_24, %add3A_25 : i32
    "tpu.region"() ({
      %run_scoped3A = tpu.sem_alloc : memref<!tpu.dma_semaphore, #tpu.memory_space<semaphore_mem>>
      %dma_start3A = arith.constant 0 : i32
      %dma_start3A_97 = tpu.memref_slice %arg10[%add3A_26, %dma_start3A] : memref<10240x128xf32, #tpu.memory_space<vmem_shared>> -> memref<128x128xf32, #tpu.memory_space<vmem_shared>>
      %dma_start3A_98 = arith.constant 0 : i32
      %dma_start3A_99 = tpu.memref_slice %arg10[%add3A_26, %dma_start3A_98] : memref<10240x128xf32, #tpu.memory_space<vmem_shared>> -> memref<128x128xf32, #tpu.memory_space<vmem_shared>>
      tpu.enqueue_dma source(%arg8 : memref<128x128xf32, #tpu.memory_space<vmem>>) target(%dma_start3A_99 : memref<128x128xf32, #tpu.memory_space<vmem_shared>>) target_semaphore(%run_scoped3A : memref<!tpu.dma_semaphore, #tpu.memory_space<semaphore_mem>>)
      %dma_wait3A = arith.constant 0 : i32
      %dma_wait3A_100 = tpu.memref_slice %arg10[%add3A_26, %dma_wait3A] : memref<10240x128xf32, #tpu.memory_space<vmem_shared>> -> memref<128x128xf32, #tpu.memory_space<vmem_shared>>
      %dma_wait3A_101 = arith.constant 0 : i32
      %dma_wait3A_102 = tpu.memref_slice %arg10[%add3A_26, %dma_wait3A_101] : memref<10240x128xf32, #tpu.memory_space<vmem_shared>> -> memref<128x128xf32, #tpu.memory_space<vmem_shared>>
      tpu.wait_dma2 semaphore(%run_scoped3A : memref<!tpu.dma_semaphore, #tpu.memory_space<semaphore_mem>>) src(%arg8 : memref<128x128xf32, #tpu.memory_space<vmem>>) dst(%dma_wait3A_102 : memref<128x128xf32, #tpu.memory_space<vmem_shared>>)
      tpu.yield
    }) : () -> ()
    %mul3A_27 = arith.constant 640 : i32
    %mul3A_28 = arith.muli %arg1, %mul3A_27 : i32
    %add3A_29 = arith.constant 512 : i32
    %add3A_30 = arith.addi %mul3A_28, %add3A_29 : i32
    "tpu.region"() ({
      %run_scoped3A = tpu.sem_alloc : memref<!tpu.dma_semaphore, #tpu.memory_space<semaphore_mem>>
      %dma_start3A = arith.constant 0 : i32
      %dma_start3A_97 = tpu.memref_slice %arg10[%add3A_30, %dma_start3A] : memref<10240x128xf32, #tpu.memory_space<vmem_shared>> -> memref<128x128xf32, #tpu.memory_space<vmem_shared>>
      %dma_start3A_98 = arith.constant 0 : i32
      %dma_start3A_99 = tpu.memref_slice %arg10[%add3A_30, %dma_start3A_98] : memref<10240x128xf32, #tpu.memory_space<vmem_shared>> -> memref<128x128xf32, #tpu.memory_space<vmem_shared>>
      tpu.enqueue_dma source(%arg8 : memref<128x128xf32, #tpu.memory_space<vmem>>) target(%dma_start3A_99 : memref<128x128xf32, #tpu.memory_space<vmem_shared>>) target_semaphore(%run_scoped3A : memref<!tpu.dma_semaphore, #tpu.memory_space<semaphore_mem>>)
      %dma_wait3A = arith.constant 0 : i32
      %dma_wait3A_100 = tpu.memref_slice %arg10[%add3A_30, %dma_wait3A] : memref<10240x128xf32, #tpu.memory_space<vmem_shared>> -> memref<128x128xf32, #tpu.memory_space<vmem_shared>>
      %dma_wait3A_101 = arith.constant 0 : i32
      %dma_wait3A_102 = tpu.memref_slice %arg10[%add3A_30, %dma_wait3A_101] : memref<10240x128xf32, #tpu.memory_space<vmem_shared>> -> memref<128x128xf32, #tpu.memory_space<vmem_shared>>
      tpu.wait_dma2 semaphore(%run_scoped3A : memref<!tpu.dma_semaphore, #tpu.memory_space<semaphore_mem>>) src(%arg8 : memref<128x128xf32, #tpu.memory_space<vmem>>) dst(%dma_wait3A_102 : memref<128x128xf32, #tpu.memory_space<vmem_shared>>)
      tpu.yield
    }) : () -> ()
    %barrier3A = arith.constant 0 : index
    tpu.barrier barrier_id(%barrier3A)
    "tpu.trace_stop"() : () -> ()
    %sub3A_31 = arith.constant 0 : i32
    %sub3A_32 = arith.subi %min3A, %sub3A_31 : i32
    %jit3A_33 = arith.constant 0 : i32
    %jit3A_34 = arith.constant 40 : i32
    %max3A_35 = arith.maxsi %jit3A_33, %sub3A_32 : i32
    %min3A_36 = arith.minsi %jit3A_34, %max3A_35 : i32
    "tpu.trace_start"() <{level = 10 : i32, message = "idx_load"}> : () -> ()
    "tpu.region"() ({
      %run_scoped3A = tpu.sem_alloc : memref<!tpu.dma_semaphore, #tpu.memory_space<semaphore_mem>>
      %dma_start3A = arith.constant 0 : i32
      %dma_start3A_97 = arith.constant 0 : i32
      %dma_start3A_98 = tpu.memref_slice %arg3[%add3A, %dma_start3A, %dma_start3A_97] : memref<32x80x128xi32, #tpu.memory_space<hbm>> -> memref<1x40x128xi32, #tpu.memory_space<hbm>>
      %dma_start3A_99 = tpu.memref_squeeze %dma_start3A_98 : memref<1x40x128xi32, #tpu.memory_space<hbm>> -> memref<40x128xi32, #tpu.memory_space<hbm>>
      %dma_start3A_100 = arith.constant 0 : i32
      %dma_start3A_101 = arith.constant 0 : i32
      %dma_start3A_102 = tpu.memref_slice %arg3[%add3A, %dma_start3A_100, %dma_start3A_101] : memref<32x80x128xi32, #tpu.memory_space<hbm>> -> memref<1x40x128xi32, #tpu.memory_space<hbm>>
      %dma_start3A_103 = tpu.memref_squeeze %dma_start3A_102 : memref<1x40x128xi32, #tpu.memory_space<hbm>> -> memref<40x128xi32, #tpu.memory_space<hbm>>
      tpu.enqueue_dma source(%dma_start3A_103 : memref<40x128xi32, #tpu.memory_space<hbm>>) target(%arg6 : memref<40x128xi32, #tpu.memory_space<vmem>>) target_semaphore(%run_scoped3A : memref<!tpu.dma_semaphore, #tpu.memory_space<semaphore_mem>>)
      %dma_wait3A = arith.constant 0 : i32
      %dma_wait3A_104 = arith.constant 0 : i32
      %dma_wait3A_105 = tpu.memref_slice %arg3[%add3A, %dma_wait3A, %dma_wait3A_104] : memref<32x80x128xi32, #tpu.memory_space<hbm>> -> memref<1x40x128xi32, #tpu.memory_space<hbm>>
      %dma_wait3A_106 = tpu.memref_squeeze %dma_wait3A_105 : memref<1x40x128xi32, #tpu.memory_space<hbm>> -> memref<40x128xi32, #tpu.memory_space<hbm>>
      %dma_wait3A_107 = arith.constant 0 : i32
      %dma_wait3A_108 = arith.constant 0 : i32
      %dma_wait3A_109 = tpu.memref_slice %arg3[%add3A, %dma_wait3A_107, %dma_wait3A_108] : memref<32x80x128xi32, #tpu.memory_space<hbm>> -> memref<1x40x128xi32, #tpu.memory_space<hbm>>
      %dma_wait3A_110 = tpu.memref_squeeze %dma_wait3A_109 : memref<1x40x128xi32, #tpu.memory_space<hbm>> -> memref<40x128xi32, #tpu.memory_space<hbm>>
      tpu.wait_dma2 semaphore(%run_scoped3A : memref<!tpu.dma_semaphore, #tpu.memory_space<semaphore_mem>>) src(%dma_wait3A_110 : memref<40x128xi32, #tpu.memory_space<hbm>>) dst(%arg6 : memref<40x128xi32, #tpu.memory_space<vmem>>)
      tpu.yield
    }) : () -> ()
    "tpu.region"() ({
      %run_scoped3A = tpu.sem_alloc : memref<!tpu.dma_semaphore, #tpu.memory_space<semaphore_mem>>
      %dma_start3A = arith.constant 0 : i32
      %dma_start3A_97 = arith.constant 0 : i32
      %dma_start3A_98 = tpu.memref_slice %arg4[%add3A, %dma_start3A, %dma_start3A_97] : memref<32x80x128xi32, #tpu.memory_space<hbm>> -> memref<1x40x128xi32, #tpu.memory_space<hbm>>
      %dma_start3A_99 = tpu.memref_squeeze %dma_start3A_98 : memref<1x40x128xi32, #tpu.memory_space<hbm>> -> memref<40x128xi32, #tpu.memory_space<hbm>>
      %dma_start3A_100 = arith.constant 0 : i32
      %dma_start3A_101 = arith.constant 0 : i32
      %dma_start3A_102 = tpu.memref_slice %arg4[%add3A, %dma_start3A_100, %dma_start3A_101] : memref<32x80x128xi32, #tpu.memory_space<hbm>> -> memref<1x40x128xi32, #tpu.memory_space<hbm>>
      %dma_start3A_103 = tpu.memref_squeeze %dma_start3A_102 : memref<1x40x128xi32, #tpu.memory_space<hbm>> -> memref<40x128xi32, #tpu.memory_space<hbm>>
      tpu.enqueue_dma source(%dma_start3A_103 : memref<40x128xi32, #tpu.memory_space<hbm>>) target(%arg7 : memref<40x128xi32, #tpu.memory_space<vmem>>) target_semaphore(%run_scoped3A : memref<!tpu.dma_semaphore, #tpu.memory_space<semaphore_mem>>)
      %dma_wait3A = arith.constant 0 : i32
      %dma_wait3A_104 = arith.constant 0 : i32
      %dma_wait3A_105 = tpu.memref_slice %arg4[%add3A, %dma_wait3A, %dma_wait3A_104] : memref<32x80x128xi32, #tpu.memory_space<hbm>> -> memref<1x40x128xi32, #tpu.memory_space<hbm>>
      %dma_wait3A_106 = tpu.memref_squeeze %dma_wait3A_105 : memref<1x40x128xi32, #tpu.memory_space<hbm>> -> memref<40x128xi32, #tpu.memory_space<hbm>>
      %dma_wait3A_107 = arith.constant 0 : i32
      %dma_wait3A_108 = arith.constant 0 : i32
      %dma_wait3A_109 = tpu.memref_slice %arg4[%add3A, %dma_wait3A_107, %dma_wait3A_108] : memref<32x80x128xi32, #tpu.memory_space<hbm>> -> memref<1x40x128xi32, #tpu.memory_space<hbm>>
      %dma_wait3A_110 = tpu.memref_squeeze %dma_wait3A_109 : memref<1x40x128xi32, #tpu.memory_space<hbm>> -> memref<40x128xi32, #tpu.memory_space<hbm>>
      tpu.wait_dma2 semaphore(%run_scoped3A : memref<!tpu.dma_semaphore, #tpu.memory_space<semaphore_mem>>) src(%dma_wait3A_110 : memref<40x128xi32, #tpu.memory_space<hbm>>) dst(%arg7 : memref<40x128xi32, #tpu.memory_space<vmem>>)
      tpu.yield
    }) : () -> ()
    %gt3A = arith.constant 0 : i32
    "tpu.trace_stop"() : () -> ()
    "tpu.trace_start"() <{level = 10 : i32, message = "edge_loop"}> : () -> ()
    %gt3A_37 = arith.cmpi sgt, %min3A_36, %gt3A : i32
    %convert_element_type3A = arith.extui %gt3A_37 : i1 to i32
    %cond3A = arith.constant 0 : i32
    %cond3A_38 = arith.cmpi ne, %convert_element_type3A, %cond3A : i32
    scf.if %cond3A_38 {
      %dma_start3A = arith.constant 0 : i32
      %dma_start3A_97 = arith.constant 0 : i32
      %dma_start3A_98 = tpu.memref_slice %arg6[%dma_start3A, %dma_start3A_97] : memref<40x128xi32, #tpu.memory_space<vmem>> -> memref<1x128xi32, #tpu.memory_space<vmem>>
      %dma_start3A_99 = tpu.memref_squeeze %dma_start3A_98 : memref<1x128xi32, #tpu.memory_space<vmem>> -> memref<128xi32, #tpu.memory_space<vmem>>
      %dma_start3A_100 = arith.constant 0 : i32
      %dma_start3A_101 = arith.constant 0 : i32
      %dma_start3A_102 = tpu.memref_slice %arg2[%dma_start3A_100, %dma_start3A_101] : memref<10240x128xf32, #tpu.memory_space<hbm>> -> memref<10240x128xf32, #tpu.memory_space<hbm>>
      tpu.enqueue_indirect_dma source(%dma_start3A_102 : memref<10240x128xf32, #tpu.memory_space<hbm>>) target(%arg8 : memref<128x128xf32, #tpu.memory_space<vmem>>) offsets(%dma_start3A_99 : memref<128xi32, #tpu.memory_space<vmem>>) semaphore(%arg11 : memref<!tpu.dma_semaphore, #tpu.memory_space<semaphore_mem>>)
      %dma_wait3A = arith.constant 0 : i32
      %dma_wait3A_103 = arith.constant 0 : i32
      %dma_wait3A_104 = tpu.memref_slice %arg6[%dma_wait3A, %dma_wait3A_103] : memref<40x128xi32, #tpu.memory_space<vmem>> -> memref<1x128xi32, #tpu.memory_space<vmem>>
      %dma_wait3A_105 = tpu.memref_squeeze %dma_wait3A_104 : memref<1x128xi32, #tpu.memory_space<vmem>> -> memref<128xi32, #tpu.memory_space<vmem>>
      %dma_wait3A_106 = arith.constant 0 : i32
      %dma_wait3A_107 = arith.constant 0 : i32
      %dma_wait3A_108 = tpu.memref_slice %arg2[%dma_wait3A_106, %dma_wait3A_107] : memref<10240x128xf32, #tpu.memory_space<hbm>> -> memref<10240x128xf32, #tpu.memory_space<hbm>>
      tpu.wait_indirect_dma semaphore(%arg11 : memref<!tpu.dma_semaphore, #tpu.memory_space<semaphore_mem>>) src(%dma_wait3A_108 : memref<10240x128xf32, #tpu.memory_space<hbm>>) dst(%arg8 : memref<128x128xf32, #tpu.memory_space<vmem>>)
      %dma_start3A_109 = arith.constant 0 : i32
      %dma_start3A_110 = arith.constant 0 : i32
      %dma_start3A_111 = tpu.memref_slice %arg7[%dma_start3A_109, %dma_start3A_110] : memref<40x128xi32, #tpu.memory_space<vmem>> -> memref<1x128xi32, #tpu.memory_space<vmem>>
      %dma_start3A_112 = tpu.memref_squeeze %dma_start3A_111 : memref<1x128xi32, #tpu.memory_space<vmem>> -> memref<128xi32, #tpu.memory_space<vmem>>
      %dma_start3A_113 = arith.constant 0 : i32
      %dma_start3A_114 = arith.constant 0 : i32
      %dma_start3A_115 = tpu.memref_slice %arg10[%dma_start3A_113, %dma_start3A_114] : memref<10240x128xf32, #tpu.memory_space<vmem_shared>> -> memref<10240x128xf32, #tpu.memory_space<vmem_shared>>
      tpu.enqueue_indirect_dma source(%arg8 : memref<128x128xf32, #tpu.memory_space<vmem>>) target(%dma_start3A_115 : memref<10240x128xf32, #tpu.memory_space<vmem_shared>>) offsets(%dma_start3A_112 : memref<128xi32, #tpu.memory_space<vmem>>) semaphore(%arg12 : memref<!tpu.dma_semaphore, #tpu.memory_space<semaphore_mem>>) {add = true}
    } else {
    }
    %gt3A_39 = arith.constant 1 : i32
    %gt3A_40 = arith.cmpi sgt, %min3A_36, %gt3A_39 : i32
    %convert_element_type3A_41 = arith.extui %gt3A_40 : i1 to i32
    %cond3A_42 = arith.constant 0 : i32
    %cond3A_43 = arith.cmpi ne, %convert_element_type3A_41, %cond3A_42 : i32
    scf.if %cond3A_43 {
      %dma_start3A = arith.constant 1 : i32
      %dma_start3A_97 = arith.constant 0 : i32
      %dma_start3A_98 = tpu.memref_slice %arg6[%dma_start3A, %dma_start3A_97] : memref<40x128xi32, #tpu.memory_space<vmem>> -> memref<1x128xi32, #tpu.memory_space<vmem>>
      %dma_start3A_99 = tpu.memref_squeeze %dma_start3A_98 : memref<1x128xi32, #tpu.memory_space<vmem>> -> memref<128xi32, #tpu.memory_space<vmem>>
      %dma_start3A_100 = arith.constant 0 : i32
      %dma_start3A_101 = arith.constant 0 : i32
      %dma_start3A_102 = tpu.memref_slice %arg2[%dma_start3A_100, %dma_start3A_101] : memref<10240x128xf32, #tpu.memory_space<hbm>> -> memref<10240x128xf32, #tpu.memory_space<hbm>>
      tpu.enqueue_indirect_dma source(%dma_start3A_102 : memref<10240x128xf32, #tpu.memory_space<hbm>>) target(%arg9 : memref<128x128xf32, #tpu.memory_space<vmem>>) offsets(%dma_start3A_99 : memref<128xi32, #tpu.memory_space<vmem>>) semaphore(%arg11 : memref<!tpu.dma_semaphore, #tpu.memory_space<semaphore_mem>>)
      %dma_wait3A = arith.constant 0 : i32
      %dma_wait3A_103 = arith.constant 0 : i32
      %dma_wait3A_104 = tpu.memref_slice %arg6[%dma_wait3A, %dma_wait3A_103] : memref<40x128xi32, #tpu.memory_space<vmem>> -> memref<1x128xi32, #tpu.memory_space<vmem>>
      %dma_wait3A_105 = tpu.memref_squeeze %dma_wait3A_104 : memref<1x128xi32, #tpu.memory_space<vmem>> -> memref<128xi32, #tpu.memory_space<vmem>>
      %dma_wait3A_106 = arith.constant 0 : i32
      %dma_wait3A_107 = arith.constant 0 : i32
      %dma_wait3A_108 = tpu.memref_slice %arg2[%dma_wait3A_106, %dma_wait3A_107] : memref<10240x128xf32, #tpu.memory_space<hbm>> -> memref<10240x128xf32, #tpu.memory_space<hbm>>
      tpu.wait_indirect_dma semaphore(%arg11 : memref<!tpu.dma_semaphore, #tpu.memory_space<semaphore_mem>>) src(%dma_wait3A_108 : memref<10240x128xf32, #tpu.memory_space<hbm>>) dst(%arg9 : memref<128x128xf32, #tpu.memory_space<vmem>>)
      %dma_start3A_109 = arith.constant 1 : i32
      %dma_start3A_110 = arith.constant 0 : i32
      %dma_start3A_111 = tpu.memref_slice %arg7[%dma_start3A_109, %dma_start3A_110] : memref<40x128xi32, #tpu.memory_space<vmem>> -> memref<1x128xi32, #tpu.memory_space<vmem>>
      %dma_start3A_112 = tpu.memref_squeeze %dma_start3A_111 : memref<1x128xi32, #tpu.memory_space<vmem>> -> memref<128xi32, #tpu.memory_space<vmem>>
      %dma_start3A_113 = arith.constant 0 : i32
      %dma_start3A_114 = arith.constant 0 : i32
      %dma_start3A_115 = tpu.memref_slice %arg10[%dma_start3A_113, %dma_start3A_114] : memref<10240x128xf32, #tpu.memory_space<vmem_shared>> -> memref<10240x128xf32, #tpu.memory_space<vmem_shared>>
      tpu.enqueue_indirect_dma source(%arg9 : memref<128x128xf32, #tpu.memory_space<vmem>>) target(%dma_start3A_115 : memref<10240x128xf32, #tpu.memory_space<vmem_shared>>) offsets(%dma_start3A_112 : memref<128xi32, #tpu.memory_space<vmem>>) semaphore(%arg12 : memref<!tpu.dma_semaphore, #tpu.memory_space<semaphore_mem>>) {add = true}
    } else {
    }
    %scan3A_44 = arith.constant 0 : i32
    %scan3A_45 = arith.constant 1 : i32
    %scan3A_46 = arith.constant 19 : i32
    %scan3A_47 = arith.addi %scan3A_45, %scan3A_46 : i32
    %scan3A_48 = arith.constant 1 : i32
    scf.for %scan3A_97 = %scan3A_45 to %scan3A_47 step %scan3A_48  : i32 {
      %mul3A_98 = arith.constant 2 : i32
      %mul3A_99 = arith.muli %mul3A_98, %scan3A_97 : i32
      %lt3A = arith.cmpi slt, %mul3A_99, %min3A_36 : i32
      %convert_element_type3A_100 = arith.extui %lt3A : i1 to i32
      %cond3A_101 = arith.constant 0 : i32
      %cond3A_102 = arith.cmpi ne, %convert_element_type3A_100, %cond3A_101 : i32
      scf.if %cond3A_102 {
        %dma_wait3A = arith.constant 0 : i32
        %dma_wait3A_109 = arith.constant 0 : i32
        %dma_wait3A_110 = tpu.memref_slice %arg7[%dma_wait3A, %dma_wait3A_109] : memref<40x128xi32, #tpu.memory_space<vmem>> -> memref<1x128xi32, #tpu.memory_space<vmem>>
        %dma_wait3A_111 = tpu.memref_squeeze %dma_wait3A_110 : memref<1x128xi32, #tpu.memory_space<vmem>> -> memref<128xi32, #tpu.memory_space<vmem>>
        %dma_wait3A_112 = arith.constant 0 : i32
        %dma_wait3A_113 = arith.constant 0 : i32
        %dma_wait3A_114 = tpu.memref_slice %arg10[%dma_wait3A_112, %dma_wait3A_113] : memref<10240x128xf32, #tpu.memory_space<vmem_shared>> -> memref<10240x128xf32, #tpu.memory_space<vmem_shared>>
        tpu.wait_indirect_dma semaphore(%arg12 : memref<!tpu.dma_semaphore, #tpu.memory_space<semaphore_mem>>) src(%arg8 : memref<128x128xf32, #tpu.memory_space<vmem>>) dst(%dma_wait3A_114 : memref<10240x128xf32, #tpu.memory_space<vmem_shared>>)
        %dma_start3A = arith.constant 0 : i32
        %dma_start3A_115 = tpu.memref_slice %arg6[%mul3A_99, %dma_start3A] : memref<40x128xi32, #tpu.memory_space<vmem>> -> memref<1x128xi32, #tpu.memory_space<vmem>>
        %dma_start3A_116 = tpu.memref_squeeze %dma_start3A_115 : memref<1x128xi32, #tpu.memory_space<vmem>> -> memref<128xi32, #tpu.memory_space<vmem>>
        %dma_start3A_117 = arith.constant 0 : i32
        %dma_start3A_118 = arith.constant 0 : i32
        %dma_start3A_119 = tpu.memref_slice %arg2[%dma_start3A_117, %dma_start3A_118] : memref<10240x128xf32, #tpu.memory_space<hbm>> -> memref<10240x128xf32, #tpu.memory_space<hbm>>
        tpu.enqueue_indirect_dma source(%dma_start3A_119 : memref<10240x128xf32, #tpu.memory_space<hbm>>) target(%arg8 : memref<128x128xf32, #tpu.memory_space<vmem>>) offsets(%dma_start3A_116 : memref<128xi32, #tpu.memory_space<vmem>>) semaphore(%arg11 : memref<!tpu.dma_semaphore, #tpu.memory_space<semaphore_mem>>)
        %dma_wait3A_120 = arith.constant 0 : i32
        %dma_wait3A_121 = arith.constant 0 : i32
        %dma_wait3A_122 = tpu.memref_slice %arg6[%dma_wait3A_120, %dma_wait3A_121] : memref<40x128xi32, #tpu.memory_space<vmem>> -> memref<1x128xi32, #tpu.memory_space<vmem>>
        %dma_wait3A_123 = tpu.memref_squeeze %dma_wait3A_122 : memref<1x128xi32, #tpu.memory_space<vmem>> -> memref<128xi32, #tpu.memory_space<vmem>>
        %dma_wait3A_124 = arith.constant 0 : i32
        %dma_wait3A_125 = arith.constant 0 : i32
        %dma_wait3A_126 = tpu.memref_slice %arg2[%dma_wait3A_124, %dma_wait3A_125] : memref<10240x128xf32, #tpu.memory_space<hbm>> -> memref<10240x128xf32, #tpu.memory_space<hbm>>
        tpu.wait_indirect_dma semaphore(%arg11 : memref<!tpu.dma_semaphore, #tpu.memory_space<semaphore_mem>>) src(%dma_wait3A_126 : memref<10240x128xf32, #tpu.memory_space<hbm>>) dst(%arg8 : memref<128x128xf32, #tpu.memory_space<vmem>>)
        %dma_start3A_127 = arith.constant 0 : i32
        %dma_start3A_128 = tpu.memref_slice %arg7[%mul3A_99, %dma_start3A_127] : memref<40x128xi32, #tpu.memory_space<vmem>> -> memref<1x128xi32, #tpu.memory_space<vmem>>
        %dma_start3A_129 = tpu.memref_squeeze %dma_start3A_128 : memref<1x128xi32, #tpu.memory_space<vmem>> -> memref<128xi32, #tpu.memory_space<vmem>>
        %dma_start3A_130 = arith.constant 0 : i32
        %dma_start3A_131 = arith.constant 0 : i32
        %dma_start3A_132 = tpu.memref_slice %arg10[%dma_start3A_130, %dma_start3A_131] : memref<10240x128xf32, #tpu.memory_space<vmem_shared>> -> memref<10240x128xf32, #tpu.memory_space<vmem_shared>>
        tpu.enqueue_indirect_dma source(%arg8 : memref<128x128xf32, #tpu.memory_space<vmem>>) target(%dma_start3A_132 : memref<10240x128xf32, #tpu.memory_space<vmem_shared>>) offsets(%dma_start3A_129 : memref<128xi32, #tpu.memory_space<vmem>>) semaphore(%arg12 : memref<!tpu.dma_semaphore, #tpu.memory_space<semaphore_mem>>) {add = true}
      } else {
      }
      %add3A_103 = arith.constant 1 : i32
      %add3A_104 = arith.addi %mul3A_99, %add3A_103 : i32
      %lt3A_105 = arith.cmpi slt, %add3A_104, %min3A_36 : i32
      %convert_element_type3A_106 = arith.extui %lt3A_105 : i1 to i32
      %cond3A_107 = arith.constant 0 : i32
      %cond3A_108 = arith.cmpi ne, %convert_element_type3A_106, %cond3A_107 : i32
      scf.if %cond3A_108 {
        %dma_wait3A = arith.constant 0 : i32
        %dma_wait3A_109 = arith.constant 0 : i32
        %dma_wait3A_110 = tpu.memref_slice %arg7[%dma_wait3A, %dma_wait3A_109] : memref<40x128xi32, #tpu.memory_space<vmem>> -> memref<1x128xi32, #tpu.memory_space<vmem>>
        %dma_wait3A_111 = tpu.memref_squeeze %dma_wait3A_110 : memref<1x128xi32, #tpu.memory_space<vmem>> -> memref<128xi32, #tpu.memory_space<vmem>>
        %dma_wait3A_112 = arith.constant 0 : i32
        %dma_wait3A_113 = arith.constant 0 : i32
        %dma_wait3A_114 = tpu.memref_slice %arg10[%dma_wait3A_112, %dma_wait3A_113] : memref<10240x128xf32, #tpu.memory_space<vmem_shared>> -> memref<10240x128xf32, #tpu.memory_space<vmem_shared>>
        tpu.wait_indirect_dma semaphore(%arg12 : memref<!tpu.dma_semaphore, #tpu.memory_space<semaphore_mem>>) src(%arg9 : memref<128x128xf32, #tpu.memory_space<vmem>>) dst(%dma_wait3A_114 : memref<10240x128xf32, #tpu.memory_space<vmem_shared>>)
        %add3A_115 = arith.constant 1 : i32
        %add3A_116 = arith.addi %mul3A_99, %add3A_115 : i32
        %dma_start3A = arith.constant 0 : i32
        %dma_start3A_117 = tpu.memref_slice %arg6[%add3A_116, %dma_start3A] : memref<40x128xi32, #tpu.memory_space<vmem>> -> memref<1x128xi32, #tpu.memory_space<vmem>>
        %dma_start3A_118 = tpu.memref_squeeze %dma_start3A_117 : memref<1x128xi32, #tpu.memory_space<vmem>> -> memref<128xi32, #tpu.memory_space<vmem>>
        %dma_start3A_119 = arith.constant 0 : i32
        %dma_start3A_120 = arith.constant 0 : i32
        %dma_start3A_121 = tpu.memref_slice %arg2[%dma_start3A_119, %dma_start3A_120] : memref<10240x128xf32, #tpu.memory_space<hbm>> -> memref<10240x128xf32, #tpu.memory_space<hbm>>
        tpu.enqueue_indirect_dma source(%dma_start3A_121 : memref<10240x128xf32, #tpu.memory_space<hbm>>) target(%arg9 : memref<128x128xf32, #tpu.memory_space<vmem>>) offsets(%dma_start3A_118 : memref<128xi32, #tpu.memory_space<vmem>>) semaphore(%arg11 : memref<!tpu.dma_semaphore, #tpu.memory_space<semaphore_mem>>)
        %dma_wait3A_122 = arith.constant 0 : i32
        %dma_wait3A_123 = arith.constant 0 : i32
        %dma_wait3A_124 = tpu.memref_slice %arg6[%dma_wait3A_122, %dma_wait3A_123] : memref<40x128xi32, #tpu.memory_space<vmem>> -> memref<1x128xi32, #tpu.memory_space<vmem>>
        %dma_wait3A_125 = tpu.memref_squeeze %dma_wait3A_124 : memref<1x128xi32, #tpu.memory_space<vmem>> -> memref<128xi32, #tpu.memory_space<vmem>>
        %dma_wait3A_126 = arith.constant 0 : i32
        %dma_wait3A_127 = arith.constant 0 : i32
        %dma_wait3A_128 = tpu.memref_slice %arg2[%dma_wait3A_126, %dma_wait3A_127] : memref<10240x128xf32, #tpu.memory_space<hbm>> -> memref<10240x128xf32, #tpu.memory_space<hbm>>
        tpu.wait_indirect_dma semaphore(%arg11 : memref<!tpu.dma_semaphore, #tpu.memory_space<semaphore_mem>>) src(%dma_wait3A_128 : memref<10240x128xf32, #tpu.memory_space<hbm>>) dst(%arg9 : memref<128x128xf32, #tpu.memory_space<vmem>>)
        %add3A_129 = arith.constant 1 : i32
        %add3A_130 = arith.addi %mul3A_99, %add3A_129 : i32
        %dma_start3A_131 = arith.constant 0 : i32
        %dma_start3A_132 = tpu.memref_slice %arg7[%add3A_130, %dma_start3A_131] : memref<40x128xi32, #tpu.memory_space<vmem>> -> memref<1x128xi32, #tpu.memory_space<vmem>>
        %dma_start3A_133 = tpu.memref_squeeze %dma_start3A_132 : memref<1x128xi32, #tpu.memory_space<vmem>> -> memref<128xi32, #tpu.memory_space<vmem>>
        %dma_start3A_134 = arith.constant 0 : i32
        %dma_start3A_135 = arith.constant 0 : i32
        %dma_start3A_136 = tpu.memref_slice %arg10[%dma_start3A_134, %dma_start3A_135] : memref<10240x128xf32, #tpu.memory_space<vmem_shared>> -> memref<10240x128xf32, #tpu.memory_space<vmem_shared>>
        tpu.enqueue_indirect_dma source(%arg9 : memref<128x128xf32, #tpu.memory_space<vmem>>) target(%dma_start3A_136 : memref<10240x128xf32, #tpu.memory_space<vmem_shared>>) offsets(%dma_start3A_133 : memref<128xi32, #tpu.memory_space<vmem>>) semaphore(%arg12 : memref<!tpu.dma_semaphore, #tpu.memory_space<semaphore_mem>>) {add = true}
      } else {
      }
    }
    %scan3A_49 = arith.constant 19 : i32
    %gt3A_50 = arith.constant 0 : i32
    %gt3A_51 = arith.cmpi sgt, %min3A_36, %gt3A_50 : i32
    %convert_element_type3A_52 = arith.extui %gt3A_51 : i1 to i32
    %cond3A_53 = arith.constant 0 : i32
    %cond3A_54 = arith.cmpi ne, %convert_element_type3A_52, %cond3A_53 : i32
    scf.if %cond3A_54 {
      %dma_wait3A = arith.constant 0 : i32
      %dma_wait3A_97 = arith.constant 0 : i32
      %dma_wait3A_98 = tpu.memref_slice %arg7[%dma_wait3A, %dma_wait3A_97] : memref<40x128xi32, #tpu.memory_space<vmem>> -> memref<1x128xi32, #tpu.memory_space<vmem>>
      %dma_wait3A_99 = tpu.memref_squeeze %dma_wait3A_98 : memref<1x128xi32, #tpu.memory_space<vmem>> -> memref<128xi32, #tpu.memory_space<vmem>>
      %dma_wait3A_100 = arith.constant 0 : i32
      %dma_wait3A_101 = arith.constant 0 : i32
      %dma_wait3A_102 = tpu.memref_slice %arg10[%dma_wait3A_100, %dma_wait3A_101] : memref<10240x128xf32, #tpu.memory_space<vmem_shared>> -> memref<10240x128xf32, #tpu.memory_space<vmem_shared>>
      tpu.wait_indirect_dma semaphore(%arg12 : memref<!tpu.dma_semaphore, #tpu.memory_space<semaphore_mem>>) src(%arg8 : memref<128x128xf32, #tpu.memory_space<vmem>>) dst(%dma_wait3A_102 : memref<10240x128xf32, #tpu.memory_space<vmem_shared>>)
    } else {
    }
    %gt3A_55 = arith.constant 1 : i32
    %gt3A_56 = arith.cmpi sgt, %min3A_36, %gt3A_55 : i32
    %convert_element_type3A_57 = arith.extui %gt3A_56 : i1 to i32
    %cond3A_58 = arith.constant 0 : i32
    %cond3A_59 = arith.cmpi ne, %convert_element_type3A_57, %cond3A_58 : i32
    scf.if %cond3A_59 {
      %dma_wait3A = arith.constant 0 : i32
      %dma_wait3A_97 = arith.constant 0 : i32
      %dma_wait3A_98 = tpu.memref_slice %arg7[%dma_wait3A, %dma_wait3A_97] : memref<40x128xi32, #tpu.memory_space<vmem>> -> memref<1x128xi32, #tpu.memory_space<vmem>>
      %dma_wait3A_99 = tpu.memref_squeeze %dma_wait3A_98 : memref<1x128xi32, #tpu.memory_space<vmem>> -> memref<128xi32, #tpu.memory_space<vmem>>
      %dma_wait3A_100 = arith.constant 0 : i32
      %dma_wait3A_101 = arith.constant 0 : i32
      %dma_wait3A_102 = tpu.memref_slice %arg10[%dma_wait3A_100, %dma_wait3A_101] : memref<10240x128xf32, #tpu.memory_space<vmem_shared>> -> memref<10240x128xf32, #tpu.memory_space<vmem_shared>>
      tpu.wait_indirect_dma semaphore(%arg12 : memref<!tpu.dma_semaphore, #tpu.memory_space<semaphore_mem>>) src(%arg9 : memref<128x128xf32, #tpu.memory_space<vmem>>) dst(%dma_wait3A_102 : memref<10240x128xf32, #tpu.memory_space<vmem_shared>>)
    } else {
    }
    "tpu.trace_stop"() : () -> ()
    %sub3A_60 = arith.constant 40 : i32
    %sub3A_61 = arith.subi %min3A, %sub3A_60 : i32
    %jit3A_62 = arith.constant 0 : i32
    %jit3A_63 = arith.constant 40 : i32
    %max3A_64 = arith.maxsi %jit3A_62, %sub3A_61 : i32
    %min3A_65 = arith.minsi %jit3A_63, %max3A_64 : i32
    "tpu.trace_start"() <{level = 10 : i32, message = "idx_load"}> : () -> ()
    "tpu.region"() ({
      %run_scoped3A = tpu.sem_alloc : memref<!tpu.dma_semaphore, #tpu.memory_space<semaphore_mem>>
      %dma_start3A = arith.constant 40 : i32
      %dma_start3A_97 = arith.constant 0 : i32
      %dma_start3A_98 = tpu.memref_slice %arg3[%add3A, %dma_start3A, %dma_start3A_97] : memref<32x80x128xi32, #tpu.memory_space<hbm>> -> memref<1x40x128xi32, #tpu.memory_space<hbm>>
      %dma_start3A_99 = tpu.memref_squeeze %dma_start3A_98 : memref<1x40x128xi32, #tpu.memory_space<hbm>> -> memref<40x128xi32, #tpu.memory_space<hbm>>
      %dma_start3A_100 = arith.constant 40 : i32
      %dma_start3A_101 = arith.constant 0 : i32
      %dma_start3A_102 = tpu.memref_slice %arg3[%add3A, %dma_start3A_100, %dma_start3A_101] : memref<32x80x128xi32, #tpu.memory_space<hbm>> -> memref<1x40x128xi32, #tpu.memory_space<hbm>>
      %dma_start3A_103 = tpu.memref_squeeze %dma_start3A_102 : memref<1x40x128xi32, #tpu.memory_space<hbm>> -> memref<40x128xi32, #tpu.memory_space<hbm>>
      tpu.enqueue_dma source(%dma_start3A_103 : memref<40x128xi32, #tpu.memory_space<hbm>>) target(%arg6 : memref<40x128xi32, #tpu.memory_space<vmem>>) target_semaphore(%run_scoped3A : memref<!tpu.dma_semaphore, #tpu.memory_space<semaphore_mem>>)
      %dma_wait3A = arith.constant 40 : i32
      %dma_wait3A_104 = arith.constant 0 : i32
      %dma_wait3A_105 = tpu.memref_slice %arg3[%add3A, %dma_wait3A, %dma_wait3A_104] : memref<32x80x128xi32, #tpu.memory_space<hbm>> -> memref<1x40x128xi32, #tpu.memory_space<hbm>>
      %dma_wait3A_106 = tpu.memref_squeeze %dma_wait3A_105 : memref<1x40x128xi32, #tpu.memory_space<hbm>> -> memref<40x128xi32, #tpu.memory_space<hbm>>
      %dma_wait3A_107 = arith.constant 40 : i32
      %dma_wait3A_108 = arith.constant 0 : i32
      %dma_wait3A_109 = tpu.memref_slice %arg3[%add3A, %dma_wait3A_107, %dma_wait3A_108] : memref<32x80x128xi32, #tpu.memory_space<hbm>> -> memref<1x40x128xi32, #tpu.memory_space<hbm>>
      %dma_wait3A_110 = tpu.memref_squeeze %dma_wait3A_109 : memref<1x40x128xi32, #tpu.memory_space<hbm>> -> memref<40x128xi32, #tpu.memory_space<hbm>>
      tpu.wait_dma2 semaphore(%run_scoped3A : memref<!tpu.dma_semaphore, #tpu.memory_space<semaphore_mem>>) src(%dma_wait3A_110 : memref<40x128xi32, #tpu.memory_space<hbm>>) dst(%arg6 : memref<40x128xi32, #tpu.memory_space<vmem>>)
      tpu.yield
    }) : () -> ()
    "tpu.region"() ({
      %run_scoped3A = tpu.sem_alloc : memref<!tpu.dma_semaphore, #tpu.memory_space<semaphore_mem>>
      %dma_start3A = arith.constant 40 : i32
      %dma_start3A_97 = arith.constant 0 : i32
      %dma_start3A_98 = tpu.memref_slice %arg4[%add3A, %dma_start3A, %dma_start3A_97] : memref<32x80x128xi32, #tpu.memory_space<hbm>> -> memref<1x40x128xi32, #tpu.memory_space<hbm>>
      %dma_start3A_99 = tpu.memref_squeeze %dma_start3A_98 : memref<1x40x128xi32, #tpu.memory_space<hbm>> -> memref<40x128xi32, #tpu.memory_space<hbm>>
      %dma_start3A_100 = arith.constant 40 : i32
      %dma_start3A_101 = arith.constant 0 : i32
      %dma_start3A_102 = tpu.memref_slice %arg4[%add3A, %dma_start3A_100, %dma_start3A_101] : memref<32x80x128xi32, #tpu.memory_space<hbm>> -> memref<1x40x128xi32, #tpu.memory_space<hbm>>
      %dma_start3A_103 = tpu.memref_squeeze %dma_start3A_102 : memref<1x40x128xi32, #tpu.memory_space<hbm>> -> memref<40x128xi32, #tpu.memory_space<hbm>>
      tpu.enqueue_dma source(%dma_start3A_103 : memref<40x128xi32, #tpu.memory_space<hbm>>) target(%arg7 : memref<40x128xi32, #tpu.memory_space<vmem>>) target_semaphore(%run_scoped3A : memref<!tpu.dma_semaphore, #tpu.memory_space<semaphore_mem>>)
      %dma_wait3A = arith.constant 40 : i32
      %dma_wait3A_104 = arith.constant 0 : i32
      %dma_wait3A_105 = tpu.memref_slice %arg4[%add3A, %dma_wait3A, %dma_wait3A_104] : memref<32x80x128xi32, #tpu.memory_space<hbm>> -> memref<1x40x128xi32, #tpu.memory_space<hbm>>
      %dma_wait3A_106 = tpu.memref_squeeze %dma_wait3A_105 : memref<1x40x128xi32, #tpu.memory_space<hbm>> -> memref<40x128xi32, #tpu.memory_space<hbm>>
      %dma_wait3A_107 = arith.constant 40 : i32
      %dma_wait3A_108 = arith.constant 0 : i32
      %dma_wait3A_109 = tpu.memref_slice %arg4[%add3A, %dma_wait3A_107, %dma_wait3A_108] : memref<32x80x128xi32, #tpu.memory_space<hbm>> -> memref<1x40x128xi32, #tpu.memory_space<hbm>>
      %dma_wait3A_110 = tpu.memref_squeeze %dma_wait3A_109 : memref<1x40x128xi32, #tpu.memory_space<hbm>> -> memref<40x128xi32, #tpu.memory_space<hbm>>
      tpu.wait_dma2 semaphore(%run_scoped3A : memref<!tpu.dma_semaphore, #tpu.memory_space<semaphore_mem>>) src(%dma_wait3A_110 : memref<40x128xi32, #tpu.memory_space<hbm>>) dst(%arg7 : memref<40x128xi32, #tpu.memory_space<vmem>>)
      tpu.yield
    }) : () -> ()
    %gt3A_66 = arith.constant 0 : i32
    "tpu.trace_stop"() : () -> ()
    "tpu.trace_start"() <{level = 10 : i32, message = "edge_loop"}> : () -> ()
    %gt3A_67 = arith.cmpi sgt, %min3A_65, %gt3A_66 : i32
    %convert_element_type3A_68 = arith.extui %gt3A_67 : i1 to i32
    %cond3A_69 = arith.constant 0 : i32
    %cond3A_70 = arith.cmpi ne, %convert_element_type3A_68, %cond3A_69 : i32
    scf.if %cond3A_70 {
      %dma_start3A = arith.constant 0 : i32
      %dma_start3A_97 = arith.constant 0 : i32
      %dma_start3A_98 = tpu.memref_slice %arg6[%dma_start3A, %dma_start3A_97] : memref<40x128xi32, #tpu.memory_space<vmem>> -> memref<1x128xi32, #tpu.memory_space<vmem>>
      %dma_start3A_99 = tpu.memref_squeeze %dma_start3A_98 : memref<1x128xi32, #tpu.memory_space<vmem>> -> memref<128xi32, #tpu.memory_space<vmem>>
      %dma_start3A_100 = arith.constant 0 : i32
      %dma_start3A_101 = arith.constant 0 : i32
      %dma_start3A_102 = tpu.memref_slice %arg2[%dma_start3A_100, %dma_start3A_101] : memref<10240x128xf32, #tpu.memory_space<hbm>> -> memref<10240x128xf32, #tpu.memory_space<hbm>>
      tpu.enqueue_indirect_dma source(%dma_start3A_102 : memref<10240x128xf32, #tpu.memory_space<hbm>>) target(%arg8 : memref<128x128xf32, #tpu.memory_space<vmem>>) offsets(%dma_start3A_99 : memref<128xi32, #tpu.memory_space<vmem>>) semaphore(%arg11 : memref<!tpu.dma_semaphore, #tpu.memory_space<semaphore_mem>>)
      %dma_wait3A = arith.constant 0 : i32
      %dma_wait3A_103 = arith.constant 0 : i32
      %dma_wait3A_104 = tpu.memref_slice %arg6[%dma_wait3A, %dma_wait3A_103] : memref<40x128xi32, #tpu.memory_space<vmem>> -> memref<1x128xi32, #tpu.memory_space<vmem>>
      %dma_wait3A_105 = tpu.memref_squeeze %dma_wait3A_104 : memref<1x128xi32, #tpu.memory_space<vmem>> -> memref<128xi32, #tpu.memory_space<vmem>>
      %dma_wait3A_106 = arith.constant 0 : i32
      %dma_wait3A_107 = arith.constant 0 : i32
      %dma_wait3A_108 = tpu.memref_slice %arg2[%dma_wait3A_106, %dma_wait3A_107] : memref<10240x128xf32, #tpu.memory_space<hbm>> -> memref<10240x128xf32, #tpu.memory_space<hbm>>
      tpu.wait_indirect_dma semaphore(%arg11 : memref<!tpu.dma_semaphore, #tpu.memory_space<semaphore_mem>>) src(%dma_wait3A_108 : memref<10240x128xf32, #tpu.memory_space<hbm>>) dst(%arg8 : memref<128x128xf32, #tpu.memory_space<vmem>>)
      %dma_start3A_109 = arith.constant 0 : i32
      %dma_start3A_110 = arith.constant 0 : i32
      %dma_start3A_111 = tpu.memref_slice %arg7[%dma_start3A_109, %dma_start3A_110] : memref<40x128xi32, #tpu.memory_space<vmem>> -> memref<1x128xi32, #tpu.memory_space<vmem>>
      %dma_start3A_112 = tpu.memref_squeeze %dma_start3A_111 : memref<1x128xi32, #tpu.memory_space<vmem>> -> memref<128xi32, #tpu.memory_space<vmem>>
      %dma_start3A_113 = arith.constant 0 : i32
      %dma_start3A_114 = arith.constant 0 : i32
      %dma_start3A_115 = tpu.memref_slice %arg10[%dma_start3A_113, %dma_start3A_114] : memref<10240x128xf32, #tpu.memory_space<vmem_shared>> -> memref<10240x128xf32, #tpu.memory_space<vmem_shared>>
      tpu.enqueue_indirect_dma source(%arg8 : memref<128x128xf32, #tpu.memory_space<vmem>>) target(%dma_start3A_115 : memref<10240x128xf32, #tpu.memory_space<vmem_shared>>) offsets(%dma_start3A_112 : memref<128xi32, #tpu.memory_space<vmem>>) semaphore(%arg12 : memref<!tpu.dma_semaphore, #tpu.memory_space<semaphore_mem>>) {add = true}
    } else {
    }
    %gt3A_71 = arith.constant 1 : i32
    %gt3A_72 = arith.cmpi sgt, %min3A_65, %gt3A_71 : i32
    %convert_element_type3A_73 = arith.extui %gt3A_72 : i1 to i32
    %cond3A_74 = arith.constant 0 : i32
    %cond3A_75 = arith.cmpi ne, %convert_element_type3A_73, %cond3A_74 : i32
    scf.if %cond3A_75 {
      %dma_start3A = arith.constant 1 : i32
      %dma_start3A_97 = arith.constant 0 : i32
      %dma_start3A_98 = tpu.memref_slice %arg6[%dma_start3A, %dma_start3A_97] : memref<40x128xi32, #tpu.memory_space<vmem>> -> memref<1x128xi32, #tpu.memory_space<vmem>>
      %dma_start3A_99 = tpu.memref_squeeze %dma_start3A_98 : memref<1x128xi32, #tpu.memory_space<vmem>> -> memref<128xi32, #tpu.memory_space<vmem>>
      %dma_start3A_100 = arith.constant 0 : i32
      %dma_start3A_101 = arith.constant 0 : i32
      %dma_start3A_102 = tpu.memref_slice %arg2[%dma_start3A_100, %dma_start3A_101] : memref<10240x128xf32, #tpu.memory_space<hbm>> -> memref<10240x128xf32, #tpu.memory_space<hbm>>
      tpu.enqueue_indirect_dma source(%dma_start3A_102 : memref<10240x128xf32, #tpu.memory_space<hbm>>) target(%arg9 : memref<128x128xf32, #tpu.memory_space<vmem>>) offsets(%dma_start3A_99 : memref<128xi32, #tpu.memory_space<vmem>>) semaphore(%arg11 : memref<!tpu.dma_semaphore, #tpu.memory_space<semaphore_mem>>)
      %dma_wait3A = arith.constant 0 : i32
      %dma_wait3A_103 = arith.constant 0 : i32
      %dma_wait3A_104 = tpu.memref_slice %arg6[%dma_wait3A, %dma_wait3A_103] : memref<40x128xi32, #tpu.memory_space<vmem>> -> memref<1x128xi32, #tpu.memory_space<vmem>>
      %dma_wait3A_105 = tpu.memref_squeeze %dma_wait3A_104 : memref<1x128xi32, #tpu.memory_space<vmem>> -> memref<128xi32, #tpu.memory_space<vmem>>
      %dma_wait3A_106 = arith.constant 0 : i32
      %dma_wait3A_107 = arith.constant 0 : i32
      %dma_wait3A_108 = tpu.memref_slice %arg2[%dma_wait3A_106, %dma_wait3A_107] : memref<10240x128xf32, #tpu.memory_space<hbm>> -> memref<10240x128xf32, #tpu.memory_space<hbm>>
      tpu.wait_indirect_dma semaphore(%arg11 : memref<!tpu.dma_semaphore, #tpu.memory_space<semaphore_mem>>) src(%dma_wait3A_108 : memref<10240x128xf32, #tpu.memory_space<hbm>>) dst(%arg9 : memref<128x128xf32, #tpu.memory_space<vmem>>)
      %dma_start3A_109 = arith.constant 1 : i32
      %dma_start3A_110 = arith.constant 0 : i32
      %dma_start3A_111 = tpu.memref_slice %arg7[%dma_start3A_109, %dma_start3A_110] : memref<40x128xi32, #tpu.memory_space<vmem>> -> memref<1x128xi32, #tpu.memory_space<vmem>>
      %dma_start3A_112 = tpu.memref_squeeze %dma_start3A_111 : memref<1x128xi32, #tpu.memory_space<vmem>> -> memref<128xi32, #tpu.memory_space<vmem>>
      %dma_start3A_113 = arith.constant 0 : i32
      %dma_start3A_114 = arith.constant 0 : i32
      %dma_start3A_115 = tpu.memref_slice %arg10[%dma_start3A_113, %dma_start3A_114] : memref<10240x128xf32, #tpu.memory_space<vmem_shared>> -> memref<10240x128xf32, #tpu.memory_space<vmem_shared>>
      tpu.enqueue_indirect_dma source(%arg9 : memref<128x128xf32, #tpu.memory_space<vmem>>) target(%dma_start3A_115 : memref<10240x128xf32, #tpu.memory_space<vmem_shared>>) offsets(%dma_start3A_112 : memref<128xi32, #tpu.memory_space<vmem>>) semaphore(%arg12 : memref<!tpu.dma_semaphore, #tpu.memory_space<semaphore_mem>>) {add = true}
    } else {
    }
    %scan3A_76 = arith.constant 0 : i32
    %scan3A_77 = arith.constant 1 : i32
    %scan3A_78 = arith.constant 19 : i32
    %scan3A_79 = arith.addi %scan3A_77, %scan3A_78 : i32
    %scan3A_80 = arith.constant 1 : i32
    scf.for %scan3A_97 = %scan3A_77 to %scan3A_79 step %scan3A_80  : i32 {
      %mul3A_98 = arith.constant 2 : i32
      %mul3A_99 = arith.muli %mul3A_98, %scan3A_97 : i32
      %lt3A = arith.cmpi slt, %mul3A_99, %min3A_65 : i32
      %convert_element_type3A_100 = arith.extui %lt3A : i1 to i32
      %cond3A_101 = arith.constant 0 : i32
      %cond3A_102 = arith.cmpi ne, %convert_element_type3A_100, %cond3A_101 : i32
      scf.if %cond3A_102 {
        %dma_wait3A = arith.constant 0 : i32
        %dma_wait3A_109 = arith.constant 0 : i32
        %dma_wait3A_110 = tpu.memref_slice %arg7[%dma_wait3A, %dma_wait3A_109] : memref<40x128xi32, #tpu.memory_space<vmem>> -> memref<1x128xi32, #tpu.memory_space<vmem>>
        %dma_wait3A_111 = tpu.memref_squeeze %dma_wait3A_110 : memref<1x128xi32, #tpu.memory_space<vmem>> -> memref<128xi32, #tpu.memory_space<vmem>>
        %dma_wait3A_112 = arith.constant 0 : i32
        %dma_wait3A_113 = arith.constant 0 : i32
        %dma_wait3A_114 = tpu.memref_slice %arg10[%dma_wait3A_112, %dma_wait3A_113] : memref<10240x128xf32, #tpu.memory_space<vmem_shared>> -> memref<10240x128xf32, #tpu.memory_space<vmem_shared>>
        tpu.wait_indirect_dma semaphore(%arg12 : memref<!tpu.dma_semaphore, #tpu.memory_space<semaphore_mem>>) src(%arg8 : memref<128x128xf32, #tpu.memory_space<vmem>>) dst(%dma_wait3A_114 : memref<10240x128xf32, #tpu.memory_space<vmem_shared>>)
        %dma_start3A = arith.constant 0 : i32
        %dma_start3A_115 = tpu.memref_slice %arg6[%mul3A_99, %dma_start3A] : memref<40x128xi32, #tpu.memory_space<vmem>> -> memref<1x128xi32, #tpu.memory_space<vmem>>
        %dma_start3A_116 = tpu.memref_squeeze %dma_start3A_115 : memref<1x128xi32, #tpu.memory_space<vmem>> -> memref<128xi32, #tpu.memory_space<vmem>>
        %dma_start3A_117 = arith.constant 0 : i32
        %dma_start3A_118 = arith.constant 0 : i32
        %dma_start3A_119 = tpu.memref_slice %arg2[%dma_start3A_117, %dma_start3A_118] : memref<10240x128xf32, #tpu.memory_space<hbm>> -> memref<10240x128xf32, #tpu.memory_space<hbm>>
        tpu.enqueue_indirect_dma source(%dma_start3A_119 : memref<10240x128xf32, #tpu.memory_space<hbm>>) target(%arg8 : memref<128x128xf32, #tpu.memory_space<vmem>>) offsets(%dma_start3A_116 : memref<128xi32, #tpu.memory_space<vmem>>) semaphore(%arg11 : memref<!tpu.dma_semaphore, #tpu.memory_space<semaphore_mem>>)
        %dma_wait3A_120 = arith.constant 0 : i32
        %dma_wait3A_121 = arith.constant 0 : i32
        %dma_wait3A_122 = tpu.memref_slice %arg6[%dma_wait3A_120, %dma_wait3A_121] : memref<40x128xi32, #tpu.memory_space<vmem>> -> memref<1x128xi32, #tpu.memory_space<vmem>>
        %dma_wait3A_123 = tpu.memref_squeeze %dma_wait3A_122 : memref<1x128xi32, #tpu.memory_space<vmem>> -> memref<128xi32, #tpu.memory_space<vmem>>
        %dma_wait3A_124 = arith.constant 0 : i32
        %dma_wait3A_125 = arith.constant 0 : i32
        %dma_wait3A_126 = tpu.memref_slice %arg2[%dma_wait3A_124, %dma_wait3A_125] : memref<10240x128xf32, #tpu.memory_space<hbm>> -> memref<10240x128xf32, #tpu.memory_space<hbm>>
        tpu.wait_indirect_dma semaphore(%arg11 : memref<!tpu.dma_semaphore, #tpu.memory_space<semaphore_mem>>) src(%dma_wait3A_126 : memref<10240x128xf32, #tpu.memory_space<hbm>>) dst(%arg8 : memref<128x128xf32, #tpu.memory_space<vmem>>)
        %dma_start3A_127 = arith.constant 0 : i32
        %dma_start3A_128 = tpu.memref_slice %arg7[%mul3A_99, %dma_start3A_127] : memref<40x128xi32, #tpu.memory_space<vmem>> -> memref<1x128xi32, #tpu.memory_space<vmem>>
        %dma_start3A_129 = tpu.memref_squeeze %dma_start3A_128 : memref<1x128xi32, #tpu.memory_space<vmem>> -> memref<128xi32, #tpu.memory_space<vmem>>
        %dma_start3A_130 = arith.constant 0 : i32
        %dma_start3A_131 = arith.constant 0 : i32
        %dma_start3A_132 = tpu.memref_slice %arg10[%dma_start3A_130, %dma_start3A_131] : memref<10240x128xf32, #tpu.memory_space<vmem_shared>> -> memref<10240x128xf32, #tpu.memory_space<vmem_shared>>
        tpu.enqueue_indirect_dma source(%arg8 : memref<128x128xf32, #tpu.memory_space<vmem>>) target(%dma_start3A_132 : memref<10240x128xf32, #tpu.memory_space<vmem_shared>>) offsets(%dma_start3A_129 : memref<128xi32, #tpu.memory_space<vmem>>) semaphore(%arg12 : memref<!tpu.dma_semaphore, #tpu.memory_space<semaphore_mem>>) {add = true}
      } else {
      }
      %add3A_103 = arith.constant 1 : i32
      %add3A_104 = arith.addi %mul3A_99, %add3A_103 : i32
      %lt3A_105 = arith.cmpi slt, %add3A_104, %min3A_65 : i32
      %convert_element_type3A_106 = arith.extui %lt3A_105 : i1 to i32
      %cond3A_107 = arith.constant 0 : i32
      %cond3A_108 = arith.cmpi ne, %convert_element_type3A_106, %cond3A_107 : i32
      scf.if %cond3A_108 {
        %dma_wait3A = arith.constant 0 : i32
        %dma_wait3A_109 = arith.constant 0 : i32
        %dma_wait3A_110 = tpu.memref_slice %arg7[%dma_wait3A, %dma_wait3A_109] : memref<40x128xi32, #tpu.memory_space<vmem>> -> memref<1x128xi32, #tpu.memory_space<vmem>>
        %dma_wait3A_111 = tpu.memref_squeeze %dma_wait3A_110 : memref<1x128xi32, #tpu.memory_space<vmem>> -> memref<128xi32, #tpu.memory_space<vmem>>
        %dma_wait3A_112 = arith.constant 0 : i32
        %dma_wait3A_113 = arith.constant 0 : i32
        %dma_wait3A_114 = tpu.memref_slice %arg10[%dma_wait3A_112, %dma_wait3A_113] : memref<10240x128xf32, #tpu.memory_space<vmem_shared>> -> memref<10240x128xf32, #tpu.memory_space<vmem_shared>>
        tpu.wait_indirect_dma semaphore(%arg12 : memref<!tpu.dma_semaphore, #tpu.memory_space<semaphore_mem>>) src(%arg9 : memref<128x128xf32, #tpu.memory_space<vmem>>) dst(%dma_wait3A_114 : memref<10240x128xf32, #tpu.memory_space<vmem_shared>>)
        %add3A_115 = arith.constant 1 : i32
        %add3A_116 = arith.addi %mul3A_99, %add3A_115 : i32
        %dma_start3A = arith.constant 0 : i32
        %dma_start3A_117 = tpu.memref_slice %arg6[%add3A_116, %dma_start3A] : memref<40x128xi32, #tpu.memory_space<vmem>> -> memref<1x128xi32, #tpu.memory_space<vmem>>
        %dma_start3A_118 = tpu.memref_squeeze %dma_start3A_117 : memref<1x128xi32, #tpu.memory_space<vmem>> -> memref<128xi32, #tpu.memory_space<vmem>>
        %dma_start3A_119 = arith.constant 0 : i32
        %dma_start3A_120 = arith.constant 0 : i32
        %dma_start3A_121 = tpu.memref_slice %arg2[%dma_start3A_119, %dma_start3A_120] : memref<10240x128xf32, #tpu.memory_space<hbm>> -> memref<10240x128xf32, #tpu.memory_space<hbm>>
        tpu.enqueue_indirect_dma source(%dma_start3A_121 : memref<10240x128xf32, #tpu.memory_space<hbm>>) target(%arg9 : memref<128x128xf32, #tpu.memory_space<vmem>>) offsets(%dma_start3A_118 : memref<128xi32, #tpu.memory_space<vmem>>) semaphore(%arg11 : memref<!tpu.dma_semaphore, #tpu.memory_space<semaphore_mem>>)
        %dma_wait3A_122 = arith.constant 0 : i32
        %dma_wait3A_123 = arith.constant 0 : i32
        %dma_wait3A_124 = tpu.memref_slice %arg6[%dma_wait3A_122, %dma_wait3A_123] : memref<40x128xi32, #tpu.memory_space<vmem>> -> memref<1x128xi32, #tpu.memory_space<vmem>>
        %dma_wait3A_125 = tpu.memref_squeeze %dma_wait3A_124 : memref<1x128xi32, #tpu.memory_space<vmem>> -> memref<128xi32, #tpu.memory_space<vmem>>
        %dma_wait3A_126 = arith.constant 0 : i32
        %dma_wait3A_127 = arith.constant 0 : i32
        %dma_wait3A_128 = tpu.memref_slice %arg2[%dma_wait3A_126, %dma_wait3A_127] : memref<10240x128xf32, #tpu.memory_space<hbm>> -> memref<10240x128xf32, #tpu.memory_space<hbm>>
        tpu.wait_indirect_dma semaphore(%arg11 : memref<!tpu.dma_semaphore, #tpu.memory_space<semaphore_mem>>) src(%dma_wait3A_128 : memref<10240x128xf32, #tpu.memory_space<hbm>>) dst(%arg9 : memref<128x128xf32, #tpu.memory_space<vmem>>)
        %add3A_129 = arith.constant 1 : i32
        %add3A_130 = arith.addi %mul3A_99, %add3A_129 : i32
        %dma_start3A_131 = arith.constant 0 : i32
        %dma_start3A_132 = tpu.memref_slice %arg7[%add3A_130, %dma_start3A_131] : memref<40x128xi32, #tpu.memory_space<vmem>> -> memref<1x128xi32, #tpu.memory_space<vmem>>
        %dma_start3A_133 = tpu.memref_squeeze %dma_start3A_132 : memref<1x128xi32, #tpu.memory_space<vmem>> -> memref<128xi32, #tpu.memory_space<vmem>>
        %dma_start3A_134 = arith.constant 0 : i32
        %dma_start3A_135 = arith.constant 0 : i32
        %dma_start3A_136 = tpu.memref_slice %arg10[%dma_start3A_134, %dma_start3A_135] : memref<10240x128xf32, #tpu.memory_space<vmem_shared>> -> memref<10240x128xf32, #tpu.memory_space<vmem_shared>>
        tpu.enqueue_indirect_dma source(%arg9 : memref<128x128xf32, #tpu.memory_space<vmem>>) target(%dma_start3A_136 : memref<10240x128xf32, #tpu.memory_space<vmem_shared>>) offsets(%dma_start3A_133 : memref<128xi32, #tpu.memory_space<vmem>>) semaphore(%arg12 : memref<!tpu.dma_semaphore, #tpu.memory_space<semaphore_mem>>) {add = true}
      } else {
      }
    }
    %scan3A_81 = arith.constant 19 : i32
    %gt3A_82 = arith.constant 0 : i32
    %gt3A_83 = arith.cmpi sgt, %min3A_65, %gt3A_82 : i32
    %convert_element_type3A_84 = arith.extui %gt3A_83 : i1 to i32
    %cond3A_85 = arith.constant 0 : i32
    %cond3A_86 = arith.cmpi ne, %convert_element_type3A_84, %cond3A_85 : i32
    scf.if %cond3A_86 {
      %dma_wait3A = arith.constant 0 : i32
      %dma_wait3A_97 = arith.constant 0 : i32
      %dma_wait3A_98 = tpu.memref_slice %arg7[%dma_wait3A, %dma_wait3A_97] : memref<40x128xi32, #tpu.memory_space<vmem>> -> memref<1x128xi32, #tpu.memory_space<vmem>>
      %dma_wait3A_99 = tpu.memref_squeeze %dma_wait3A_98 : memref<1x128xi32, #tpu.memory_space<vmem>> -> memref<128xi32, #tpu.memory_space<vmem>>
      %dma_wait3A_100 = arith.constant 0 : i32
      %dma_wait3A_101 = arith.constant 0 : i32
      %dma_wait3A_102 = tpu.memref_slice %arg10[%dma_wait3A_100, %dma_wait3A_101] : memref<10240x128xf32, #tpu.memory_space<vmem_shared>> -> memref<10240x128xf32, #tpu.memory_space<vmem_shared>>
      tpu.wait_indirect_dma semaphore(%arg12 : memref<!tpu.dma_semaphore, #tpu.memory_space<semaphore_mem>>) src(%arg8 : memref<128x128xf32, #tpu.memory_space<vmem>>) dst(%dma_wait3A_102 : memref<10240x128xf32, #tpu.memory_space<vmem_shared>>)
    } else {
    }
    %gt3A_87 = arith.constant 1 : i32
    %gt3A_88 = arith.cmpi sgt, %min3A_65, %gt3A_87 : i32
    %convert_element_type3A_89 = arith.extui %gt3A_88 : i1 to i32
    %cond3A_90 = arith.constant 0 : i32
    %cond3A_91 = arith.cmpi ne, %convert_element_type3A_89, %cond3A_90 : i32
    scf.if %cond3A_91 {
      %dma_wait3A = arith.constant 0 : i32
      %dma_wait3A_97 = arith.constant 0 : i32
      %dma_wait3A_98 = tpu.memref_slice %arg7[%dma_wait3A, %dma_wait3A_97] : memref<40x128xi32, #tpu.memory_space<vmem>> -> memref<1x128xi32, #tpu.memory_space<vmem>>
      %dma_wait3A_99 = tpu.memref_squeeze %dma_wait3A_98 : memref<1x128xi32, #tpu.memory_space<vmem>> -> memref<128xi32, #tpu.memory_space<vmem>>
      %dma_wait3A_100 = arith.constant 0 : i32
      %dma_wait3A_101 = arith.constant 0 : i32
      %dma_wait3A_102 = tpu.memref_slice %arg10[%dma_wait3A_100, %dma_wait3A_101] : memref<10240x128xf32, #tpu.memory_space<vmem_shared>> -> memref<10240x128xf32, #tpu.memory_space<vmem_shared>>
      tpu.wait_indirect_dma semaphore(%arg12 : memref<!tpu.dma_semaphore, #tpu.memory_space<semaphore_mem>>) src(%arg9 : memref<128x128xf32, #tpu.memory_space<vmem>>) dst(%dma_wait3A_102 : memref<10240x128xf32, #tpu.memory_space<vmem_shared>>)
    } else {
    }
    "tpu.trace_stop"() : () -> ()
    "tpu.trace_start"() <{level = 10 : i32, message = "writeout"}> : () -> ()
    %barrier3A_92 = arith.constant 0 : index
    tpu.barrier barrier_id(%barrier3A_92)
    %mul3A_93 = arith.constant 640 : i32
    %mul3A_94 = arith.muli %arg1, %mul3A_93 : i32
    %mul3A_95 = arith.constant 640 : i32
    %mul3A_96 = arith.muli %arg1, %mul3A_95 : i32
    "tpu.region"() ({
      %run_scoped3A = tpu.sem_alloc : memref<!tpu.dma_semaphore, #tpu.memory_space<semaphore_mem>>
      %dma_start3A = arith.constant 0 : i32
      %dma_start3A_97 = tpu.memref_slice %arg5[%arg0, %mul3A_96, %dma_start3A] : memref<2x10240x128xf32, #tpu.memory_space<hbm>> -> memref<1x640x128xf32, #tpu.memory_space<hbm>>
      %dma_start3A_98 = tpu.memref_squeeze %dma_start3A_97 : memref<1x640x128xf32, #tpu.memory_space<hbm>> -> memref<640x128xf32, #tpu.memory_space<hbm>>
      %dma_start3A_99 = arith.constant 0 : i32
      %dma_start3A_100 = tpu.memref_slice %arg10[%mul3A_94, %dma_start3A_99] : memref<10240x128xf32, #tpu.memory_space<vmem_shared>> -> memref<640x128xf32, #tpu.memory_space<vmem_shared>>
      tpu.enqueue_dma source(%dma_start3A_100 : memref<640x128xf32, #tpu.memory_space<vmem_shared>>) target(%dma_start3A_98 : memref<640x128xf32, #tpu.memory_space<hbm>>) target_semaphore(%run_scoped3A : memref<!tpu.dma_semaphore, #tpu.memory_space<semaphore_mem>>)
      %dma_wait3A = arith.constant 0 : i32
      %dma_wait3A_101 = tpu.memref_slice %arg5[%arg0, %mul3A_96, %dma_wait3A] : memref<2x10240x128xf32, #tpu.memory_space<hbm>> -> memref<1x640x128xf32, #tpu.memory_space<hbm>>
      %dma_wait3A_102 = tpu.memref_squeeze %dma_wait3A_101 : memref<1x640x128xf32, #tpu.memory_space<hbm>> -> memref<640x128xf32, #tpu.memory_space<hbm>>
      %dma_wait3A_103 = arith.constant 0 : i32
      %dma_wait3A_104 = tpu.memref_slice %arg10[%mul3A_94, %dma_wait3A_103] : memref<10240x128xf32, #tpu.memory_space<vmem_shared>> -> memref<640x128xf32, #tpu.memory_space<vmem_shared>>
      tpu.wait_dma2 semaphore(%run_scoped3A : memref<!tpu.dma_semaphore, #tpu.memory_space<semaphore_mem>>) src(%dma_wait3A_104 : memref<640x128xf32, #tpu.memory_space<vmem_shared>>) dst(%dma_wait3A_102 : memref<640x128xf32, #tpu.memory_space<hbm>>)
      tpu.yield
    }) : () -> ()
    "tpu.trace_stop"() : () -> ()
    return
  }
}

module attributes {stable_mosaic.version = 14 : i64} {
  func.func @_dinv_body(%arg0: memref<2x80x128xf32, #tpu.memory_space<vmem>>, %arg1: memref<80x128xf32, #tpu.memory_space<vmem>>) attributes {dimension_semantics = [], scalar_prefetch = 0 : i64, scratch_operands = 0 : i64, tpu.core_type = #tpu.core_type<tc>} {
    %get3A = arith.constant 0 : index
    %get3A_0 = arith.constant 0 : index
    %get3A_1 = arith.constant 0 : index
    %get3A_2 = vector.load %arg0[%get3A, %get3A_0, %get3A_1] : memref<2x80x128xf32, #tpu.memory_space<vmem>>, vector<1x80x128xf32>
    %get3A_3 = vector.shape_cast %get3A_2 : vector<1x80x128xf32> to vector<80x128xf32>
    %get3A_4 = arith.constant 1 : index
    %get3A_5 = arith.constant 0 : index
    %get3A_6 = arith.constant 0 : index
    %get3A_7 = vector.load %arg0[%get3A_4, %get3A_5, %get3A_6] : memref<2x80x128xf32, #tpu.memory_space<vmem>>, vector<1x80x128xf32>
    %get3A_8 = vector.shape_cast %get3A_7 : vector<1x80x128xf32> to vector<80x128xf32>
    %add3A = arith.addf %get3A_3, %get3A_8 : vector<80x128xf32>
    %add3A_9 = arith.constant 1.000000e+00 : f32
    %add3A_10 = vector.broadcast %add3A_9 : f32 to vector<80x128xf32>
    %add3A_11 = arith.addf %add3A, %add3A_10 : vector<80x128xf32>
    %iota3A = tpu.iota {dimensions = array<i32: 0>} : vector<80x128xi32>
    %mul3A = arith.constant 128 : i32
    %mul3A_12 = vector.broadcast %mul3A : i32 to vector<80x128xi32>
    %mul3A_13 = arith.muli %iota3A, %mul3A_12 : vector<80x128xi32>
    %iota3A_14 = tpu.iota {dimensions = array<i32: 1>} : vector<80x128xi32>
    %add3A_15 = arith.addi %mul3A_13, %iota3A_14 : vector<80x128xi32>
    %lt3A = arith.constant 10000 : i32
    %lt3A_16 = vector.broadcast %lt3A : i32 to vector<80x128xi32>
    %lt3A_17 = arith.cmpi slt, %add3A_15, %lt3A_16 : vector<80x128xi32>
    %rsqrt3A = math.rsqrt %add3A_11 : vector<80x128xf32>
    %jit3A = arith.constant 0.000000e+00 : f32
    %broadcast_in_dim3A = vector.broadcast %jit3A : f32 to vector<80x128xf32>
    %select_n3A = arith.select %lt3A_17, %rsqrt3A, %broadcast_in_dim3A : vector<80x128xi1>, vector<80x128xf32>
    %swap3A = arith.constant 0 : index
    %swap3A_18 = arith.constant 0 : index
    %swap3A_19 = vector.load %arg1[%swap3A, %swap3A_18] : memref<80x128xf32, #tpu.memory_space<vmem>>, vector<80x128xf32>
    tpu.vector_store %arg1[%swap3A, %swap3A_18], %select_n3A {strides = array<i32>} : memref<80x128xf32, #tpu.memory_space<vmem>>, vector<80x128xf32>,
    return
  }
}

module attributes {stable_mosaic.version = 14 : i64} {
  func.func @_mm1_body(%arg0: i32, %arg1: memref<512x1xf32, #tpu.memory_space<vmem>>, %arg2: memref<512x128xf32, #tpu.memory_space<vmem>>, %arg3: memref<128x128xf32, #tpu.memory_space<vmem>>, %arg4: memref<512x128xf32, #tpu.memory_space<vmem>>) attributes {dimension_semantics = [#tpu.dimension_semantics<arbitrary>], iteration_bounds = array<i64: 20>, scalar_prefetch = 0 : i64, scratch_operands = 0 : i64, tpu.core_type = #tpu.core_type<tc>, window_params = [{transform_indices = @transform_0, window_bounds = array<i64: 512, 1>}, {transform_indices = @transform_1, window_bounds = array<i64: 512, 128>}, {pipeline_mode = #tpu.pipeline_mode<synchronous>, transform_indices = @transform_2, window_bounds = array<i64: 128, 128>}, {transform_indices = @transform_3, window_bounds = array<i64: 512, 128>}]} {
    %get3A = arith.constant 0 : index
    %get3A_0 = arith.constant 0 : index
    %get3A_1 = vector.load %arg1[%get3A, %get3A_0] : memref<512x1xf32, #tpu.memory_space<vmem>>, vector<512x1xf32>
    %get3A_2 = arith.constant 0 : index
    %get3A_3 = arith.constant 0 : index
    %get3A_4 = vector.load %arg2[%get3A_2, %get3A_3] : memref<512x128xf32, #tpu.memory_space<vmem>>, vector<512x128xf32>
    %get3A_5 = arith.constant 0 : index
    %get3A_6 = arith.constant 0 : index
    %get3A_7 = vector.load %arg3[%get3A_5, %get3A_6] : memref<128x128xf32, #tpu.memory_space<vmem>>, vector<128x128xf32>
    %dot_general3A = arith.constant dense<0.000000e+00> : vector<512x128xf32>
    %dot_general3A_8 = tpu.matmul %get3A_4, %get3A_7, %dot_general3A {dimension_numbers = #tpu.dot_dimension_numbers<[1], [0], [0], [1], [0, 0, 1, 1], [], []>, transpose_lhs_hint = false} : vector<512x128xf32>, vector<128x128xf32>, vector<512x128xf32> -> vector<512x128xf32>
    %mul3A = vector.broadcast %get3A_1 : vector<512x1xf32> to vector<512x128xf32>
    %mul3A_9 = arith.mulf %mul3A, %dot_general3A_8 : vector<512x128xf32>
    %swap3A = arith.constant 0 : index
    %swap3A_10 = arith.constant 0 : index
    %swap3A_11 = vector.load %arg4[%swap3A, %swap3A_10] : memref<512x128xf32, #tpu.memory_space<vmem>>, vector<512x128xf32>
    tpu.vector_store %arg4[%swap3A, %swap3A_10], %mul3A_9 {strides = array<i32>} : memref<512x128xf32, #tpu.memory_space<vmem>>, vector<512x128xf32>,
    return
  }
  func.func @transform_0(%arg0: i32) -> (i32, i32) {
    %c0_i32 = arith.constant 0 : i32
    %c0_i32_0 = arith.constant 0 : i32
    return %arg0, %c0_i32 : i32, i32
  }
  func.func @transform_1(%arg0: i32) -> (i32, i32) {
    %c0_i32 = arith.constant 0 : i32
    %c0_i32_0 = arith.constant 0 : i32
    return %arg0, %c0_i32 : i32, i32
  }
  func.func @transform_2(%arg0: i32) -> (i32, i32) {
    %c0_i32 = arith.constant 0 : i32
    %c0_i32_0 = arith.constant 0 : i32
    %c0_i32_1 = arith.constant 0 : i32
    return %c0_i32, %c0_i32_0 : i32, i32
  }
  func.func @transform_3(%arg0: i32) -> (i32, i32) {
    %c0_i32 = arith.constant 0 : i32
    %c0_i32_0 = arith.constant 0 : i32
    return %arg0, %c0_i32 : i32, i32
  }
}

module attributes {stable_mosaic.version = 14 : i64} {
  func.func @_mm_body(%arg0: i32, %arg1: memref<512x1xf32, #tpu.memory_space<vmem>>, %arg2: memref<2x512x128xf32, #tpu.memory_space<vmem>>, %arg3: memref<512x128xf32, #tpu.memory_space<vmem>>, %arg4: memref<1x128xf32, #tpu.memory_space<vmem>>, %arg5: memref<128x128xf32, #tpu.memory_space<vmem>>, %arg6: memref<512x128xf32, #tpu.memory_space<vmem>>) attributes {dimension_semantics = [#tpu.dimension_semantics<arbitrary>], iteration_bounds = array<i64: 20>, scalar_prefetch = 0 : i64, scratch_operands = 0 : i64, tpu.core_type = #tpu.core_type<tc>, window_params = [{transform_indices = @transform_0, window_bounds = array<i64: 512, 1>}, {transform_indices = @transform_1, window_bounds = array<i64: 2, 512, 128>}, {transform_indices = @transform_2, window_bounds = array<i64: 512, 128>}, {pipeline_mode = #tpu.pipeline_mode<synchronous>, transform_indices = @transform_3, window_bounds = array<i64: 1, 128>}, {pipeline_mode = #tpu.pipeline_mode<synchronous>, transform_indices = @transform_4, window_bounds = array<i64: 128, 128>}, {transform_indices = @transform_5, window_bounds = array<i64: 512, 128>}]} {
    %get3A = arith.constant 0 : index
    %get3A_0 = arith.constant 0 : index
    %get3A_1 = arith.constant 0 : index
    %get3A_2 = vector.load %arg2[%get3A, %get3A_0, %get3A_1] : memref<2x512x128xf32, #tpu.memory_space<vmem>>, vector<1x512x128xf32>
    %get3A_3 = vector.shape_cast %get3A_2 : vector<1x512x128xf32> to vector<512x128xf32>
    %get3A_4 = arith.constant 1 : index
    %get3A_5 = arith.constant 0 : index
    %get3A_6 = arith.constant 0 : index
    %get3A_7 = vector.load %arg2[%get3A_4, %get3A_5, %get3A_6] : memref<2x512x128xf32, #tpu.memory_space<vmem>>, vector<1x512x128xf32>
    %get3A_8 = vector.shape_cast %get3A_7 : vector<1x512x128xf32> to vector<512x128xf32>
    %add3A = arith.addf %get3A_3, %get3A_8 : vector<512x128xf32>
    %get3A_9 = arith.constant 0 : index
    %get3A_10 = arith.constant 0 : index
    %get3A_11 = vector.load %arg3[%get3A_9, %get3A_10] : memref<512x128xf32, #tpu.memory_space<vmem>>, vector<512x128xf32>
    %add3A_12 = arith.addf %add3A, %get3A_11 : vector<512x128xf32>
    %get3A_13 = arith.constant 0 : index
    %get3A_14 = arith.constant 0 : index
    %get3A_15 = vector.load %arg1[%get3A_13, %get3A_14] : memref<512x1xf32, #tpu.memory_space<vmem>>, vector<512x1xf32>
    %mul3A = vector.broadcast %get3A_15 : vector<512x1xf32> to vector<512x128xf32>
    %mul3A_16 = arith.mulf %mul3A, %add3A_12 : vector<512x128xf32>
    %get3A_17 = arith.constant 0 : index
    %get3A_18 = arith.constant 0 : index
    %get3A_19 = vector.load %arg4[%get3A_17, %get3A_18] : memref<1x128xf32, #tpu.memory_space<vmem>>, vector<1x128xf32>
    %add3A_20 = vector.broadcast %get3A_19 : vector<1x128xf32> to vector<512x128xf32>
    %add3A_21 = arith.addf %mul3A_16, %add3A_20 : vector<512x128xf32>
    %max3A = arith.constant 0.000000e+00 : f32
    %max3A_22 = vector.broadcast %max3A : f32 to vector<512x128xf32>
    %max3A_23 = arith.maximumf %add3A_21, %max3A_22 : vector<512x128xf32>
    %get3A_24 = arith.constant 0 : index
    %get3A_25 = arith.constant 0 : index
    %get3A_26 = vector.load %arg1[%get3A_24, %get3A_25] : memref<512x1xf32, #tpu.memory_space<vmem>>, vector<512x1xf32>
    %get3A_27 = arith.constant 0 : index
    %get3A_28 = arith.constant 0 : index
    %get3A_29 = vector.load %arg5[%get3A_27, %get3A_28] : memref<128x128xf32, #tpu.memory_space<vmem>>, vector<128x128xf32>
    %dot_general3A = arith.constant dense<0.000000e+00> : vector<512x128xf32>
    %dot_general3A_30 = tpu.matmul %max3A_23, %get3A_29, %dot_general3A {dimension_numbers = #tpu.dot_dimension_numbers<[1], [0], [0], [1], [0, 0, 1, 1], [], []>, transpose_lhs_hint = false} : vector<512x128xf32>, vector<128x128xf32>, vector<512x128xf32> -> vector<512x128xf32>
    %mul3A_31 = vector.broadcast %get3A_26 : vector<512x1xf32> to vector<512x128xf32>
    %mul3A_32 = arith.mulf %mul3A_31, %dot_general3A_30 : vector<512x128xf32>
    %swap3A = arith.constant 0 : index
    %swap3A_33 = arith.constant 0 : index
    %swap3A_34 = vector.load %arg6[%swap3A, %swap3A_33] : memref<512x128xf32, #tpu.memory_space<vmem>>, vector<512x128xf32>
    tpu.vector_store %arg6[%swap3A, %swap3A_33], %mul3A_32 {strides = array<i32>} : memref<512x128xf32, #tpu.memory_space<vmem>>, vector<512x128xf32>,
    return
  }
  func.func @transform_0(%arg0: i32) -> (i32, i32) {
    %c0_i32 = arith.constant 0 : i32
    %c0_i32_0 = arith.constant 0 : i32
    return %arg0, %c0_i32 : i32, i32
  }
  func.func @transform_1(%arg0: i32) -> (i32, i32, i32) {
    %c0_i32 = arith.constant 0 : i32
    %c0_i32_0 = arith.constant 0 : i32
    %c0_i32_1 = arith.constant 0 : i32
    return %c0_i32, %arg0, %c0_i32_0 : i32, i32, i32
  }
  func.func @transform_2(%arg0: i32) -> (i32, i32) {
    %c0_i32 = arith.constant 0 : i32
    %c0_i32_0 = arith.constant 0 : i32
    return %arg0, %c0_i32 : i32, i32
  }
  func.func @transform_3(%arg0: i32) -> (i32, i32) {
    %c0_i32 = arith.constant 0 : i32
    %c0_i32_0 = arith.constant 0 : i32
    %c0_i32_1 = arith.constant 0 : i32
    return %c0_i32, %c0_i32_0 : i32, i32
  }
  func.func @transform_4(%arg0: i32) -> (i32, i32) {
    %c0_i32 = arith.constant 0 : i32
    %c0_i32_0 = arith.constant 0 : i32
    %c0_i32_1 = arith.constant 0 : i32
    return %c0_i32, %c0_i32_0 : i32, i32
  }
  func.func @transform_5(%arg0: i32) -> (i32, i32) {
    %c0_i32 = arith.constant 0 : i32
    %c0_i32_0 = arith.constant 0 : i32
    return %arg0, %c0_i32 : i32, i32
  }
}

module attributes {stable_mosaic.version = 14 : i64} {
  func.func @_ep_body(%arg0: i32, %arg1: memref<512x1xf32, #tpu.memory_space<vmem>>, %arg2: memref<2x512x128xf32, #tpu.memory_space<vmem>>, %arg3: memref<512x128xf32, #tpu.memory_space<vmem>>, %arg4: memref<1x128xf32, #tpu.memory_space<vmem>>, %arg5: memref<512x128xf32, #tpu.memory_space<vmem>>) attributes {dimension_semantics = [#tpu.dimension_semantics<arbitrary>], iteration_bounds = array<i64: 20>, scalar_prefetch = 0 : i64, scratch_operands = 0 : i64, tpu.core_type = #tpu.core_type<tc>, window_params = [{transform_indices = @transform_0, window_bounds = array<i64: 512, 1>}, {transform_indices = @transform_1, window_bounds = array<i64: 2, 512, 128>}, {transform_indices = @transform_2, window_bounds = array<i64: 512, 128>}, {pipeline_mode = #tpu.pipeline_mode<synchronous>, transform_indices = @transform_3, window_bounds = array<i64: 1, 128>}, {transform_indices = @transform_4, window_bounds = array<i64: 512, 128>}]} {
    %get3A = arith.constant 0 : index
    %get3A_0 = arith.constant 0 : index
    %get3A_1 = arith.constant 0 : index
    %get3A_2 = vector.load %arg2[%get3A, %get3A_0, %get3A_1] : memref<2x512x128xf32, #tpu.memory_space<vmem>>, vector<1x512x128xf32>
    %get3A_3 = vector.shape_cast %get3A_2 : vector<1x512x128xf32> to vector<512x128xf32>
    %get3A_4 = arith.constant 1 : index
    %get3A_5 = arith.constant 0 : index
    %get3A_6 = arith.constant 0 : index
    %get3A_7 = vector.load %arg2[%get3A_4, %get3A_5, %get3A_6] : memref<2x512x128xf32, #tpu.memory_space<vmem>>, vector<1x512x128xf32>
    %get3A_8 = vector.shape_cast %get3A_7 : vector<1x512x128xf32> to vector<512x128xf32>
    %add3A = arith.addf %get3A_3, %get3A_8 : vector<512x128xf32>
    %get3A_9 = arith.constant 0 : index
    %get3A_10 = arith.constant 0 : index
    %get3A_11 = vector.load %arg3[%get3A_9, %get3A_10] : memref<512x128xf32, #tpu.memory_space<vmem>>, vector<512x128xf32>
    %add3A_12 = arith.addf %add3A, %get3A_11 : vector<512x128xf32>
    %get3A_13 = arith.constant 0 : index
    %get3A_14 = arith.constant 0 : index
    %get3A_15 = vector.load %arg1[%get3A_13, %get3A_14] : memref<512x1xf32, #tpu.memory_space<vmem>>, vector<512x1xf32>
    %mul3A = vector.broadcast %get3A_15 : vector<512x1xf32> to vector<512x128xf32>
    %mul3A_16 = arith.mulf %mul3A, %add3A_12 : vector<512x128xf32>
    %get3A_17 = arith.constant 0 : index
    %get3A_18 = arith.constant 0 : index
    %get3A_19 = vector.load %arg4[%get3A_17, %get3A_18] : memref<1x128xf32, #tpu.memory_space<vmem>>, vector<1x128xf32>
    %add3A_20 = vector.broadcast %get3A_19 : vector<1x128xf32> to vector<512x128xf32>
    %add3A_21 = arith.addf %mul3A_16, %add3A_20 : vector<512x128xf32>
    %max3A = arith.constant 0.000000e+00 : f32
    %max3A_22 = vector.broadcast %max3A : f32 to vector<512x128xf32>
    %max3A_23 = arith.maximumf %add3A_21, %max3A_22 : vector<512x128xf32>
    %swap3A = arith.constant 0 : index
    %swap3A_24 = arith.constant 0 : index
    %swap3A_25 = vector.load %arg5[%swap3A, %swap3A_24] : memref<512x128xf32, #tpu.memory_space<vmem>>, vector<512x128xf32>
    tpu.vector_store %arg5[%swap3A, %swap3A_24], %max3A_23 {strides = array<i32>} : memref<512x128xf32, #tpu.memory_space<vmem>>, vector<512x128xf32>,
    return
  }
  func.func @transform_0(%arg0: i32) -> (i32, i32) {
    %c0_i32 = arith.constant 0 : i32
    %c0_i32_0 = arith.constant 0 : i32
    return %arg0, %c0_i32 : i32, i32
  }
  func.func @transform_1(%arg0: i32) -> (i32, i32, i32) {
    %c0_i32 = arith.constant 0 : i32
    %c0_i32_0 = arith.constant 0 : i32
    %c0_i32_1 = arith.constant 0 : i32
    return %c0_i32, %arg0, %c0_i32_0 : i32, i32, i32
  }
  func.func @transform_2(%arg0: i32) -> (i32, i32) {
    %c0_i32 = arith.constant 0 : i32
    %c0_i32_0 = arith.constant 0 : i32
    return %arg0, %c0_i32 : i32, i32
  }
  func.func @transform_3(%arg0: i32) -> (i32, i32) {
    %c0_i32 = arith.constant 0 : i32
    %c0_i32_0 = arith.constant 0 : i32
    %c0_i32_1 = arith.constant 0 : i32
    return %c0_i32, %c0_i32_0 : i32, i32
  }
  func.func @transform_4(%arg0: i32) -> (i32, i32) {
    %c0_i32 = arith.constant 0 : i32
    %c0_i32_0 = arith.constant 0 : i32
    return %arg0, %c0_i32 : i32, i32
  }
}

</mosaic_0001>

<sc_bundles>
// kernel: kernel.13.cloned.1.call-start
scs
__scs_entry_jumppad:
0x0: {  	(pc) =	sbr.rel $0x88, $3  }
0x1: {  	(tag) =	ssettag $0x0;
	lr =	simm.s32 $0x1  }
0x2: {  	[smem:$0x3F97] =	sst lr;
	_ =	strace $0xD0000000  }
0x3: {  	_ = 	snop  }
0x4: {  	_ = 	snop  }
0x5: {  	_ = 	snop  }
0x6: {  	_ = 	snop  }
0x7: {  	_ = 	snop  }
__scs_overlays_trampoline_lowered:
0x8: {  	[smem:$0x3FA6] =	sst s0  }
0x9: {  	[smem:$0x3FA7] =	sst s1  }
0xa: {  	[smem:$0x3FA8] =	sst s2  }
0xb: {  	[smem:$0x3FA9] =	sst s3  }
0xc: {  	[smem:$0x3FAA] =	sst s4  }
0xd: {  	[smem:$0x3FAB] =	sst s5  }
0xe: {  	[smem:$0x3FAC] =	sst s6  }
0xf: {  	[smem:$0x3FAD] =	sst s7  }
0x10: {  	[smem:$0x3FAE] =	sst s8  }
0x11: {  	[smem:$0x3FAF] =	sst s9;
	s0 =	simm.s32 @!p0 $0x0  }
0x12: {  	s1 =	sld [smem:$0x3F95];
	s0 =	simm.s32 @p0 $0x1  }
0x13: {  	[smem:$0x3FB0] =	sst s0;
	s0 =	simm.s32 @!p1 $0x0  }
0x14: {  	s2 =	sld [smem:$0x3F94];
	s0 =	simm.s32 @p1 $0x1  }
0x15: {  	[smem:$0x3FB1] =	sst s0;
	s0 =	simm.s32 @!p2 $0x0  }
0x16: {  	s3 =	sld [smem:$0x3FDB];
	s0 =	simm.s32 @p2 $0x1  }
0x17: {  	s4 =	simm.s32 $0x1BF5;
	[smem:$0x3FB3] =	sst s0  }
0x18: {  	s0 =	sld [smem:$0x3F96];
	_ =	swait.ge [sflag:s4], $0x0  }
0x19: {  	s7 =	sld [smem:$0x3F97]  }
0x1a: {  	s8 =	sadd.s32 $0xFFFFE003, lr  }
0x1b: {  	s9 =	sadd.s32 $0xFFFFFEF7, lr;
	s5 =	simm.s32 $0xFFFFFFFF;
	p2 =	slt.u32 s8, $0xFFFFF086  }
0x1c: {  	p1 =	slt.u32 s9, $0xF7A;
	s5 =	simm.s32 @!p2 $0x0  }
0x1d: {  	s5 =	simm.s32 @p1 $0x1;
	p0 =	seq.s32 s7, s2  }
0x1e: {  	s7 =	smul.u32 @!p0 $0xF7A, s2;
	p2 =	seq.s32 @!p0 s5, $0x0  }
0x1f: {  	s9 =	smul.u32 $0xF7A, s1;
	s8 =	simm.s32 @!p0 $0x1BF5;
	p2 =	por !p2, p0  }
0x20: {  	[sflag:s8] =	ssyncset.s32 @!p0 $0xFFFFF086;
	s6 =	sadd.s32 @!p0 s3, s7;
	s7 =	simm.s32 @!p0 $0x108  }
0x21: {  	s3 =	sadd.s32 s3, s9;
	s6 =	sadd.s32 @!p0 $0x88, s6;
	s7 =	simm.s32 @p2 $0x1082  }
0x22: {  	[simem:s7], [sflag:s8] =	dma.local @!p0 [hbm:s6], $0xF7A  }
0x23: {  	s9 =	sor.u32 $0xD0000000, s2;
	s6 =	simm.s32 $0x108;
	_ =	swait.ge @!p0 [sflag:s8], $0x0  }
0x24: {  	s3 =	sadd.s32 $0x88, s3;
	s6 =	simm.s32 @!p1 $0x1082;
	[sflag:s4] =	ssyncset.s32 $0xFFFFF086  }
0x25: {  	[simem:s6], [sflag:s4] =	dma.local [hbm:s3], $0xF7A  }
0x26: {  	[smem:$0x3F97] =	sst s1;
	(tag) =	ssettag s2;
	_ =	strace s9  }
0x27: {  	s1 =	sld [smem:$0x3FA7]  }
0x28: {  	s2 =	sld [smem:$0x3FA8]  }
0x29: {  	s4 =	sld [smem:$0x3FAA]  }
0x2a: {  	p0 =	seq.s32 s5, $0x0;
	s5 =	sld [smem:$0x3FAB]  }
0x2b: {  	s6 =	sld [smem:$0x3FAC]  }
0x2c: {  	s7 =	sld [smem:$0x3FAD]  }
0x2d: {  	s3 =	simm.s32 $0x108;
	s8 =	sld [smem:$0x3FAE]  }
0x2e: {  	s3 =	simm.s32 @!p0 $0x1082;
	s9 =	sld [smem:$0x3FAF]  }
0x2f: {  	lr =	sadd.s32 s0, s3;
	s0 =	sld [smem:$0x3FA6]  }
0x30: {  	s3 =	sld [smem:$0x3FA9]  }
0x31: {  	[smem:$0x3FB2] =	sst s10  }
0x32: {  	s10 =	sld [smem:$0x3FB0];
	_ =	sdelay $0x3  }
0x33: {  	p0 =	seq.s32 s10, $0x1;
	s10 =	sld [smem:$0x3FB2];
	_ =	sdelay $0x3  }
0x34: {  	[smem:$0x3FB2] =	sst s10  }
0x35: {  	s10 =	sld [smem:$0x3FB1];
	_ =	sdelay $0x3  }
0x36: {  	p1 =	seq.s32 s10, $0x1;
	s10 =	sld [smem:$0x3FB2];
	_ =	sdelay $0x3  }
0x37: {  	[smem:$0x3FB2] =	sst s10  }
0x38: {  	s10 =	sld [smem:$0x3FB3]  }
0x39: {  	_ = 	snop;
	(pc) =	sbr.ind lr, $3  }
0x3a: {  	_ = 	snop  }
0x3b: {  	_ = 	snop  }
0x3c: {  	p2 =	seq.s32 s10, $0x1;
	s10 =	sld [smem:$0x3FB2]  }
0x3d: {  	_ =	shalt  }
0x3e: {  	_ =	shalt  }
0x3f: {  	_ =	shalt  }
0x40: {  	_ =	shalt  }
0x41: {  	_ =	shalt  }
0x42: {  	_ =	shalt  }
0x43: {  	_ =	shalt  }
0x44: {  	_ =	shalt  }
0x45: {  	_ =	shalt  }
0x46: {  	_ =	shalt  }
0x47: {  	_ =	shalt  }
0x48: {  	_ =	shalt  }
0x49: {  	_ =	shalt  }
0x4a: {  	_ =	shalt  }
0x4b: {  	_ =	shalt  }
0x4c: {  	_ =	shalt  }
0x4d: {  	_ =	shalt  }
0x4e: {  	_ =	shalt  }
0x4f: {  	_ =	shalt  }
0x50: {  	_ =	shalt  }
0x51: {  	_ =	shalt  }
0x52: {  	_ =	shalt  }
0x53: {  	_ =	shalt  }
0x54: {  	_ =	shalt  }
0x55: {  	_ =	shalt  }
0x56: {  	_ =	shalt  }
0x57: {  	_ =	shalt  }
0x58: {  	_ =	shalt  }
0x59: {  	_ =	shalt  }
0x5a: {  	_ =	shalt  }
0x5b: {  	_ =	shalt  }
0x5c: {  	_ =	shalt  }
0x5d: {  	_ =	shalt  }
0x5e: {  	_ =	shalt  }
0x5f: {  	_ =	shalt  }
0x60: {  	_ =	shalt  }
0x61: {  	_ =	shalt  }
0x62: {  	_ =	shalt  }
0x63: {  	_ =	shalt  }
0x64: {  	_ =	shalt  }
0x65: {  	_ =	shalt  }
0x66: {  	_ =	shalt  }
0x67: {  	_ =	shalt  }
0x68: {  	_ =	shalt  }
0x69: {  	_ =	shalt  }
0x6a: {  	_ =	shalt  }
0x6b: {  	_ =	shalt  }
0x6c: {  	_ =	shalt  }
0x6d: {  	_ =	shalt  }
0x6e: {  	_ =	shalt  }
0x6f: {  	_ =	shalt  }
0x70: {  	_ =	shalt  }
0x71: {  	_ =	shalt  }
0x72: {  	_ =	shalt  }
0x73: {  	_ =	shalt  }
0x74: {  	_ =	shalt  }
0x75: {  	_ =	shalt  }
0x76: {  	_ =	shalt  }
0x77: {  	_ =	shalt  }
0x78: {  	_ =	shalt  }
0x79: {  	_ =	shalt  }
0x7a: {  	_ =	shalt  }
0x7b: {  	_ =	shalt  }
0x7c: {  	_ =	shalt  }
0x7d: {  	_ =	shalt  }
0x7e: {  	_ =	shalt  }
0x7f: {  	_ =	shalt  }
0x80: {  	_ =	shalt  }
0x81: {  	_ =	shalt  }
0x82: {  	_ =	shalt  }
0x83: {  	_ =	shalt  }
0x84: {  	_ =	shalt  }
0x85: {  	_ =	shalt  }
0x86: {  	_ =	shalt  }
0x87: {  	_ =	shalt  }
.Lfunc_end0:
.L_simem_size_0:
called_computation_lowered:
.L_overlay_start_0:
0x88: {  	s2 =	sld [smem:$0x3FD9]  }
0x89: {  	s3 =	sld [smem:$0x3FFE];
	_ =	sdelay $0x1  }
0x8a: {  	s1 =	srdreg.scid  }
0x8b: {  	s0 =	sand.u32 $0x1, s1  }
0x8c: {  	s17 =	sshll.u32 s0, $0xA;
	s2 =	sadd.s32 s3, s2  }
0x8d: {  	s2 =	sadd.s32 s2, s17  }
0x8e: {  	[smem:$0x3FBE] =	sst s2  }
0x8f: {  	_ = 	snop  }
0x90: {  	s2 =	sld [smem:$0x3FD0];
	(tm) =	ssettm $0x1  }
0x91: {  	s18 =	sld [smem:$0x3FFB];
	_ =	sdelay $0x3  }
0x92: {  	_ =	strace s18  }
0x93: {  	s3 =	sld [smem:$0x3FFC];
	_ =	sdelay $0x3  }
0x94: {  	_ =	strace s3  }
0x95: {  	s3 =	sld [smem:$0x3FFD];
	_ =	sdelay $0x3  }
0x96: {  	_ =	strace s3  }
0x97: {  	_ =	strace $0x8FFFFFFF  }
0x98: {  	s19 =	sld [smem:$0x3FDB];
	_ =	sdelay $0x1  }
0x99: {  	s4 =	simm.s32 $_scs_section_size  }
0x9a: {  	s5 =	simm.s32 $_size__tile_overlayer_lowered;
	s6 =	simm.s32 $_tile_overlayer_lowered  }
0x9b: {  	s22 =	simm.s32 $0x1BFF;
	s21 =	sshll.u32 s6, $0x1;
	s3 =	sadd.s32 s4, s19  }
0x9c: {  	s7 =	simm.s32 $0x0;
	s20 =	sshll.u32 s5, $0x1;
	s5 =	sadd.s32 s21, s3  }
0x9d: {  	[timem:s7], [sflag:s22] =	dma.local [hbm:s5], s20  }
0x9e: {  	_ =	swait.ge [sflag:s22], s20  }
0x9f: {  	s4 =	ssub.s32 $0x0, s20;
	[sflag:s22] =	ssyncset.done $0x0  }
0xa0: {  	[sflag:s22] =	ssyncadd.s32 s4;
	_ =	sdelay $0x1  }
0xa1: {  	s23 =	simm.s32 $0x1B8B  }
0xa2: {  	_ =	swait.ge [sflag:s23], $0x1  }
0xa3: {  	[sflag:s23] =	ssyncset.done $0x0  }
0xa4: {  	s25 =	simm.s32 $0x1B8E;
	s24 =	sld [smem:$0x3FFE];
	[sflag:s23] =	ssyncadd.s32 $0xFFFFFFFF  }
0xa5: {  	s26 =	simm.s32 $execute0_lowered;
	[smem:$0x3FD2] =	sst s25  }
0xa6: {  	s5 =	sshll.u32 s26, $0x1;
	_ =	strace $0x80000046;
	[dreg:$0x1] =	wrdreg $0xFFFFFFFF  }
0xa7: {  	s28 =	simm.s32 $_size_execute0_lowered;
	s3 =	sadd.s32 s3, s5;
	[dreg:$0x0] =	wrdreg $0x0  }
0xa8: {  	s5 =	sshll.u32 s28, $0x1;
	[dreg:$0x2] =	wrdreg s3  }
0xa9: {  	[dreg:$0x3] =	wrdreg s5  }
0xaa: {  	[dreg:$0x4] =	wrdreg $0xC0  }
0xab: {  	_ =	task [dreg:s7], $0x5FFFF  }
0xac: {  	[dreg:$0x1] =	wrdreg $0xFFFFFFFF  }
0xad: {  	[dreg:$0x0] =	wrdreg $0x60  }
0xae: {  	[dreg:$0x2] =	wrdreg s2  }
0xaf: {  	[dreg:$0x3] =	wrdreg s24  }
0xb0: {  	[dreg:$0x4] =	wrdreg $0x28800  }
0xb1: {  	[dreg:$0x5] =	wrdreg $0x9  }
0xb2: {  	_ =	task.clear_ibuf [dreg:s7], $0x6FFFF;
	_ =	strace $0x90000046  }
0xb3: {  	s29 =	simm.s32 $0x9;
	_ =	strace $0x80000048  }
0xb4: {  	_ =	swait.ge [sflag:s29], $0x1  }
0xb5: {  	[sflag:s29] =	ssyncadd.s32 $0xFFFFFFFF  }
0xb6: {  	_ =	strace $0x90000048  }
0xb7: {  	_ =	sfence  }
0xb8: {  	s30 =	sld [smem:$0x0];
	_ =	sdelay $0x2  }
0xb9: {  	s31 =	sshll.u32 s1, $0xD;
	s1 =	sshrl.u32 s1, $0x2  }
0xba: {  	s3 =	sand.u32 $0x4000, s31;
	s1 =	sadd.s32 s1, s30  }
0xbb: {  	s0 =	sor.u32 s3, s0;
	s1 =	sshll.u32 s1, $0x11  }
0xbc: {  	s0 =	sor.u32 s1, s0  }
0xbd: {  	s0 =	sadd.s32 $0x8F2B, s0  }
0xbe: {  	[sflag:s0] =	ssyncadd.remote.s32 $0x1  }
0xbf: {  	_ =	sfence.sel $0xFFFF  }
0xc0: {  	[dreg:$0x0] =	wrdreg $0xFFFFFFFF;
	(pc) =	sbr.abs _section_cstart, $3  }
0xc1: {  	[dreg:$0x1] =	wrdreg $0xFFFFFFFF  }
0xc2: {  	_ =	task.clear_ibuf [dreg:s7], $0x2FFFF;
	_ =	strace $0x9FFFFFFF  }
0xc3: {  	(tm) =	ssettm $0x7FFFFFFF  }
tec
execute0_lowered:
.L_overlay_start_1:
0x0: {  	(tag) =	ssettag $0x1  }
0x1: {  	s7 =	rddreg [dreg:$0x0]  }
0x2: {  	s6 =	rddreg [dreg:$0x1]  }
0x3: {  	s2 =	rddreg [dreg:$0x2]  }
0x4: {  	s0 =	rddreg [dreg:$0x3];
	s4 =	srdreg.scid  }
0x5: {  	s1 =	stileid.u32;
	s3 =	simm.s32 $0x0;
	s14 =	simm.s32 $0x80  }
0x6: {  	s15 =	simm.s32 $0x0;
	s5 =	sand.u32 $0x1, s4;
	s8 =	smul.u32 $0x280, s1  }
0x7: {  	[smem:$0x7FF] =	sst s3;
	s4 =	sadd.s32 $0x3600, s6;
	s10 =	sshll.u32 s1, $0x1  }
0x8: {  	s30 =	sshll.u32 s1, $0x6;
	s9 =	smul.u32 $0x2800, s5;
	s10 =	sor.u32 s5, s10  }
0x9: {  	_ =	strace $0x80000047;
	s11 =	ssub.s32 $0x2, s5;
	s13 =	smul.u32 $0xFFFFFFB0, s10  }
0xa: {  	s5 =	sadd.s32 $0x3800, s6;
	s12 =	sshrl.u32 s11, $0x1;
	s10 =	smul.u32 $0x500, s10  }
0xb: {  	s31 =	sadd.s32 s8, s2;
	s9 =	sadd.s32 s8, s9;
	s11 =	ssub.s32 s11, s12  }
0xc: {  	s12 =	simm.s32 $0x1;
	s9 =	sshrl.u32 s9, $0x3;
	p0 =	slt.s32 s13, $0xFFFFF68C  }
0xd: {  	s7 =	sadd.s32 s7, s10;
	s9 =	sadd.s32 s9, s6;
	s13 =	simm.s32 @!p0 $0xFFFFF68C  }
0xe: {  	s6 =	sor.u32 $0x1C01, s30;
	s8 =	sadd.s32 $0x3A00, s9;
	s9 =	smax.u32 s11, $0x1  }
0xf: {  	s10 =	sadd.s32 $0x9C3, s13;
	s11 =	sshrl.u32 s31, $0x3;
	s13 =	simm.s32 $0x2800  }
.LBB2_1:
0x10: {  	[spmem:s11], [sflag:s6] =	dma.local [hbm:s5], $0x50  }
0x11: {  	_ =	swait.ge [sflag:s12], $0x50  }
0x12: {  	[sflag:s12] =	ssyncset.done $0x0  }
0x13: {  	[sflag:s12] =	ssyncadd.s32 $0xFFFFFFB0  }
0x14: {  	[tilespmem:s13], [sflag:$0x1] =	stream.linear.gather [hbm4b:s4+s3], $0x80, $0x38;
	[tilespmem:$0x2B00] =	vst v63  }
0x15: {  	_ =	swait.ge [sflag:s12], $0x80  }
0x16: {  	[sflag:s12] =	ssyncset.done $0x0  }
0x17: {  	[sflag:s12] =	ssyncadd.s32 $0xFFFFFF80  }
0x18: {  	[tilespmem:s3], [sflag:$0x1] =	stream.linear.gather [hbm4b:s7+s3], $0x2800, $0x38;
	[tilespmem:$0x2B00] =	vst v63  }
0x19: {  	_ =	swait.ge [sflag:s12], $0x2800  }
0x1a: {  	p0 =	sgt.u32 s10, $0x0;
	[sflag:s12] =	ssyncset.done $0x0  }
.Ltmp0:
0x1b: {  	[sflag:s12] =	ssyncadd.s32 $0xFFFFD800;
	(pc) =	sbr.rel @!p0 .LBB2_3-.Ltmp0, $4  }
0x1c: {  	[bflag:$0x0] =	sbarrier.arrive $0xFFFF  }
0x1d: {  	[spmem:s2] =	stream.indirect.scatter.add.f32 [tilespmem:s13], [sflag:$0x1], $0x1, s3, s14, $0xb8;
	[tilespmem:$0x2B00] =	vst v63  }
0x1e: {  	_ =	swait.ge [sflag:s12], $0x80  }
0x1f: {  	s16 =	simm.s32 $0x0;
	s17 =	simm.s32 $0x0;
	[sflag:s12] =	ssyncset.done $0x0  }
.LBB2_2:
0x20: {  	s16 =	sadd.s32 $0x1, s16  }
0x21: {  	[sflag:s12] =	ssyncadd.s32 $0xFFFFFF80;
	s17 =	sadd.s32 $0x80, s17;
	p0 =	slt.u32 s16, s10  }
.Ltmp1:
0x22: {  	(pc) =	sbr.rel @p0 .LBB2_2-.Ltmp1, $4  }
0x23: {  	_ = 	snop  }
0x24: {  	[spmem:s2] =	stream.indirect.scatter.add.f32 [tilespmem:s13], [sflag:$0x1], $0x1, s17, s14, $0xb8;
	[tilespmem:$0x2B00] =	vst v63  }
0x25: {  	_ =	swait.ge [sflag:s12], $0x80  }
0x26: {  	[sflag:s12] =	ssyncset.done $0x0  }
.LBB2_3:
0x27: {  	s15 =	sadd.s32 $0x1, s15  }
0x28: {  	[sflag:s12] =	ssyncadd.s32 $0xFFFFFF80;
	p0 =	sne.s32 s15, s9  }
.Ltmp2:
0x29: {  	[bflag:$0x0] =	sbarrier.arrive $0xFFFF;
	(pc) =	sbr.rel @p0 .LBB2_1-.Ltmp2, $4  }
0x2a: {  	[hbm:s8], [sflag:s6] =	dma.local [spmem:s11], $0x50  }
0x2b: {  	_ =	swait.ge [sflag:s12], $0x50  }
0x2c: {  	[sflag:s12] =	ssyncset.done $0x0  }
0x2d: {  	[sflag:s12] =	ssyncadd.s32 $0xFFFFFFB0  }
0x2e: {  	_ =	sfence.sel $0x180000  }
0x2f: {  	[bflag:$0x0] =	sbarrier.arrive $0xFFFF  }
0x30: {  	p0 =	sne.s32 s1, $0x0;
	_ =	strace $0x90000047  }
0x31: {  	s0 =	sadd.s32 @!p0 $0x100000, s0;
	[bflag:$0x2] =	sbarrier.arrive $0xFFFF  }
0x32: {  	[sflag:s0] =	ssyncadd.tile.s32 @!p0 $0x1;
	_ =	shalt  }
.Lfunc_end2:
_tile_overlayer_lowered:
.L_overlay_start_2:
0x33: {  	(tag) =	ssettag $0x2  }
0x34: {  	s0 =	rddreg [dreg:$0x0];
	s2 =	stileid.u32  }
0x35: {  	s1 =	rddreg [dreg:$0x1];
	p0 =	sne.s32 s2, $0x0  }
0x36: {  	s3 =	rddreg [dreg:$0x2];
	[bflag:$0x3] =	sbarrier.arrive $0xFFFF;
	s2 =	simm.s32 @!p0 $0x1C01  }
0x37: {  	[timem:s3], [sflag:s2] =	dma.local @!p0 [hbm:s0], s1  }
0x38: {  	s0 =	simm.s32 @!p0 $0x1  }
0x39: {  	_ =	swait.ge @!p0 [sflag:s0], s1  }
0x3a: {  	s1 =	ssub.s32 @!p0 $0x0, s1;
	[sflag:s0] =	ssyncset.done @!p0 $0x0  }
0x3b: {  	[sflag:s0] =	ssyncadd.s32 @!p0 s1  }
0x3c: {  	[bflag:$0x3] =	sbarrier.arrive $0xFFFF  }
0x3d: {  	_ =	shalt  }

// kernel: kernel.16.cloned.1.call-start
scs
__scs_entry_jumppad:
0x0: {  	(pc) =	sbr.rel $0x88, $3  }
0x1: {  	(tag) =	ssettag $0x0;
	lr =	simm.s32 $0x1  }
0x2: {  	[smem:$0x3F97] =	sst lr;
	_ =	strace $0xD0000000  }
0x3: {  	_ = 	snop  }
0x4: {  	_ = 	snop  }
0x5: {  	_ = 	snop  }
0x6: {  	_ = 	snop  }
0x7: {  	_ = 	snop  }
__scs_overlays_trampoline_lowered:
0x8: {  	[smem:$0x3FA6] =	sst s0  }
0x9: {  	[smem:$0x3FA7] =	sst s1  }
0xa: {  	[smem:$0x3FA8] =	sst s2  }
0xb: {  	[smem:$0x3FA9] =	sst s3  }
0xc: {  	[smem:$0x3FAA] =	sst s4  }
0xd: {  	[smem:$0x3FAB] =	sst s5  }
0xe: {  	[smem:$0x3FAC] =	sst s6  }
0xf: {  	[smem:$0x3FAD] =	sst s7  }
0x10: {  	[smem:$0x3FAE] =	sst s8  }
0x11: {  	[smem:$0x3FAF] =	sst s9;
	s0 =	simm.s32 @!p0 $0x0  }
0x12: {  	s1 =	sld [smem:$0x3F95];
	s0 =	simm.s32 @p0 $0x1  }
0x13: {  	[smem:$0x3FB0] =	sst s0;
	s0 =	simm.s32 @!p1 $0x0  }
0x14: {  	s2 =	sld [smem:$0x3F94];
	s0 =	simm.s32 @p1 $0x1  }
0x15: {  	[smem:$0x3FB1] =	sst s0;
	s0 =	simm.s32 @!p2 $0x0  }
0x16: {  	s3 =	sld [smem:$0x3FDB];
	s0 =	simm.s32 @p2 $0x1  }
0x17: {  	s4 =	simm.s32 $0x1BF5;
	[smem:$0x3FB3] =	sst s0  }
0x18: {  	s0 =	sld [smem:$0x3F96];
	_ =	swait.ge [sflag:s4], $0x0  }
0x19: {  	s7 =	sld [smem:$0x3F97]  }
0x1a: {  	s8 =	sadd.s32 $0xFFFFE003, lr  }
0x1b: {  	s9 =	sadd.s32 $0xFFFFFEF7, lr;
	s5 =	simm.s32 $0xFFFFFFFF;
	p2 =	slt.u32 s8, $0xFFFFF086  }
0x1c: {  	p1 =	slt.u32 s9, $0xF7A;
	s5 =	simm.s32 @!p2 $0x0  }
0x1d: {  	s5 =	simm.s32 @p1 $0x1;
	p0 =	seq.s32 s7, s2  }
0x1e: {  	s7 =	smul.u32 @!p0 $0xF7A, s2;
	p2 =	seq.s32 @!p0 s5, $0x0  }
0x1f: {  	s9 =	smul.u32 $0xF7A, s1;
	s8 =	simm.s32 @!p0 $0x1BF5;
	p2 =	por !p2, p0  }
0x20: {  	[sflag:s8] =	ssyncset.s32 @!p0 $0xFFFFF086;
	s6 =	sadd.s32 @!p0 s3, s7;
	s7 =	simm.s32 @!p0 $0x108  }
0x21: {  	s3 =	sadd.s32 s3, s9;
	s6 =	sadd.s32 @!p0 $0x88, s6;
	s7 =	simm.s32 @p2 $0x1082  }
0x22: {  	[simem:s7], [sflag:s8] =	dma.local @!p0 [hbm:s6], $0xF7A  }
0x23: {  	s9 =	sor.u32 $0xD0000000, s2;
	s6 =	simm.s32 $0x108;
	_ =	swait.ge @!p0 [sflag:s8], $0x0  }
0x24: {  	s3 =	sadd.s32 $0x88, s3;
	s6 =	simm.s32 @!p1 $0x1082;
	[sflag:s4] =	ssyncset.s32 $0xFFFFF086  }
0x25: {  	[simem:s6], [sflag:s4] =	dma.local [hbm:s3], $0xF7A  }
0x26: {  	[smem:$0x3F97] =	sst s1;
	(tag) =	ssettag s2;
	_ =	strace s9  }
0x27: {  	s1 =	sld [smem:$0x3FA7]  }
0x28: {  	s2 =	sld [smem:$0x3FA8]  }
0x29: {  	s4 =	sld [smem:$0x3FAA]  }
0x2a: {  	p0 =	seq.s32 s5, $0x0;
	s5 =	sld [smem:$0x3FAB]  }
0x2b: {  	s6 =	sld [smem:$0x3FAC]  }
0x2c: {  	s7 =	sld [smem:$0x3FAD]  }
0x2d: {  	s3 =	simm.s32 $0x108;
	s8 =	sld [smem:$0x3FAE]  }
0x2e: {  	s3 =	simm.s32 @!p0 $0x1082;
	s9 =	sld [smem:$0x3FAF]  }
0x2f: {  	lr =	sadd.s32 s0, s3;
	s0 =	sld [smem:$0x3FA6]  }
0x30: {  	s3 =	sld [smem:$0x3FA9]  }
0x31: {  	[smem:$0x3FB2] =	sst s10  }
0x32: {  	s10 =	sld [smem:$0x3FB0];
	_ =	sdelay $0x3  }
0x33: {  	p0 =	seq.s32 s10, $0x1;
	s10 =	sld [smem:$0x3FB2];
	_ =	sdelay $0x3  }
0x34: {  	[smem:$0x3FB2] =	sst s10  }
0x35: {  	s10 =	sld [smem:$0x3FB1];
	_ =	sdelay $0x3  }
0x36: {  	p1 =	seq.s32 s10, $0x1;
	s10 =	sld [smem:$0x3FB2];
	_ =	sdelay $0x3  }
0x37: {  	[smem:$0x3FB2] =	sst s10  }
0x38: {  	s10 =	sld [smem:$0x3FB3]  }
0x39: {  	_ = 	snop;
	(pc) =	sbr.ind lr, $3  }
0x3a: {  	_ = 	snop  }
0x3b: {  	_ = 	snop  }
0x3c: {  	p2 =	seq.s32 s10, $0x1;
	s10 =	sld [smem:$0x3FB2]  }
0x3d: {  	_ =	shalt  }
0x3e: {  	_ =	shalt  }
0x3f: {  	_ =	shalt  }
0x40: {  	_ =	shalt  }
0x41: {  	_ =	shalt  }
0x42: {  	_ =	shalt  }
0x43: {  	_ =	shalt  }
0x44: {  	_ =	shalt  }
0x45: {  	_ =	shalt  }
0x46: {  	_ =	shalt  }
0x47: {  	_ =	shalt  }
0x48: {  	_ =	shalt  }
0x49: {  	_ =	shalt  }
0x4a: {  	_ =	shalt  }
0x4b: {  	_ =	shalt  }
0x4c: {  	_ =	shalt  }
0x4d: {  	_ =	shalt  }
0x4e: {  	_ =	shalt  }
0x4f: {  	_ =	shalt  }
0x50: {  	_ =	shalt  }
0x51: {  	_ =	shalt  }
0x52: {  	_ =	shalt  }
0x53: {  	_ =	shalt  }
0x54: {  	_ =	shalt  }
0x55: {  	_ =	shalt  }
0x56: {  	_ =	shalt  }
0x57: {  	_ =	shalt  }
0x58: {  	_ =	shalt  }
0x59: {  	_ =	shalt  }
0x5a: {  	_ =	shalt  }
0x5b: {  	_ =	shalt  }
0x5c: {  	_ =	shalt  }
0x5d: {  	_ =	shalt  }
0x5e: {  	_ =	shalt  }
0x5f: {  	_ =	shalt  }
0x60: {  	_ =	shalt  }
0x61: {  	_ =	shalt  }
0x62: {  	_ =	shalt  }
0x63: {  	_ =	shalt  }
0x64: {  	_ =	shalt  }
0x65: {  	_ =	shalt  }
0x66: {  	_ =	shalt  }
0x67: {  	_ =	shalt  }
0x68: {  	_ =	shalt  }
0x69: {  	_ =	shalt  }
0x6a: {  	_ =	shalt  }
0x6b: {  	_ =	shalt  }
0x6c: {  	_ =	shalt  }
0x6d: {  	_ =	shalt  }
0x6e: {  	_ =	shalt  }
0x6f: {  	_ =	shalt  }
0x70: {  	_ =	shalt  }
0x71: {  	_ =	shalt  }
0x72: {  	_ =	shalt  }
0x73: {  	_ =	shalt  }
0x74: {  	_ =	shalt  }
0x75: {  	_ =	shalt  }
0x76: {  	_ =	shalt  }
0x77: {  	_ =	shalt  }
0x78: {  	_ =	shalt  }
0x79: {  	_ =	shalt  }
0x7a: {  	_ =	shalt  }
0x7b: {  	_ =	shalt  }
0x7c: {  	_ =	shalt  }
0x7d: {  	_ =	shalt  }
0x7e: {  	_ =	shalt  }
0x7f: {  	_ =	shalt  }
0x80: {  	_ =	shalt  }
0x81: {  	_ =	shalt  }
0x82: {  	_ =	shalt  }
0x83: {  	_ =	shalt  }
0x84: {  	_ =	shalt  }
0x85: {  	_ =	shalt  }
0x86: {  	_ =	shalt  }
0x87: {  	_ =	shalt  }
.Lfunc_end0:
.L_simem_size_0:
called_computation.1_lowered:
.L_overlay_start_0:
0x88: {  	s2 =	sld [smem:$0x3FD9]  }
0x89: {  	s3 =	sld [smem:$0x3FFE];
	_ =	sdelay $0x1  }
0x8a: {  	s1 =	srdreg.scid  }
0x8b: {  	s0 =	sand.u32 $0x1, s1  }
0x8c: {  	s17 =	sshll.u32 s0, $0xA;
	s2 =	sadd.s32 s3, s2  }
0x8d: {  	s2 =	sadd.s32 s2, s17  }
0x8e: {  	[smem:$0x3FBE] =	sst s2  }
0x8f: {  	_ = 	snop  }
0x90: {  	s2 =	sld [smem:$0x3FD0];
	(tm) =	ssettm $0x1  }
0x91: {  	s18 =	sld [smem:$0x3FFB];
	_ =	sdelay $0x3  }
0x92: {  	_ =	strace s18  }
0x93: {  	s3 =	sld [smem:$0x3FFC];
	_ =	sdelay $0x3  }
0x94: {  	_ =	strace s3  }
0x95: {  	s3 =	sld [smem:$0x3FFD];
	_ =	sdelay $0x3  }
0x96: {  	_ =	strace s3  }
0x97: {  	_ =	strace $0x8FFFFFFF  }
0x98: {  	s19 =	sld [smem:$0x3FDB];
	_ =	sdelay $0x1  }
0x99: {  	s4 =	simm.s32 $_scs_section_size  }
0x9a: {  	s5 =	simm.s32 $_size__tile_overlayer_lowered;
	s6 =	simm.s32 $_tile_overlayer_lowered  }
0x9b: {  	s22 =	simm.s32 $0x1BFF;
	s21 =	sshll.u32 s6, $0x1;
	s3 =	sadd.s32 s4, s19  }
0x9c: {  	s7 =	simm.s32 $0x0;
	s20 =	sshll.u32 s5, $0x1;
	s5 =	sadd.s32 s21, s3  }
0x9d: {  	[timem:s7], [sflag:s22] =	dma.local [hbm:s5], s20  }
0x9e: {  	_ =	swait.ge [sflag:s22], s20  }
0x9f: {  	s4 =	ssub.s32 $0x0, s20;
	[sflag:s22] =	ssyncset.done $0x0  }
0xa0: {  	[sflag:s22] =	ssyncadd.s32 s4;
	_ =	sdelay $0x1  }
0xa1: {  	s23 =	simm.s32 $0x1B8B  }
0xa2: {  	_ =	swait.ge [sflag:s23], $0x1  }
0xa3: {  	[sflag:s23] =	ssyncset.done $0x0  }
0xa4: {  	s25 =	simm.s32 $0x1B8E;
	s24 =	sld [smem:$0x3FFE];
	[sflag:s23] =	ssyncadd.s32 $0xFFFFFFFF  }
0xa5: {  	s26 =	simm.s32 $execute0_lowered;
	[smem:$0x3FD2] =	sst s25  }
0xa6: {  	s5 =	sshll.u32 s26, $0x1;
	_ =	strace $0x80000049;
	[dreg:$0x1] =	wrdreg $0xFFFFFFFF  }
0xa7: {  	s28 =	simm.s32 $_size_execute0_lowered;
	s3 =	sadd.s32 s3, s5;
	[dreg:$0x0] =	wrdreg $0x0  }
0xa8: {  	s5 =	sshll.u32 s28, $0x1;
	[dreg:$0x2] =	wrdreg s3  }
0xa9: {  	[dreg:$0x3] =	wrdreg s5  }
0xaa: {  	[dreg:$0x4] =	wrdreg $0xC0  }
0xab: {  	_ =	task [dreg:s7], $0x5FFFF  }
0xac: {  	[dreg:$0x1] =	wrdreg $0xFFFFFFFF  }
0xad: {  	[dreg:$0x0] =	wrdreg $0x60  }
0xae: {  	[dreg:$0x2] =	wrdreg s24  }
0xaf: {  	[dreg:$0x3] =	wrdreg s2  }
0xb0: {  	[dreg:$0x4] =	wrdreg $0xA8000  }
0xb1: {  	[dreg:$0x5] =	wrdreg $0x9  }
0xb2: {  	_ =	task.clear_ibuf [dreg:s7], $0x6FFFF;
	_ =	strace $0x90000049  }
0xb3: {  	s29 =	simm.s32 $0x9;
	_ =	strace $0x80000051  }
0xb4: {  	_ =	swait.ge [sflag:s29], $0x1  }
0xb5: {  	[sflag:s29] =	ssyncadd.s32 $0xFFFFFFFF  }
0xb6: {  	_ =	strace $0x90000051  }
0xb7: {  	_ =	sfence  }
0xb8: {  	s30 =	sld [smem:$0x0];
	_ =	sdelay $0x2  }
0xb9: {  	s31 =	sshll.u32 s1, $0xD;
	s1 =	sshrl.u32 s1, $0x2  }
0xba: {  	s3 =	sand.u32 $0x4000, s31;
	s1 =	sadd.s32 s1, s30  }
0xbb: {  	s0 =	sor.u32 s3, s0;
	s1 =	sshll.u32 s1, $0x11  }
0xbc: {  	s0 =	sor.u32 s1, s0  }
0xbd: {  	s0 =	sadd.s32 $0x8F2B, s0  }
0xbe: {  	[sflag:s0] =	ssyncadd.remote.s32 $0x1  }
0xbf: {  	_ =	sfence.sel $0xFFFF  }
0xc0: {  	[dreg:$0x0] =	wrdreg $0xFFFFFFFF;
	(pc) =	sbr.abs _section_cstart, $3  }
0xc1: {  	[dreg:$0x1] =	wrdreg $0xFFFFFFFF  }
0xc2: {  	_ =	task.clear_ibuf [dreg:s7], $0x2FFFF;
	_ =	strace $0x9FFFFFFF  }
0xc3: {  	(tm) =	ssettm $0x7FFFFFFF  }
tec
execute0_lowered:
.L_overlay_start_1:
0x0: {  	(tag) =	ssettag $0x1  }
0x1: {  	s0 =	rddreg [dreg:$0x0]  }
0x2: {  	s2 =	rddreg [dreg:$0x1]  }
0x3: {  	s1 =	rddreg [dreg:$0x2];
	s3 =	srdreg.scid  }
0x4: {  	s4 =	simm.s32 $0x0;
	s24 =	stileid.u32;
	s18 =	simm.s32 $0x2800  }
0x5: {  	s19 =	simm.s32 $0x1400;
	s20 =	simm.s32 $0x80;
	s21 =	simm.s32 $0x1  }
0x6: {  	s22 =	simm.s32 $0x6800;
	s5 =	sand.u32 $0x1, s3;
	[smem:$0x7FF] =	sst s4  }
0x7: {  	s7 =	smul.u32 $0x14000, s24;
	s4 =	sadd.s32 $0xE400, s0;
	s14 =	sadd.s32 $0x4400, s0  }
0x8: {  	s25 =	sshll.u32 s24, $0x1;
	s8 =	smul.u32 $0x50000, s24;
	s24 =	simm.s32 $0x2  }
0x9: {  	s6 =	smul.u32 $0x140000, s5;
	_ =	strace $0x8000004A;
	s26 =	ssub.s32 $0x2, s5  }
0xa: {  	s23 =	sor.u32 s5, s25;
	s25 =	simm.s32 $0x3;
	s28 =	sshrl.u32 s26, $0x1  }
0xb: {  	s8 =	sshrl.u32 s8, $0x2;
	s10 =	smul.u32 $0x2800, s23;
	p0 =	seq.s32 s23, $0x1F  }
0xc: {  	s6 =	sadd.s32 s7, s6;
	s7 =	smul.u32 $0xFFFFFFB0, s23;
	s17 =	ssub.s32 s26, s28  }
0xd: {  	s5 =	sadd.s32 s8, s1;
	s26 =	simm.s32 $0x0;
	s6 =	sshrl.u32 s6, $0x3  }
0xe: {  	s29 =	sadd.s32 $0x4000, s5;
	s30 =	sadd.s32 $0x8000, s5;
	s31 =	sadd.s32 $0xC000, s5  }
0xf: {  	s9 =	sadd.s32 $0x10000, s5;
	s13 =	sshrl.u32 s10, $0x3;
	[dreg:$0x4] =	wrdreg s29  }
0x10: {  	s17 =	smax.u32 s17, $0x1;
	s0 =	sadd.s32 s6, s0;
	[dreg:$0x5] =	wrdreg s30  }
0x11: {  	s12 =	sadd.s32 $0x9C4, s7;
	[dreg:$0x6] =	wrdreg s31;
	s11 =	sadd.s32 s14, s13  }
0x12: {  	s16 =	sadd.s32 $0x280, s13;
	s10 =	smin.u32 s12, $0x28;
	s15 =	smax.u32 s12, $0x28  }
0x13: {  	s12 =	sadd.s32 s2, s13;
	s14 =	sadd.s32 s14, s16;
	s15 =	smin.u32 s15, $0x50  }
0x14: {  	v0 =	vimm.f32 $0.0e+00;
	s13 =	sadd.s32 $0xFFFFFFD8, s15;
	s15 =	sadd.s32 s2, s16;
	s16 =	sadd.s32 $0x36400, s0  }
.LBB2_1:
0x15: {  	_ =	strace $0x8000004B;
	s0 =	simm.s32 $0x0;
	s2 =	simm.s32 $0x200  }
.LBB2_2:
0x16: {  	p1 =	sne.s32 s2, $0xFE00;
	[tilespmem:s0+$0x2870] =	vst v0  }
0x17: {  	[tilespmem:s0+$0x2800] =	vst v0  }
0x18: {  	[tilespmem:s0+$0x2810] =	vst v0  }
.Ltmp0:
0x19: {  	[tilespmem:s0+$0x2820] =	vst v0;
	(pc) =	sbr.rel @p1 .LBB2_2-.Ltmp0, $4  }
0x1a: {  	[tilespmem:s0+$0x2830] =	vst v0  }
0x1b: {  	[tilespmem:s0+$0x2840] =	vst v0  }
0x1c: {  	[tilespmem:s0+$0x2850] =	vst v0  }
0x1d: {  	[tilespmem:s0+$0x2860] =	vst v0;
	s0 =	sshra.s32 s2, $0x2;
	s2 =	sadd.s32 $0x200, s2  }
0x1e: {  	[tilespmem:s0+$0x2870] =	vst v0  }
0x1f: {  	[tilespmem:s0+$0x2800] =	vst v0  }
0x20: {  	[tilespmem:s0+$0x2810] =	vst v0  }
0x21: {  	[tilespmem:s0+$0x2820] =	vst v0  }
0x22: {  	[tilespmem:s0+$0x2830] =	vst v0  }
0x23: {  	[tilespmem:s0+$0x2840] =	vst v0  }
0x24: {  	[tilespmem:s0+$0x2850] =	vst v0  }
0x25: {  	[tilespmem:s0+$0x2860] =	vst v0;
	s3 =	simm.s32 $0x3  }
0x26: {  	[spmem:s5] =	stream.linear.scatter [tilespmem:s18], [sflag:$0x3], $0x4000, $0x200038;
	[tilespmem:$0x1E800] =	vst v63  }
0x27: {  	_ =	swait.ge [sflag:s3], $0x4000  }
0x28: {  	[sflag:s3] =	ssyncset.done $0x0  }
0x29: {  	s2 =	rddreg [dreg:$0x4];
	[sflag:s3] =	ssyncadd.s32 $0xFFFFC000  }
0x2a: {  	[spmem:s2] =	stream.linear.scatter [tilespmem:s18], [sflag:$0x3], $0x4000, $0x200038;
	[tilespmem:$0x1E800] =	vst v63  }
0x2b: {  	_ =	swait.ge [sflag:s3], $0x4000  }
0x2c: {  	[sflag:s3] =	ssyncset.done $0x0  }
0x2d: {  	s6 =	rddreg [dreg:$0x5];
	[sflag:s3] =	ssyncadd.s32 $0xFFFFC000  }
0x2e: {  	[spmem:s6] =	stream.linear.scatter [tilespmem:s18], [sflag:$0x3], $0x4000, $0x200038;
	[tilespmem:$0x1E800] =	vst v63  }
0x2f: {  	_ =	swait.ge [sflag:s3], $0x4000  }
0x30: {  	[sflag:s3] =	ssyncset.done $0x0  }
0x31: {  	s7 =	rddreg [dreg:$0x6];
	[sflag:s3] =	ssyncadd.s32 $0xFFFFC000  }
0x32: {  	[spmem:s7] =	stream.linear.scatter [tilespmem:s18], [sflag:$0x3], $0x4000, $0x200038;
	[tilespmem:$0x1E800] =	vst v63  }
0x33: {  	_ =	swait.ge [sflag:s3], $0x4000  }
0x34: {  	[sflag:s3] =	ssyncset.done $0x0  }
0x35: {  	[sflag:s3] =	ssyncadd.s32 $0xFFFFC000  }
0x36: {  	[spmem:s9] =	stream.linear.scatter [tilespmem:s18], [sflag:$0x3], $0x4000, $0x200038;
	[tilespmem:$0x1E800] =	vst v63  }
0x37: {  	_ =	swait.ge [sflag:s3], $0x4000  }
0x38: {  	[sflag:s3] =	ssyncset.done $0x0  }
0x39: {  	[sflag:s3] =	ssyncadd.s32 $0xFFFFC000  }
0x3a: {  	[bflag:$0x0] =	sbarrier.arrive $0xFFFF  }
0x3b: {  	_ =	strace $0x9000004B  }
0x3c: {  	s8 =	simm.s32 $0x0;
	_ =	strace $0x8000004C  }
0x3d: {  	[tilespmem:s8], [sflag:$0x3] =	stream.linear.gather [hbm4b:s11+s8], $0x1400, $0x200038;
	[tilespmem:$0x1E800] =	vst v63  }
0x3e: {  	_ =	swait.ge [sflag:s3], $0x1400  }
0x3f: {  	[sflag:s3] =	ssyncset.done $0x0  }
0x40: {  	[sflag:s3] =	ssyncadd.s32 $0xFFFFEC00  }
0x41: {  	[tilespmem:s19], [sflag:$0x3] =	stream.linear.gather [hbm4b:s12+s8], $0x1400, $0x200038;
	[tilespmem:$0x1E800] =	vst v63  }
0x42: {  	_ =	swait.ge [sflag:s3], $0x1400  }
0x43: {  	[sflag:s3] =	ssyncset.done $0x0  }
0x44: {  	[sflag:s3] =	ssyncadd.s32 $0xFFFFEC00  }
0x45: {  	_ =	strace $0x9000004C  }
0x46: {  	_ =	strace $0x8000004D  }
0x47: {  	[tilespmem:s18], [sflag:$0x1] =	stream.indirect.gather [hbm4b:s4+s20], $0x80, s8, s20, $0x2000b8;
	[tilespmem:$0x1E800] =	vst v63  }
0x48: {  	_ =	swait.ge [sflag:s21], $0x4000  }
0x49: {  	[sflag:s21] =	ssyncset.done $0x0  }
0x4a: {  	[sflag:s21] =	ssyncadd.s32 $0xFFFFC000  }
0x4b: {  	[spmem:s1] =	stream.indirect.scatter.add.f32 [tilespmem:s18], [sflag:$0x2], $0x80, s19, s20, $0x2000b8;
	[tilespmem:$0x1E800] =	vst v63  }
0x4c: {  	_ = 	snop  }
0x4d: {  	[tilespmem:s22], [sflag:$0x1] =	stream.indirect.gather [hbm4b:s4+s20], $0x80, s20, s20, $0x2000b8;
	[tilespmem:$0x1E800] =	vst v63  }
0x4e: {  	_ =	swait.ge [sflag:s21], $0x4000  }
0x4f: {  	p1 =	sle.u32 s10, $0x2;
	[sflag:s21] =	ssyncset.done $0x0  }
0x50: {  	s23 =	simm.s32 $0x1480;
	s0 =	simm.s32 @!p1 $0x2;
	[sflag:s21] =	ssyncadd.s32 $0xFFFFC000  }
0x51: {  	[spmem:s1] =	stream.indirect.scatter.add.f32 [tilespmem:s22], [sflag:$0x2], $0x80, s23, s20, $0x2000b8;
	[tilespmem:$0x1E800] =	vst v63  }
0x52: {  	_ =	swait.ge @!p1 [sflag:s0], $0x4000  }
0x53: {  	s28 =	simm.s32 @!p1 $0x80;
	s2 =	simm.s32 @!p1 $0x2800;
	[sflag:s0] =	ssyncset.done @!p1 $0x0  }
0x54: {  	s23 =	simm.s32 @!p1 $0x100;
	[sflag:s0] =	ssyncadd.s32 @!p1 $0xFFFFC000;
	s0 =	simm.s32 @!p1 $0x1  }
0x55: {  	[tilespmem:s2], [sflag:$0x1] =	stream.indirect.gather @!p1 [hbm4b:s4+s28], $0x80, s23, s28, $0x2000b8;
	[tilespmem:$0x1E800] =	vst v63  }
0x56: {  	_ =	swait.ge @!p1 [sflag:s0], $0x4000  }
0x57: {  	p2 =	sle.u32 s10, $0x3;
	[sflag:s0] =	ssyncset.done @!p1 $0x0  }
0x58: {  	s30 =	simm.s32 @!p2 $0x2;
	s23 =	simm.s32 @!p1 $0x1500;
	[sflag:s0] =	ssyncadd.s32 @!p1 $0xFFFFC000  }
0x59: {  	[spmem:s1] =	stream.indirect.scatter.add.f32 @!p1 [tilespmem:s2], [sflag:$0x2], $0x80, s23, s28, $0x2000b8;
	[tilespmem:$0x1E800] =	vst v63  }
0x5a: {  	_ =	swait.ge @!p2 [sflag:s30], $0x4000  }
0x5b: {  	s29 =	simm.s32 $0x400;
	s31 =	simm.s32 @!p2 $0x80;
	[sflag:s30] =	ssyncset.done @!p2 $0x0  }
0x5c: {  	s0 =	simm.s32 @!p2 $0x6800;
	s2 =	simm.s32 @!p2 $0x180;
	[sflag:s30] =	ssyncadd.s32 @!p2 $0xFFFFC000  }
0x5d: {  	[tilespmem:s0], [sflag:$0x1] =	stream.indirect.gather @!p2 [hbm4b:s4+s31], $0x80, s2, s31, $0x2000b8;
	[tilespmem:$0x1E800] =	vst v63  }
0x5e: {  	s28 =	simm.s32 $0x5;
	s23 =	simm.s32 @!p2 $0x1580;
	s2 =	simm.s32 @!p2 $0x1  }
0x5f: {  	p1 =	sle.u32 s10, $0x4;
	s30 =	simm.s32 $0x800;
	_ =	swait.ge @!p2 [sflag:s2], $0x4000  }
.LBB2_4:
0x60: {  	s3 =	simm.s32 @!p1 $0x2;
	[sflag:s2] =	ssyncset.done @!p2 $0x0  }
0x61: {  	s6 =	smov.u32 s30;
	s30 =	sadd.s32 $0x400, s30;
	s7 =	smov.u32 s28  }
0x62: {  	p3 =	sne.s32 s30, $0x4C00;
	[sflag:s2] =	ssyncadd.s32 @!p2 $0xFFFFC000  }
0x63: {  	[spmem:s1] =	stream.indirect.scatter.add.f32 @!p2 [tilespmem:s0], [sflag:$0x2], $0x80, s23, s31, $0x2000b8;
	[tilespmem:$0x1E800] =	vst v63  }
0x64: {  	s2 =	simm.s32 @!p1 $0x2800;
	s0 =	sshra.s32 @!p1 s29, $0x2;
	_ =	swait.ge @!p1 [sflag:s3], $0x4000  }
0x65: {  	s31 =	simm.s32 @!p1 $0x80;
	s23 =	sadd.s32 @!p1 $0x100, s0;
	[sflag:s3] =	ssyncset.done @!p1 $0x0  }
0x66: {  	s0 =	sadd.s32 @!p1 $0x1500, s0;
	[sflag:s3] =	ssyncadd.s32 @!p1 $0xFFFFC000;
	s3 =	simm.s32 @!p1 $0x1  }
0x67: {  	[tilespmem:s2], [sflag:$0x1] =	stream.indirect.gather @!p1 [hbm4b:s4+s31], $0x80, s23, s31, $0x2000b8;
	[tilespmem:$0x1E800] =	vst v63  }
0x68: {  	s28 =	sadd.s32 $0x2, s28;
	_ =	swait.ge @!p1 [sflag:s3], $0x4000  }
0x69: {  	s8 =	sadd.s32 $0xFFFFFFFF, s28;
	p2 =	sge.u32 s7, s10;
	[sflag:s3] =	ssyncset.done @!p1 $0x0  }
0x6a: {  	s7 =	sshra.s32 @!p2 s29, $0x2;
	[sflag:s3] =	ssyncadd.s32 @!p1 $0xFFFFC000;
	s3 =	simm.s32 @!p2 $0x2  }
0x6b: {  	[spmem:s1] =	stream.indirect.scatter.add.f32 @!p1 [tilespmem:s2], [sflag:$0x2], $0x80, s0, s31, $0x2000b8;
	[tilespmem:$0x1E800] =	vst v63  }
.Ltmp1:
0x6c: {  	s29 =	sadd.s32 @!p2 $0x180, s7;
	_ =	swait.ge @!p2 [sflag:s3], $0x4000;
	(pc) =	sbr.rel @p3 .LBB2_4-.Ltmp1, $4  }
0x6d: {  	s31 =	simm.s32 @!p2 $0x80;
	s0 =	simm.s32 @!p2 $0x6800;
	[sflag:s3] =	ssyncset.done @!p2 $0x0  }
0x6e: {  	s23 =	sadd.s32 @!p2 $0x1580, s7;
	s2 =	simm.s32 @!p2 $0x1;
	[sflag:s3] =	ssyncadd.s32 @!p2 $0xFFFFC000  }
0x6f: {  	[tilespmem:s0], [sflag:$0x1] =	stream.indirect.gather @!p2 [hbm4b:s4+s31], $0x80, s29, s31, $0x2000b8;
	[tilespmem:$0x1E800] =	vst v63  }
0x70: {  	p1 =	sge.u32 s8, s10;
	s29 =	smov.u32 s6;
	_ =	swait.ge @!p2 [sflag:s2], $0x4000  }
0x71: {  	[sflag:s2] =	ssyncset.done @!p2 $0x0  }
0x72: {  	s3 =	simm.s32 @!p1 $0x2;
	[sflag:s2] =	ssyncadd.s32 @!p2 $0xFFFFC000  }
0x73: {  	[spmem:s1] =	stream.indirect.scatter.add.f32 @!p2 [tilespmem:s0], [sflag:$0x2], $0x80, s23, s31, $0x2000b8;
	[tilespmem:$0x1E800] =	vst v63  }
0x74: {  	s7 =	simm.s32 @!p1 $0x80;
	_ =	swait.ge @!p1 [sflag:s3], $0x4000  }
0x75: {  	s2 =	simm.s32 @!p1 $0x2800;
	s0 =	sshra.s32 @!p1 s29, $0x2;
	[sflag:s3] =	ssyncset.done @!p1 $0x0  }
0x76: {  	s6 =	sadd.s32 @!p1 $0x100, s0;
	[sflag:s3] =	ssyncadd.s32 @!p1 $0xFFFFC000;
	s3 =	simm.s32 @!p1 $0x1  }
0x77: {  	[tilespmem:s2], [sflag:$0x1] =	stream.indirect.gather @!p1 [hbm4b:s4+s7], $0x80, s6, s7, $0x2000b8;
	[tilespmem:$0x1E800] =	vst v63  }
0x78: {  	_ =	swait.ge @!p1 [sflag:s3], $0x4000  }
0x79: {  	p2 =	sge.u32 s28, s10;
	[sflag:s3] =	ssyncset.done @!p1 $0x0  }
0x7a: {  	s0 =	sadd.s32 @!p1 $0x1500, s0;
	[sflag:s3] =	ssyncadd.s32 @!p1 $0xFFFFC000;
	s3 =	simm.s32 @!p2 $0x2  }
0x7b: {  	[spmem:s1] =	stream.indirect.scatter.add.f32 @!p1 [tilespmem:s2], [sflag:$0x2], $0x80, s0, s7, $0x2000b8;
	[tilespmem:$0x1E800] =	vst v63  }
0x7c: {  	s6 =	simm.s32 @!p2 $0x80;
	_ =	swait.ge @!p2 [sflag:s3], $0x4000  }
0x7d: {  	s0 =	sshra.s32 @!p2 s29, $0x2;
	s7 =	simm.s32 @!p2 $0x6800;
	[sflag:s3] =	ssyncset.done @!p2 $0x0  }
0x7e: {  	s2 =	sadd.s32 @!p2 $0x180, s0;
	[sflag:s3] =	ssyncadd.s32 @!p2 $0xFFFFC000;
	s3 =	simm.s32 @!p2 $0x1  }
0x7f: {  	[tilespmem:s7], [sflag:$0x1] =	stream.indirect.gather @!p2 [hbm4b:s4+s6], $0x80, s2, s6, $0x2000b8;
	[tilespmem:$0x1E800] =	vst v63  }
0x80: {  	_ =	swait.ge @!p2 [sflag:s3], $0x4000  }
0x81: {  	[sflag:s3] =	ssyncset.done @!p2 $0x0  }
0x82: {  	s0 =	sadd.s32 @!p2 $0x1580, s0;
	[sflag:s3] =	ssyncadd.s32 @!p2 $0xFFFFC000  }
0x83: {  	[spmem:s1] =	stream.indirect.scatter.add.f32 @!p2 [tilespmem:s7], [sflag:$0x2], $0x80, s0, s6, $0x2000b8;
	[tilespmem:$0x1E800] =	vst v63  }
0x84: {  	_ =	swait.ge [sflag:s24], $0x4000  }
0x85: {  	[sflag:s24] =	ssyncset.done $0x0  }
0x86: {  	[sflag:s24] =	ssyncadd.s32 $0xFFFFC000  }
0x87: {  	_ =	swait.ge [sflag:s24], $0x4000  }
0x88: {  	[sflag:s24] =	ssyncset.done $0x0  }
0x89: {  	[sflag:s24] =	ssyncadd.s32 $0xFFFFC000  }
0x8a: {  	_ =	strace $0x9000004D  }
0x8b: {  	s23 =	simm.s32 $0x0;
	_ =	strace $0x8000004E  }
0x8c: {  	[tilespmem:s23], [sflag:$0x3] =	stream.linear.gather [hbm4b:s14+s23], $0x1400, $0x200038;
	[tilespmem:$0x1E800] =	vst v63  }
0x8d: {  	_ =	swait.ge [sflag:s25], $0x1400  }
0x8e: {  	[sflag:s25] =	ssyncset.done $0x0  }
0x8f: {  	[sflag:s25] =	ssyncadd.s32 $0xFFFFEC00  }
0x90: {  	[tilespmem:s19], [sflag:$0x3] =	stream.linear.gather [hbm4b:s15+s23], $0x1400, $0x200038;
	[tilespmem:$0x1E800] =	vst v63  }
0x91: {  	_ =	swait.ge [sflag:s25], $0x1400  }
0x92: {  	[sflag:s25] =	ssyncset.done $0x0  }
0x93: {  	[sflag:s25] =	ssyncadd.s32 $0xFFFFEC00  }
0x94: {  	s2 =	simm.s32 @!p0 $0x0;
	_ =	strace $0x9000004E  }
0x95: {  	s3 =	simm.s32 @!p0 $0x2800;
	s0 =	simm.s32 @!p0 $0x80;
	_ =	strace $0x8000004F  }
0x96: {  	[tilespmem:s3], [sflag:$0x1] =	stream.indirect.gather @!p0 [hbm4b:s4+s0], $0x80, s2, s0, $0x2000b8;
	[tilespmem:$0x1E800] =	vst v63  }
0x97: {  	s2 =	simm.s32 @!p0 $0x1  }
0x98: {  	_ =	swait.ge @!p0 [sflag:s2], $0x4000  }
0x99: {  	[sflag:s2] =	ssyncset.done @!p0 $0x0  }
0x9a: {  	s6 =	simm.s32 @!p0 $0x1400;
	[sflag:s2] =	ssyncadd.s32 @!p0 $0xFFFFC000  }
0x9b: {  	[spmem:s1] =	stream.indirect.scatter.add.f32 @!p0 [tilespmem:s3], [sflag:$0x2], $0x80, s6, s0, $0x2000b8;
	[tilespmem:$0x1E800] =	vst v63  }
0x9c: {  	s3 =	simm.s32 @!p0 $0x6800  }
0x9d: {  	[tilespmem:s3], [sflag:$0x1] =	stream.indirect.gather @!p0 [hbm4b:s4+s0], $0x80, s0, s0, $0x2000b8;
	[tilespmem:$0x1E800] =	vst v63  }
0x9e: {  	_ =	swait.ge @!p0 [sflag:s2], $0x4000  }
0x9f: {  	[sflag:s2] =	ssyncset.done @!p0 $0x0  }
0xa0: {  	p1 =	sle.u32 s13, $0x2;
	[sflag:s2] =	ssyncadd.s32 @!p0 $0xFFFFC000;
	s2 =	simm.s32 @!p0 $0x1480  }
0xa1: {  	[spmem:s1] =	stream.indirect.scatter.add.f32 @!p0 [tilespmem:s3], [sflag:$0x2], $0x80, s2, s0, $0x2000b8;
	[tilespmem:$0x1E800] =	vst v63  }
0xa2: {  	s0 =	simm.s32 @!p1 $0x2  }
0xa3: {  	_ =	swait.ge @!p1 [sflag:s0], $0x4000  }
0xa4: {  	s6 =	simm.s32 @!p1 $0x80;
	s2 =	simm.s32 @!p1 $0x2800;
	[sflag:s0] =	ssyncset.done @!p1 $0x0  }
0xa5: {  	s3 =	simm.s32 @!p1 $0x100;
	[sflag:s0] =	ssyncadd.s32 @!p1 $0xFFFFC000;
	s0 =	simm.s32 @!p1 $0x1  }
0xa6: {  	[tilespmem:s2], [sflag:$0x1] =	stream.indirect.gather @!p1 [hbm4b:s4+s6], $0x80, s3, s6, $0x2000b8;
	[tilespmem:$0x1E800] =	vst v63  }
0xa7: {  	_ =	swait.ge @!p1 [sflag:s0], $0x4000  }
0xa8: {  	p2 =	sle.u32 s13, $0x3;
	[sflag:s0] =	ssyncset.done @!p1 $0x0  }
0xa9: {  	s7 =	simm.s32 @!p2 $0x2;
	s3 =	simm.s32 @!p1 $0x1500;
	[sflag:s0] =	ssyncadd.s32 @!p1 $0xFFFFC000  }
0xaa: {  	[spmem:s1] =	stream.indirect.scatter.add.f32 @!p1 [tilespmem:s2], [sflag:$0x2], $0x80, s3, s6, $0x2000b8;
	[tilespmem:$0x1E800] =	vst v63  }
0xab: {  	_ =	swait.ge @!p2 [sflag:s7], $0x4000  }
0xac: {  	s30 =	simm.s32 $0x800;
	s31 =	simm.s32 @!p2 $0x80;
	[sflag:s7] =	ssyncset.done @!p2 $0x0  }
0xad: {  	s0 =	simm.s32 @!p2 $0x6800;
	s2 =	simm.s32 @!p2 $0x180;
	[sflag:s7] =	ssyncadd.s32 @!p2 $0xFFFFC000  }
0xae: {  	[tilespmem:s0], [sflag:$0x1] =	stream.indirect.gather @!p2 [hbm4b:s4+s31], $0x80, s2, s31, $0x2000b8;
	[tilespmem:$0x1E800] =	vst v63  }
0xaf: {  	s28 =	simm.s32 $0x5;
	s29 =	simm.s32 $0x400;
	s2 =	simm.s32 @!p2 $0x1  }
0xb0: {  	s23 =	simm.s32 @!p2 $0x1580;
	p1 =	sle.u32 s13, $0x4;
	_ =	swait.ge @!p2 [sflag:s2], $0x4000  }
.LBB2_6:
0xb1: {  	s3 =	simm.s32 @!p1 $0x2;
	[sflag:s2] =	ssyncset.done @!p2 $0x0  }
0xb2: {  	s6 =	smov.u32 s30;
	s30 =	sadd.s32 $0x400, s30;
	s7 =	smov.u32 s28  }
0xb3: {  	p3 =	sne.s32 s30, $0x4C00;
	[sflag:s2] =	ssyncadd.s32 @!p2 $0xFFFFC000  }
0xb4: {  	[spmem:s1] =	stream.indirect.scatter.add.f32 @!p2 [tilespmem:s0], [sflag:$0x2], $0x80, s23, s31, $0x2000b8;
	[tilespmem:$0x1E800] =	vst v63  }
0xb5: {  	s2 =	simm.s32 @!p1 $0x2800;
	s0 =	sshra.s32 @!p1 s29, $0x2;
	_ =	swait.ge @!p1 [sflag:s3], $0x4000  }
0xb6: {  	s23 =	simm.s32 @!p1 $0x80;
	s8 =	sadd.s32 @!p1 $0x100, s0;
	[sflag:s3] =	ssyncset.done @!p1 $0x0  }
0xb7: {  	s0 =	sadd.s32 @!p1 $0x1500, s0;
	[sflag:s3] =	ssyncadd.s32 @!p1 $0xFFFFC000;
	s3 =	simm.s32 @!p1 $0x1  }
0xb8: {  	[tilespmem:s2], [sflag:$0x1] =	stream.indirect.gather @!p1 [hbm4b:s4+s23], $0x80, s8, s23, $0x2000b8;
	[tilespmem:$0x1E800] =	vst v63  }
0xb9: {  	s28 =	sadd.s32 $0x2, s28;
	_ =	swait.ge @!p1 [sflag:s3], $0x4000  }
0xba: {  	p2 =	sge.u32 s7, s13;
	s8 =	sadd.s32 $0xFFFFFFFF, s28;
	[sflag:s3] =	ssyncset.done @!p1 $0x0  }
0xbb: {  	s7 =	sshra.s32 @!p2 s29, $0x2;
	[sflag:s3] =	ssyncadd.s32 @!p1 $0xFFFFC000;
	s3 =	simm.s32 @!p2 $0x2  }
0xbc: {  	[spmem:s1] =	stream.indirect.scatter.add.f32 @!p1 [tilespmem:s2], [sflag:$0x2], $0x80, s0, s23, $0x2000b8;
	[tilespmem:$0x1E800] =	vst v63  }
.Ltmp2:
0xbd: {  	s29 =	sadd.s32 @!p2 $0x180, s7;
	_ =	swait.ge @!p2 [sflag:s3], $0x4000;
	(pc) =	sbr.rel @p3 .LBB2_6-.Ltmp2, $4  }
0xbe: {  	s31 =	simm.s32 @!p2 $0x80;
	s0 =	simm.s32 @!p2 $0x6800;
	[sflag:s3] =	ssyncset.done @!p2 $0x0  }
0xbf: {  	s2 =	simm.s32 @!p2 $0x1;
	s23 =	sadd.s32 @!p2 $0x1580, s7;
	[sflag:s3] =	ssyncadd.s32 @!p2 $0xFFFFC000  }
0xc0: {  	[tilespmem:s0], [sflag:$0x1] =	stream.indirect.gather @!p2 [hbm4b:s4+s31], $0x80, s29, s31, $0x2000b8;
	[tilespmem:$0x1E800] =	vst v63  }
0xc1: {  	p1 =	sge.u32 s8, s13;
	s29 =	smov.u32 s6;
	_ =	swait.ge @!p2 [sflag:s2], $0x4000  }
0xc2: {  	[sflag:s2] =	ssyncset.done @!p2 $0x0  }
0xc3: {  	s3 =	simm.s32 @!p1 $0x2;
	[sflag:s2] =	ssyncadd.s32 @!p2 $0xFFFFC000  }
0xc4: {  	[spmem:s1] =	stream.indirect.scatter.add.f32 @!p2 [tilespmem:s0], [sflag:$0x2], $0x80, s23, s31, $0x2000b8;
	[tilespmem:$0x1E800] =	vst v63  }
0xc5: {  	s7 =	simm.s32 @!p1 $0x80;
	_ =	swait.ge @!p1 [sflag:s3], $0x4000  }
0xc6: {  	s2 =	simm.s32 @!p1 $0x2800;
	s0 =	sshra.s32 @!p1 s29, $0x2;
	[sflag:s3] =	ssyncset.done @!p1 $0x0  }
0xc7: {  	s6 =	sadd.s32 @!p1 $0x100, s0;
	[sflag:s3] =	ssyncadd.s32 @!p1 $0xFFFFC000;
	s3 =	simm.s32 @!p1 $0x1  }
0xc8: {  	[tilespmem:s2], [sflag:$0x1] =	stream.indirect.gather @!p1 [hbm4b:s4+s7], $0x80, s6, s7, $0x2000b8;
	[tilespmem:$0x1E800] =	vst v63  }
0xc9: {  	_ =	swait.ge @!p1 [sflag:s3], $0x4000  }
0xca: {  	p2 =	sge.u32 s28, s13;
	[sflag:s3] =	ssyncset.done @!p1 $0x0  }
0xcb: {  	s0 =	sadd.s32 @!p1 $0x1500, s0;
	[sflag:s3] =	ssyncadd.s32 @!p1 $0xFFFFC000;
	s3 =	simm.s32 @!p2 $0x2  }
0xcc: {  	[spmem:s1] =	stream.indirect.scatter.add.f32 @!p1 [tilespmem:s2], [sflag:$0x2], $0x80, s0, s7, $0x2000b8;
	[tilespmem:$0x1E800] =	vst v63  }
0xcd: {  	s6 =	simm.s32 @!p2 $0x80;
	_ =	swait.ge @!p2 [sflag:s3], $0x4000  }
0xce: {  	s0 =	sshra.s32 @!p2 s29, $0x2;
	s7 =	simm.s32 @!p2 $0x6800;
	[sflag:s3] =	ssyncset.done @!p2 $0x0  }
0xcf: {  	s2 =	sadd.s32 @!p2 $0x180, s0;
	[sflag:s3] =	ssyncadd.s32 @!p2 $0xFFFFC000;
	s3 =	simm.s32 @!p2 $0x1  }
0xd0: {  	[tilespmem:s7], [sflag:$0x1] =	stream.indirect.gather @!p2 [hbm4b:s4+s6], $0x80, s2, s6, $0x2000b8;
	[tilespmem:$0x1E800] =	vst v63  }
0xd1: {  	_ =	swait.ge @!p2 [sflag:s3], $0x4000  }
0xd2: {  	[sflag:s3] =	ssyncset.done @!p2 $0x0  }
0xd3: {  	s0 =	sadd.s32 @!p2 $0x1580, s0;
	[sflag:s3] =	ssyncadd.s32 @!p2 $0xFFFFC000  }
0xd4: {  	[spmem:s1] =	stream.indirect.scatter.add.f32 @!p2 [tilespmem:s7], [sflag:$0x2], $0x80, s0, s6, $0x2000b8;
	[tilespmem:$0x1E800] =	vst v63  }
0xd5: {  	s0 =	simm.s32 @!p0 $0x2  }
0xd6: {  	_ =	swait.ge @!p0 [sflag:s0], $0x4000  }
0xd7: {  	[sflag:s0] =	ssyncset.done @!p0 $0x0  }
0xd8: {  	[sflag:s0] =	ssyncadd.s32 @!p0 $0xFFFFC000  }
0xd9: {  	_ =	swait.ge @!p0 [sflag:s0], $0x4000  }
0xda: {  	[sflag:s0] =	ssyncset.done @!p0 $0x0  }
0xdb: {  	[sflag:s0] =	ssyncadd.s32 @!p0 $0xFFFFC000  }
0xdc: {  	s30 =	stileid.u32;
	s26 =	sadd.s32 $0x1, s26;
	_ =	strace $0x9000004F  }
0xdd: {  	s31 =	sshrl.u32 s5, $0x3;
	s0 =	sshll.u32 s30, $0x6;
	_ =	strace $0x80000050  }
0xde: {  	p1 =	sne.s32 s26, s17;
	s0 =	sor.u32 $0x1C03, s0;
	[bflag:$0x0] =	sbarrier.arrive $0xFFFF  }
0xdf: {  	[hbm:s16], [sflag:s0] =	dma.local [spmem:s31], $0x2800  }
.Ltmp3:
0xe0: {  	_ = 	snop;
	(pc) =	sbr.rel @p1 .LBB2_1-.Ltmp3, $4  }
0xe1: {  	_ =	swait.ge [sflag:s25], $0x2800  }
0xe2: {  	[sflag:s25] =	ssyncset.done $0x0  }
0xe3: {  	[sflag:s25] =	ssyncadd.s32 $0xFFFFD800  }
0xe4: {  	_ =	strace $0x90000050  }
0xe5: {  	_ =	sfence.sel $0x180000  }
0xe6: {  	[bflag:$0x0] =	sbarrier.arrive $0xFFFF  }
0xe7: {  	_ =	strace $0x9000004A  }
0xe8: {  	s0 =	stileid.u32;
	[bflag:$0x2] =	sbarrier.arrive $0xFFFF  }
0xe9: {  	p0 =	sne.s32 s0, $0x0;
	s0 =	rddreg [dreg:$0x3]  }
0xea: {  	s0 =	sadd.s32 @!p0 $0x100000, s0  }
0xeb: {  	[sflag:s0] =	ssyncadd.tile.s32 @!p0 $0x1;
	_ =	shalt  }
.Lfunc_end2:
_tile_overlayer_lowered:
.L_overlay_start_2:
0xec: {  	(tag) =	ssettag $0x2  }
0xed: {  	s0 =	rddreg [dreg:$0x0];
	s2 =	stileid.u32  }
0xee: {  	s1 =	rddreg [dreg:$0x1];
	p0 =	sne.s32 s2, $0x0  }
0xef: {  	s3 =	rddreg [dreg:$0x2];
	[bflag:$0x3] =	sbarrier.arrive $0xFFFF;
	s2 =	simm.s32 @!p0 $0x1C03  }
0xf0: {  	[timem:s3], [sflag:s2] =	dma.local @!p0 [hbm:s0], s1  }
0xf1: {  	s0 =	simm.s32 @!p0 $0x3  }
0xf2: {  	_ =	swait.ge @!p0 [sflag:s0], s1  }
0xf3: {  	s1 =	ssub.s32 @!p0 $0x0, s1;
	[sflag:s0] =	ssyncset.done @!p0 $0x0  }
0xf4: {  	[sflag:s0] =	ssyncadd.s32 @!p0 s1  }
0xf5: {  	[bflag:$0x3] =	sbarrier.arrive $0xFFFF  }
0xf6: {  	_ =	shalt  }

// kernel: kernel.19.cloned.1.call-start
scs
__scs_entry_jumppad:
0x0: {  	(pc) =	sbr.rel $0x88, $3  }
0x1: {  	(tag) =	ssettag $0x0;
	lr =	simm.s32 $0x1  }
0x2: {  	[smem:$0x3F97] =	sst lr;
	_ =	strace $0xD0000000  }
0x3: {  	_ = 	snop  }
0x4: {  	_ = 	snop  }
0x5: {  	_ = 	snop  }
0x6: {  	_ = 	snop  }
0x7: {  	_ = 	snop  }
__scs_overlays_trampoline_lowered:
0x8: {  	[smem:$0x3FA6] =	sst s0  }
0x9: {  	[smem:$0x3FA7] =	sst s1  }
0xa: {  	[smem:$0x3FA8] =	sst s2  }
0xb: {  	[smem:$0x3FA9] =	sst s3  }
0xc: {  	[smem:$0x3FAA] =	sst s4  }
0xd: {  	[smem:$0x3FAB] =	sst s5  }
0xe: {  	[smem:$0x3FAC] =	sst s6  }
0xf: {  	[smem:$0x3FAD] =	sst s7  }
0x10: {  	[smem:$0x3FAE] =	sst s8  }
0x11: {  	[smem:$0x3FAF] =	sst s9;
	s0 =	simm.s32 @!p0 $0x0  }
0x12: {  	s1 =	sld [smem:$0x3F95];
	s0 =	simm.s32 @p0 $0x1  }
0x13: {  	[smem:$0x3FB0] =	sst s0;
	s0 =	simm.s32 @!p1 $0x0  }
0x14: {  	s2 =	sld [smem:$0x3F94];
	s0 =	simm.s32 @p1 $0x1  }
0x15: {  	[smem:$0x3FB1] =	sst s0;
	s0 =	simm.s32 @!p2 $0x0  }
0x16: {  	s3 =	sld [smem:$0x3FDB];
	s0 =	simm.s32 @p2 $0x1  }
0x17: {  	s4 =	simm.s32 $0x1BF5;
	[smem:$0x3FB3] =	sst s0  }
0x18: {  	s0 =	sld [smem:$0x3F96];
	_ =	swait.ge [sflag:s4], $0x0  }
0x19: {  	s7 =	sld [smem:$0x3F97]  }
0x1a: {  	s8 =	sadd.s32 $0xFFFFE003, lr  }
0x1b: {  	s9 =	sadd.s32 $0xFFFFFEF7, lr;
	s5 =	simm.s32 $0xFFFFFFFF;
	p2 =	slt.u32 s8, $0xFFFFF086  }
0x1c: {  	p1 =	slt.u32 s9, $0xF7A;
	s5 =	simm.s32 @!p2 $0x0  }
0x1d: {  	s5 =	simm.s32 @p1 $0x1;
	p0 =	seq.s32 s7, s2  }
0x1e: {  	s7 =	smul.u32 @!p0 $0xF7A, s2;
	p2 =	seq.s32 @!p0 s5, $0x0  }
0x1f: {  	s9 =	smul.u32 $0xF7A, s1;
	s8 =	simm.s32 @!p0 $0x1BF5;
	p2 =	por !p2, p0  }
0x20: {  	[sflag:s8] =	ssyncset.s32 @!p0 $0xFFFFF086;
	s6 =	sadd.s32 @!p0 s3, s7;
	s7 =	simm.s32 @!p0 $0x108  }
0x21: {  	s3 =	sadd.s32 s3, s9;
	s6 =	sadd.s32 @!p0 $0x88, s6;
	s7 =	simm.s32 @p2 $0x1082  }
0x22: {  	[simem:s7], [sflag:s8] =	dma.local @!p0 [hbm:s6], $0xF7A  }
0x23: {  	s9 =	sor.u32 $0xD0000000, s2;
	s6 =	simm.s32 $0x108;
	_ =	swait.ge @!p0 [sflag:s8], $0x0  }
0x24: {  	s3 =	sadd.s32 $0x88, s3;
	s6 =	simm.s32 @!p1 $0x1082;
	[sflag:s4] =	ssyncset.s32 $0xFFFFF086  }
0x25: {  	[simem:s6], [sflag:s4] =	dma.local [hbm:s3], $0xF7A  }
0x26: {  	[smem:$0x3F97] =	sst s1;
	(tag) =	ssettag s2;
	_ =	strace s9  }
0x27: {  	s1 =	sld [smem:$0x3FA7]  }
0x28: {  	s2 =	sld [smem:$0x3FA8]  }
0x29: {  	s4 =	sld [smem:$0x3FAA]  }
0x2a: {  	p0 =	seq.s32 s5, $0x0;
	s5 =	sld [smem:$0x3FAB]  }
0x2b: {  	s6 =	sld [smem:$0x3FAC]  }
0x2c: {  	s7 =	sld [smem:$0x3FAD]  }
0x2d: {  	s3 =	simm.s32 $0x108;
	s8 =	sld [smem:$0x3FAE]  }
0x2e: {  	s3 =	simm.s32 @!p0 $0x1082;
	s9 =	sld [smem:$0x3FAF]  }
0x2f: {  	lr =	sadd.s32 s0, s3;
	s0 =	sld [smem:$0x3FA6]  }
0x30: {  	s3 =	sld [smem:$0x3FA9]  }
0x31: {  	[smem:$0x3FB2] =	sst s10  }
0x32: {  	s10 =	sld [smem:$0x3FB0];
	_ =	sdelay $0x3  }
0x33: {  	p0 =	seq.s32 s10, $0x1;
	s10 =	sld [smem:$0x3FB2];
	_ =	sdelay $0x3  }
0x34: {  	[smem:$0x3FB2] =	sst s10  }
0x35: {  	s10 =	sld [smem:$0x3FB1];
	_ =	sdelay $0x3  }
0x36: {  	p1 =	seq.s32 s10, $0x1;
	s10 =	sld [smem:$0x3FB2];
	_ =	sdelay $0x3  }
0x37: {  	[smem:$0x3FB2] =	sst s10  }
0x38: {  	s10 =	sld [smem:$0x3FB3]  }
0x39: {  	_ = 	snop;
	(pc) =	sbr.ind lr, $3  }
0x3a: {  	_ = 	snop  }
0x3b: {  	_ = 	snop  }
0x3c: {  	p2 =	seq.s32 s10, $0x1;
	s10 =	sld [smem:$0x3FB2]  }
0x3d: {  	_ =	shalt  }
0x3e: {  	_ =	shalt  }
0x3f: {  	_ =	shalt  }
0x40: {  	_ =	shalt  }
0x41: {  	_ =	shalt  }
0x42: {  	_ =	shalt  }
0x43: {  	_ =	shalt  }
0x44: {  	_ =	shalt  }
0x45: {  	_ =	shalt  }
0x46: {  	_ =	shalt  }
0x47: {  	_ =	shalt  }
0x48: {  	_ =	shalt  }
0x49: {  	_ =	shalt  }
0x4a: {  	_ =	shalt  }
0x4b: {  	_ =	shalt  }
0x4c: {  	_ =	shalt  }
0x4d: {  	_ =	shalt  }
0x4e: {  	_ =	shalt  }
0x4f: {  	_ =	shalt  }
0x50: {  	_ =	shalt  }
0x51: {  	_ =	shalt  }
0x52: {  	_ =	shalt  }
0x53: {  	_ =	shalt  }
0x54: {  	_ =	shalt  }
0x55: {  	_ =	shalt  }
0x56: {  	_ =	shalt  }
0x57: {  	_ =	shalt  }
0x58: {  	_ =	shalt  }
0x59: {  	_ =	shalt  }
0x5a: {  	_ =	shalt  }
0x5b: {  	_ =	shalt  }
0x5c: {  	_ =	shalt  }
0x5d: {  	_ =	shalt  }
0x5e: {  	_ =	shalt  }
0x5f: {  	_ =	shalt  }
0x60: {  	_ =	shalt  }
0x61: {  	_ =	shalt  }
0x62: {  	_ =	shalt  }
0x63: {  	_ =	shalt  }
0x64: {  	_ =	shalt  }
0x65: {  	_ =	shalt  }
0x66: {  	_ =	shalt  }
0x67: {  	_ =	shalt  }
0x68: {  	_ =	shalt  }
0x69: {  	_ =	shalt  }
0x6a: {  	_ =	shalt  }
0x6b: {  	_ =	shalt  }
0x6c: {  	_ =	shalt  }
0x6d: {  	_ =	shalt  }
0x6e: {  	_ =	shalt  }
0x6f: {  	_ =	shalt  }
0x70: {  	_ =	shalt  }
0x71: {  	_ =	shalt  }
0x72: {  	_ =	shalt  }
0x73: {  	_ =	shalt  }
0x74: {  	_ =	shalt  }
0x75: {  	_ =	shalt  }
0x76: {  	_ =	shalt  }
0x77: {  	_ =	shalt  }
0x78: {  	_ =	shalt  }
0x79: {  	_ =	shalt  }
0x7a: {  	_ =	shalt  }
0x7b: {  	_ =	shalt  }
0x7c: {  	_ =	shalt  }
0x7d: {  	_ =	shalt  }
0x7e: {  	_ =	shalt  }
0x7f: {  	_ =	shalt  }
0x80: {  	_ =	shalt  }
0x81: {  	_ =	shalt  }
0x82: {  	_ =	shalt  }
0x83: {  	_ =	shalt  }
0x84: {  	_ =	shalt  }
0x85: {  	_ =	shalt  }
0x86: {  	_ =	shalt  }
0x87: {  	_ =	shalt  }
.Lfunc_end0:
.L_simem_size_0:
called_computation.2_lowered:
.L_overlay_start_0:
0x88: {  	s2 =	sld [smem:$0x3FD9]  }
0x89: {  	s3 =	sld [smem:$0x3FFE];
	_ =	sdelay $0x1  }
0x8a: {  	s1 =	srdreg.scid  }
0x8b: {  	s0 =	sand.u32 $0x1, s1  }
0x8c: {  	s17 =	sshll.u32 s0, $0xA;
	s2 =	sadd.s32 s3, s2  }
0x8d: {  	s2 =	sadd.s32 s2, s17  }
0x8e: {  	[smem:$0x3FBE] =	sst s2  }
0x8f: {  	_ = 	snop  }
0x90: {  	s2 =	sld [smem:$0x3FD0];
	(tm) =	ssettm $0x1  }
0x91: {  	s18 =	sld [smem:$0x3FFB];
	_ =	sdelay $0x3  }
0x92: {  	_ =	strace s18  }
0x93: {  	s3 =	sld [smem:$0x3FFC];
	_ =	sdelay $0x3  }
0x94: {  	_ =	strace s3  }
0x95: {  	s3 =	sld [smem:$0x3FFD];
	_ =	sdelay $0x3  }
0x96: {  	_ =	strace s3  }
0x97: {  	_ =	strace $0x8FFFFFFF  }
0x98: {  	s19 =	sld [smem:$0x3FDB];
	_ =	sdelay $0x1  }
0x99: {  	s4 =	simm.s32 $_scs_section_size  }
0x9a: {  	s5 =	simm.s32 $_size__tile_overlayer_lowered;
	s6 =	simm.s32 $_tile_overlayer_lowered  }
0x9b: {  	s22 =	simm.s32 $0x1BFF;
	s21 =	sshll.u32 s6, $0x1;
	s3 =	sadd.s32 s4, s19  }
0x9c: {  	s7 =	simm.s32 $0x0;
	s20 =	sshll.u32 s5, $0x1;
	s5 =	sadd.s32 s21, s3  }
0x9d: {  	[timem:s7], [sflag:s22] =	dma.local [hbm:s5], s20  }
0x9e: {  	_ =	swait.ge [sflag:s22], s20  }
0x9f: {  	s4 =	ssub.s32 $0x0, s20;
	[sflag:s22] =	ssyncset.done $0x0  }
0xa0: {  	[sflag:s22] =	ssyncadd.s32 s4;
	_ =	sdelay $0x1  }
0xa1: {  	s23 =	simm.s32 $0x1B8B  }
0xa2: {  	_ =	swait.ge [sflag:s23], $0x1  }
0xa3: {  	[sflag:s23] =	ssyncset.done $0x0  }
0xa4: {  	s25 =	simm.s32 $0x1B8E;
	s24 =	sld [smem:$0x3FFE];
	[sflag:s23] =	ssyncadd.s32 $0xFFFFFFFF  }
0xa5: {  	s26 =	simm.s32 $execute0_lowered;
	[smem:$0x3FD2] =	sst s25  }
0xa6: {  	s5 =	sshll.u32 s26, $0x1;
	_ =	strace $0x80000052;
	[dreg:$0x1] =	wrdreg $0xFFFFFFFF  }
0xa7: {  	s28 =	simm.s32 $_size_execute0_lowered;
	s3 =	sadd.s32 s3, s5;
	[dreg:$0x0] =	wrdreg $0x0  }
0xa8: {  	s5 =	sshll.u32 s28, $0x1;
	[dreg:$0x2] =	wrdreg s3  }
0xa9: {  	[dreg:$0x3] =	wrdreg s5  }
0xaa: {  	[dreg:$0x4] =	wrdreg $0xC0  }
0xab: {  	_ =	task [dreg:s7], $0x5FFFF  }
0xac: {  	[dreg:$0x1] =	wrdreg $0xFFFFFFFF  }
0xad: {  	[dreg:$0x0] =	wrdreg $0x60  }
0xae: {  	[dreg:$0x2] =	wrdreg s24  }
0xaf: {  	[dreg:$0x3] =	wrdreg s2  }
0xb0: {  	[dreg:$0x4] =	wrdreg $0xA8000  }
0xb1: {  	[dreg:$0x5] =	wrdreg $0x9  }
0xb2: {  	_ =	task.clear_ibuf [dreg:s7], $0x6FFFF;
	_ =	strace $0x90000052  }
0xb3: {  	s29 =	simm.s32 $0x9;
	_ =	strace $0x8000005A  }
0xb4: {  	_ =	swait.ge [sflag:s29], $0x1  }
0xb5: {  	[sflag:s29] =	ssyncadd.s32 $0xFFFFFFFF  }
0xb6: {  	_ =	strace $0x9000005A  }
0xb7: {  	_ =	sfence  }
0xb8: {  	s30 =	sld [smem:$0x0];
	_ =	sdelay $0x2  }
0xb9: {  	s31 =	sshll.u32 s1, $0xD;
	s1 =	sshrl.u32 s1, $0x2  }
0xba: {  	s3 =	sand.u32 $0x4000, s31;
	s1 =	sadd.s32 s1, s30  }
0xbb: {  	s0 =	sor.u32 s3, s0;
	s1 =	sshll.u32 s1, $0x11  }
0xbc: {  	s0 =	sor.u32 s1, s0  }
0xbd: {  	s0 =	sadd.s32 $0x8F2B, s0  }
0xbe: {  	[sflag:s0] =	ssyncadd.remote.s32 $0x1  }
0xbf: {  	_ =	sfence.sel $0xFFFF  }
0xc0: {  	[dreg:$0x0] =	wrdreg $0xFFFFFFFF;
	(pc) =	sbr.abs _section_cstart, $3  }
0xc1: {  	[dreg:$0x1] =	wrdreg $0xFFFFFFFF  }
0xc2: {  	_ =	task.clear_ibuf [dreg:s7], $0x2FFFF;
	_ =	strace $0x9FFFFFFF  }
0xc3: {  	(tm) =	ssettm $0x7FFFFFFF  }
tec
execute0_lowered:
.L_overlay_start_1:
0x0: {  	(tag) =	ssettag $0x1  }
0x1: {  	s0 =	rddreg [dreg:$0x0]  }
0x2: {  	s2 =	rddreg [dreg:$0x1]  }
0x3: {  	s1 =	rddreg [dreg:$0x2];
	s3 =	srdreg.scid  }
0x4: {  	s4 =	simm.s32 $0x0;
	s24 =	stileid.u32;
	s18 =	simm.s32 $0x2800  }
0x5: {  	s19 =	simm.s32 $0x1400;
	s20 =	simm.s32 $0x80;
	s21 =	simm.s32 $0x1  }
0x6: {  	s22 =	simm.s32 $0x6800;
	s5 =	sand.u32 $0x1, s3;
	[smem:$0x7FF] =	sst s4  }
0x7: {  	s7 =	smul.u32 $0x14000, s24;
	s4 =	sadd.s32 $0xE400, s0;
	s14 =	sadd.s32 $0x4400, s0  }
0x8: {  	s25 =	sshll.u32 s24, $0x1;
	s8 =	smul.u32 $0x50000, s24;
	s24 =	simm.s32 $0x2  }
0x9: {  	s6 =	smul.u32 $0x140000, s5;
	_ =	strace $0x80000053;
	s26 =	ssub.s32 $0x2, s5  }
0xa: {  	s23 =	sor.u32 s5, s25;
	s25 =	simm.s32 $0x3;
	s28 =	sshrl.u32 s26, $0x1  }
0xb: {  	s8 =	sshrl.u32 s8, $0x2;
	s10 =	smul.u32 $0x2800, s23;
	p0 =	seq.s32 s23, $0x1F  }
0xc: {  	s6 =	sadd.s32 s7, s6;
	s7 =	smul.u32 $0xFFFFFFB0, s23;
	s17 =	ssub.s32 s26, s28  }
0xd: {  	s5 =	sadd.s32 s8, s1;
	s26 =	simm.s32 $0x0;
	s6 =	sshrl.u32 s6, $0x3  }
0xe: {  	s29 =	sadd.s32 $0x4000, s5;
	s30 =	sadd.s32 $0x8000, s5;
	s31 =	sadd.s32 $0xC000, s5  }
0xf: {  	s9 =	sadd.s32 $0x10000, s5;
	s13 =	sshrl.u32 s10, $0x3;
	[dreg:$0x4] =	wrdreg s29  }
0x10: {  	s17 =	smax.u32 s17, $0x1;
	s0 =	sadd.s32 s6, s0;
	[dreg:$0x5] =	wrdreg s30  }
0x11: {  	s12 =	sadd.s32 $0x9C4, s7;
	[dreg:$0x6] =	wrdreg s31;
	s11 =	sadd.s32 s14, s13  }
0x12: {  	s16 =	sadd.s32 $0x280, s13;
	s10 =	smin.u32 s12, $0x28;
	s15 =	smax.u32 s12, $0x28  }
0x13: {  	s12 =	sadd.s32 s2, s13;
	s14 =	sadd.s32 s14, s16;
	s15 =	smin.u32 s15, $0x50  }
0x14: {  	v0 =	vimm.f32 $0.0e+00;
	s13 =	sadd.s32 $0xFFFFFFD8, s15;
	s15 =	sadd.s32 s2, s16;
	s16 =	sadd.s32 $0x36400, s0  }
.LBB2_1:
0x15: {  	_ =	strace $0x80000054;
	s0 =	simm.s32 $0x0;
	s2 =	simm.s32 $0x200  }
.LBB2_2:
0x16: {  	p1 =	sne.s32 s2, $0xFE00;
	[tilespmem:s0+$0x2870] =	vst v0  }
0x17: {  	[tilespmem:s0+$0x2800] =	vst v0  }
0x18: {  	[tilespmem:s0+$0x2810] =	vst v0  }
.Ltmp0:
0x19: {  	[tilespmem:s0+$0x2820] =	vst v0;
	(pc) =	sbr.rel @p1 .LBB2_2-.Ltmp0, $4  }
0x1a: {  	[tilespmem:s0+$0x2830] =	vst v0  }
0x1b: {  	[tilespmem:s0+$0x2840] =	vst v0  }
0x1c: {  	[tilespmem:s0+$0x2850] =	vst v0  }
0x1d: {  	[tilespmem:s0+$0x2860] =	vst v0;
	s0 =	sshra.s32 s2, $0x2;
	s2 =	sadd.s32 $0x200, s2  }
0x1e: {  	[tilespmem:s0+$0x2870] =	vst v0  }
0x1f: {  	[tilespmem:s0+$0x2800] =	vst v0  }
0x20: {  	[tilespmem:s0+$0x2810] =	vst v0  }
0x21: {  	[tilespmem:s0+$0x2820] =	vst v0  }
0x22: {  	[tilespmem:s0+$0x2830] =	vst v0  }
0x23: {  	[tilespmem:s0+$0x2840] =	vst v0  }
0x24: {  	[tilespmem:s0+$0x2850] =	vst v0  }
0x25: {  	[tilespmem:s0+$0x2860] =	vst v0;
	s3 =	simm.s32 $0x3  }
0x26: {  	[spmem:s5] =	stream.linear.scatter [tilespmem:s18], [sflag:$0x3], $0x4000, $0x200038;
	[tilespmem:$0x1E800] =	vst v63  }
0x27: {  	_ =	swait.ge [sflag:s3], $0x4000  }
0x28: {  	[sflag:s3] =	ssyncset.done $0x0  }
0x29: {  	s2 =	rddreg [dreg:$0x4];
	[sflag:s3] =	ssyncadd.s32 $0xFFFFC000  }
0x2a: {  	[spmem:s2] =	stream.linear.scatter [tilespmem:s18], [sflag:$0x3], $0x4000, $0x200038;
	[tilespmem:$0x1E800] =	vst v63  }
0x2b: {  	_ =	swait.ge [sflag:s3], $0x4000  }
0x2c: {  	[sflag:s3] =	ssyncset.done $0x0  }
0x2d: {  	s6 =	rddreg [dreg:$0x5];
	[sflag:s3] =	ssyncadd.s32 $0xFFFFC000  }
0x2e: {  	[spmem:s6] =	stream.linear.scatter [tilespmem:s18], [sflag:$0x3], $0x4000, $0x200038;
	[tilespmem:$0x1E800] =	vst v63  }
0x2f: {  	_ =	swait.ge [sflag:s3], $0x4000  }
0x30: {  	[sflag:s3] =	ssyncset.done $0x0  }
0x31: {  	s7 =	rddreg [dreg:$0x6];
	[sflag:s3] =	ssyncadd.s32 $0xFFFFC000  }
0x32: {  	[spmem:s7] =	stream.linear.scatter [tilespmem:s18], [sflag:$0x3], $0x4000, $0x200038;
	[tilespmem:$0x1E800] =	vst v63  }
0x33: {  	_ =	swait.ge [sflag:s3], $0x4000  }
0x34: {  	[sflag:s3] =	ssyncset.done $0x0  }
0x35: {  	[sflag:s3] =	ssyncadd.s32 $0xFFFFC000  }
0x36: {  	[spmem:s9] =	stream.linear.scatter [tilespmem:s18], [sflag:$0x3], $0x4000, $0x200038;
	[tilespmem:$0x1E800] =	vst v63  }
0x37: {  	_ =	swait.ge [sflag:s3], $0x4000  }
0x38: {  	[sflag:s3] =	ssyncset.done $0x0  }
0x39: {  	[sflag:s3] =	ssyncadd.s32 $0xFFFFC000  }
0x3a: {  	[bflag:$0x0] =	sbarrier.arrive $0xFFFF  }
0x3b: {  	_ =	strace $0x90000054  }
0x3c: {  	s8 =	simm.s32 $0x0;
	_ =	strace $0x80000055  }
0x3d: {  	[tilespmem:s8], [sflag:$0x3] =	stream.linear.gather [hbm4b:s11+s8], $0x1400, $0x200038;
	[tilespmem:$0x1E800] =	vst v63  }
0x3e: {  	_ =	swait.ge [sflag:s3], $0x1400  }
0x3f: {  	[sflag:s3] =	ssyncset.done $0x0  }
0x40: {  	[sflag:s3] =	ssyncadd.s32 $0xFFFFEC00  }
0x41: {  	[tilespmem:s19], [sflag:$0x3] =	stream.linear.gather [hbm4b:s12+s8], $0x1400, $0x200038;
	[tilespmem:$0x1E800] =	vst v63  }
0x42: {  	_ =	swait.ge [sflag:s3], $0x1400  }
0x43: {  	[sflag:s3] =	ssyncset.done $0x0  }
0x44: {  	[sflag:s3] =	ssyncadd.s32 $0xFFFFEC00  }
0x45: {  	_ =	strace $0x90000055  }
0x46: {  	_ =	strace $0x80000056  }
0x47: {  	[tilespmem:s18], [sflag:$0x1] =	stream.indirect.gather [hbm4b:s4+s20], $0x80, s8, s20, $0x2000b8;
	[tilespmem:$0x1E800] =	vst v63  }
0x48: {  	_ =	swait.ge [sflag:s21], $0x4000  }
0x49: {  	[sflag:s21] =	ssyncset.done $0x0  }
0x4a: {  	[sflag:s21] =	ssyncadd.s32 $0xFFFFC000  }
0x4b: {  	[spmem:s1] =	stream.indirect.scatter.add.f32 [tilespmem:s18], [sflag:$0x2], $0x80, s19, s20, $0x2000b8;
	[tilespmem:$0x1E800] =	vst v63  }
0x4c: {  	_ = 	snop  }
0x4d: {  	[tilespmem:s22], [sflag:$0x1] =	stream.indirect.gather [hbm4b:s4+s20], $0x80, s20, s20, $0x2000b8;
	[tilespmem:$0x1E800] =	vst v63  }
0x4e: {  	_ =	swait.ge [sflag:s21], $0x4000  }
0x4f: {  	p1 =	sle.u32 s10, $0x2;
	[sflag:s21] =	ssyncset.done $0x0  }
0x50: {  	s23 =	simm.s32 $0x1480;
	s0 =	simm.s32 @!p1 $0x2;
	[sflag:s21] =	ssyncadd.s32 $0xFFFFC000  }
0x51: {  	[spmem:s1] =	stream.indirect.scatter.add.f32 [tilespmem:s22], [sflag:$0x2], $0x80, s23, s20, $0x2000b8;
	[tilespmem:$0x1E800] =	vst v63  }
0x52: {  	_ =	swait.ge @!p1 [sflag:s0], $0x4000  }
0x53: {  	s28 =	simm.s32 @!p1 $0x80;
	s2 =	simm.s32 @!p1 $0x2800;
	[sflag:s0] =	ssyncset.done @!p1 $0x0  }
0x54: {  	s23 =	simm.s32 @!p1 $0x100;
	[sflag:s0] =	ssyncadd.s32 @!p1 $0xFFFFC000;
	s0 =	simm.s32 @!p1 $0x1  }
0x55: {  	[tilespmem:s2], [sflag:$0x1] =	stream.indirect.gather @!p1 [hbm4b:s4+s28], $0x80, s23, s28, $0x2000b8;
	[tilespmem:$0x1E800] =	vst v63  }
0x56: {  	_ =	swait.ge @!p1 [sflag:s0], $0x4000  }
0x57: {  	p2 =	sle.u32 s10, $0x3;
	[sflag:s0] =	ssyncset.done @!p1 $0x0  }
0x58: {  	s30 =	simm.s32 @!p2 $0x2;
	s23 =	simm.s32 @!p1 $0x1500;
	[sflag:s0] =	ssyncadd.s32 @!p1 $0xFFFFC000  }
0x59: {  	[spmem:s1] =	stream.indirect.scatter.add.f32 @!p1 [tilespmem:s2], [sflag:$0x2], $0x80, s23, s28, $0x2000b8;
	[tilespmem:$0x1E800] =	vst v63  }
0x5a: {  	_ =	swait.ge @!p2 [sflag:s30], $0x4000  }
0x5b: {  	s29 =	simm.s32 $0x400;
	s31 =	simm.s32 @!p2 $0x80;
	[sflag:s30] =	ssyncset.done @!p2 $0x0  }
0x5c: {  	s0 =	simm.s32 @!p2 $0x6800;
	s2 =	simm.s32 @!p2 $0x180;
	[sflag:s30] =	ssyncadd.s32 @!p2 $0xFFFFC000  }
0x5d: {  	[tilespmem:s0], [sflag:$0x1] =	stream.indirect.gather @!p2 [hbm4b:s4+s31], $0x80, s2, s31, $0x2000b8;
	[tilespmem:$0x1E800] =	vst v63  }
0x5e: {  	s28 =	simm.s32 $0x5;
	s23 =	simm.s32 @!p2 $0x1580;
	s2 =	simm.s32 @!p2 $0x1  }
0x5f: {  	p1 =	sle.u32 s10, $0x4;
	s30 =	simm.s32 $0x800;
	_ =	swait.ge @!p2 [sflag:s2], $0x4000  }
.LBB2_4:
0x60: {  	s3 =	simm.s32 @!p1 $0x2;
	[sflag:s2] =	ssyncset.done @!p2 $0x0  }
0x61: {  	s6 =	smov.u32 s30;
	s30 =	sadd.s32 $0x400, s30;
	s7 =	smov.u32 s28  }
0x62: {  	p3 =	sne.s32 s30, $0x4C00;
	[sflag:s2] =	ssyncadd.s32 @!p2 $0xFFFFC000  }
0x63: {  	[spmem:s1] =	stream.indirect.scatter.add.f32 @!p2 [tilespmem:s0], [sflag:$0x2], $0x80, s23, s31, $0x2000b8;
	[tilespmem:$0x1E800] =	vst v63  }
0x64: {  	s2 =	simm.s32 @!p1 $0x2800;
	s0 =	sshra.s32 @!p1 s29, $0x2;
	_ =	swait.ge @!p1 [sflag:s3], $0x4000  }
0x65: {  	s31 =	simm.s32 @!p1 $0x80;
	s23 =	sadd.s32 @!p1 $0x100, s0;
	[sflag:s3] =	ssyncset.done @!p1 $0x0  }
0x66: {  	s0 =	sadd.s32 @!p1 $0x1500, s0;
	[sflag:s3] =	ssyncadd.s32 @!p1 $0xFFFFC000;
	s3 =	simm.s32 @!p1 $0x1  }
0x67: {  	[tilespmem:s2], [sflag:$0x1] =	stream.indirect.gather @!p1 [hbm4b:s4+s31], $0x80, s23, s31, $0x2000b8;
	[tilespmem:$0x1E800] =	vst v63  }
0x68: {  	s28 =	sadd.s32 $0x2, s28;
	_ =	swait.ge @!p1 [sflag:s3], $0x4000  }
0x69: {  	s8 =	sadd.s32 $0xFFFFFFFF, s28;
	p2 =	sge.u32 s7, s10;
	[sflag:s3] =	ssyncset.done @!p1 $0x0  }
0x6a: {  	s7 =	sshra.s32 @!p2 s29, $0x2;
	[sflag:s3] =	ssyncadd.s32 @!p1 $0xFFFFC000;
	s3 =	simm.s32 @!p2 $0x2  }
0x6b: {  	[spmem:s1] =	stream.indirect.scatter.add.f32 @!p1 [tilespmem:s2], [sflag:$0x2], $0x80, s0, s31, $0x2000b8;
	[tilespmem:$0x1E800] =	vst v63  }
.Ltmp1:
0x6c: {  	s29 =	sadd.s32 @!p2 $0x180, s7;
	_ =	swait.ge @!p2 [sflag:s3], $0x4000;
	(pc) =	sbr.rel @p3 .LBB2_4-.Ltmp1, $4  }
0x6d: {  	s31 =	simm.s32 @!p2 $0x80;
	s0 =	simm.s32 @!p2 $0x6800;
	[sflag:s3] =	ssyncset.done @!p2 $0x0  }
0x6e: {  	s23 =	sadd.s32 @!p2 $0x1580, s7;
	s2 =	simm.s32 @!p2 $0x1;
	[sflag:s3] =	ssyncadd.s32 @!p2 $0xFFFFC000  }
0x6f: {  	[tilespmem:s0], [sflag:$0x1] =	stream.indirect.gather @!p2 [hbm4b:s4+s31], $0x80, s29, s31, $0x2000b8;
	[tilespmem:$0x1E800] =	vst v63  }
0x70: {  	p1 =	sge.u32 s8, s10;
	s29 =	smov.u32 s6;
	_ =	swait.ge @!p2 [sflag:s2], $0x4000  }
0x71: {  	[sflag:s2] =	ssyncset.done @!p2 $0x0  }
0x72: {  	s3 =	simm.s32 @!p1 $0x2;
	[sflag:s2] =	ssyncadd.s32 @!p2 $0xFFFFC000  }
0x73: {  	[spmem:s1] =	stream.indirect.scatter.add.f32 @!p2 [tilespmem:s0], [sflag:$0x2], $0x80, s23, s31, $0x2000b8;
	[tilespmem:$0x1E800] =	vst v63  }
0x74: {  	s7 =	simm.s32 @!p1 $0x80;
	_ =	swait.ge @!p1 [sflag:s3], $0x4000  }
0x75: {  	s2 =	simm.s32 @!p1 $0x2800;
	s0 =	sshra.s32 @!p1 s29, $0x2;
	[sflag:s3] =	ssyncset.done @!p1 $0x0  }
0x76: {  	s6 =	sadd.s32 @!p1 $0x100, s0;
	[sflag:s3] =	ssyncadd.s32 @!p1 $0xFFFFC000;
	s3 =	simm.s32 @!p1 $0x1  }
0x77: {  	[tilespmem:s2], [sflag:$0x1] =	stream.indirect.gather @!p1 [hbm4b:s4+s7], $0x80, s6, s7, $0x2000b8;
	[tilespmem:$0x1E800] =	vst v63  }
0x78: {  	_ =	swait.ge @!p1 [sflag:s3], $0x4000  }
0x79: {  	p2 =	sge.u32 s28, s10;
	[sflag:s3] =	ssyncset.done @!p1 $0x0  }
0x7a: {  	s0 =	sadd.s32 @!p1 $0x1500, s0;
	[sflag:s3] =	ssyncadd.s32 @!p1 $0xFFFFC000;
	s3 =	simm.s32 @!p2 $0x2  }
0x7b: {  	[spmem:s1] =	stream.indirect.scatter.add.f32 @!p1 [tilespmem:s2], [sflag:$0x2], $0x80, s0, s7, $0x2000b8;
	[tilespmem:$0x1E800] =	vst v63  }
0x7c: {  	s6 =	simm.s32 @!p2 $0x80;
	_ =	swait.ge @!p2 [sflag:s3], $0x4000  }
0x7d: {  	s0 =	sshra.s32 @!p2 s29, $0x2;
	s7 =	simm.s32 @!p2 $0x6800;
	[sflag:s3] =	ssyncset.done @!p2 $0x0  }
0x7e: {  	s2 =	sadd.s32 @!p2 $0x180, s0;
	[sflag:s3] =	ssyncadd.s32 @!p2 $0xFFFFC000;
	s3 =	simm.s32 @!p2 $0x1  }
0x7f: {  	[tilespmem:s7], [sflag:$0x1] =	stream.indirect.gather @!p2 [hbm4b:s4+s6], $0x80, s2, s6, $0x2000b8;
	[tilespmem:$0x1E800] =	vst v63  }
0x80: {  	_ =	swait.ge @!p2 [sflag:s3], $0x4000  }
0x81: {  	[sflag:s3] =	ssyncset.done @!p2 $0x0  }
0x82: {  	s0 =	sadd.s32 @!p2 $0x1580, s0;
	[sflag:s3] =	ssyncadd.s32 @!p2 $0xFFFFC000  }
0x83: {  	[spmem:s1] =	stream.indirect.scatter.add.f32 @!p2 [tilespmem:s7], [sflag:$0x2], $0x80, s0, s6, $0x2000b8;
	[tilespmem:$0x1E800] =	vst v63  }
0x84: {  	_ =	swait.ge [sflag:s24], $0x4000  }
0x85: {  	[sflag:s24] =	ssyncset.done $0x0  }
0x86: {  	[sflag:s24] =	ssyncadd.s32 $0xFFFFC000  }
0x87: {  	_ =	swait.ge [sflag:s24], $0x4000  }
0x88: {  	[sflag:s24] =	ssyncset.done $0x0  }
0x89: {  	[sflag:s24] =	ssyncadd.s32 $0xFFFFC000  }
0x8a: {  	_ =	strace $0x90000056  }
0x8b: {  	s23 =	simm.s32 $0x0;
	_ =	strace $0x80000057  }
0x8c: {  	[tilespmem:s23], [sflag:$0x3] =	stream.linear.gather [hbm4b:s14+s23], $0x1400, $0x200038;
	[tilespmem:$0x1E800] =	vst v63  }
0x8d: {  	_ =	swait.ge [sflag:s25], $0x1400  }
0x8e: {  	[sflag:s25] =	ssyncset.done $0x0  }
0x8f: {  	[sflag:s25] =	ssyncadd.s32 $0xFFFFEC00  }
0x90: {  	[tilespmem:s19], [sflag:$0x3] =	stream.linear.gather [hbm4b:s15+s23], $0x1400, $0x200038;
	[tilespmem:$0x1E800] =	vst v63  }
0x91: {  	_ =	swait.ge [sflag:s25], $0x1400  }
0x92: {  	[sflag:s25] =	ssyncset.done $0x0  }
0x93: {  	[sflag:s25] =	ssyncadd.s32 $0xFFFFEC00  }
0x94: {  	s2 =	simm.s32 @!p0 $0x0;
	_ =	strace $0x90000057  }
0x95: {  	s3 =	simm.s32 @!p0 $0x2800;
	s0 =	simm.s32 @!p0 $0x80;
	_ =	strace $0x80000058  }
0x96: {  	[tilespmem:s3], [sflag:$0x1] =	stream.indirect.gather @!p0 [hbm4b:s4+s0], $0x80, s2, s0, $0x2000b8;
	[tilespmem:$0x1E800] =	vst v63  }
0x97: {  	s2 =	simm.s32 @!p0 $0x1  }
0x98: {  	_ =	swait.ge @!p0 [sflag:s2], $0x4000  }
0x99: {  	[sflag:s2] =	ssyncset.done @!p0 $0x0  }
0x9a: {  	s6 =	simm.s32 @!p0 $0x1400;
	[sflag:s2] =	ssyncadd.s32 @!p0 $0xFFFFC000  }
0x9b: {  	[spmem:s1] =	stream.indirect.scatter.add.f32 @!p0 [tilespmem:s3], [sflag:$0x2], $0x80, s6, s0, $0x2000b8;
	[tilespmem:$0x1E800] =	vst v63  }
0x9c: {  	s3 =	simm.s32 @!p0 $0x6800  }
0x9d: {  	[tilespmem:s3], [sflag:$0x1] =	stream.indirect.gather @!p0 [hbm4b:s4+s0], $0x80, s0, s0, $0x2000b8;
	[tilespmem:$0x1E800] =	vst v63  }
0x9e: {  	_ =	swait.ge @!p0 [sflag:s2], $0x4000  }
0x9f: {  	[sflag:s2] =	ssyncset.done @!p0 $0x0  }
0xa0: {  	p1 =	sle.u32 s13, $0x2;
	[sflag:s2] =	ssyncadd.s32 @!p0 $0xFFFFC000;
	s2 =	simm.s32 @!p0 $0x1480  }
0xa1: {  	[spmem:s1] =	stream.indirect.scatter.add.f32 @!p0 [tilespmem:s3], [sflag:$0x2], $0x80, s2, s0, $0x2000b8;
	[tilespmem:$0x1E800] =	vst v63  }
0xa2: {  	s0 =	simm.s32 @!p1 $0x2  }
0xa3: {  	_ =	swait.ge @!p1 [sflag:s0], $0x4000  }
0xa4: {  	s6 =	simm.s32 @!p1 $0x80;
	s2 =	simm.s32 @!p1 $0x2800;
	[sflag:s0] =	ssyncset.done @!p1 $0x0  }
0xa5: {  	s3 =	simm.s32 @!p1 $0x100;
	[sflag:s0] =	ssyncadd.s32 @!p1 $0xFFFFC000;
	s0 =	simm.s32 @!p1 $0x1  }
0xa6: {  	[tilespmem:s2], [sflag:$0x1] =	stream.indirect.gather @!p1 [hbm4b:s4+s6], $0x80, s3, s6, $0x2000b8;
	[tilespmem:$0x1E800] =	vst v63  }
0xa7: {  	_ =	swait.ge @!p1 [sflag:s0], $0x4000  }
0xa8: {  	p2 =	sle.u32 s13, $0x3;
	[sflag:s0] =	ssyncset.done @!p1 $0x0  }
0xa9: {  	s7 =	simm.s32 @!p2 $0x2;
	s3 =	simm.s32 @!p1 $0x1500;
	[sflag:s0] =	ssyncadd.s32 @!p1 $0xFFFFC000  }
0xaa: {  	[spmem:s1] =	stream.indirect.scatter.add.f32 @!p1 [tilespmem:s2], [sflag:$0x2], $0x80, s3, s6, $0x2000b8;
	[tilespmem:$0x1E800] =	vst v63  }
0xab: {  	_ =	swait.ge @!p2 [sflag:s7], $0x4000  }
0xac: {  	s30 =	simm.s32 $0x800;
	s31 =	simm.s32 @!p2 $0x80;
	[sflag:s7] =	ssyncset.done @!p2 $0x0  }
0xad: {  	s0 =	simm.s32 @!p2 $0x6800;
	s2 =	simm.s32 @!p2 $0x180;
	[sflag:s7] =	ssyncadd.s32 @!p2 $0xFFFFC000  }
0xae: {  	[tilespmem:s0], [sflag:$0x1] =	stream.indirect.gather @!p2 [hbm4b:s4+s31], $0x80, s2, s31, $0x2000b8;
	[tilespmem:$0x1E800] =	vst v63  }
0xaf: {  	s28 =	simm.s32 $0x5;
	s29 =	simm.s32 $0x400;
	s2 =	simm.s32 @!p2 $0x1  }
0xb0: {  	s23 =	simm.s32 @!p2 $0x1580;
	p1 =	sle.u32 s13, $0x4;
	_ =	swait.ge @!p2 [sflag:s2], $0x4000  }
.LBB2_6:
0xb1: {  	s3 =	simm.s32 @!p1 $0x2;
	[sflag:s2] =	ssyncset.done @!p2 $0x0  }
0xb2: {  	s6 =	smov.u32 s30;
	s30 =	sadd.s32 $0x400, s30;
	s7 =	smov.u32 s28  }
0xb3: {  	p3 =	sne.s32 s30, $0x4C00;
	[sflag:s2] =	ssyncadd.s32 @!p2 $0xFFFFC000  }
0xb4: {  	[spmem:s1] =	stream.indirect.scatter.add.f32 @!p2 [tilespmem:s0], [sflag:$0x2], $0x80, s23, s31, $0x2000b8;
	[tilespmem:$0x1E800] =	vst v63  }
0xb5: {  	s2 =	simm.s32 @!p1 $0x2800;
	s0 =	sshra.s32 @!p1 s29, $0x2;
	_ =	swait.ge @!p1 [sflag:s3], $0x4000  }
0xb6: {  	s23 =	simm.s32 @!p1 $0x80;
	s8 =	sadd.s32 @!p1 $0x100, s0;
	[sflag:s3] =	ssyncset.done @!p1 $0x0  }
0xb7: {  	s0 =	sadd.s32 @!p1 $0x1500, s0;
	[sflag:s3] =	ssyncadd.s32 @!p1 $0xFFFFC000;
	s3 =	simm.s32 @!p1 $0x1  }
0xb8: {  	[tilespmem:s2], [sflag:$0x1] =	stream.indirect.gather @!p1 [hbm4b:s4+s23], $0x80, s8, s23, $0x2000b8;
	[tilespmem:$0x1E800] =	vst v63  }
0xb9: {  	s28 =	sadd.s32 $0x2, s28;
	_ =	swait.ge @!p1 [sflag:s3], $0x4000  }
0xba: {  	p2 =	sge.u32 s7, s13;
	s8 =	sadd.s32 $0xFFFFFFFF, s28;
	[sflag:s3] =	ssyncset.done @!p1 $0x0  }
0xbb: {  	s7 =	sshra.s32 @!p2 s29, $0x2;
	[sflag:s3] =	ssyncadd.s32 @!p1 $0xFFFFC000;
	s3 =	simm.s32 @!p2 $0x2  }
0xbc: {  	[spmem:s1] =	stream.indirect.scatter.add.f32 @!p1 [tilespmem:s2], [sflag:$0x2], $0x80, s0, s23, $0x2000b8;
	[tilespmem:$0x1E800] =	vst v63  }
.Ltmp2:
0xbd: {  	s29 =	sadd.s32 @!p2 $0x180, s7;
	_ =	swait.ge @!p2 [sflag:s3], $0x4000;
	(pc) =	sbr.rel @p3 .LBB2_6-.Ltmp2, $4  }
0xbe: {  	s31 =	simm.s32 @!p2 $0x80;
	s0 =	simm.s32 @!p2 $0x6800;
	[sflag:s3] =	ssyncset.done @!p2 $0x0  }
0xbf: {  	s2 =	simm.s32 @!p2 $0x1;
	s23 =	sadd.s32 @!p2 $0x1580, s7;
	[sflag:s3] =	ssyncadd.s32 @!p2 $0xFFFFC000  }
0xc0: {  	[tilespmem:s0], [sflag:$0x1] =	stream.indirect.gather @!p2 [hbm4b:s4+s31], $0x80, s29, s31, $0x2000b8;
	[tilespmem:$0x1E800] =	vst v63  }
0xc1: {  	p1 =	sge.u32 s8, s13;
	s29 =	smov.u32 s6;
	_ =	swait.ge @!p2 [sflag:s2], $0x4000  }
0xc2: {  	[sflag:s2] =	ssyncset.done @!p2 $0x0  }
0xc3: {  	s3 =	simm.s32 @!p1 $0x2;
	[sflag:s2] =	ssyncadd.s32 @!p2 $0xFFFFC000  }
0xc4: {  	[spmem:s1] =	stream.indirect.scatter.add.f32 @!p2 [tilespmem:s0], [sflag:$0x2], $0x80, s23, s31, $0x2000b8;
	[tilespmem:$0x1E800] =	vst v63  }
0xc5: {  	s7 =	simm.s32 @!p1 $0x80;
	_ =	swait.ge @!p1 [sflag:s3], $0x4000  }
0xc6: {  	s2 =	simm.s32 @!p1 $0x2800;
	s0 =	sshra.s32 @!p1 s29, $0x2;
	[sflag:s3] =	ssyncset.done @!p1 $0x0  }
0xc7: {  	s6 =	sadd.s32 @!p1 $0x100, s0;
	[sflag:s3] =	ssyncadd.s32 @!p1 $0xFFFFC000;
	s3 =	simm.s32 @!p1 $0x1  }
0xc8: {  	[tilespmem:s2], [sflag:$0x1] =	stream.indirect.gather @!p1 [hbm4b:s4+s7], $0x80, s6, s7, $0x2000b8;
	[tilespmem:$0x1E800] =	vst v63  }
0xc9: {  	_ =	swait.ge @!p1 [sflag:s3], $0x4000  }
0xca: {  	p2 =	sge.u32 s28, s13;
	[sflag:s3] =	ssyncset.done @!p1 $0x0  }
0xcb: {  	s0 =	sadd.s32 @!p1 $0x1500, s0;
	[sflag:s3] =	ssyncadd.s32 @!p1 $0xFFFFC000;
	s3 =	simm.s32 @!p2 $0x2  }
0xcc: {  	[spmem:s1] =	stream.indirect.scatter.add.f32 @!p1 [tilespmem:s2], [sflag:$0x2], $0x80, s0, s7, $0x2000b8;
	[tilespmem:$0x1E800] =	vst v63  }
0xcd: {  	s6 =	simm.s32 @!p2 $0x80;
	_ =	swait.ge @!p2 [sflag:s3], $0x4000  }
0xce: {  	s0 =	sshra.s32 @!p2 s29, $0x2;
	s7 =	simm.s32 @!p2 $0x6800;
	[sflag:s3] =	ssyncset.done @!p2 $0x0  }
0xcf: {  	s2 =	sadd.s32 @!p2 $0x180, s0;
	[sflag:s3] =	ssyncadd.s32 @!p2 $0xFFFFC000;
	s3 =	simm.s32 @!p2 $0x1  }
0xd0: {  	[tilespmem:s7], [sflag:$0x1] =	stream.indirect.gather @!p2 [hbm4b:s4+s6], $0x80, s2, s6, $0x2000b8;
	[tilespmem:$0x1E800] =	vst v63  }
0xd1: {  	_ =	swait.ge @!p2 [sflag:s3], $0x4000  }
0xd2: {  	[sflag:s3] =	ssyncset.done @!p2 $0x0  }
0xd3: {  	s0 =	sadd.s32 @!p2 $0x1580, s0;
	[sflag:s3] =	ssyncadd.s32 @!p2 $0xFFFFC000  }
0xd4: {  	[spmem:s1] =	stream.indirect.scatter.add.f32 @!p2 [tilespmem:s7], [sflag:$0x2], $0x80, s0, s6, $0x2000b8;
	[tilespmem:$0x1E800] =	vst v63  }
0xd5: {  	s0 =	simm.s32 @!p0 $0x2  }
0xd6: {  	_ =	swait.ge @!p0 [sflag:s0], $0x4000  }
0xd7: {  	[sflag:s0] =	ssyncset.done @!p0 $0x0  }
0xd8: {  	[sflag:s0] =	ssyncadd.s32 @!p0 $0xFFFFC000  }
0xd9: {  	_ =	swait.ge @!p0 [sflag:s0], $0x4000  }
0xda: {  	[sflag:s0] =	ssyncset.done @!p0 $0x0  }
0xdb: {  	[sflag:s0] =	ssyncadd.s32 @!p0 $0xFFFFC000  }
0xdc: {  	s30 =	stileid.u32;
	s26 =	sadd.s32 $0x1, s26;
	_ =	strace $0x90000058  }
0xdd: {  	s31 =	sshrl.u32 s5, $0x3;
	s0 =	sshll.u32 s30, $0x6;
	_ =	strace $0x80000059  }
0xde: {  	p1 =	sne.s32 s26, s17;
	s0 =	sor.u32 $0x1C03, s0;
	[bflag:$0x0] =	sbarrier.arrive $0xFFFF  }
0xdf: {  	[hbm:s16], [sflag:s0] =	dma.local [spmem:s31], $0x2800  }
.Ltmp3:
0xe0: {  	_ = 	snop;
	(pc) =	sbr.rel @p1 .LBB2_1-.Ltmp3, $4  }
0xe1: {  	_ =	swait.ge [sflag:s25], $0x2800  }
0xe2: {  	[sflag:s25] =	ssyncset.done $0x0  }
0xe3: {  	[sflag:s25] =	ssyncadd.s32 $0xFFFFD800  }
0xe4: {  	_ =	strace $0x90000059  }
0xe5: {  	_ =	sfence.sel $0x180000  }
0xe6: {  	[bflag:$0x0] =	sbarrier.arrive $0xFFFF  }
0xe7: {  	_ =	strace $0x90000053  }
0xe8: {  	s0 =	stileid.u32;
	[bflag:$0x2] =	sbarrier.arrive $0xFFFF  }
0xe9: {  	p0 =	sne.s32 s0, $0x0;
	s0 =	rddreg [dreg:$0x3]  }
0xea: {  	s0 =	sadd.s32 @!p0 $0x100000, s0  }
0xeb: {  	[sflag:s0] =	ssyncadd.tile.s32 @!p0 $0x1;
	_ =	shalt  }
.Lfunc_end2:
_tile_overlayer_lowered:
.L_overlay_start_2:
0xec: {  	(tag) =	ssettag $0x2  }
0xed: {  	s0 =	rddreg [dreg:$0x0];
	s2 =	stileid.u32  }
0xee: {  	s1 =	rddreg [dreg:$0x1];
	p0 =	sne.s32 s2, $0x0  }
0xef: {  	s3 =	rddreg [dreg:$0x2];
	[bflag:$0x3] =	sbarrier.arrive $0xFFFF;
	s2 =	simm.s32 @!p0 $0x1C03  }
0xf0: {  	[timem:s3], [sflag:s2] =	dma.local @!p0 [hbm:s0], s1  }
0xf1: {  	s0 =	simm.s32 @!p0 $0x3  }
0xf2: {  	_ =	swait.ge @!p0 [sflag:s0], s1  }
0xf3: {  	s1 =	ssub.s32 @!p0 $0x0, s1;
	[sflag:s0] =	ssyncset.done @!p0 $0x0  }
0xf4: {  	[sflag:s0] =	ssyncadd.s32 @!p0 s1  }
0xf5: {  	[bflag:$0x3] =	sbarrier.arrive $0xFFFF  }
0xf6: {  	_ =	shalt  }

// kernel: kernel.22.cloned.1.call-start
scs
__scs_entry_jumppad:
0x0: {  	(pc) =	sbr.rel $0x88, $3  }
0x1: {  	(tag) =	ssettag $0x0;
	lr =	simm.s32 $0x1  }
0x2: {  	[smem:$0x3F97] =	sst lr;
	_ =	strace $0xD0000000  }
0x3: {  	_ = 	snop  }
0x4: {  	_ = 	snop  }
0x5: {  	_ = 	snop  }
0x6: {  	_ = 	snop  }
0x7: {  	_ = 	snop  }
__scs_overlays_trampoline_lowered:
0x8: {  	[smem:$0x3FA6] =	sst s0  }
0x9: {  	[smem:$0x3FA7] =	sst s1  }
0xa: {  	[smem:$0x3FA8] =	sst s2  }
0xb: {  	[smem:$0x3FA9] =	sst s3  }
0xc: {  	[smem:$0x3FAA] =	sst s4  }
0xd: {  	[smem:$0x3FAB] =	sst s5  }
0xe: {  	[smem:$0x3FAC] =	sst s6  }
0xf: {  	[smem:$0x3FAD] =	sst s7  }
0x10: {  	[smem:$0x3FAE] =	sst s8  }
0x11: {  	[smem:$0x3FAF] =	sst s9;
	s0 =	simm.s32 @!p0 $0x0  }
0x12: {  	s1 =	sld [smem:$0x3F95];
	s0 =	simm.s32 @p0 $0x1  }
0x13: {  	[smem:$0x3FB0] =	sst s0;
	s0 =	simm.s32 @!p1 $0x0  }
0x14: {  	s2 =	sld [smem:$0x3F94];
	s0 =	simm.s32 @p1 $0x1  }
0x15: {  	[smem:$0x3FB1] =	sst s0;
	s0 =	simm.s32 @!p2 $0x0  }
0x16: {  	s3 =	sld [smem:$0x3FDB];
	s0 =	simm.s32 @p2 $0x1  }
0x17: {  	s4 =	simm.s32 $0x1BF5;
	[smem:$0x3FB3] =	sst s0  }
0x18: {  	s0 =	sld [smem:$0x3F96];
	_ =	swait.ge [sflag:s4], $0x0  }
0x19: {  	s7 =	sld [smem:$0x3F97]  }
0x1a: {  	s8 =	sadd.s32 $0xFFFFE003, lr  }
0x1b: {  	s9 =	sadd.s32 $0xFFFFFEF7, lr;
	s5 =	simm.s32 $0xFFFFFFFF;
	p2 =	slt.u32 s8, $0xFFFFF086  }
0x1c: {  	p1 =	slt.u32 s9, $0xF7A;
	s5 =	simm.s32 @!p2 $0x0  }
0x1d: {  	s5 =	simm.s32 @p1 $0x1;
	p0 =	seq.s32 s7, s2  }
0x1e: {  	s7 =	smul.u32 @!p0 $0xF7A, s2;
	p2 =	seq.s32 @!p0 s5, $0x0  }
0x1f: {  	s9 =	smul.u32 $0xF7A, s1;
	s8 =	simm.s32 @!p0 $0x1BF5;
	p2 =	por !p2, p0  }
0x20: {  	[sflag:s8] =	ssyncset.s32 @!p0 $0xFFFFF086;
	s6 =	sadd.s32 @!p0 s3, s7;
	s7 =	simm.s32 @!p0 $0x108  }
0x21: {  	s3 =	sadd.s32 s3, s9;
	s6 =	sadd.s32 @!p0 $0x88, s6;
	s7 =	simm.s32 @p2 $0x1082  }
0x22: {  	[simem:s7], [sflag:s8] =	dma.local @!p0 [hbm:s6], $0xF7A  }
0x23: {  	s9 =	sor.u32 $0xD0000000, s2;
	s6 =	simm.s32 $0x108;
	_ =	swait.ge @!p0 [sflag:s8], $0x0  }
0x24: {  	s3 =	sadd.s32 $0x88, s3;
	s6 =	simm.s32 @!p1 $0x1082;
	[sflag:s4] =	ssyncset.s32 $0xFFFFF086  }
0x25: {  	[simem:s6], [sflag:s4] =	dma.local [hbm:s3], $0xF7A  }
0x26: {  	[smem:$0x3F97] =	sst s1;
	(tag) =	ssettag s2;
	_ =	strace s9  }
0x27: {  	s1 =	sld [smem:$0x3FA7]  }
0x28: {  	s2 =	sld [smem:$0x3FA8]  }
0x29: {  	s4 =	sld [smem:$0x3FAA]  }
0x2a: {  	p0 =	seq.s32 s5, $0x0;
	s5 =	sld [smem:$0x3FAB]  }
0x2b: {  	s6 =	sld [smem:$0x3FAC]  }
0x2c: {  	s7 =	sld [smem:$0x3FAD]  }
0x2d: {  	s3 =	simm.s32 $0x108;
	s8 =	sld [smem:$0x3FAE]  }
0x2e: {  	s3 =	simm.s32 @!p0 $0x1082;
	s9 =	sld [smem:$0x3FAF]  }
0x2f: {  	lr =	sadd.s32 s0, s3;
	s0 =	sld [smem:$0x3FA6]  }
0x30: {  	s3 =	sld [smem:$0x3FA9]  }
0x31: {  	[smem:$0x3FB2] =	sst s10  }
0x32: {  	s10 =	sld [smem:$0x3FB0];
	_ =	sdelay $0x3  }
0x33: {  	p0 =	seq.s32 s10, $0x1;
	s10 =	sld [smem:$0x3FB2];
	_ =	sdelay $0x3  }
0x34: {  	[smem:$0x3FB2] =	sst s10  }
0x35: {  	s10 =	sld [smem:$0x3FB1];
	_ =	sdelay $0x3  }
0x36: {  	p1 =	seq.s32 s10, $0x1;
	s10 =	sld [smem:$0x3FB2];
	_ =	sdelay $0x3  }
0x37: {  	[smem:$0x3FB2] =	sst s10  }
0x38: {  	s10 =	sld [smem:$0x3FB3]  }
0x39: {  	_ = 	snop;
	(pc) =	sbr.ind lr, $3  }
0x3a: {  	_ = 	snop  }
0x3b: {  	_ = 	snop  }
0x3c: {  	p2 =	seq.s32 s10, $0x1;
	s10 =	sld [smem:$0x3FB2]  }
0x3d: {  	_ =	shalt  }
0x3e: {  	_ =	shalt  }
0x3f: {  	_ =	shalt  }
0x40: {  	_ =	shalt  }
0x41: {  	_ =	shalt  }
0x42: {  	_ =	shalt  }
0x43: {  	_ =	shalt  }
0x44: {  	_ =	shalt  }
0x45: {  	_ =	shalt  }
0x46: {  	_ =	shalt  }
0x47: {  	_ =	shalt  }
0x48: {  	_ =	shalt  }
0x49: {  	_ =	shalt  }
0x4a: {  	_ =	shalt  }
0x4b: {  	_ =	shalt  }
0x4c: {  	_ =	shalt  }
0x4d: {  	_ =	shalt  }
0x4e: {  	_ =	shalt  }
0x4f: {  	_ =	shalt  }
0x50: {  	_ =	shalt  }
0x51: {  	_ =	shalt  }
0x52: {  	_ =	shalt  }
0x53: {  	_ =	shalt  }
0x54: {  	_ =	shalt  }
0x55: {  	_ =	shalt  }
0x56: {  	_ =	shalt  }
0x57: {  	_ =	shalt  }
0x58: {  	_ =	shalt  }
0x59: {  	_ =	shalt  }
0x5a: {  	_ =	shalt  }
0x5b: {  	_ =	shalt  }
0x5c: {  	_ =	shalt  }
0x5d: {  	_ =	shalt  }
0x5e: {  	_ =	shalt  }
0x5f: {  	_ =	shalt  }
0x60: {  	_ =	shalt  }
0x61: {  	_ =	shalt  }
0x62: {  	_ =	shalt  }
0x63: {  	_ =	shalt  }
0x64: {  	_ =	shalt  }
0x65: {  	_ =	shalt  }
0x66: {  	_ =	shalt  }
0x67: {  	_ =	shalt  }
0x68: {  	_ =	shalt  }
0x69: {  	_ =	shalt  }
0x6a: {  	_ =	shalt  }
0x6b: {  	_ =	shalt  }
0x6c: {  	_ =	shalt  }
0x6d: {  	_ =	shalt  }
0x6e: {  	_ =	shalt  }
0x6f: {  	_ =	shalt  }
0x70: {  	_ =	shalt  }
0x71: {  	_ =	shalt  }
0x72: {  	_ =	shalt  }
0x73: {  	_ =	shalt  }
0x74: {  	_ =	shalt  }
0x75: {  	_ =	shalt  }
0x76: {  	_ =	shalt  }
0x77: {  	_ =	shalt  }
0x78: {  	_ =	shalt  }
0x79: {  	_ =	shalt  }
0x7a: {  	_ =	shalt  }
0x7b: {  	_ =	shalt  }
0x7c: {  	_ =	shalt  }
0x7d: {  	_ =	shalt  }
0x7e: {  	_ =	shalt  }
0x7f: {  	_ =	shalt  }
0x80: {  	_ =	shalt  }
0x81: {  	_ =	shalt  }
0x82: {  	_ =	shalt  }
0x83: {  	_ =	shalt  }
0x84: {  	_ =	shalt  }
0x85: {  	_ =	shalt  }
0x86: {  	_ =	shalt  }
0x87: {  	_ =	shalt  }
.Lfunc_end0:
.L_simem_size_0:
called_computation.3_lowered:
.L_overlay_start_0:
0x88: {  	s2 =	sld [smem:$0x3FD9]  }
0x89: {  	s3 =	sld [smem:$0x3FFE];
	_ =	sdelay $0x1  }
0x8a: {  	s1 =	srdreg.scid  }
0x8b: {  	s0 =	sand.u32 $0x1, s1  }
0x8c: {  	s17 =	sshll.u32 s0, $0xA;
	s2 =	sadd.s32 s3, s2  }
0x8d: {  	s2 =	sadd.s32 s2, s17  }
0x8e: {  	[smem:$0x3FBE] =	sst s2  }
0x8f: {  	_ = 	snop  }
0x90: {  	s2 =	sld [smem:$0x3FD0];
	(tm) =	ssettm $0x1  }
0x91: {  	s18 =	sld [smem:$0x3FFB];
	_ =	sdelay $0x3  }
0x92: {  	_ =	strace s18  }
0x93: {  	s3 =	sld [smem:$0x3FFC];
	_ =	sdelay $0x3  }
0x94: {  	_ =	strace s3  }
0x95: {  	s3 =	sld [smem:$0x3FFD];
	_ =	sdelay $0x3  }
0x96: {  	_ =	strace s3  }
0x97: {  	_ =	strace $0x8FFFFFFF  }
0x98: {  	s19 =	sld [smem:$0x3FDB];
	_ =	sdelay $0x1  }
0x99: {  	s4 =	simm.s32 $_scs_section_size  }
0x9a: {  	s5 =	simm.s32 $_size__tile_overlayer_lowered;
	s6 =	simm.s32 $_tile_overlayer_lowered  }
0x9b: {  	s22 =	simm.s32 $0x1BFF;
	s21 =	sshll.u32 s6, $0x1;
	s3 =	sadd.s32 s4, s19  }
0x9c: {  	s7 =	simm.s32 $0x0;
	s20 =	sshll.u32 s5, $0x1;
	s5 =	sadd.s32 s21, s3  }
0x9d: {  	[timem:s7], [sflag:s22] =	dma.local [hbm:s5], s20  }
0x9e: {  	_ =	swait.ge [sflag:s22], s20  }
0x9f: {  	s4 =	ssub.s32 $0x0, s20;
	[sflag:s22] =	ssyncset.done $0x0  }
0xa0: {  	[sflag:s22] =	ssyncadd.s32 s4;
	_ =	sdelay $0x1  }
0xa1: {  	s23 =	simm.s32 $0x1B8B  }
0xa2: {  	_ =	swait.ge [sflag:s23], $0x1  }
0xa3: {  	[sflag:s23] =	ssyncset.done $0x0  }
0xa4: {  	s25 =	simm.s32 $0x1B8E;
	s24 =	sld [smem:$0x3FFE];
	[sflag:s23] =	ssyncadd.s32 $0xFFFFFFFF  }
0xa5: {  	s26 =	simm.s32 $execute0_lowered;
	[smem:$0x3FD2] =	sst s25  }
0xa6: {  	s5 =	sshll.u32 s26, $0x1;
	_ =	strace $0x8000005B;
	[dreg:$0x1] =	wrdreg $0xFFFFFFFF  }
0xa7: {  	s28 =	simm.s32 $_size_execute0_lowered;
	s3 =	sadd.s32 s3, s5;
	[dreg:$0x0] =	wrdreg $0x0  }
0xa8: {  	s5 =	sshll.u32 s28, $0x1;
	[dreg:$0x2] =	wrdreg s3  }
0xa9: {  	[dreg:$0x3] =	wrdreg s5  }
0xaa: {  	[dreg:$0x4] =	wrdreg $0xC0  }
0xab: {  	_ =	task [dreg:s7], $0x5FFFF  }
0xac: {  	[dreg:$0x1] =	wrdreg $0xFFFFFFFF  }
0xad: {  	[dreg:$0x0] =	wrdreg $0x60  }
0xae: {  	[dreg:$0x2] =	wrdreg s24  }
0xaf: {  	[dreg:$0x3] =	wrdreg s2  }
0xb0: {  	[dreg:$0x4] =	wrdreg $0xA8000  }
0xb1: {  	[dreg:$0x5] =	wrdreg $0x9  }
0xb2: {  	_ =	task.clear_ibuf [dreg:s7], $0x6FFFF;
	_ =	strace $0x9000005B  }
0xb3: {  	s29 =	simm.s32 $0x9;
	_ =	strace $0x80000063  }
0xb4: {  	_ =	swait.ge [sflag:s29], $0x1  }
0xb5: {  	[sflag:s29] =	ssyncadd.s32 $0xFFFFFFFF  }
0xb6: {  	_ =	strace $0x90000063  }
0xb7: {  	_ =	sfence  }
0xb8: {  	s30 =	sld [smem:$0x0];
	_ =	sdelay $0x2  }
0xb9: {  	s31 =	sshll.u32 s1, $0xD;
	s1 =	sshrl.u32 s1, $0x2  }
0xba: {  	s3 =	sand.u32 $0x4000, s31;
	s1 =	sadd.s32 s1, s30  }
0xbb: {  	s0 =	sor.u32 s3, s0;
	s1 =	sshll.u32 s1, $0x11  }
0xbc: {  	s0 =	sor.u32 s1, s0  }
0xbd: {  	s0 =	sadd.s32 $0x8F2B, s0  }
0xbe: {  	[sflag:s0] =	ssyncadd.remote.s32 $0x1  }
0xbf: {  	_ =	sfence.sel $0xFFFF  }
0xc0: {  	[dreg:$0x0] =	wrdreg $0xFFFFFFFF;
	(pc) =	sbr.abs _section_cstart, $3  }
0xc1: {  	[dreg:$0x1] =	wrdreg $0xFFFFFFFF  }
0xc2: {  	_ =	task.clear_ibuf [dreg:s7], $0x2FFFF;
	_ =	strace $0x9FFFFFFF  }
0xc3: {  	(tm) =	ssettm $0x7FFFFFFF  }
tec
execute0_lowered:
.L_overlay_start_1:
0x0: {  	(tag) =	ssettag $0x1  }
0x1: {  	s0 =	rddreg [dreg:$0x0]  }
0x2: {  	s2 =	rddreg [dreg:$0x1]  }
0x3: {  	s1 =	rddreg [dreg:$0x2];
	s3 =	srdreg.scid  }
0x4: {  	s4 =	simm.s32 $0x0;
	s24 =	stileid.u32;
	s18 =	simm.s32 $0x2800  }
0x5: {  	s19 =	simm.s32 $0x1400;
	s20 =	simm.s32 $0x80;
	s21 =	simm.s32 $0x1  }
0x6: {  	s22 =	simm.s32 $0x6800;
	s5 =	sand.u32 $0x1, s3;
	[smem:$0x7FF] =	sst s4  }
0x7: {  	s7 =	smul.u32 $0x14000, s24;
	s4 =	sadd.s32 $0xE400, s0;
	s14 =	sadd.s32 $0x4400, s0  }
0x8: {  	s25 =	sshll.u32 s24, $0x1;
	s8 =	smul.u32 $0x50000, s24;
	s24 =	simm.s32 $0x2  }
0x9: {  	s6 =	smul.u32 $0x140000, s5;
	_ =	strace $0x8000005C;
	s26 =	ssub.s32 $0x2, s5  }
0xa: {  	s23 =	sor.u32 s5, s25;
	s25 =	simm.s32 $0x3;
	s28 =	sshrl.u32 s26, $0x1  }
0xb: {  	s8 =	sshrl.u32 s8, $0x2;
	s10 =	smul.u32 $0x2800, s23;
	p0 =	seq.s32 s23, $0x1F  }
0xc: {  	s6 =	sadd.s32 s7, s6;
	s7 =	smul.u32 $0xFFFFFFB0, s23;
	s17 =	ssub.s32 s26, s28  }
0xd: {  	s5 =	sadd.s32 s8, s1;
	s26 =	simm.s32 $0x0;
	s6 =	sshrl.u32 s6, $0x3  }
0xe: {  	s29 =	sadd.s32 $0x4000, s5;
	s30 =	sadd.s32 $0x8000, s5;
	s31 =	sadd.s32 $0xC000, s5  }
0xf: {  	s9 =	sadd.s32 $0x10000, s5;
	s13 =	sshrl.u32 s10, $0x3;
	[dreg:$0x4] =	wrdreg s29  }
0x10: {  	s17 =	smax.u32 s17, $0x1;
	s0 =	sadd.s32 s6, s0;
	[dreg:$0x5] =	wrdreg s30  }
0x11: {  	s12 =	sadd.s32 $0x9C4, s7;
	[dreg:$0x6] =	wrdreg s31;
	s11 =	sadd.s32 s14, s13  }
0x12: {  	s16 =	sadd.s32 $0x280, s13;
	s10 =	smin.u32 s12, $0x28;
	s15 =	smax.u32 s12, $0x28  }
0x13: {  	s12 =	sadd.s32 s2, s13;
	s14 =	sadd.s32 s14, s16;
	s15 =	smin.u32 s15, $0x50  }
0x14: {  	v0 =	vimm.f32 $0.0e+00;
	s13 =	sadd.s32 $0xFFFFFFD8, s15;
	s15 =	sadd.s32 s2, s16;
	s16 =	sadd.s32 $0x36400, s0  }
.LBB2_1:
0x15: {  	_ =	strace $0x8000005D;
	s0 =	simm.s32 $0x0;
	s2 =	simm.s32 $0x200  }
.LBB2_2:
0x16: {  	p1 =	sne.s32 s2, $0xFE00;
	[tilespmem:s0+$0x2870] =	vst v0  }
0x17: {  	[tilespmem:s0+$0x2800] =	vst v0  }
0x18: {  	[tilespmem:s0+$0x2810] =	vst v0  }
.Ltmp0:
0x19: {  	[tilespmem:s0+$0x2820] =	vst v0;
	(pc) =	sbr.rel @p1 .LBB2_2-.Ltmp0, $4  }
0x1a: {  	[tilespmem:s0+$0x2830] =	vst v0  }
0x1b: {  	[tilespmem:s0+$0x2840] =	vst v0  }
0x1c: {  	[tilespmem:s0+$0x2850] =	vst v0  }
0x1d: {  	[tilespmem:s0+$0x2860] =	vst v0;
	s0 =	sshra.s32 s2, $0x2;
	s2 =	sadd.s32 $0x200, s2  }
0x1e: {  	[tilespmem:s0+$0x2870] =	vst v0  }
0x1f: {  	[tilespmem:s0+$0x2800] =	vst v0  }
0x20: {  	[tilespmem:s0+$0x2810] =	vst v0  }
0x21: {  	[tilespmem:s0+$0x2820] =	vst v0  }
0x22: {  	[tilespmem:s0+$0x2830] =	vst v0  }
0x23: {  	[tilespmem:s0+$0x2840] =	vst v0  }
0x24: {  	[tilespmem:s0+$0x2850] =	vst v0  }
0x25: {  	[tilespmem:s0+$0x2860] =	vst v0;
	s3 =	simm.s32 $0x3  }
0x26: {  	[spmem:s5] =	stream.linear.scatter [tilespmem:s18], [sflag:$0x3], $0x4000, $0x200038;
	[tilespmem:$0x1E800] =	vst v63  }
0x27: {  	_ =	swait.ge [sflag:s3], $0x4000  }
0x28: {  	[sflag:s3] =	ssyncset.done $0x0  }
0x29: {  	s2 =	rddreg [dreg:$0x4];
	[sflag:s3] =	ssyncadd.s32 $0xFFFFC000  }
0x2a: {  	[spmem:s2] =	stream.linear.scatter [tilespmem:s18], [sflag:$0x3], $0x4000, $0x200038;
	[tilespmem:$0x1E800] =	vst v63  }
0x2b: {  	_ =	swait.ge [sflag:s3], $0x4000  }
0x2c: {  	[sflag:s3] =	ssyncset.done $0x0  }
0x2d: {  	s6 =	rddreg [dreg:$0x5];
	[sflag:s3] =	ssyncadd.s32 $0xFFFFC000  }
0x2e: {  	[spmem:s6] =	stream.linear.scatter [tilespmem:s18], [sflag:$0x3], $0x4000, $0x200038;
	[tilespmem:$0x1E800] =	vst v63  }
0x2f: {  	_ =	swait.ge [sflag:s3], $0x4000  }
0x30: {  	[sflag:s3] =	ssyncset.done $0x0  }
0x31: {  	s7 =	rddreg [dreg:$0x6];
	[sflag:s3] =	ssyncadd.s32 $0xFFFFC000  }
0x32: {  	[spmem:s7] =	stream.linear.scatter [tilespmem:s18], [sflag:$0x3], $0x4000, $0x200038;
	[tilespmem:$0x1E800] =	vst v63  }
0x33: {  	_ =	swait.ge [sflag:s3], $0x4000  }
0x34: {  	[sflag:s3] =	ssyncset.done $0x0  }
0x35: {  	[sflag:s3] =	ssyncadd.s32 $0xFFFFC000  }
0x36: {  	[spmem:s9] =	stream.linear.scatter [tilespmem:s18], [sflag:$0x3], $0x4000, $0x200038;
	[tilespmem:$0x1E800] =	vst v63  }
0x37: {  	_ =	swait.ge [sflag:s3], $0x4000  }
0x38: {  	[sflag:s3] =	ssyncset.done $0x0  }
0x39: {  	[sflag:s3] =	ssyncadd.s32 $0xFFFFC000  }
0x3a: {  	[bflag:$0x0] =	sbarrier.arrive $0xFFFF  }
0x3b: {  	_ =	strace $0x9000005D  }
0x3c: {  	s8 =	simm.s32 $0x0;
	_ =	strace $0x8000005E  }
0x3d: {  	[tilespmem:s8], [sflag:$0x3] =	stream.linear.gather [hbm4b:s11+s8], $0x1400, $0x200038;
	[tilespmem:$0x1E800] =	vst v63  }
0x3e: {  	_ =	swait.ge [sflag:s3], $0x1400  }
0x3f: {  	[sflag:s3] =	ssyncset.done $0x0  }
0x40: {  	[sflag:s3] =	ssyncadd.s32 $0xFFFFEC00  }
0x41: {  	[tilespmem:s19], [sflag:$0x3] =	stream.linear.gather [hbm4b:s12+s8], $0x1400, $0x200038;
	[tilespmem:$0x1E800] =	vst v63  }
0x42: {  	_ =	swait.ge [sflag:s3], $0x1400  }
0x43: {  	[sflag:s3] =	ssyncset.done $0x0  }
0x44: {  	[sflag:s3] =	ssyncadd.s32 $0xFFFFEC00  }
0x45: {  	_ =	strace $0x9000005E  }
0x46: {  	_ =	strace $0x8000005F  }
0x47: {  	[tilespmem:s18], [sflag:$0x1] =	stream.indirect.gather [hbm4b:s4+s20], $0x80, s8, s20, $0x2000b8;
	[tilespmem:$0x1E800] =	vst v63  }
0x48: {  	_ =	swait.ge [sflag:s21], $0x4000  }
0x49: {  	[sflag:s21] =	ssyncset.done $0x0  }
0x4a: {  	[sflag:s21] =	ssyncadd.s32 $0xFFFFC000  }
0x4b: {  	[spmem:s1] =	stream.indirect.scatter.add.f32 [tilespmem:s18], [sflag:$0x2], $0x80, s19, s20, $0x2000b8;
	[tilespmem:$0x1E800] =	vst v63  }
0x4c: {  	_ = 	snop  }
0x4d: {  	[tilespmem:s22], [sflag:$0x1] =	stream.indirect.gather [hbm4b:s4+s20], $0x80, s20, s20, $0x2000b8;
	[tilespmem:$0x1E800] =	vst v63  }
0x4e: {  	_ =	swait.ge [sflag:s21], $0x4000  }
0x4f: {  	p1 =	sle.u32 s10, $0x2;
	[sflag:s21] =	ssyncset.done $0x0  }
0x50: {  	s23 =	simm.s32 $0x1480;
	s0 =	simm.s32 @!p1 $0x2;
	[sflag:s21] =	ssyncadd.s32 $0xFFFFC000  }
0x51: {  	[spmem:s1] =	stream.indirect.scatter.add.f32 [tilespmem:s22], [sflag:$0x2], $0x80, s23, s20, $0x2000b8;
	[tilespmem:$0x1E800] =	vst v63  }
0x52: {  	_ =	swait.ge @!p1 [sflag:s0], $0x4000  }
0x53: {  	s28 =	simm.s32 @!p1 $0x80;
	s2 =	simm.s32 @!p1 $0x2800;
	[sflag:s0] =	ssyncset.done @!p1 $0x0  }
0x54: {  	s23 =	simm.s32 @!p1 $0x100;
	[sflag:s0] =	ssyncadd.s32 @!p1 $0xFFFFC000;
	s0 =	simm.s32 @!p1 $0x1  }
0x55: {  	[tilespmem:s2], [sflag:$0x1] =	stream.indirect.gather @!p1 [hbm4b:s4+s28], $0x80, s23, s28, $0x2000b8;
	[tilespmem:$0x1E800] =	vst v63  }
0x56: {  	_ =	swait.ge @!p1 [sflag:s0], $0x4000  }
0x57: {  	p2 =	sle.u32 s10, $0x3;
	[sflag:s0] =	ssyncset.done @!p1 $0x0  }
0x58: {  	s30 =	simm.s32 @!p2 $0x2;
	s23 =	simm.s32 @!p1 $0x1500;
	[sflag:s0] =	ssyncadd.s32 @!p1 $0xFFFFC000  }
0x59: {  	[spmem:s1] =	stream.indirect.scatter.add.f32 @!p1 [tilespmem:s2], [sflag:$0x2], $0x80, s23, s28, $0x2000b8;
	[tilespmem:$0x1E800] =	vst v63  }
0x5a: {  	_ =	swait.ge @!p2 [sflag:s30], $0x4000  }
0x5b: {  	s29 =	simm.s32 $0x400;
	s31 =	simm.s32 @!p2 $0x80;
	[sflag:s30] =	ssyncset.done @!p2 $0x0  }
0x5c: {  	s0 =	simm.s32 @!p2 $0x6800;
	s2 =	simm.s32 @!p2 $0x180;
	[sflag:s30] =	ssyncadd.s32 @!p2 $0xFFFFC000  }
0x5d: {  	[tilespmem:s0], [sflag:$0x1] =	stream.indirect.gather @!p2 [hbm4b:s4+s31], $0x80, s2, s31, $0x2000b8;
	[tilespmem:$0x1E800] =	vst v63  }
0x5e: {  	s28 =	simm.s32 $0x5;
	s23 =	simm.s32 @!p2 $0x1580;
	s2 =	simm.s32 @!p2 $0x1  }
0x5f: {  	p1 =	sle.u32 s10, $0x4;
	s30 =	simm.s32 $0x800;
	_ =	swait.ge @!p2 [sflag:s2], $0x4000  }
.LBB2_4:
0x60: {  	s3 =	simm.s32 @!p1 $0x2;
	[sflag:s2] =	ssyncset.done @!p2 $0x0  }
0x61: {  	s6 =	smov.u32 s30;
	s30 =	sadd.s32 $0x400, s30;
	s7 =	smov.u32 s28  }
0x62: {  	p3 =	sne.s32 s30, $0x4C00;
	[sflag:s2] =	ssyncadd.s32 @!p2 $0xFFFFC000  }
0x63: {  	[spmem:s1] =	stream.indirect.scatter.add.f32 @!p2 [tilespmem:s0], [sflag:$0x2], $0x80, s23, s31, $0x2000b8;
	[tilespmem:$0x1E800] =	vst v63  }
0x64: {  	s2 =	simm.s32 @!p1 $0x2800;
	s0 =	sshra.s32 @!p1 s29, $0x2;
	_ =	swait.ge @!p1 [sflag:s3], $0x4000  }
0x65: {  	s31 =	simm.s32 @!p1 $0x80;
	s23 =	sadd.s32 @!p1 $0x100, s0;
	[sflag:s3] =	ssyncset.done @!p1 $0x0  }
0x66: {  	s0 =	sadd.s32 @!p1 $0x1500, s0;
	[sflag:s3] =	ssyncadd.s32 @!p1 $0xFFFFC000;
	s3 =	simm.s32 @!p1 $0x1  }
0x67: {  	[tilespmem:s2], [sflag:$0x1] =	stream.indirect.gather @!p1 [hbm4b:s4+s31], $0x80, s23, s31, $0x2000b8;
	[tilespmem:$0x1E800] =	vst v63  }
0x68: {  	s28 =	sadd.s32 $0x2, s28;
	_ =	swait.ge @!p1 [sflag:s3], $0x4000  }
0x69: {  	s8 =	sadd.s32 $0xFFFFFFFF, s28;
	p2 =	sge.u32 s7, s10;
	[sflag:s3] =	ssyncset.done @!p1 $0x0  }
0x6a: {  	s7 =	sshra.s32 @!p2 s29, $0x2;
	[sflag:s3] =	ssyncadd.s32 @!p1 $0xFFFFC000;
	s3 =	simm.s32 @!p2 $0x2  }
0x6b: {  	[spmem:s1] =	stream.indirect.scatter.add.f32 @!p1 [tilespmem:s2], [sflag:$0x2], $0x80, s0, s31, $0x2000b8;
	[tilespmem:$0x1E800] =	vst v63  }
.Ltmp1:
0x6c: {  	s29 =	sadd.s32 @!p2 $0x180, s7;
	_ =	swait.ge @!p2 [sflag:s3], $0x4000;
	(pc) =	sbr.rel @p3 .LBB2_4-.Ltmp1, $4  }
0x6d: {  	s31 =	simm.s32 @!p2 $0x80;
	s0 =	simm.s32 @!p2 $0x6800;
	[sflag:s3] =	ssyncset.done @!p2 $0x0  }
0x6e: {  	s23 =	sadd.s32 @!p2 $0x1580, s7;
	s2 =	simm.s32 @!p2 $0x1;
	[sflag:s3] =	ssyncadd.s32 @!p2 $0xFFFFC000  }
0x6f: {  	[tilespmem:s0], [sflag:$0x1] =	stream.indirect.gather @!p2 [hbm4b:s4+s31], $0x80, s29, s31, $0x2000b8;
	[tilespmem:$0x1E800] =	vst v63  }
0x70: {  	p1 =	sge.u32 s8, s10;
	s29 =	smov.u32 s6;
	_ =	swait.ge @!p2 [sflag:s2], $0x4000  }
0x71: {  	[sflag:s2] =	ssyncset.done @!p2 $0x0  }
0x72: {  	s3 =	simm.s32 @!p1 $0x2;
	[sflag:s2] =	ssyncadd.s32 @!p2 $0xFFFFC000  }
0x73: {  	[spmem:s1] =	stream.indirect.scatter.add.f32 @!p2 [tilespmem:s0], [sflag:$0x2], $0x80, s23, s31, $0x2000b8;
	[tilespmem:$0x1E800] =	vst v63  }
0x74: {  	s7 =	simm.s32 @!p1 $0x80;
	_ =	swait.ge @!p1 [sflag:s3], $0x4000  }
0x75: {  	s2 =	simm.s32 @!p1 $0x2800;
	s0 =	sshra.s32 @!p1 s29, $0x2;
	[sflag:s3] =	ssyncset.done @!p1 $0x0  }
0x76: {  	s6 =	sadd.s32 @!p1 $0x100, s0;
	[sflag:s3] =	ssyncadd.s32 @!p1 $0xFFFFC000;
	s3 =	simm.s32 @!p1 $0x1  }
0x77: {  	[tilespmem:s2], [sflag:$0x1] =	stream.indirect.gather @!p1 [hbm4b:s4+s7], $0x80, s6, s7, $0x2000b8;
	[tilespmem:$0x1E800] =	vst v63  }
0x78: {  	_ =	swait.ge @!p1 [sflag:s3], $0x4000  }
0x79: {  	p2 =	sge.u32 s28, s10;
	[sflag:s3] =	ssyncset.done @!p1 $0x0  }
0x7a: {  	s0 =	sadd.s32 @!p1 $0x1500, s0;
	[sflag:s3] =	ssyncadd.s32 @!p1 $0xFFFFC000;
	s3 =	simm.s32 @!p2 $0x2  }
0x7b: {  	[spmem:s1] =	stream.indirect.scatter.add.f32 @!p1 [tilespmem:s2], [sflag:$0x2], $0x80, s0, s7, $0x2000b8;
	[tilespmem:$0x1E800] =	vst v63  }
0x7c: {  	s6 =	simm.s32 @!p2 $0x80;
	_ =	swait.ge @!p2 [sflag:s3], $0x4000  }
0x7d: {  	s0 =	sshra.s32 @!p2 s29, $0x2;
	s7 =	simm.s32 @!p2 $0x6800;
	[sflag:s3] =	ssyncset.done @!p2 $0x0  }
0x7e: {  	s2 =	sadd.s32 @!p2 $0x180, s0;
	[sflag:s3] =	ssyncadd.s32 @!p2 $0xFFFFC000;
	s3 =	simm.s32 @!p2 $0x1  }
0x7f: {  	[tilespmem:s7], [sflag:$0x1] =	stream.indirect.gather @!p2 [hbm4b:s4+s6], $0x80, s2, s6, $0x2000b8;
	[tilespmem:$0x1E800] =	vst v63  }
0x80: {  	_ =	swait.ge @!p2 [sflag:s3], $0x4000  }
0x81: {  	[sflag:s3] =	ssyncset.done @!p2 $0x0  }
0x82: {  	s0 =	sadd.s32 @!p2 $0x1580, s0;
	[sflag:s3] =	ssyncadd.s32 @!p2 $0xFFFFC000  }
0x83: {  	[spmem:s1] =	stream.indirect.scatter.add.f32 @!p2 [tilespmem:s7], [sflag:$0x2], $0x80, s0, s6, $0x2000b8;
	[tilespmem:$0x1E800] =	vst v63  }
0x84: {  	_ =	swait.ge [sflag:s24], $0x4000  }
0x85: {  	[sflag:s24] =	ssyncset.done $0x0  }
0x86: {  	[sflag:s24] =	ssyncadd.s32 $0xFFFFC000  }
0x87: {  	_ =	swait.ge [sflag:s24], $0x4000  }
0x88: {  	[sflag:s24] =	ssyncset.done $0x0  }
0x89: {  	[sflag:s24] =	ssyncadd.s32 $0xFFFFC000  }
0x8a: {  	_ =	strace $0x9000005F  }
0x8b: {  	s23 =	simm.s32 $0x0;
	_ =	strace $0x80000060  }
0x8c: {  	[tilespmem:s23], [sflag:$0x3] =	stream.linear.gather [hbm4b:s14+s23], $0x1400, $0x200038;
	[tilespmem:$0x1E800] =	vst v63  }
0x8d: {  	_ =	swait.ge [sflag:s25], $0x1400  }
0x8e: {  	[sflag:s25] =	ssyncset.done $0x0  }
0x8f: {  	[sflag:s25] =	ssyncadd.s32 $0xFFFFEC00  }
0x90: {  	[tilespmem:s19], [sflag:$0x3] =	stream.linear.gather [hbm4b:s15+s23], $0x1400, $0x200038;
	[tilespmem:$0x1E800] =	vst v63  }
0x91: {  	_ =	swait.ge [sflag:s25], $0x1400  }
0x92: {  	[sflag:s25] =	ssyncset.done $0x0  }
0x93: {  	[sflag:s25] =	ssyncadd.s32 $0xFFFFEC00  }
0x94: {  	s2 =	simm.s32 @!p0 $0x0;
	_ =	strace $0x90000060  }
0x95: {  	s3 =	simm.s32 @!p0 $0x2800;
	s0 =	simm.s32 @!p0 $0x80;
	_ =	strace $0x80000061  }
0x96: {  	[tilespmem:s3], [sflag:$0x1] =	stream.indirect.gather @!p0 [hbm4b:s4+s0], $0x80, s2, s0, $0x2000b8;
	[tilespmem:$0x1E800] =	vst v63  }
0x97: {  	s2 =	simm.s32 @!p0 $0x1  }
0x98: {  	_ =	swait.ge @!p0 [sflag:s2], $0x4000  }
0x99: {  	[sflag:s2] =	ssyncset.done @!p0 $0x0  }
0x9a: {  	s6 =	simm.s32 @!p0 $0x1400;
	[sflag:s2] =	ssyncadd.s32 @!p0 $0xFFFFC000  }
0x9b: {  	[spmem:s1] =	stream.indirect.scatter.add.f32 @!p0 [tilespmem:s3], [sflag:$0x2], $0x80, s6, s0, $0x2000b8;
	[tilespmem:$0x1E800] =	vst v63  }
0x9c: {  	s3 =	simm.s32 @!p0 $0x6800  }
0x9d: {  	[tilespmem:s3], [sflag:$0x1] =	stream.indirect.gather @!p0 [hbm4b:s4+s0], $0x80, s0, s0, $0x2000b8;
	[tilespmem:$0x1E800] =	vst v63  }
0x9e: {  	_ =	swait.ge @!p0 [sflag:s2], $0x4000  }
0x9f: {  	[sflag:s2] =	ssyncset.done @!p0 $0x0  }
0xa0: {  	p1 =	sle.u32 s13, $0x2;
	[sflag:s2] =	ssyncadd.s32 @!p0 $0xFFFFC000;
	s2 =	simm.s32 @!p0 $0x1480  }
0xa1: {  	[spmem:s1] =	stream.indirect.scatter.add.f32 @!p0 [tilespmem:s3], [sflag:$0x2], $0x80, s2, s0, $0x2000b8;
	[tilespmem:$0x1E800] =	vst v63  }
0xa2: {  	s0 =	simm.s32 @!p1 $0x2  }
0xa3: {  	_ =	swait.ge @!p1 [sflag:s0], $0x4000  }
0xa4: {  	s6 =	simm.s32 @!p1 $0x80;
	s2 =	simm.s32 @!p1 $0x2800;
	[sflag:s0] =	ssyncset.done @!p1 $0x0  }
0xa5: {  	s3 =	simm.s32 @!p1 $0x100;
	[sflag:s0] =	ssyncadd.s32 @!p1 $0xFFFFC000;
	s0 =	simm.s32 @!p1 $0x1  }
0xa6: {  	[tilespmem:s2], [sflag:$0x1] =	stream.indirect.gather @!p1 [hbm4b:s4+s6], $0x80, s3, s6, $0x2000b8;
	[tilespmem:$0x1E800] =	vst v63  }
0xa7: {  	_ =	swait.ge @!p1 [sflag:s0], $0x4000  }
0xa8: {  	p2 =	sle.u32 s13, $0x3;
	[sflag:s0] =	ssyncset.done @!p1 $0x0  }
0xa9: {  	s7 =	simm.s32 @!p2 $0x2;
	s3 =	simm.s32 @!p1 $0x1500;
	[sflag:s0] =	ssyncadd.s32 @!p1 $0xFFFFC000  }
0xaa: {  	[spmem:s1] =	stream.indirect.scatter.add.f32 @!p1 [tilespmem:s2], [sflag:$0x2], $0x80, s3, s6, $0x2000b8;
	[tilespmem:$0x1E800] =	vst v63  }
0xab: {  	_ =	swait.ge @!p2 [sflag:s7], $0x4000  }
0xac: {  	s30 =	simm.s32 $0x800;
	s31 =	simm.s32 @!p2 $0x80;
	[sflag:s7] =	ssyncset.done @!p2 $0x0  }
0xad: {  	s0 =	simm.s32 @!p2 $0x6800;
	s2 =	simm.s32 @!p2 $0x180;
	[sflag:s7] =	ssyncadd.s32 @!p2 $0xFFFFC000  }
0xae: {  	[tilespmem:s0], [sflag:$0x1] =	stream.indirect.gather @!p2 [hbm4b:s4+s31], $0x80, s2, s31, $0x2000b8;
	[tilespmem:$0x1E800] =	vst v63  }
0xaf: {  	s28 =	simm.s32 $0x5;
	s29 =	simm.s32 $0x400;
	s2 =	simm.s32 @!p2 $0x1  }
0xb0: {  	s23 =	simm.s32 @!p2 $0x1580;
	p1 =	sle.u32 s13, $0x4;
	_ =	swait.ge @!p2 [sflag:s2], $0x4000  }
.LBB2_6:
0xb1: {  	s3 =	simm.s32 @!p1 $0x2;
	[sflag:s2] =	ssyncset.done @!p2 $0x0  }
0xb2: {  	s6 =	smov.u32 s30;
	s30 =	sadd.s32 $0x400, s30;
	s7 =	smov.u32 s28  }
0xb3: {  	p3 =	sne.s32 s30, $0x4C00;
	[sflag:s2] =	ssyncadd.s32 @!p2 $0xFFFFC000  }
0xb4: {  	[spmem:s1] =	stream.indirect.scatter.add.f32 @!p2 [tilespmem:s0], [sflag:$0x2], $0x80, s23, s31, $0x2000b8;
	[tilespmem:$0x1E800] =	vst v63  }
0xb5: {  	s2 =	simm.s32 @!p1 $0x2800;
	s0 =	sshra.s32 @!p1 s29, $0x2;
	_ =	swait.ge @!p1 [sflag:s3], $0x4000  }
0xb6: {  	s23 =	simm.s32 @!p1 $0x80;
	s8 =	sadd.s32 @!p1 $0x100, s0;
	[sflag:s3] =	ssyncset.done @!p1 $0x0  }
0xb7: {  	s0 =	sadd.s32 @!p1 $0x1500, s0;
	[sflag:s3] =	ssyncadd.s32 @!p1 $0xFFFFC000;
	s3 =	simm.s32 @!p1 $0x1  }
0xb8: {  	[tilespmem:s2], [sflag:$0x1] =	stream.indirect.gather @!p1 [hbm4b:s4+s23], $0x80, s8, s23, $0x2000b8;
	[tilespmem:$0x1E800] =	vst v63  }
0xb9: {  	s28 =	sadd.s32 $0x2, s28;
	_ =	swait.ge @!p1 [sflag:s3], $0x4000  }
0xba: {  	p2 =	sge.u32 s7, s13;
	s8 =	sadd.s32 $0xFFFFFFFF, s28;
	[sflag:s3] =	ssyncset.done @!p1 $0x0  }
0xbb: {  	s7 =	sshra.s32 @!p2 s29, $0x2;
	[sflag:s3] =	ssyncadd.s32 @!p1 $0xFFFFC000;
	s3 =	simm.s32 @!p2 $0x2  }
0xbc: {  	[spmem:s1] =	stream.indirect.scatter.add.f32 @!p1 [tilespmem:s2], [sflag:$0x2], $0x80, s0, s23, $0x2000b8;
	[tilespmem:$0x1E800] =	vst v63  }
.Ltmp2:
0xbd: {  	s29 =	sadd.s32 @!p2 $0x180, s7;
	_ =	swait.ge @!p2 [sflag:s3], $0x4000;
	(pc) =	sbr.rel @p3 .LBB2_6-.Ltmp2, $4  }
0xbe: {  	s31 =	simm.s32 @!p2 $0x80;
	s0 =	simm.s32 @!p2 $0x6800;
	[sflag:s3] =	ssyncset.done @!p2 $0x0  }
0xbf: {  	s2 =	simm.s32 @!p2 $0x1;
	s23 =	sadd.s32 @!p2 $0x1580, s7;
	[sflag:s3] =	ssyncadd.s32 @!p2 $0xFFFFC000  }
0xc0: {  	[tilespmem:s0], [sflag:$0x1] =	stream.indirect.gather @!p2 [hbm4b:s4+s31], $0x80, s29, s31, $0x2000b8;
	[tilespmem:$0x1E800] =	vst v63  }
0xc1: {  	p1 =	sge.u32 s8, s13;
	s29 =	smov.u32 s6;
	_ =	swait.ge @!p2 [sflag:s2], $0x4000  }
0xc2: {  	[sflag:s2] =	ssyncset.done @!p2 $0x0  }
0xc3: {  	s3 =	simm.s32 @!p1 $0x2;
	[sflag:s2] =	ssyncadd.s32 @!p2 $0xFFFFC000  }
0xc4: {  	[spmem:s1] =	stream.indirect.scatter.add.f32 @!p2 [tilespmem:s0], [sflag:$0x2], $0x80, s23, s31, $0x2000b8;
	[tilespmem:$0x1E800] =	vst v63  }
0xc5: {  	s7 =	simm.s32 @!p1 $0x80;
	_ =	swait.ge @!p1 [sflag:s3], $0x4000  }
0xc6: {  	s2 =	simm.s32 @!p1 $0x2800;
	s0 =	sshra.s32 @!p1 s29, $0x2;
	[sflag:s3] =	ssyncset.done @!p1 $0x0  }
0xc7: {  	s6 =	sadd.s32 @!p1 $0x100, s0;
	[sflag:s3] =	ssyncadd.s32 @!p1 $0xFFFFC000;
	s3 =	simm.s32 @!p1 $0x1  }
0xc8: {  	[tilespmem:s2], [sflag:$0x1] =	stream.indirect.gather @!p1 [hbm4b:s4+s7], $0x80, s6, s7, $0x2000b8;
	[tilespmem:$0x1E800] =	vst v63  }
0xc9: {  	_ =	swait.ge @!p1 [sflag:s3], $0x4000  }
0xca: {  	p2 =	sge.u32 s28, s13;
	[sflag:s3] =	ssyncset.done @!p1 $0x0  }
0xcb: {  	s0 =	sadd.s32 @!p1 $0x1500, s0;
	[sflag:s3] =	ssyncadd.s32 @!p1 $0xFFFFC000;
	s3 =	simm.s32 @!p2 $0x2  }
0xcc: {  	[spmem:s1] =	stream.indirect.scatter.add.f32 @!p1 [tilespmem:s2], [sflag:$0x2], $0x80, s0, s7, $0x2000b8;
	[tilespmem:$0x1E800] =	vst v63  }
0xcd: {  	s6 =	simm.s32 @!p2 $0x80;
	_ =	swait.ge @!p2 [sflag:s3], $0x4000  }
0xce: {  	s0 =	sshra.s32 @!p2 s29, $0x2;
	s7 =	simm.s32 @!p2 $0x6800;
	[sflag:s3] =	ssyncset.done @!p2 $0x0  }
0xcf: {  	s2 =	sadd.s32 @!p2 $0x180, s0;
	[sflag:s3] =	ssyncadd.s32 @!p2 $0xFFFFC000;
	s3 =	simm.s32 @!p2 $0x1  }
0xd0: {  	[tilespmem:s7], [sflag:$0x1] =	stream.indirect.gather @!p2 [hbm4b:s4+s6], $0x80, s2, s6, $0x2000b8;
	[tilespmem:$0x1E800] =	vst v63  }
0xd1: {  	_ =	swait.ge @!p2 [sflag:s3], $0x4000  }
0xd2: {  	[sflag:s3] =	ssyncset.done @!p2 $0x0  }
0xd3: {  	s0 =	sadd.s32 @!p2 $0x1580, s0;
	[sflag:s3] =	ssyncadd.s32 @!p2 $0xFFFFC000  }
0xd4: {  	[spmem:s1] =	stream.indirect.scatter.add.f32 @!p2 [tilespmem:s7], [sflag:$0x2], $0x80, s0, s6, $0x2000b8;
	[tilespmem:$0x1E800] =	vst v63  }
0xd5: {  	s0 =	simm.s32 @!p0 $0x2  }
0xd6: {  	_ =	swait.ge @!p0 [sflag:s0], $0x4000  }
0xd7: {  	[sflag:s0] =	ssyncset.done @!p0 $0x0  }
0xd8: {  	[sflag:s0] =	ssyncadd.s32 @!p0 $0xFFFFC000  }
0xd9: {  	_ =	swait.ge @!p0 [sflag:s0], $0x4000  }
0xda: {  	[sflag:s0] =	ssyncset.done @!p0 $0x0  }
0xdb: {  	[sflag:s0] =	ssyncadd.s32 @!p0 $0xFFFFC000  }
0xdc: {  	s30 =	stileid.u32;
	s26 =	sadd.s32 $0x1, s26;
	_ =	strace $0x90000061  }
0xdd: {  	s31 =	sshrl.u32 s5, $0x3;
	s0 =	sshll.u32 s30, $0x6;
	_ =	strace $0x80000062  }
0xde: {  	p1 =	sne.s32 s26, s17;
	s0 =	sor.u32 $0x1C03, s0;
	[bflag:$0x0] =	sbarrier.arrive $0xFFFF  }
0xdf: {  	[hbm:s16], [sflag:s0] =	dma.local [spmem:s31], $0x2800  }
.Ltmp3:
0xe0: {  	_ = 	snop;
	(pc) =	sbr.rel @p1 .LBB2_1-.Ltmp3, $4  }
0xe1: {  	_ =	swait.ge [sflag:s25], $0x2800  }
0xe2: {  	[sflag:s25] =	ssyncset.done $0x0  }
0xe3: {  	[sflag:s25] =	ssyncadd.s32 $0xFFFFD800  }
0xe4: {  	_ =	strace $0x90000062  }
0xe5: {  	_ =	sfence.sel $0x180000  }
0xe6: {  	[bflag:$0x0] =	sbarrier.arrive $0xFFFF  }
0xe7: {  	_ =	strace $0x9000005C  }
0xe8: {  	s0 =	stileid.u32;
	[bflag:$0x2] =	sbarrier.arrive $0xFFFF  }
0xe9: {  	p0 =	sne.s32 s0, $0x0;
	s0 =	rddreg [dreg:$0x3]  }
0xea: {  	s0 =	sadd.s32 @!p0 $0x100000, s0  }
0xeb: {  	[sflag:s0] =	ssyncadd.tile.s32 @!p0 $0x1;
	_ =	shalt  }
.Lfunc_end2:
_tile_overlayer_lowered:
.L_overlay_start_2:
0xec: {  	(tag) =	ssettag $0x2  }
0xed: {  	s0 =	rddreg [dreg:$0x0];
	s2 =	stileid.u32  }
0xee: {  	s1 =	rddreg [dreg:$0x1];
	p0 =	sne.s32 s2, $0x0  }
0xef: {  	s3 =	rddreg [dreg:$0x2];
	[bflag:$0x3] =	sbarrier.arrive $0xFFFF;
	s2 =	simm.s32 @!p0 $0x1C03  }
0xf0: {  	[timem:s3], [sflag:s2] =	dma.local @!p0 [hbm:s0], s1  }
0xf1: {  	s0 =	simm.s32 @!p0 $0x3  }
0xf2: {  	_ =	swait.ge @!p0 [sflag:s0], s1  }
0xf3: {  	s1 =	ssub.s32 @!p0 $0x0, s1;
	[sflag:s0] =	ssyncset.done @!p0 $0x0  }
0xf4: {  	[sflag:s0] =	ssyncadd.s32 @!p0 s1  }
0xf5: {  	[bflag:$0x3] =	sbarrier.arrive $0xFFFF  }
0xf6: {  	_ =	shalt  }

// kernel: kernel.25.cloned.1.call-start
scs
__scs_entry_jumppad:
0x0: {  	(pc) =	sbr.rel $0x88, $3  }
0x1: {  	(tag) =	ssettag $0x0;
	lr =	simm.s32 $0x1  }
0x2: {  	[smem:$0x3F97] =	sst lr;
	_ =	strace $0xD0000000  }
0x3: {  	_ = 	snop  }
0x4: {  	_ = 	snop  }
0x5: {  	_ = 	snop  }
0x6: {  	_ = 	snop  }
0x7: {  	_ = 	snop  }
__scs_overlays_trampoline_lowered:
0x8: {  	[smem:$0x3FA6] =	sst s0  }
0x9: {  	[smem:$0x3FA7] =	sst s1  }
0xa: {  	[smem:$0x3FA8] =	sst s2  }
0xb: {  	[smem:$0x3FA9] =	sst s3  }
0xc: {  	[smem:$0x3FAA] =	sst s4  }
0xd: {  	[smem:$0x3FAB] =	sst s5  }
0xe: {  	[smem:$0x3FAC] =	sst s6  }
0xf: {  	[smem:$0x3FAD] =	sst s7  }
0x10: {  	[smem:$0x3FAE] =	sst s8  }
0x11: {  	[smem:$0x3FAF] =	sst s9;
	s0 =	simm.s32 @!p0 $0x0  }
0x12: {  	s1 =	sld [smem:$0x3F95];
	s0 =	simm.s32 @p0 $0x1  }
0x13: {  	[smem:$0x3FB0] =	sst s0;
	s0 =	simm.s32 @!p1 $0x0  }
0x14: {  	s2 =	sld [smem:$0x3F94];
	s0 =	simm.s32 @p1 $0x1  }
0x15: {  	[smem:$0x3FB1] =	sst s0;
	s0 =	simm.s32 @!p2 $0x0  }
0x16: {  	s3 =	sld [smem:$0x3FDB];
	s0 =	simm.s32 @p2 $0x1  }
0x17: {  	s4 =	simm.s32 $0x1BF5;
	[smem:$0x3FB3] =	sst s0  }
0x18: {  	s0 =	sld [smem:$0x3F96];
	_ =	swait.ge [sflag:s4], $0x0  }
0x19: {  	s7 =	sld [smem:$0x3F97]  }
0x1a: {  	s8 =	sadd.s32 $0xFFFFE003, lr  }
0x1b: {  	s9 =	sadd.s32 $0xFFFFFEF7, lr;
	s5 =	simm.s32 $0xFFFFFFFF;
	p2 =	slt.u32 s8, $0xFFFFF086  }
0x1c: {  	p1 =	slt.u32 s9, $0xF7A;
	s5 =	simm.s32 @!p2 $0x0  }
0x1d: {  	s5 =	simm.s32 @p1 $0x1;
	p0 =	seq.s32 s7, s2  }
0x1e: {  	s7 =	smul.u32 @!p0 $0xF7A, s2;
	p2 =	seq.s32 @!p0 s5, $0x0  }
0x1f: {  	s9 =	smul.u32 $0xF7A, s1;
	s8 =	simm.s32 @!p0 $0x1BF5;
	p2 =	por !p2, p0  }
0x20: {  	[sflag:s8] =	ssyncset.s32 @!p0 $0xFFFFF086;
	s6 =	sadd.s32 @!p0 s3, s7;
	s7 =	simm.s32 @!p0 $0x108  }
0x21: {  	s3 =	sadd.s32 s3, s9;
	s6 =	sadd.s32 @!p0 $0x88, s6;
	s7 =	simm.s32 @p2 $0x1082  }
0x22: {  	[simem:s7], [sflag:s8] =	dma.local @!p0 [hbm:s6], $0xF7A  }
0x23: {  	s9 =	sor.u32 $0xD0000000, s2;
	s6 =	simm.s32 $0x108;
	_ =	swait.ge @!p0 [sflag:s8], $0x0  }
0x24: {  	s3 =	sadd.s32 $0x88, s3;
	s6 =	simm.s32 @!p1 $0x1082;
	[sflag:s4] =	ssyncset.s32 $0xFFFFF086  }
0x25: {  	[simem:s6], [sflag:s4] =	dma.local [hbm:s3], $0xF7A  }
0x26: {  	[smem:$0x3F97] =	sst s1;
	(tag) =	ssettag s2;
	_ =	strace s9  }
0x27: {  	s1 =	sld [smem:$0x3FA7]  }
0x28: {  	s2 =	sld [smem:$0x3FA8]  }
0x29: {  	s4 =	sld [smem:$0x3FAA]  }
0x2a: {  	p0 =	seq.s32 s5, $0x0;
	s5 =	sld [smem:$0x3FAB]  }
0x2b: {  	s6 =	sld [smem:$0x3FAC]  }
0x2c: {  	s7 =	sld [smem:$0x3FAD]  }
0x2d: {  	s3 =	simm.s32 $0x108;
	s8 =	sld [smem:$0x3FAE]  }
0x2e: {  	s3 =	simm.s32 @!p0 $0x1082;
	s9 =	sld [smem:$0x3FAF]  }
0x2f: {  	lr =	sadd.s32 s0, s3;
	s0 =	sld [smem:$0x3FA6]  }
0x30: {  	s3 =	sld [smem:$0x3FA9]  }
0x31: {  	[smem:$0x3FB2] =	sst s10  }
0x32: {  	s10 =	sld [smem:$0x3FB0];
	_ =	sdelay $0x3  }
0x33: {  	p0 =	seq.s32 s10, $0x1;
	s10 =	sld [smem:$0x3FB2];
	_ =	sdelay $0x3  }
0x34: {  	[smem:$0x3FB2] =	sst s10  }
0x35: {  	s10 =	sld [smem:$0x3FB1];
	_ =	sdelay $0x3  }
0x36: {  	p1 =	seq.s32 s10, $0x1;
	s10 =	sld [smem:$0x3FB2];
	_ =	sdelay $0x3  }
0x37: {  	[smem:$0x3FB2] =	sst s10  }
0x38: {  	s10 =	sld [smem:$0x3FB3]  }
0x39: {  	_ = 	snop;
	(pc) =	sbr.ind lr, $3  }
0x3a: {  	_ = 	snop  }
0x3b: {  	_ = 	snop  }
0x3c: {  	p2 =	seq.s32 s10, $0x1;
	s10 =	sld [smem:$0x3FB2]  }
0x3d: {  	_ =	shalt  }
0x3e: {  	_ =	shalt  }
0x3f: {  	_ =	shalt  }
0x40: {  	_ =	shalt  }
0x41: {  	_ =	shalt  }
0x42: {  	_ =	shalt  }
0x43: {  	_ =	shalt  }
0x44: {  	_ =	shalt  }
0x45: {  	_ =	shalt  }
0x46: {  	_ =	shalt  }
0x47: {  	_ =	shalt  }
0x48: {  	_ =	shalt  }
0x49: {  	_ =	shalt  }
0x4a: {  	_ =	shalt  }
0x4b: {  	_ =	shalt  }
0x4c: {  	_ =	shalt  }
0x4d: {  	_ =	shalt  }
0x4e: {  	_ =	shalt  }
0x4f: {  	_ =	shalt  }
0x50: {  	_ =	shalt  }
0x51: {  	_ =	shalt  }
0x52: {  	_ =	shalt  }
0x53: {  	_ =	shalt  }
0x54: {  	_ =	shalt  }
0x55: {  	_ =	shalt  }
0x56: {  	_ =	shalt  }
0x57: {  	_ =	shalt  }
0x58: {  	_ =	shalt  }
0x59: {  	_ =	shalt  }
0x5a: {  	_ =	shalt  }
0x5b: {  	_ =	shalt  }
0x5c: {  	_ =	shalt  }
0x5d: {  	_ =	shalt  }
0x5e: {  	_ =	shalt  }
0x5f: {  	_ =	shalt  }
0x60: {  	_ =	shalt  }
0x61: {  	_ =	shalt  }
0x62: {  	_ =	shalt  }
0x63: {  	_ =	shalt  }
0x64: {  	_ =	shalt  }
0x65: {  	_ =	shalt  }
0x66: {  	_ =	shalt  }
0x67: {  	_ =	shalt  }
0x68: {  	_ =	shalt  }
0x69: {  	_ =	shalt  }
0x6a: {  	_ =	shalt  }
0x6b: {  	_ =	shalt  }
0x6c: {  	_ =	shalt  }
0x6d: {  	_ =	shalt  }
0x6e: {  	_ =	shalt  }
0x6f: {  	_ =	shalt  }
0x70: {  	_ =	shalt  }
0x71: {  	_ =	shalt  }
0x72: {  	_ =	shalt  }
0x73: {  	_ =	shalt  }
0x74: {  	_ =	shalt  }
0x75: {  	_ =	shalt  }
0x76: {  	_ =	shalt  }
0x77: {  	_ =	shalt  }
0x78: {  	_ =	shalt  }
0x79: {  	_ =	shalt  }
0x7a: {  	_ =	shalt  }
0x7b: {  	_ =	shalt  }
0x7c: {  	_ =	shalt  }
0x7d: {  	_ =	shalt  }
0x7e: {  	_ =	shalt  }
0x7f: {  	_ =	shalt  }
0x80: {  	_ =	shalt  }
0x81: {  	_ =	shalt  }
0x82: {  	_ =	shalt  }
0x83: {  	_ =	shalt  }
0x84: {  	_ =	shalt  }
0x85: {  	_ =	shalt  }
0x86: {  	_ =	shalt  }
0x87: {  	_ =	shalt  }
.Lfunc_end0:
.L_simem_size_0:
called_computation.4_lowered:
.L_overlay_start_0:
0x88: {  	s2 =	sld [smem:$0x3FD9]  }
0x89: {  	s3 =	sld [smem:$0x3FFE];
	_ =	sdelay $0x1  }
0x8a: {  	s1 =	srdreg.scid  }
0x8b: {  	s0 =	sand.u32 $0x1, s1  }
0x8c: {  	s17 =	sshll.u32 s0, $0xA;
	s2 =	sadd.s32 s3, s2  }
0x8d: {  	s2 =	sadd.s32 s2, s17  }
0x8e: {  	[smem:$0x3FBE] =	sst s2  }
0x8f: {  	_ = 	snop  }
0x90: {  	s2 =	sld [smem:$0x3FD0];
	(tm) =	ssettm $0x1  }
0x91: {  	s18 =	sld [smem:$0x3FFB];
	_ =	sdelay $0x3  }
0x92: {  	_ =	strace s18  }
0x93: {  	s3 =	sld [smem:$0x3FFC];
	_ =	sdelay $0x3  }
0x94: {  	_ =	strace s3  }
0x95: {  	s3 =	sld [smem:$0x3FFD];
	_ =	sdelay $0x3  }
0x96: {  	_ =	strace s3  }
0x97: {  	_ =	strace $0x8FFFFFFF  }
0x98: {  	s19 =	sld [smem:$0x3FDB];
	_ =	sdelay $0x1  }
0x99: {  	s4 =	simm.s32 $_scs_section_size  }
0x9a: {  	s5 =	simm.s32 $_size__tile_overlayer_lowered;
	s6 =	simm.s32 $_tile_overlayer_lowered  }
0x9b: {  	s22 =	simm.s32 $0x1BFF;
	s21 =	sshll.u32 s6, $0x1;
	s3 =	sadd.s32 s4, s19  }
0x9c: {  	s7 =	simm.s32 $0x0;
	s20 =	sshll.u32 s5, $0x1;
	s5 =	sadd.s32 s21, s3  }
0x9d: {  	[timem:s7], [sflag:s22] =	dma.local [hbm:s5], s20  }
0x9e: {  	_ =	swait.ge [sflag:s22], s20  }
0x9f: {  	s4 =	ssub.s32 $0x0, s20;
	[sflag:s22] =	ssyncset.done $0x0  }
0xa0: {  	[sflag:s22] =	ssyncadd.s32 s4;
	_ =	sdelay $0x1  }
0xa1: {  	s23 =	simm.s32 $0x1B8B  }
0xa2: {  	_ =	swait.ge [sflag:s23], $0x1  }
0xa3: {  	[sflag:s23] =	ssyncset.done $0x0  }
0xa4: {  	s25 =	simm.s32 $0x1B8E;
	s24 =	sld [smem:$0x3FFE];
	[sflag:s23] =	ssyncadd.s32 $0xFFFFFFFF  }
0xa5: {  	s26 =	simm.s32 $execute0_lowered;
	[smem:$0x3FD2] =	sst s25  }
0xa6: {  	s5 =	sshll.u32 s26, $0x1;
	_ =	strace $0x80000064;
	[dreg:$0x1] =	wrdreg $0xFFFFFFFF  }
0xa7: {  	s28 =	simm.s32 $_size_execute0_lowered;
	s3 =	sadd.s32 s3, s5;
	[dreg:$0x0] =	wrdreg $0x0  }
0xa8: {  	s5 =	sshll.u32 s28, $0x1;
	[dreg:$0x2] =	wrdreg s3  }
0xa9: {  	[dreg:$0x3] =	wrdreg s5  }
0xaa: {  	[dreg:$0x4] =	wrdreg $0xC0  }
0xab: {  	_ =	task [dreg:s7], $0x5FFFF  }
0xac: {  	[dreg:$0x1] =	wrdreg $0xFFFFFFFF  }
0xad: {  	[dreg:$0x0] =	wrdreg $0x60  }
0xae: {  	[dreg:$0x2] =	wrdreg s24  }
0xaf: {  	[dreg:$0x3] =	wrdreg s2  }
0xb0: {  	[dreg:$0x4] =	wrdreg $0xA8000  }
0xb1: {  	[dreg:$0x5] =	wrdreg $0x9  }
0xb2: {  	_ =	task.clear_ibuf [dreg:s7], $0x6FFFF;
	_ =	strace $0x90000064  }
0xb3: {  	s29 =	simm.s32 $0x9;
	_ =	strace $0x8000006C  }
0xb4: {  	_ =	swait.ge [sflag:s29], $0x1  }
0xb5: {  	[sflag:s29] =	ssyncadd.s32 $0xFFFFFFFF  }
0xb6: {  	_ =	strace $0x9000006C  }
0xb7: {  	_ =	sfence  }
0xb8: {  	s30 =	sld [smem:$0x0];
	_ =	sdelay $0x2  }
0xb9: {  	s31 =	sshll.u32 s1, $0xD;
	s1 =	sshrl.u32 s1, $0x2  }
0xba: {  	s3 =	sand.u32 $0x4000, s31;
	s1 =	sadd.s32 s1, s30  }
0xbb: {  	s0 =	sor.u32 s3, s0;
	s1 =	sshll.u32 s1, $0x11  }
0xbc: {  	s0 =	sor.u32 s1, s0  }
0xbd: {  	s0 =	sadd.s32 $0x8F2B, s0  }
0xbe: {  	[sflag:s0] =	ssyncadd.remote.s32 $0x1  }
0xbf: {  	_ =	sfence.sel $0xFFFF  }
0xc0: {  	[dreg:$0x0] =	wrdreg $0xFFFFFFFF;
	(pc) =	sbr.abs _section_cstart, $3  }
0xc1: {  	[dreg:$0x1] =	wrdreg $0xFFFFFFFF  }
0xc2: {  	_ =	task.clear_ibuf [dreg:s7], $0x2FFFF;
	_ =	strace $0x9FFFFFFF  }
0xc3: {  	(tm) =	ssettm $0x7FFFFFFF  }
tec
execute0_lowered:
.L_overlay_start_1:
0x0: {  	(tag) =	ssettag $0x1  }
0x1: {  	s0 =	rddreg [dreg:$0x0]  }
0x2: {  	s2 =	rddreg [dreg:$0x1]  }
0x3: {  	s1 =	rddreg [dreg:$0x2];
	s3 =	srdreg.scid  }
0x4: {  	s4 =	simm.s32 $0x0;
	s24 =	stileid.u32;
	s18 =	simm.s32 $0x2800  }
0x5: {  	s19 =	simm.s32 $0x1400;
	s20 =	simm.s32 $0x80;
	s21 =	simm.s32 $0x1  }
0x6: {  	s22 =	simm.s32 $0x6800;
	s5 =	sand.u32 $0x1, s3;
	[smem:$0x7FF] =	sst s4  }
0x7: {  	s7 =	smul.u32 $0x14000, s24;
	s4 =	sadd.s32 $0xE400, s0;
	s14 =	sadd.s32 $0x4400, s0  }
0x8: {  	s25 =	sshll.u32 s24, $0x1;
	s8 =	smul.u32 $0x50000, s24;
	s24 =	simm.s32 $0x2  }
0x9: {  	s6 =	smul.u32 $0x140000, s5;
	_ =	strace $0x80000065;
	s26 =	ssub.s32 $0x2, s5  }
0xa: {  	s23 =	sor.u32 s5, s25;
	s25 =	simm.s32 $0x3;
	s28 =	sshrl.u32 s26, $0x1  }
0xb: {  	s8 =	sshrl.u32 s8, $0x2;
	s10 =	smul.u32 $0x2800, s23;
	p0 =	seq.s32 s23, $0x1F  }
0xc: {  	s6 =	sadd.s32 s7, s6;
	s7 =	smul.u32 $0xFFFFFFB0, s23;
	s17 =	ssub.s32 s26, s28  }
0xd: {  	s5 =	sadd.s32 s8, s1;
	s26 =	simm.s32 $0x0;
	s6 =	sshrl.u32 s6, $0x3  }
0xe: {  	s29 =	sadd.s32 $0x4000, s5;
	s30 =	sadd.s32 $0x8000, s5;
	s31 =	sadd.s32 $0xC000, s5  }
0xf: {  	s9 =	sadd.s32 $0x10000, s5;
	s13 =	sshrl.u32 s10, $0x3;
	[dreg:$0x4] =	wrdreg s29  }
0x10: {  	s17 =	smax.u32 s17, $0x1;
	s0 =	sadd.s32 s6, s0;
	[dreg:$0x5] =	wrdreg s30  }
0x11: {  	s12 =	sadd.s32 $0x9C4, s7;
	[dreg:$0x6] =	wrdreg s31;
	s11 =	sadd.s32 s14, s13  }
0x12: {  	s16 =	sadd.s32 $0x280, s13;
	s10 =	smin.u32 s12, $0x28;
	s15 =	smax.u32 s12, $0x28  }
0x13: {  	s12 =	sadd.s32 s2, s13;
	s14 =	sadd.s32 s14, s16;
	s15 =	smin.u32 s15, $0x50  }
0x14: {  	v0 =	vimm.f32 $0.0e+00;
	s13 =	sadd.s32 $0xFFFFFFD8, s15;
	s15 =	sadd.s32 s2, s16;
	s16 =	sadd.s32 $0x36400, s0  }
.LBB2_1:
0x15: {  	_ =	strace $0x80000066;
	s0 =	simm.s32 $0x0;
	s2 =	simm.s32 $0x200  }
.LBB2_2:
0x16: {  	p1 =	sne.s32 s2, $0xFE00;
	[tilespmem:s0+$0x2870] =	vst v0  }
0x17: {  	[tilespmem:s0+$0x2800] =	vst v0  }
0x18: {  	[tilespmem:s0+$0x2810] =	vst v0  }
.Ltmp0:
0x19: {  	[tilespmem:s0+$0x2820] =	vst v0;
	(pc) =	sbr.rel @p1 .LBB2_2-.Ltmp0, $4  }
0x1a: {  	[tilespmem:s0+$0x2830] =	vst v0  }
0x1b: {  	[tilespmem:s0+$0x2840] =	vst v0  }
0x1c: {  	[tilespmem:s0+$0x2850] =	vst v0  }
0x1d: {  	[tilespmem:s0+$0x2860] =	vst v0;
	s0 =	sshra.s32 s2, $0x2;
	s2 =	sadd.s32 $0x200, s2  }
0x1e: {  	[tilespmem:s0+$0x2870] =	vst v0  }
0x1f: {  	[tilespmem:s0+$0x2800] =	vst v0  }
0x20: {  	[tilespmem:s0+$0x2810] =	vst v0  }
0x21: {  	[tilespmem:s0+$0x2820] =	vst v0  }
0x22: {  	[tilespmem:s0+$0x2830] =	vst v0  }
0x23: {  	[tilespmem:s0+$0x2840] =	vst v0  }
0x24: {  	[tilespmem:s0+$0x2850] =	vst v0  }
0x25: {  	[tilespmem:s0+$0x2860] =	vst v0;
	s3 =	simm.s32 $0x3  }
0x26: {  	[spmem:s5] =	stream.linear.scatter [tilespmem:s18], [sflag:$0x3], $0x4000, $0x200038;
	[tilespmem:$0x1E800] =	vst v63  }
0x27: {  	_ =	swait.ge [sflag:s3], $0x4000  }
0x28: {  	[sflag:s3] =	ssyncset.done $0x0  }
0x29: {  	s2 =	rddreg [dreg:$0x4];
	[sflag:s3] =	ssyncadd.s32 $0xFFFFC000  }
0x2a: {  	[spmem:s2] =	stream.linear.scatter [tilespmem:s18], [sflag:$0x3], $0x4000, $0x200038;
	[tilespmem:$0x1E800] =	vst v63  }
0x2b: {  	_ =	swait.ge [sflag:s3], $0x4000  }
0x2c: {  	[sflag:s3] =	ssyncset.done $0x0  }
0x2d: {  	s6 =	rddreg [dreg:$0x5];
	[sflag:s3] =	ssyncadd.s32 $0xFFFFC000  }
0x2e: {  	[spmem:s6] =	stream.linear.scatter [tilespmem:s18], [sflag:$0x3], $0x4000, $0x200038;
	[tilespmem:$0x1E800] =	vst v63  }
0x2f: {  	_ =	swait.ge [sflag:s3], $0x4000  }
0x30: {  	[sflag:s3] =	ssyncset.done $0x0  }
0x31: {  	s7 =	rddreg [dreg:$0x6];
	[sflag:s3] =	ssyncadd.s32 $0xFFFFC000  }
0x32: {  	[spmem:s7] =	stream.linear.scatter [tilespmem:s18], [sflag:$0x3], $0x4000, $0x200038;
	[tilespmem:$0x1E800] =	vst v63  }
0x33: {  	_ =	swait.ge [sflag:s3], $0x4000  }
0x34: {  	[sflag:s3] =	ssyncset.done $0x0  }
0x35: {  	[sflag:s3] =	ssyncadd.s32 $0xFFFFC000  }
0x36: {  	[spmem:s9] =	stream.linear.scatter [tilespmem:s18], [sflag:$0x3], $0x4000, $0x200038;
	[tilespmem:$0x1E800] =	vst v63  }
0x37: {  	_ =	swait.ge [sflag:s3], $0x4000  }
0x38: {  	[sflag:s3] =	ssyncset.done $0x0  }
0x39: {  	[sflag:s3] =	ssyncadd.s32 $0xFFFFC000  }
0x3a: {  	[bflag:$0x0] =	sbarrier.arrive $0xFFFF  }
0x3b: {  	_ =	strace $0x90000066  }
0x3c: {  	s8 =	simm.s32 $0x0;
	_ =	strace $0x80000067  }
0x3d: {  	[tilespmem:s8], [sflag:$0x3] =	stream.linear.gather [hbm4b:s11+s8], $0x1400, $0x200038;
	[tilespmem:$0x1E800] =	vst v63  }
0x3e: {  	_ =	swait.ge [sflag:s3], $0x1400  }
0x3f: {  	[sflag:s3] =	ssyncset.done $0x0  }
0x40: {  	[sflag:s3] =	ssyncadd.s32 $0xFFFFEC00  }
0x41: {  	[tilespmem:s19], [sflag:$0x3] =	stream.linear.gather [hbm4b:s12+s8], $0x1400, $0x200038;
	[tilespmem:$0x1E800] =	vst v63  }
0x42: {  	_ =	swait.ge [sflag:s3], $0x1400  }
0x43: {  	[sflag:s3] =	ssyncset.done $0x0  }
0x44: {  	[sflag:s3] =	ssyncadd.s32 $0xFFFFEC00  }
0x45: {  	_ =	strace $0x90000067  }
0x46: {  	_ =	strace $0x80000068  }
0x47: {  	[tilespmem:s18], [sflag:$0x1] =	stream.indirect.gather [hbm4b:s4+s20], $0x80, s8, s20, $0x2000b8;
	[tilespmem:$0x1E800] =	vst v63  }
0x48: {  	_ =	swait.ge [sflag:s21], $0x4000  }
0x49: {  	[sflag:s21] =	ssyncset.done $0x0  }
0x4a: {  	[sflag:s21] =	ssyncadd.s32 $0xFFFFC000  }
0x4b: {  	[spmem:s1] =	stream.indirect.scatter.add.f32 [tilespmem:s18], [sflag:$0x2], $0x80, s19, s20, $0x2000b8;
	[tilespmem:$0x1E800] =	vst v63  }
0x4c: {  	_ = 	snop  }
0x4d: {  	[tilespmem:s22], [sflag:$0x1] =	stream.indirect.gather [hbm4b:s4+s20], $0x80, s20, s20, $0x2000b8;
	[tilespmem:$0x1E800] =	vst v63  }
0x4e: {  	_ =	swait.ge [sflag:s21], $0x4000  }
0x4f: {  	p1 =	sle.u32 s10, $0x2;
	[sflag:s21] =	ssyncset.done $0x0  }
0x50: {  	s23 =	simm.s32 $0x1480;
	s0 =	simm.s32 @!p1 $0x2;
	[sflag:s21] =	ssyncadd.s32 $0xFFFFC000  }
0x51: {  	[spmem:s1] =	stream.indirect.scatter.add.f32 [tilespmem:s22], [sflag:$0x2], $0x80, s23, s20, $0x2000b8;
	[tilespmem:$0x1E800] =	vst v63  }
0x52: {  	_ =	swait.ge @!p1 [sflag:s0], $0x4000  }
0x53: {  	s28 =	simm.s32 @!p1 $0x80;
	s2 =	simm.s32 @!p1 $0x2800;
	[sflag:s0] =	ssyncset.done @!p1 $0x0  }
0x54: {  	s23 =	simm.s32 @!p1 $0x100;
	[sflag:s0] =	ssyncadd.s32 @!p1 $0xFFFFC000;
	s0 =	simm.s32 @!p1 $0x1  }
0x55: {  	[tilespmem:s2], [sflag:$0x1] =	stream.indirect.gather @!p1 [hbm4b:s4+s28], $0x80, s23, s28, $0x2000b8;
	[tilespmem:$0x1E800] =	vst v63  }
0x56: {  	_ =	swait.ge @!p1 [sflag:s0], $0x4000  }
0x57: {  	p2 =	sle.u32 s10, $0x3;
	[sflag:s0] =	ssyncset.done @!p1 $0x0  }
0x58: {  	s30 =	simm.s32 @!p2 $0x2;
	s23 =	simm.s32 @!p1 $0x1500;
	[sflag:s0] =	ssyncadd.s32 @!p1 $0xFFFFC000  }
0x59: {  	[spmem:s1] =	stream.indirect.scatter.add.f32 @!p1 [tilespmem:s2], [sflag:$0x2], $0x80, s23, s28, $0x2000b8;
	[tilespmem:$0x1E800] =	vst v63  }
0x5a: {  	_ =	swait.ge @!p2 [sflag:s30], $0x4000  }
0x5b: {  	s29 =	simm.s32 $0x400;
	s31 =	simm.s32 @!p2 $0x80;
	[sflag:s30] =	ssyncset.done @!p2 $0x0  }
0x5c: {  	s0 =	simm.s32 @!p2 $0x6800;
	s2 =	simm.s32 @!p2 $0x180;
	[sflag:s30] =	ssyncadd.s32 @!p2 $0xFFFFC000  }
0x5d: {  	[tilespmem:s0], [sflag:$0x1] =	stream.indirect.gather @!p2 [hbm4b:s4+s31], $0x80, s2, s31, $0x2000b8;
	[tilespmem:$0x1E800] =	vst v63  }
0x5e: {  	s28 =	simm.s32 $0x5;
	s23 =	simm.s32 @!p2 $0x1580;
	s2 =	simm.s32 @!p2 $0x1  }
0x5f: {  	p1 =	sle.u32 s10, $0x4;
	s30 =	simm.s32 $0x800;
	_ =	swait.ge @!p2 [sflag:s2], $0x4000  }
.LBB2_4:
0x60: {  	s3 =	simm.s32 @!p1 $0x2;
	[sflag:s2] =	ssyncset.done @!p2 $0x0  }
0x61: {  	s6 =	smov.u32 s30;
	s30 =	sadd.s32 $0x400, s30;
	s7 =	smov.u32 s28  }
0x62: {  	p3 =	sne.s32 s30, $0x4C00;
	[sflag:s2] =	ssyncadd.s32 @!p2 $0xFFFFC000  }
0x63: {  	[spmem:s1] =	stream.indirect.scatter.add.f32 @!p2 [tilespmem:s0], [sflag:$0x2], $0x80, s23, s31, $0x2000b8;
	[tilespmem:$0x1E800] =	vst v63  }
0x64: {  	s2 =	simm.s32 @!p1 $0x2800;
	s0 =	sshra.s32 @!p1 s29, $0x2;
	_ =	swait.ge @!p1 [sflag:s3], $0x4000  }
0x65: {  	s31 =	simm.s32 @!p1 $0x80;
	s23 =	sadd.s32 @!p1 $0x100, s0;
	[sflag:s3] =	ssyncset.done @!p1 $0x0  }
0x66: {  	s0 =	sadd.s32 @!p1 $0x1500, s0;
	[sflag:s3] =	ssyncadd.s32 @!p1 $0xFFFFC000;
	s3 =	simm.s32 @!p1 $0x1  }
0x67: {  	[tilespmem:s2], [sflag:$0x1] =	stream.indirect.gather @!p1 [hbm4b:s4+s31], $0x80, s23, s31, $0x2000b8;
	[tilespmem:$0x1E800] =	vst v63  }
0x68: {  	s28 =	sadd.s32 $0x2, s28;
	_ =	swait.ge @!p1 [sflag:s3], $0x4000  }
0x69: {  	s8 =	sadd.s32 $0xFFFFFFFF, s28;
	p2 =	sge.u32 s7, s10;
	[sflag:s3] =	ssyncset.done @!p1 $0x0  }
0x6a: {  	s7 =	sshra.s32 @!p2 s29, $0x2;
	[sflag:s3] =	ssyncadd.s32 @!p1 $0xFFFFC000;
	s3 =	simm.s32 @!p2 $0x2  }
0x6b: {  	[spmem:s1] =	stream.indirect.scatter.add.f32 @!p1 [tilespmem:s2], [sflag:$0x2], $0x80, s0, s31, $0x2000b8;
	[tilespmem:$0x1E800] =	vst v63  }
.Ltmp1:
0x6c: {  	s29 =	sadd.s32 @!p2 $0x180, s7;
	_ =	swait.ge @!p2 [sflag:s3], $0x4000;
	(pc) =	sbr.rel @p3 .LBB2_4-.Ltmp1, $4  }
0x6d: {  	s31 =	simm.s32 @!p2 $0x80;
	s0 =	simm.s32 @!p2 $0x6800;
	[sflag:s3] =	ssyncset.done @!p2 $0x0  }
0x6e: {  	s23 =	sadd.s32 @!p2 $0x1580, s7;
	s2 =	simm.s32 @!p2 $0x1;
	[sflag:s3] =	ssyncadd.s32 @!p2 $0xFFFFC000  }
0x6f: {  	[tilespmem:s0], [sflag:$0x1] =	stream.indirect.gather @!p2 [hbm4b:s4+s31], $0x80, s29, s31, $0x2000b8;
	[tilespmem:$0x1E800] =	vst v63  }
0x70: {  	p1 =	sge.u32 s8, s10;
	s29 =	smov.u32 s6;
	_ =	swait.ge @!p2 [sflag:s2], $0x4000  }
0x71: {  	[sflag:s2] =	ssyncset.done @!p2 $0x0  }
0x72: {  	s3 =	simm.s32 @!p1 $0x2;
	[sflag:s2] =	ssyncadd.s32 @!p2 $0xFFFFC000  }
0x73: {  	[spmem:s1] =	stream.indirect.scatter.add.f32 @!p2 [tilespmem:s0], [sflag:$0x2], $0x80, s23, s31, $0x2000b8;
	[tilespmem:$0x1E800] =	vst v63  }
0x74: {  	s7 =	simm.s32 @!p1 $0x80;
	_ =	swait.ge @!p1 [sflag:s3], $0x4000  }
0x75: {  	s2 =	simm.s32 @!p1 $0x2800;
	s0 =	sshra.s32 @!p1 s29, $0x2;
	[sflag:s3] =	ssyncset.done @!p1 $0x0  }
0x76: {  	s6 =	sadd.s32 @!p1 $0x100, s0;
	[sflag:s3] =	ssyncadd.s32 @!p1 $0xFFFFC000;
	s3 =	simm.s32 @!p1 $0x1  }
0x77: {  	[tilespmem:s2], [sflag:$0x1] =	stream.indirect.gather @!p1 [hbm4b:s4+s7], $0x80, s6, s7, $0x2000b8;
	[tilespmem:$0x1E800] =	vst v63  }
0x78: {  	_ =	swait.ge @!p1 [sflag:s3], $0x4000  }
0x79: {  	p2 =	sge.u32 s28, s10;
	[sflag:s3] =	ssyncset.done @!p1 $0x0  }
0x7a: {  	s0 =	sadd.s32 @!p1 $0x1500, s0;
	[sflag:s3] =	ssyncadd.s32 @!p1 $0xFFFFC000;
	s3 =	simm.s32 @!p2 $0x2  }
0x7b: {  	[spmem:s1] =	stream.indirect.scatter.add.f32 @!p1 [tilespmem:s2], [sflag:$0x2], $0x80, s0, s7, $0x2000b8;
	[tilespmem:$0x1E800] =	vst v63  }
0x7c: {  	s6 =	simm.s32 @!p2 $0x80;
	_ =	swait.ge @!p2 [sflag:s3], $0x4000  }
0x7d: {  	s0 =	sshra.s32 @!p2 s29, $0x2;
	s7 =	simm.s32 @!p2 $0x6800;
	[sflag:s3] =	ssyncset.done @!p2 $0x0  }
0x7e: {  	s2 =	sadd.s32 @!p2 $0x180, s0;
	[sflag:s3] =	ssyncadd.s32 @!p2 $0xFFFFC000;
	s3 =	simm.s32 @!p2 $0x1  }
0x7f: {  	[tilespmem:s7], [sflag:$0x1] =	stream.indirect.gather @!p2 [hbm4b:s4+s6], $0x80, s2, s6, $0x2000b8;
	[tilespmem:$0x1E800] =	vst v63  }
0x80: {  	_ =	swait.ge @!p2 [sflag:s3], $0x4000  }
0x81: {  	[sflag:s3] =	ssyncset.done @!p2 $0x0  }
0x82: {  	s0 =	sadd.s32 @!p2 $0x1580, s0;
	[sflag:s3] =	ssyncadd.s32 @!p2 $0xFFFFC000  }
0x83: {  	[spmem:s1] =	stream.indirect.scatter.add.f32 @!p2 [tilespmem:s7], [sflag:$0x2], $0x80, s0, s6, $0x2000b8;
	[tilespmem:$0x1E800] =	vst v63  }
0x84: {  	_ =	swait.ge [sflag:s24], $0x4000  }
0x85: {  	[sflag:s24] =	ssyncset.done $0x0  }
0x86: {  	[sflag:s24] =	ssyncadd.s32 $0xFFFFC000  }
0x87: {  	_ =	swait.ge [sflag:s24], $0x4000  }
0x88: {  	[sflag:s24] =	ssyncset.done $0x0  }
0x89: {  	[sflag:s24] =	ssyncadd.s32 $0xFFFFC000  }
0x8a: {  	_ =	strace $0x90000068  }
0x8b: {  	s23 =	simm.s32 $0x0;
	_ =	strace $0x80000069  }
0x8c: {  	[tilespmem:s23], [sflag:$0x3] =	stream.linear.gather [hbm4b:s14+s23], $0x1400, $0x200038;
	[tilespmem:$0x1E800] =	vst v63  }
0x8d: {  	_ =	swait.ge [sflag:s25], $0x1400  }
0x8e: {  	[sflag:s25] =	ssyncset.done $0x0  }
0x8f: {  	[sflag:s25] =	ssyncadd.s32 $0xFFFFEC00  }
0x90: {  	[tilespmem:s19], [sflag:$0x3] =	stream.linear.gather [hbm4b:s15+s23], $0x1400, $0x200038;
	[tilespmem:$0x1E800] =	vst v63  }
0x91: {  	_ =	swait.ge [sflag:s25], $0x1400  }
0x92: {  	[sflag:s25] =	ssyncset.done $0x0  }
0x93: {  	[sflag:s25] =	ssyncadd.s32 $0xFFFFEC00  }
0x94: {  	s2 =	simm.s32 @!p0 $0x0;
	_ =	strace $0x90000069  }
0x95: {  	s3 =	simm.s32 @!p0 $0x2800;
	s0 =	simm.s32 @!p0 $0x80;
	_ =	strace $0x8000006A  }
0x96: {  	[tilespmem:s3], [sflag:$0x1] =	stream.indirect.gather @!p0 [hbm4b:s4+s0], $0x80, s2, s0, $0x2000b8;
	[tilespmem:$0x1E800] =	vst v63  }
0x97: {  	s2 =	simm.s32 @!p0 $0x1  }
0x98: {  	_ =	swait.ge @!p0 [sflag:s2], $0x4000  }
0x99: {  	[sflag:s2] =	ssyncset.done @!p0 $0x0  }
0x9a: {  	s6 =	simm.s32 @!p0 $0x1400;
	[sflag:s2] =	ssyncadd.s32 @!p0 $0xFFFFC000  }
0x9b: {  	[spmem:s1] =	stream.indirect.scatter.add.f32 @!p0 [tilespmem:s3], [sflag:$0x2], $0x80, s6, s0, $0x2000b8;
	[tilespmem:$0x1E800] =	vst v63  }
0x9c: {  	s3 =	simm.s32 @!p0 $0x6800  }
0x9d: {  	[tilespmem:s3], [sflag:$0x1] =	stream.indirect.gather @!p0 [hbm4b:s4+s0], $0x80, s0, s0, $0x2000b8;
	[tilespmem:$0x1E800] =	vst v63  }
0x9e: {  	_ =	swait.ge @!p0 [sflag:s2], $0x4000  }
0x9f: {  	[sflag:s2] =	ssyncset.done @!p0 $0x0  }
0xa0: {  	p1 =	sle.u32 s13, $0x2;
	[sflag:s2] =	ssyncadd.s32 @!p0 $0xFFFFC000;
	s2 =	simm.s32 @!p0 $0x1480  }
0xa1: {  	[spmem:s1] =	stream.indirect.scatter.add.f32 @!p0 [tilespmem:s3], [sflag:$0x2], $0x80, s2, s0, $0x2000b8;
	[tilespmem:$0x1E800] =	vst v63  }
0xa2: {  	s0 =	simm.s32 @!p1 $0x2  }
0xa3: {  	_ =	swait.ge @!p1 [sflag:s0], $0x4000  }
0xa4: {  	s6 =	simm.s32 @!p1 $0x80;
	s2 =	simm.s32 @!p1 $0x2800;
	[sflag:s0] =	ssyncset.done @!p1 $0x0  }
0xa5: {  	s3 =	simm.s32 @!p1 $0x100;
	[sflag:s0] =	ssyncadd.s32 @!p1 $0xFFFFC000;
	s0 =	simm.s32 @!p1 $0x1  }
0xa6: {  	[tilespmem:s2], [sflag:$0x1] =	stream.indirect.gather @!p1 [hbm4b:s4+s6], $0x80, s3, s6, $0x2000b8;
	[tilespmem:$0x1E800] =	vst v63  }
0xa7: {  	_ =	swait.ge @!p1 [sflag:s0], $0x4000  }
0xa8: {  	p2 =	sle.u32 s13, $0x3;
	[sflag:s0] =	ssyncset.done @!p1 $0x0  }
0xa9: {  	s7 =	simm.s32 @!p2 $0x2;
	s3 =	simm.s32 @!p1 $0x1500;
	[sflag:s0] =	ssyncadd.s32 @!p1 $0xFFFFC000  }
0xaa: {  	[spmem:s1] =	stream.indirect.scatter.add.f32 @!p1 [tilespmem:s2], [sflag:$0x2], $0x80, s3, s6, $0x2000b8;
	[tilespmem:$0x1E800] =	vst v63  }
0xab: {  	_ =	swait.ge @!p2 [sflag:s7], $0x4000  }
0xac: {  	s30 =	simm.s32 $0x800;
	s31 =	simm.s32 @!p2 $0x80;
	[sflag:s7] =	ssyncset.done @!p2 $0x0  }
0xad: {  	s0 =	simm.s32 @!p2 $0x6800;
	s2 =	simm.s32 @!p2 $0x180;
	[sflag:s7] =	ssyncadd.s32 @!p2 $0xFFFFC000  }
0xae: {  	[tilespmem:s0], [sflag:$0x1] =	stream.indirect.gather @!p2 [hbm4b:s4+s31], $0x80, s2, s31, $0x2000b8;
	[tilespmem:$0x1E800] =	vst v63  }
0xaf: {  	s28 =	simm.s32 $0x5;
	s29 =	simm.s32 $0x400;
	s2 =	simm.s32 @!p2 $0x1  }
0xb0: {  	s23 =	simm.s32 @!p2 $0x1580;
	p1 =	sle.u32 s13, $0x4;
	_ =	swait.ge @!p2 [sflag:s2], $0x4000  }
.LBB2_6:
0xb1: {  	s3 =	simm.s32 @!p1 $0x2;
	[sflag:s2] =	ssyncset.done @!p2 $0x0  }
0xb2: {  	s6 =	smov.u32 s30;
	s30 =	sadd.s32 $0x400, s30;
	s7 =	smov.u32 s28  }
0xb3: {  	p3 =	sne.s32 s30, $0x4C00;
	[sflag:s2] =	ssyncadd.s32 @!p2 $0xFFFFC000  }
0xb4: {  	[spmem:s1] =	stream.indirect.scatter.add.f32 @!p2 [tilespmem:s0], [sflag:$0x2], $0x80, s23, s31, $0x2000b8;
	[tilespmem:$0x1E800] =	vst v63  }
0xb5: {  	s2 =	simm.s32 @!p1 $0x2800;
	s0 =	sshra.s32 @!p1 s29, $0x2;
	_ =	swait.ge @!p1 [sflag:s3], $0x4000  }
0xb6: {  	s23 =	simm.s32 @!p1 $0x80;
	s8 =	sadd.s32 @!p1 $0x100, s0;
	[sflag:s3] =	ssyncset.done @!p1 $0x0  }
0xb7: {  	s0 =	sadd.s32 @!p1 $0x1500, s0;
	[sflag:s3] =	ssyncadd.s32 @!p1 $0xFFFFC000;
	s3 =	simm.s32 @!p1 $0x1  }
0xb8: {  	[tilespmem:s2], [sflag:$0x1] =	stream.indirect.gather @!p1 [hbm4b:s4+s23], $0x80, s8, s23, $0x2000b8;
	[tilespmem:$0x1E800] =	vst v63  }
0xb9: {  	s28 =	sadd.s32 $0x2, s28;
	_ =	swait.ge @!p1 [sflag:s3], $0x4000  }
0xba: {  	p2 =	sge.u32 s7, s13;
	s8 =	sadd.s32 $0xFFFFFFFF, s28;
	[sflag:s3] =	ssyncset.done @!p1 $0x0  }
0xbb: {  	s7 =	sshra.s32 @!p2 s29, $0x2;
	[sflag:s3] =	ssyncadd.s32 @!p1 $0xFFFFC000;
	s3 =	simm.s32 @!p2 $0x2  }
0xbc: {  	[spmem:s1] =	stream.indirect.scatter.add.f32 @!p1 [tilespmem:s2], [sflag:$0x2], $0x80, s0, s23, $0x2000b8;
	[tilespmem:$0x1E800] =	vst v63  }
.Ltmp2:
0xbd: {  	s29 =	sadd.s32 @!p2 $0x180, s7;
	_ =	swait.ge @!p2 [sflag:s3], $0x4000;
	(pc) =	sbr.rel @p3 .LBB2_6-.Ltmp2, $4  }
0xbe: {  	s31 =	simm.s32 @!p2 $0x80;
	s0 =	simm.s32 @!p2 $0x6800;
	[sflag:s3] =	ssyncset.done @!p2 $0x0  }
0xbf: {  	s2 =	simm.s32 @!p2 $0x1;
	s23 =	sadd.s32 @!p2 $0x1580, s7;
	[sflag:s3] =	ssyncadd.s32 @!p2 $0xFFFFC000  }
0xc0: {  	[tilespmem:s0], [sflag:$0x1] =	stream.indirect.gather @!p2 [hbm4b:s4+s31], $0x80, s29, s31, $0x2000b8;
	[tilespmem:$0x1E800] =	vst v63  }
0xc1: {  	p1 =	sge.u32 s8, s13;
	s29 =	smov.u32 s6;
	_ =	swait.ge @!p2 [sflag:s2], $0x4000  }
0xc2: {  	[sflag:s2] =	ssyncset.done @!p2 $0x0  }
0xc3: {  	s3 =	simm.s32 @!p1 $0x2;
	[sflag:s2] =	ssyncadd.s32 @!p2 $0xFFFFC000  }
0xc4: {  	[spmem:s1] =	stream.indirect.scatter.add.f32 @!p2 [tilespmem:s0], [sflag:$0x2], $0x80, s23, s31, $0x2000b8;
	[tilespmem:$0x1E800] =	vst v63  }
0xc5: {  	s7 =	simm.s32 @!p1 $0x80;
	_ =	swait.ge @!p1 [sflag:s3], $0x4000  }
0xc6: {  	s2 =	simm.s32 @!p1 $0x2800;
	s0 =	sshra.s32 @!p1 s29, $0x2;
	[sflag:s3] =	ssyncset.done @!p1 $0x0  }
0xc7: {  	s6 =	sadd.s32 @!p1 $0x100, s0;
	[sflag:s3] =	ssyncadd.s32 @!p1 $0xFFFFC000;
	s3 =	simm.s32 @!p1 $0x1  }
0xc8: {  	[tilespmem:s2], [sflag:$0x1] =	stream.indirect.gather @!p1 [hbm4b:s4+s7], $0x80, s6, s7, $0x2000b8;
	[tilespmem:$0x1E800] =	vst v63  }
0xc9: {  	_ =	swait.ge @!p1 [sflag:s3], $0x4000  }
0xca: {  	p2 =	sge.u32 s28, s13;
	[sflag:s3] =	ssyncset.done @!p1 $0x0  }
0xcb: {  	s0 =	sadd.s32 @!p1 $0x1500, s0;
	[sflag:s3] =	ssyncadd.s32 @!p1 $0xFFFFC000;
	s3 =	simm.s32 @!p2 $0x2  }
0xcc: {  	[spmem:s1] =	stream.indirect.scatter.add.f32 @!p1 [tilespmem:s2], [sflag:$0x2], $0x80, s0, s7, $0x2000b8;
	[tilespmem:$0x1E800] =	vst v63  }
0xcd: {  	s6 =	simm.s32 @!p2 $0x80;
	_ =	swait.ge @!p2 [sflag:s3], $0x4000  }
0xce: {  	s0 =	sshra.s32 @!p2 s29, $0x2;
	s7 =	simm.s32 @!p2 $0x6800;
	[sflag:s3] =	ssyncset.done @!p2 $0x0  }
0xcf: {  	s2 =	sadd.s32 @!p2 $0x180, s0;
	[sflag:s3] =	ssyncadd.s32 @!p2 $0xFFFFC000;
	s3 =	simm.s32 @!p2 $0x1  }
0xd0: {  	[tilespmem:s7], [sflag:$0x1] =	stream.indirect.gather @!p2 [hbm4b:s4+s6], $0x80, s2, s6, $0x2000b8;
	[tilespmem:$0x1E800] =	vst v63  }
0xd1: {  	_ =	swait.ge @!p2 [sflag:s3], $0x4000  }
0xd2: {  	[sflag:s3] =	ssyncset.done @!p2 $0x0  }
0xd3: {  	s0 =	sadd.s32 @!p2 $0x1580, s0;
	[sflag:s3] =	ssyncadd.s32 @!p2 $0xFFFFC000  }
0xd4: {  	[spmem:s1] =	stream.indirect.scatter.add.f32 @!p2 [tilespmem:s7], [sflag:$0x2], $0x80, s0, s6, $0x2000b8;
	[tilespmem:$0x1E800] =	vst v63  }
0xd5: {  	s0 =	simm.s32 @!p0 $0x2  }
0xd6: {  	_ =	swait.ge @!p0 [sflag:s0], $0x4000  }
0xd7: {  	[sflag:s0] =	ssyncset.done @!p0 $0x0  }
0xd8: {  	[sflag:s0] =	ssyncadd.s32 @!p0 $0xFFFFC000  }
0xd9: {  	_ =	swait.ge @!p0 [sflag:s0], $0x4000  }
0xda: {  	[sflag:s0] =	ssyncset.done @!p0 $0x0  }
0xdb: {  	[sflag:s0] =	ssyncadd.s32 @!p0 $0xFFFFC000  }
0xdc: {  	s30 =	stileid.u32;
	s26 =	sadd.s32 $0x1, s26;
	_ =	strace $0x9000006A  }
0xdd: {  	s31 =	sshrl.u32 s5, $0x3;
	s0 =	sshll.u32 s30, $0x6;
	_ =	strace $0x8000006B  }
0xde: {  	p1 =	sne.s32 s26, s17;
	s0 =	sor.u32 $0x1C03, s0;
	[bflag:$0x0] =	sbarrier.arrive $0xFFFF  }
0xdf: {  	[hbm:s16], [sflag:s0] =	dma.local [spmem:s31], $0x2800  }
.Ltmp3:
0xe0: {  	_ = 	snop;
	(pc) =	sbr.rel @p1 .LBB2_1-.Ltmp3, $4  }
0xe1: {  	_ =	swait.ge [sflag:s25], $0x2800  }
0xe2: {  	[sflag:s25] =	ssyncset.done $0x0  }
0xe3: {  	[sflag:s25] =	ssyncadd.s32 $0xFFFFD800  }
0xe4: {  	_ =	strace $0x9000006B  }
0xe5: {  	_ =	sfence.sel $0x180000  }
0xe6: {  	[bflag:$0x0] =	sbarrier.arrive $0xFFFF  }
0xe7: {  	_ =	strace $0x90000065  }
0xe8: {  	s0 =	stileid.u32;
	[bflag:$0x2] =	sbarrier.arrive $0xFFFF  }
0xe9: {  	p0 =	sne.s32 s0, $0x0;
	s0 =	rddreg [dreg:$0x3]  }
0xea: {  	s0 =	sadd.s32 @!p0 $0x100000, s0  }
0xeb: {  	[sflag:s0] =	ssyncadd.tile.s32 @!p0 $0x1;
	_ =	shalt  }
.Lfunc_end2:
_tile_overlayer_lowered:
.L_overlay_start_2:
0xec: {  	(tag) =	ssettag $0x2  }
0xed: {  	s0 =	rddreg [dreg:$0x0];
	s2 =	stileid.u32  }
0xee: {  	s1 =	rddreg [dreg:$0x1];
	p0 =	sne.s32 s2, $0x0  }
0xef: {  	s3 =	rddreg [dreg:$0x2];
	[bflag:$0x3] =	sbarrier.arrive $0xFFFF;
	s2 =	simm.s32 @!p0 $0x1C03  }
0xf0: {  	[timem:s3], [sflag:s2] =	dma.local @!p0 [hbm:s0], s1  }
0xf1: {  	s0 =	simm.s32 @!p0 $0x3  }
0xf2: {  	_ =	swait.ge @!p0 [sflag:s0], s1  }
0xf3: {  	s1 =	ssub.s32 @!p0 $0x0, s1;
	[sflag:s0] =	ssyncset.done @!p0 $0x0  }
0xf4: {  	[sflag:s0] =	ssyncadd.s32 @!p0 s1  }
0xf5: {  	[bflag:$0x3] =	sbarrier.arrive $0xFFFF  }
0xf6: {  	_ =	shalt  }

</sc_bundles>
